<compile_context>
chip_gen: v7x
topology: tpu7x:2x2x1
jax: 0.10.2.dev20260603
libtpu: 0.0.44.dev20260713+nightly
codegen_flags: <defaults>
</compile_context>

<pallas_src>
import functools

import jax
import jax.numpy as jnp
from jax import lax
from jax.experimental import pallas as pl
from jax.experimental.pallas import tpu as pltpu
from jax.experimental.pallas import tpu_sc as plsc

N = 10000
NP = 10240
E = 320000
EP = 327680
D = 128
CD = 2 * D
VOC = 20000
T = 16
G = 256
GPOOL = 384
NC = 2
NS = 16
K = 80
RPT = NP // (NC * NS)
EPC = EP // NC
EPT_DEG = EPC // NS
EPT = EP // NS
NPT = NP // NS
GPT = GPOOL // NS
EK = 128
NSUB = 8
SK = NSUB * EK

_MESH = plsc.VectorSubcoreMesh(core_axis_name="c", subcore_axis_name="s")


def _fill1d(ref, n, val):
    def body(i, _):
        ref[pl.ds(i * 16, 16)] = jnp.full((16,), val, jnp.float32)
        return 0
    lax.fori_loop(0, n // 16, body, 0)


@functools.partial(
    pl.kernel,
    mesh=_MESH,
    out_type=[
        jax.ShapeDtypeStruct((NP, D), jnp.float32),
        jax.ShapeDtypeStruct((NP, 768), jnp.float32),
        jax.ShapeDtypeStruct((NC, NP), jnp.float32),
    ],
    scratch_types=[
        pltpu.VMEM((K,), jnp.int32),
        pltpu.VMEM((NSUB, EK), jnp.int32),
        pltpu.VMEM((K, D), jnp.float32),
        pltpu.VMEM((K, 768), jnp.float32),
        pltpu.VMEM((EK,), jnp.float32),
        pltpu.VMEM((NPT,), jnp.float32),
        pltpu.SemaphoreType.DMA,
        pltpu.SemaphoreType.DMA,
        pltpu.VMEM_SHARED((NP,), jnp.float32),
    ],
)
def _encode_call(x_hbm, dst3_hbm, onto_hbm, text_hbm,
                 onto_out, text_out, deg_out,
                 idx_v, didx_v, onto_v, text_v, ones_v, nbuf_v, sem, sem2,
                 deg_sp):
    c = lax.axis_index("c")
    s = lax.axis_index("s")
    wid = s * NC + c

    _fill1d(ones_v, EK, 1.0)
    _fill1d(nbuf_v, NPT, 0.0)
    pltpu.sync_copy(nbuf_v, deg_sp.at[pl.ds(s * NPT, NPT)])
    plsc.subcore_barrier()

    def gbody(j, _):
        base = wid * RPT + j * K
        pltpu.sync_copy(x_hbm.at[pl.ds(base, K)], idx_v)
        cp1 = pltpu.async_copy(onto_hbm.at[idx_v], onto_v, sem)
        cp2 = pltpu.async_copy(text_hbm.at[idx_v], text_v, sem2)
        cp1.wait()
        co1 = pltpu.async_copy(onto_v, onto_out.at[pl.ds(base, K)], sem)
        cp2.wait()
        co2 = pltpu.async_copy(text_v, text_out.at[pl.ds(base, K)], sem2)
        co1.wait()
        co2.wait()
        return 0
    lax.fori_loop(0, RPT // K, gbody, 0)

    def dbody(j, _):
        rowb = pl.multiple_of((c * EPC + s * EPT_DEG) // EK + j * NSUB, 8)
        pltpu.sync_copy(dst3_hbm.at[pl.ds(rowb, NSUB)], didx_v)
        cps = [pltpu.async_copy(ones_v, deg_sp.at[didx_v.at[jj]], sem,
                                add=True)
               for jj in range(NSUB)]
        for cp in cps:
            cp.wait()
        return 0
    lax.fori_loop(0, EPT_DEG // SK, dbody, 0)
    plsc.subcore_barrier()

    pltpu.sync_copy(deg_sp.at[pl.ds(s * NPT, NPT)], nbuf_v)
    pltpu.sync_copy(nbuf_v, deg_out.at[c, pl.ds(s * NPT, NPT)])


@functools.partial(
    pl.kernel,
    mesh=_MESH,
    out_type=[
        jax.ShapeDtypeStruct((NP, D), jnp.float32),
        jax.ShapeDtypeStruct((NP, D), jnp.float32),
    ],
    scratch_types=[
        pltpu.VMEM((K,), jnp.int32),
        pltpu.VMEM((K,), jnp.int32),
        pltpu.VMEM((K,), jnp.int32),
        pltpu.VMEM((K,), jnp.int32),
        pltpu.VMEM((K, D), jnp.float32),
        pltpu.VMEM((K, D), jnp.float32),
        pltpu.SemaphoreType.DMA,
        pltpu.SemaphoreType.DMA,
        pltpu.VMEM_SHARED((NP, D), jnp.float32),
    ],
)
def _agg_call(ma_hbm, mb_hbm, src_hbm, dst_hbm,
              oa_hbm, ob_hbm,
              ia_v, da_v, ib_v, db_v, rows_v, rowsb_v, gsem, ssem, acc_sp):
    idx_v = ia_v
    c = lax.axis_index("c")
    s = lax.axis_index("s")

    def run(m_hbm, o_hbm):
        def ibody(j, _):
            base = s * NPT + j * K
            pltpu.sync_copy(m_hbm.at[pl.ds(base, K)], rows_v)
            pltpu.sync_copy(rows_v, acc_sp.at[pl.ds(base, K)])
            return 0
        lax.fori_loop(0, NPT // K, ibody, 0)
        plsc.subcore_barrier()

        def ebody(j, _):
            eba = s * EPT + j * (2 * K)
            ebb = eba + K
            pltpu.sync_copy(src_hbm.at[pl.ds(eba, K)], ia_v)
            ga = pltpu.async_copy(m_hbm.at[ia_v], rows_v, gsem)
            pltpu.sync_copy(dst_hbm.at[pl.ds(eba, K)], da_v)
            pltpu.sync_copy(src_hbm.at[pl.ds(ebb, K)], ib_v)
            ga.wait()
            gb = pltpu.async_copy(m_hbm.at[ib_v], rowsb_v, gsem)
            sa = pltpu.async_copy(rows_v, acc_sp.at[da_v], ssem, add=True)
            pltpu.sync_copy(dst_hbm.at[pl.ds(ebb, K)], db_v)
            gb.wait()
            sa.wait()
            pltpu.sync_copy(rowsb_v, acc_sp.at[db_v], add=True)
            return 0
        lax.fori_loop(0, EPT // (2 * K), ebody, 0)
        plsc.subcore_barrier()

        def obody(j, _):
            base = s * NPT + j * K
            pltpu.sync_copy(acc_sp.at[pl.ds(base, K)], rows_v)
            pltpu.sync_copy(rows_v, o_hbm.at[pl.ds(base, K)])
            return 0
        lax.fori_loop(0, NPT // K, obody, 0)

    pl.when(c == 0)(lambda: run(ma_hbm, oa_hbm))
    pl.when(c == 1)(lambda: run(mb_hbm, ob_hbm))


@functools.partial(
    pl.kernel,
    mesh=_MESH,
    out_type=[
        jax.ShapeDtypeStruct((GPOOL, D), jnp.float32),
        jax.ShapeDtypeStruct((GPOOL, D), jnp.float32),
        jax.ShapeDtypeStruct((GPOOL, D), jnp.float32),
    ],
    scratch_types=[
        pltpu.VMEM((K,), jnp.int32),
        pltpu.VMEM((K, D), jnp.float32),
        pltpu.VMEM((K, D), jnp.float32),
        pltpu.SemaphoreType.DMA,
        pltpu.VMEM_SHARED((GPOOL, D), jnp.float32),
        pltpu.VMEM_SHARED((GPOOL, D), jnp.float32),
    ],
)
def _pool_call(ha_hbm, hb_hbm, xb_hbm,
               sa_hbm, sb_hbm, cnt_hbm,
               idx_v, buf_v, ones_v, sem, pool_sp, cnt_sp):
    c = lax.axis_index("c")
    s = lax.axis_index("s")

    def zrow(i, _):
        for q in range(D // 16):
            buf_v[i, pl.ds(q * 16, 16)] = jnp.zeros((16,), jnp.float32)
            ones_v[i, pl.ds(q * 16, 16)] = jnp.full((16,), 1.0, jnp.float32)
        return 0
    lax.fori_loop(0, K, zrow, 0)

    pltpu.sync_copy(buf_v.at[pl.ds(0, GPT)], pool_sp.at[pl.ds(s * GPT, GPT)])
    pltpu.sync_copy(buf_v.at[pl.ds(0, GPT)], cnt_sp.at[pl.ds(s * GPT, GPT)])
    plsc.subcore_barrier()

    def run(h_hbm):
        def pbody(j, _):
            base = s * NPT + j * K
            pltpu.sync_copy(xb_hbm.at[pl.ds(base, K)], idx_v)
            pltpu.sync_copy(h_hbm.at[pl.ds(base, K)], buf_v)
            pltpu.sync_copy(buf_v, pool_sp.at[idx_v], add=True)

            @pl.when(c == 0)
            def _():
                pltpu.sync_copy(ones_v, cnt_sp.at[idx_v], add=True)
            return 0
        lax.fori_loop(0, NPT // K, pbody, 0)

    pl.when(c == 0)(lambda: run(ha_hbm))
    pl.when(c == 1)(lambda: run(hb_hbm))
    plsc.subcore_barrier()

    pltpu.sync_copy(pool_sp.at[pl.ds(s * GPT, GPT)], buf_v.at[pl.ds(0, GPT)])

    @pl.when(c == 0)
    def _():
        pltpu.sync_copy(buf_v.at[pl.ds(0, GPT)], sa_hbm.at[pl.ds(s * GPT, GPT)])
        pltpu.sync_copy(cnt_sp.at[pl.ds(s * GPT, GPT)], ones_v.at[pl.ds(0, GPT)])
        pltpu.sync_copy(ones_v.at[pl.ds(0, GPT)], cnt_hbm.at[pl.ds(s * GPT, GPT)])

    @pl.when(c == 1)
    def _():
        pltpu.sync_copy(buf_v.at[pl.ds(0, GPT)], sb_hbm.at[pl.ds(s * GPT, GPT)])


def _tca_body(onto_ref, text_ref, degT_ref, wt_ref, bt_ref,
              ma_ref, mb_ref, dv_ref):
    dv = lax.rsqrt(degT_ref[:, 0:1] + degT_ref[:, 1:2] + 1.0)
    t = jnp.dot(text_ref[...], wt_ref[...],
                preferred_element_type=jnp.float32) + bt_ref[...]
    ma_ref[...] = onto_ref[...] * dv
    mb_ref[...] = t * dv
    dv_ref[...] = dv


_tc_a = pl.pallas_call(
    _tca_body,
    grid=(NP // 256,),
    in_specs=[
        pl.BlockSpec((256, D), lambda i: (i, 0)),
        pl.BlockSpec((256, 768), lambda i: (i, 0)),
        pl.BlockSpec((256, NC), lambda i: (i, 0)),
        pl.BlockSpec((768, D), lambda i: (0, 0)),
        pl.BlockSpec((1, D), lambda i: (0, 0)),
    ],
    out_specs=[
        pl.BlockSpec((256, D), lambda i: (i, 0)),
        pl.BlockSpec((256, D), lambda i: (i, 0)),
        pl.BlockSpec((256, 1), lambda i: (i, 0)),
    ],
    out_shape=[
        jax.ShapeDtypeStruct((NP, D), jnp.float32),
        jax.ShapeDtypeStruct((NP, D), jnp.float32),
        jax.ShapeDtypeStruct((NP, 1), jnp.float32),
    ],
)


def _tcb_body(aa_ref, ab_ref, dv_ref, wg1_ref, m2a_ref, m2b_ref):
    dv = dv_ref[...]
    u = jnp.concatenate([aa_ref[...], ab_ref[...]], axis=1) * dv
    h1 = jnp.maximum(jnp.dot(u, wg1_ref[...],
                             preferred_element_type=jnp.float32), 0.0)
    m2 = h1 * dv
    m2a_ref[...] = m2[:, 0:D]
    m2b_ref[...] = m2[:, D:CD]


def _tcc_body(aa_ref, ab_ref, dv_ref, wg2_ref, h2a_ref, h2b_ref):
    u = jnp.concatenate([aa_ref[...], ab_ref[...]], axis=1) * dv_ref[...]
    h2 = jnp.dot(u, wg2_ref[...], preferred_element_type=jnp.float32)
    h2a_ref[...] = h2[:, 0:D]
    h2b_ref[...] = h2[:, D:CD]


_tc_b = pl.pallas_call(
    _tcb_body,
    grid=(NP // 256,),
    in_specs=[
        pl.BlockSpec((256, D), lambda i: (i, 0)),
        pl.BlockSpec((256, D), lambda i: (i, 0)),
        pl.BlockSpec((256, 1), lambda i: (i, 0)),
        pl.BlockSpec((CD, CD), lambda i: (0, 0)),
    ],
    out_specs=[
        pl.BlockSpec((256, D), lambda i: (i, 0)),
        pl.BlockSpec((256, D), lambda i: (i, 0)),
    ],
    out_shape=[
        jax.ShapeDtypeStruct((NP, D), jnp.float32),
        jax.ShapeDtypeStruct((NP, D), jnp.float32),
    ],
)


_tc_c = pl.pallas_call(
    _tcc_body,
    grid=(NP // 256,),
    in_specs=[
        pl.BlockSpec((256, D), lambda i: (i, 0)),
        pl.BlockSpec((256, D), lambda i: (i, 0)),
        pl.BlockSpec((256, 1), lambda i: (i, 0)),
        pl.BlockSpec((CD, CD), lambda i: (0, 0)),
    ],
    out_specs=[
        pl.BlockSpec((256, D), lambda i: (i, 0)),
        pl.BlockSpec((256, D), lambda i: (i, 0)),
    ],
    out_shape=[
        jax.ShapeDtypeStruct((NP, D), jnp.float32),
        jax.ShapeDtypeStruct((NP, D), jnp.float32),
    ],
)


def _ntn_body(sa_ref, sb_ref, cnt_ref, wmt_ref, wb_ref, bm_ref, wc_ref,
              bc_ref, out_ref):
    cnt1 = jnp.clip(cnt_ref[:, 0:1], 1.0, None)
    cnt2 = jnp.clip(cnt_ref[:, 1:2], 1.0, None)
    g1 = jnp.concatenate([sa_ref[:, 0, :], sb_ref[:, 0, :]], axis=1) / cnt1
    g2 = jnp.concatenate([sa_ref[:, 1, :], sb_ref[:, 1, :]], axis=1) / cnt2
    mb = (jnp.dot(g1, wb_ref[0:CD, :], preferred_element_type=jnp.float32)
          + jnp.dot(g2, wb_ref[CD:2 * CD, :], preferred_element_type=jnp.float32))
    acc = jnp.zeros((G // 2, 2), jnp.float32) + bc_ref[...]
    for t in range(T):
        zt = jnp.dot(g1, wmt_ref[t], preferred_element_type=jnp.float32)
        mst = jnp.sum(zt * g2, axis=1, keepdims=True)
        simt = jnp.tanh(mst + mb[:, t:t + 1] + bm_ref[:, t:t + 1])
        acc = acc + simt * wc_ref[t:t + 1, :]
    out_ref[...] = acc


_tc_ntn = pl.pallas_call(
    _ntn_body,
    out_shape=jax.ShapeDtypeStruct((G // 2, 2), jnp.float32),
)


def kernel(x, edge_index, x_batch, onto_emb, text_emb, Wt, bt, Wg1, Wg2, Wm,
           Wb, bm, Wc, bc):
    x32 = jnp.asarray(x, jnp.int32)
    xp = jnp.concatenate([x32, jnp.zeros((NP - N,), jnp.int32)])
    epad = N + jnp.arange(EP - E, dtype=jnp.int32) % (NP - N)
    srcp = jnp.concatenate([jnp.asarray(edge_index[0], jnp.int32), epad])
    dstp = jnp.concatenate([jnp.asarray(edge_index[1], jnp.int32), epad])
    xbp = jnp.concatenate([jnp.asarray(x_batch, jnp.int32),
                           jnp.full((NP - N,), G, jnp.int32)])

    dst3 = dstp.reshape(EP // EK, EK)

    onto_x, text_x, deg_p = _encode_call(xp, dst3, onto_emb, text_emb)
    degT = jnp.transpose(deg_p)
    y_a, y_b, dinv2 = _tc_a(onto_x, text_x, degT, Wt, bt.reshape(1, D))

    u1_a, u1_b = _agg_call(y_a, y_b, srcp, dstp)
    y2_a, y2_b = _tc_b(u1_a, u1_b, dinv2, Wg1)
    u2_a, u2_b = _agg_call(y2_a, y2_b, srcp, dstp)
    h2_a, h2_b = _tc_c(u2_a, u2_b, dinv2, Wg2)

    sa, sb, cnt = _pool_call(h2_a, h2_b, xbp)

    sa_p = sa[:G].reshape(G // 2, 2, D)
    sb_p = sb[:G].reshape(G // 2, 2, D)
    cnt_p = cnt[:G, 0].reshape(G // 2, 2)
    WmT = jnp.transpose(Wm, (2, 0, 1))
    logits = _tc_ntn(sa_p, sb_p, cnt_p, WmT, Wb, bm.reshape(1, T), Wc,
                     bc.reshape(1, 2))
    return logits

# --- scband reference (transcript-rebuilt; emitter-appended) ---
"""Pipeline reference for scband-ehrontology-model-65987877535832 (READ-ONLY COPY).

The authoritative reference and input builder live on the scoring server;
editing this copy changes nothing except your own understanding.
"""

import jax, jax.numpy as jnp
import numpy as np

N = 10000
E = 320000
D = 128
CD = 2 * D
VOC = 20000
T = 16
G = 256


def setup_inputs(seed: int = 0) -> dict:
    key = jax.random.key(seed)
    ks = jax.random.split(key, 14)
    x = jax.random.randint(ks[0], (N,), 0, VOC)
    edge_index = jax.random.randint(ks[1], (2, E), 0, N)
    x_batch = jnp.sort(jax.random.randint(ks[2], (N,), 0, G))
    onto_emb = jax.random.normal(ks[3], (VOC, D), dtype=jnp.float32) * 0.02
    text_emb = jax.random.normal(ks[4], (VOC, 768), dtype=jnp.float32) * 0.02
    Wt = jax.random.normal(ks[5], (768, D), dtype=jnp.float32) * 0.02
    bt = jnp.zeros((D,), dtype=jnp.float32)
    Wg1 = jax.random.normal(ks[6], (CD, CD), dtype=jnp.float32) * 0.02
    Wg2 = jax.random.normal(ks[7], (CD, CD), dtype=jnp.float32) * 0.02
    Wm = jax.random.normal(ks[8], (CD, CD, T), dtype=jnp.float32) * 0.02
    Wb = jax.random.normal(ks[9], (2 * CD, T), dtype=jnp.float32) * 0.02
    bm = jnp.zeros((T,), dtype=jnp.float32)
    Wc = jax.random.normal(ks[10], (T, 2), dtype=jnp.float32) * 0.02
    bc = jnp.zeros((2,), dtype=jnp.float32)
    return {"x": x, "edge_index": edge_index, "x_batch": x_batch,
            "onto_emb": onto_emb, "text_emb": text_emb, "Wt": Wt, "bt": bt,
            "Wg1": Wg1, "Wg2": Wg2, "Wm": Wm, "Wb": Wb, "bm": bm,
            "Wc": Wc, "bc": bc}


def gcn_layer(h, edge_index, W):
    # GCNConv: add self loops, symmetric normalization, scatter-add aggregate, then linear
    loop = jnp.arange(N)
    src = jnp.concatenate([edge_index[0], loop])
    dst = jnp.concatenate([edge_index[1], loop])
    ones = jnp.ones_like(src, dtype=h.dtype)
    deg = jax.ops.segment_sum(ones, dst, num_segments=N)
    dinv = jax.lax.rsqrt(jnp.clip(deg, 1.0, None))
    norm = dinv[src] * dinv[dst]
    msg = h[src] * norm[:, None]
    agg = jax.ops.segment_sum(msg, dst, num_segments=N)
    return agg @ W


def reference(x, edge_index, x_batch, onto_emb, text_emb, Wt, bt, Wg1, Wg2, Wm, Wb, bm, Wc, bc):
    # encode: ontology embedding lookup + projected text embedding lookup, concat
    onto_x = onto_emb[x]
    text_x = text_emb[x] @ Wt + bt
    h = jnp.concatenate([onto_x, text_x], axis=-1)
    # gcn conv stack (use_conv='gcn', gcn_conv_nums=2)
    h = jax.nn.relu(gcn_layer(h, edge_index, Wg1))
    h = gcn_layer(h, edge_index, Wg2)
    # global mean pool per graph
    s = jax.ops.segment_sum(h, x_batch, num_segments=G)
    cnt = jax.ops.segment_sum(jnp.ones((N,), dtype=h.dtype), x_batch, num_segments=G)
    g = s / jnp.clip(cnt, 1.0, None)[:, None]
    # split into graph pairs
    g1 = g[0::2]
    g2 = g[1::2]
    # NeuralTensorModule
    scores = (g1 @ Wm.reshape(CD, -1)).reshape(-1, CD, T).transpose(0, 2, 1)
    matrix_scores = jnp.einsum('ptd,pd->pt', scores, g2)
    mat_blo = jnp.concatenate([g1, g2], axis=1) @ Wb
    sim = jnp.tanh(matrix_scores + mat_blo + bm)
    # classifier
    logits = sim @ Wc + bc
    return logits

if __name__ == "__main__":
    import jax
    _d = setup_inputs()
    print(jax.jit(kernel)(*tuple(_d.values())))

</pallas_src>

<mosaic_0001>
#map = affine_map<(d0, d1) -> (0, 0)>
#map1 = affine_map<(d0, d1) -> (0)>
module attributes {stable_mosaic.version = 14 : i64} {
  func.func @_agg_call(%arg0: i32, %arg1: i32, %arg2: memref<10240x128xf32, #tpu.memory_space<hbm>>, %arg3: memref<10240x128xf32, #tpu.memory_space<hbm>>, %arg4: memref<327680xi32, #tpu.memory_space<hbm>>, %arg5: memref<327680xi32, #tpu.memory_space<hbm>>, %arg6: memref<10240x128xf32, #tpu.memory_space<hbm>>, %arg7: memref<10240x128xf32, #tpu.memory_space<hbm>>, %arg8: memref<80xi32, #tpu.memory_space<vmem>>, %arg9: memref<80xi32, #tpu.memory_space<vmem>>, %arg10: memref<80xi32, #tpu.memory_space<vmem>>, %arg11: memref<80xi32, #tpu.memory_space<vmem>>, %arg12: memref<80x128xf32, #tpu.memory_space<vmem>>, %arg13: memref<80x128xf32, #tpu.memory_space<vmem>>, %arg14: memref<!tpu.dma_semaphore, #tpu.memory_space<semaphore_mem>>, %arg15: memref<!tpu.dma_semaphore, #tpu.memory_space<semaphore_mem>>, %arg16: memref<10240x128xf32, #tpu.memory_space<vmem_shared>>) attributes {dimension_semantics = [#tpu.dimension_semantics<core_parallel>, #tpu.dimension_semantics<subcore_parallel>], iteration_bounds = array<i64: 2, 16>, scalar_prefetch = 0 : i64, scratch_operands = 9 : i64, tpu.core_type = #tpu.core_type<sc_vector_subcore>, window_params = [{transform_indices = #map}, {transform_indices = #map}, {transform_indices = #map1}, {transform_indices = #map1}, {transform_indices = #map}, {transform_indices = #map}]} {
    %eq3A = arith.constant 0 : i32
    %eq3A_0 = arith.cmpi eq, %arg0, %eq3A : i32
    %convert_element_type3A = arith.extui %eq3A_0 : i1 to i32
    %cond3A = arith.constant 0 : i32
    %cond3A_1 = arith.cmpi ne, %convert_element_type3A, %cond3A : i32
    scf.if %cond3A_1 {
      %scan3A = arith.constant 0 : i32
      %scan3A_7 = arith.constant 0 : i32
      %scan3A_8 = arith.constant 8 : i32
      %scan3A_9 = arith.addi %scan3A_7, %scan3A_8 : i32
      %scan3A_10 = arith.constant 1 : i32
      %scan3A_11 = scf.for %scan3A_28 = %scan3A_7 to %scan3A_9 step %scan3A_10 iter_args(%scan3A_29 = %scan3A) -> (i32)  : i32 {
        %mul3A = arith.constant 640 : i32
        %mul3A_30 = arith.muli %arg1, %mul3A : i32
        %mul3A_31 = arith.constant 80 : i32
        %mul3A_32 = arith.muli %scan3A_28, %mul3A_31 : i32
        %add3A = arith.addi %mul3A_30, %mul3A_32 : i32
        "tpu.region"() ({
          %run_scoped3A = tpu.sem_alloc : memref<!tpu.dma_semaphore, #tpu.memory_space<semaphore_mem>>
          %dma_start3A = arith.constant 0 : i32
          %dma_start3A_34 = tpu.memref_slice %arg2[%add3A, %dma_start3A] : memref<10240x128xf32, #tpu.memory_space<hbm>> -> memref<80x128xf32, #tpu.memory_space<hbm>>
          %dma_start3A_35 = arith.constant 0 : i32
          %dma_start3A_36 = tpu.memref_slice %arg2[%add3A, %dma_start3A_35] : memref<10240x128xf32, #tpu.memory_space<hbm>> -> memref<80x128xf32, #tpu.memory_space<hbm>>
          tpu.enqueue_dma source(%dma_start3A_36 : memref<80x128xf32, #tpu.memory_space<hbm>>) target(%arg12 : memref<80x128xf32, #tpu.memory_space<vmem>>) target_semaphore(%run_scoped3A : memref<!tpu.dma_semaphore, #tpu.memory_space<semaphore_mem>>)
          %dma_wait3A = arith.constant 0 : i32
          %dma_wait3A_37 = tpu.memref_slice %arg2[%add3A, %dma_wait3A] : memref<10240x128xf32, #tpu.memory_space<hbm>> -> memref<80x128xf32, #tpu.memory_space<hbm>>
          %dma_wait3A_38 = arith.constant 0 : i32
          %dma_wait3A_39 = tpu.memref_slice %arg2[%add3A, %dma_wait3A_38] : memref<10240x128xf32, #tpu.memory_space<hbm>> -> memref<80x128xf32, #tpu.memory_space<hbm>>
          tpu.wait_dma2 semaphore(%run_scoped3A : memref<!tpu.dma_semaphore, #tpu.memory_space<semaphore_mem>>) src(%dma_wait3A_39 : memref<80x128xf32, #tpu.memory_space<hbm>>) dst(%arg12 : memref<80x128xf32, #tpu.memory_space<vmem>>)
          tpu.yield
        }) : () -> ()
        "tpu.region"() ({
          %run_scoped3A = tpu.sem_alloc : memref<!tpu.dma_semaphore, #tpu.memory_space<semaphore_mem>>
          %dma_start3A = arith.constant 0 : i32
          %dma_start3A_34 = tpu.memref_slice %arg16[%add3A, %dma_start3A] : memref<10240x128xf32, #tpu.memory_space<vmem_shared>> -> memref<80x128xf32, #tpu.memory_space<vmem_shared>>
          %dma_start3A_35 = arith.constant 0 : i32
          %dma_start3A_36 = tpu.memref_slice %arg16[%add3A, %dma_start3A_35] : memref<10240x128xf32, #tpu.memory_space<vmem_shared>> -> memref<80x128xf32, #tpu.memory_space<vmem_shared>>
          tpu.enqueue_dma source(%arg12 : memref<80x128xf32, #tpu.memory_space<vmem>>) target(%dma_start3A_36 : memref<80x128xf32, #tpu.memory_space<vmem_shared>>) target_semaphore(%run_scoped3A : memref<!tpu.dma_semaphore, #tpu.memory_space<semaphore_mem>>)
          %dma_wait3A = arith.constant 0 : i32
          %dma_wait3A_37 = tpu.memref_slice %arg16[%add3A, %dma_wait3A] : memref<10240x128xf32, #tpu.memory_space<vmem_shared>> -> memref<80x128xf32, #tpu.memory_space<vmem_shared>>
          %dma_wait3A_38 = arith.constant 0 : i32
          %dma_wait3A_39 = tpu.memref_slice %arg16[%add3A, %dma_wait3A_38] : memref<10240x128xf32, #tpu.memory_space<vmem_shared>> -> memref<80x128xf32, #tpu.memory_space<vmem_shared>>
          tpu.wait_dma2 semaphore(%run_scoped3A : memref<!tpu.dma_semaphore, #tpu.memory_space<semaphore_mem>>) src(%arg12 : memref<80x128xf32, #tpu.memory_space<vmem>>) dst(%dma_wait3A_39 : memref<80x128xf32, #tpu.memory_space<vmem_shared>>)
          tpu.yield
        }) : () -> ()
        %scan3A_33 = arith.constant 0 : i32
        scf.yield %scan3A_33 : i32
      }
      %scan3A_12 = arith.constant 8 : i32
      %barrier3A = arith.constant 0 : index
      tpu.barrier barrier_id(%barrier3A)
      %scan3A_13 = arith.constant 0 : i32
      %scan3A_14 = arith.constant 0 : i32
      %scan3A_15 = arith.constant 128 : i32
      %scan3A_16 = arith.addi %scan3A_14, %scan3A_15 : i32
      %scan3A_17 = arith.constant 1 : i32
      %scan3A_18 = scf.for %scan3A_28 = %scan3A_14 to %scan3A_16 step %scan3A_17 iter_args(%scan3A_29 = %scan3A_13) -> (i32)  : i32 {
        %mul3A = arith.constant 20480 : i32
        %mul3A_30 = arith.muli %arg1, %mul3A : i32
        %mul3A_31 = arith.constant 160 : i32
        %mul3A_32 = arith.muli %scan3A_28, %mul3A_31 : i32
        %add3A = arith.addi %mul3A_30, %mul3A_32 : i32
        %add3A_33 = arith.constant 80 : i32
        %add3A_34 = arith.addi %add3A, %add3A_33 : i32
        "tpu.region"() ({
          %run_scoped3A = tpu.sem_alloc : memref<!tpu.dma_semaphore, #tpu.memory_space<semaphore_mem>>
          %dma_start3A_52 = tpu.memref_slice %arg4[%add3A] : memref<327680xi32, #tpu.memory_space<hbm>> -> memref<80xi32, #tpu.memory_space<hbm>>
          %dma_start3A_53 = tpu.memref_slice %arg4[%add3A] : memref<327680xi32, #tpu.memory_space<hbm>> -> memref<80xi32, #tpu.memory_space<hbm>>
          tpu.enqueue_dma source(%dma_start3A_53 : memref<80xi32, #tpu.memory_space<hbm>>) target(%arg8 : memref<80xi32, #tpu.memory_space<vmem>>) target_semaphore(%run_scoped3A : memref<!tpu.dma_semaphore, #tpu.memory_space<semaphore_mem>>)
          %dma_wait3A_54 = tpu.memref_slice %arg4[%add3A] : memref<327680xi32, #tpu.memory_space<hbm>> -> memref<80xi32, #tpu.memory_space<hbm>>
          %dma_wait3A_55 = tpu.memref_slice %arg4[%add3A] : memref<327680xi32, #tpu.memory_space<hbm>> -> memref<80xi32, #tpu.memory_space<hbm>>
          tpu.wait_dma2 semaphore(%run_scoped3A : memref<!tpu.dma_semaphore, #tpu.memory_space<semaphore_mem>>) src(%dma_wait3A_55 : memref<80xi32, #tpu.memory_space<hbm>>) dst(%arg8 : memref<80xi32, #tpu.memory_space<vmem>>)
          tpu.yield
        }) : () -> ()
        %dma_start3A = arith.constant 0 : i32
        %dma_start3A_35 = arith.constant 0 : i32
        %dma_start3A_36 = tpu.memref_slice %arg2[%dma_start3A, %dma_start3A_35] : memref<10240x128xf32, #tpu.memory_space<hbm>> -> memref<10240x128xf32, #tpu.memory_space<hbm>>
        tpu.enqueue_indirect_dma source(%dma_start3A_36 : memref<10240x128xf32, #tpu.memory_space<hbm>>) target(%arg12 : memref<80x128xf32, #tpu.memory_space<vmem>>) offsets(%arg8 : memref<80xi32, #tpu.memory_space<vmem>>) semaphore(%arg14 : memref<!tpu.dma_semaphore, #tpu.memory_space<semaphore_mem>>)
        "tpu.region"() ({
          %run_scoped3A = tpu.sem_alloc : memref<!tpu.dma_semaphore, #tpu.memory_space<semaphore_mem>>
          %dma_start3A_52 = tpu.memref_slice %arg5[%add3A] : memref<327680xi32, #tpu.memory_space<hbm>> -> memref<80xi32, #tpu.memory_space<hbm>>
          %dma_start3A_53 = tpu.memref_slice %arg5[%add3A] : memref<327680xi32, #tpu.memory_space<hbm>> -> memref<80xi32, #tpu.memory_space<hbm>>
          tpu.enqueue_dma source(%dma_start3A_53 : memref<80xi32, #tpu.memory_space<hbm>>) target(%arg9 : memref<80xi32, #tpu.memory_space<vmem>>) target_semaphore(%run_scoped3A : memref<!tpu.dma_semaphore, #tpu.memory_space<semaphore_mem>>)
          %dma_wait3A_54 = tpu.memref_slice %arg5[%add3A] : memref<327680xi32, #tpu.memory_space<hbm>> -> memref<80xi32, #tpu.memory_space<hbm>>
          %dma_wait3A_55 = tpu.memref_slice %arg5[%add3A] : memref<327680xi32, #tpu.memory_space<hbm>> -> memref<80xi32, #tpu.memory_space<hbm>>
          tpu.wait_dma2 semaphore(%run_scoped3A : memref<!tpu.dma_semaphore, #tpu.memory_space<semaphore_mem>>) src(%dma_wait3A_55 : memref<80xi32, #tpu.memory_space<hbm>>) dst(%arg9 : memref<80xi32, #tpu.memory_space<vmem>>)
          tpu.yield
        }) : () -> ()
        "tpu.region"() ({
          %run_scoped3A = tpu.sem_alloc : memref<!tpu.dma_semaphore, #tpu.memory_space<semaphore_mem>>
          %dma_start3A_52 = tpu.memref_slice %arg4[%add3A_34] : memref<327680xi32, #tpu.memory_space<hbm>> -> memref<80xi32, #tpu.memory_space<hbm>>
          %dma_start3A_53 = tpu.memref_slice %arg4[%add3A_34] : memref<327680xi32, #tpu.memory_space<hbm>> -> memref<80xi32, #tpu.memory_space<hbm>>
          tpu.enqueue_dma source(%dma_start3A_53 : memref<80xi32, #tpu.memory_space<hbm>>) target(%arg10 : memref<80xi32, #tpu.memory_space<vmem>>) target_semaphore(%run_scoped3A : memref<!tpu.dma_semaphore, #tpu.memory_space<semaphore_mem>>)
          %dma_wait3A_54 = tpu.memref_slice %arg4[%add3A_34] : memref<327680xi32, #tpu.memory_space<hbm>> -> memref<80xi32, #tpu.memory_space<hbm>>
          %dma_wait3A_55 = tpu.memref_slice %arg4[%add3A_34] : memref<327680xi32, #tpu.memory_space<hbm>> -> memref<80xi32, #tpu.memory_space<hbm>>
          tpu.wait_dma2 semaphore(%run_scoped3A : memref<!tpu.dma_semaphore, #tpu.memory_space<semaphore_mem>>) src(%dma_wait3A_55 : memref<80xi32, #tpu.memory_space<hbm>>) dst(%arg10 : memref<80xi32, #tpu.memory_space<vmem>>)
          tpu.yield
        }) : () -> ()
        %dma_wait3A = arith.constant 0 : i32
        %dma_wait3A_37 = arith.constant 0 : i32
        %dma_wait3A_38 = tpu.memref_slice %arg2[%dma_wait3A, %dma_wait3A_37] : memref<10240x128xf32, #tpu.memory_space<hbm>> -> memref<10240x128xf32, #tpu.memory_space<hbm>>
        tpu.wait_indirect_dma semaphore(%arg14 : memref<!tpu.dma_semaphore, #tpu.memory_space<semaphore_mem>>) src(%dma_wait3A_38 : memref<10240x128xf32, #tpu.memory_space<hbm>>) dst(%arg12 : memref<80x128xf32, #tpu.memory_space<vmem>>)
        %dma_start3A_39 = arith.constant 0 : i32
        %dma_start3A_40 = arith.constant 0 : i32
        %dma_start3A_41 = tpu.memref_slice %arg2[%dma_start3A_39, %dma_start3A_40] : memref<10240x128xf32, #tpu.memory_space<hbm>> -> memref<10240x128xf32, #tpu.memory_space<hbm>>
        tpu.enqueue_indirect_dma source(%dma_start3A_41 : memref<10240x128xf32, #tpu.memory_space<hbm>>) target(%arg13 : memref<80x128xf32, #tpu.memory_space<vmem>>) offsets(%arg10 : memref<80xi32, #tpu.memory_space<vmem>>) semaphore(%arg14 : memref<!tpu.dma_semaphore, #tpu.memory_space<semaphore_mem>>)
        %dma_start3A_42 = arith.constant 0 : i32
        %dma_start3A_43 = arith.constant 0 : i32
        %dma_start3A_44 = tpu.memref_slice %arg16[%dma_start3A_42, %dma_start3A_43] : memref<10240x128xf32, #tpu.memory_space<vmem_shared>> -> memref<10240x128xf32, #tpu.memory_space<vmem_shared>>
        tpu.enqueue_indirect_dma source(%arg12 : memref<80x128xf32, #tpu.memory_space<vmem>>) target(%dma_start3A_44 : memref<10240x128xf32, #tpu.memory_space<vmem_shared>>) offsets(%arg9 : memref<80xi32, #tpu.memory_space<vmem>>) semaphore(%arg15 : memref<!tpu.dma_semaphore, #tpu.memory_space<semaphore_mem>>) {add = true}
        "tpu.region"() ({
          %run_scoped3A = tpu.sem_alloc : memref<!tpu.dma_semaphore, #tpu.memory_space<semaphore_mem>>
          %dma_start3A_52 = tpu.memref_slice %arg5[%add3A_34] : memref<327680xi32, #tpu.memory_space<hbm>> -> memref<80xi32, #tpu.memory_space<hbm>>
          %dma_start3A_53 = tpu.memref_slice %arg5[%add3A_34] : memref<327680xi32, #tpu.memory_space<hbm>> -> memref<80xi32, #tpu.memory_space<hbm>>
          tpu.enqueue_dma source(%dma_start3A_53 : memref<80xi32, #tpu.memory_space<hbm>>) target(%arg11 : memref<80xi32, #tpu.memory_space<vmem>>) target_semaphore(%run_scoped3A : memref<!tpu.dma_semaphore, #tpu.memory_space<semaphore_mem>>)
          %dma_wait3A_54 = tpu.memref_slice %arg5[%add3A_34] : memref<327680xi32, #tpu.memory_space<hbm>> -> memref<80xi32, #tpu.memory_space<hbm>>
          %dma_wait3A_55 = tpu.memref_slice %arg5[%add3A_34] : memref<327680xi32, #tpu.memory_space<hbm>> -> memref<80xi32, #tpu.memory_space<hbm>>
          tpu.wait_dma2 semaphore(%run_scoped3A : memref<!tpu.dma_semaphore, #tpu.memory_space<semaphore_mem>>) src(%dma_wait3A_55 : memref<80xi32, #tpu.memory_space<hbm>>) dst(%arg11 : memref<80xi32, #tpu.memory_space<vmem>>)
          tpu.yield
        }) : () -> ()
        %dma_wait3A_45 = arith.constant 0 : i32
        %dma_wait3A_46 = arith.constant 0 : i32
        %dma_wait3A_47 = tpu.memref_slice %arg2[%dma_wait3A_45, %dma_wait3A_46] : memref<10240x128xf32, #tpu.memory_space<hbm>> -> memref<10240x128xf32, #tpu.memory_space<hbm>>
        tpu.wait_indirect_dma semaphore(%arg14 : memref<!tpu.dma_semaphore, #tpu.memory_space<semaphore_mem>>) src(%dma_wait3A_47 : memref<10240x128xf32, #tpu.memory_space<hbm>>) dst(%arg13 : memref<80x128xf32, #tpu.memory_space<vmem>>)
        %dma_wait3A_48 = arith.constant 0 : i32
        %dma_wait3A_49 = arith.constant 0 : i32
        %dma_wait3A_50 = tpu.memref_slice %arg16[%dma_wait3A_48, %dma_wait3A_49] : memref<10240x128xf32, #tpu.memory_space<vmem_shared>> -> memref<10240x128xf32, #tpu.memory_space<vmem_shared>>
        tpu.wait_indirect_dma semaphore(%arg15 : memref<!tpu.dma_semaphore, #tpu.memory_space<semaphore_mem>>) src(%arg12 : memref<80x128xf32, #tpu.memory_space<vmem>>) dst(%dma_wait3A_50 : memref<10240x128xf32, #tpu.memory_space<vmem_shared>>)
        "tpu.region"() ({
          %run_scoped3A = tpu.sem_alloc : memref<!tpu.dma_semaphore, #tpu.memory_space<semaphore_mem>>
          %dma_start3A_52 = arith.constant 0 : i32
          %dma_start3A_53 = arith.constant 0 : i32
          %dma_start3A_54 = tpu.memref_slice %arg16[%dma_start3A_52, %dma_start3A_53] : memref<10240x128xf32, #tpu.memory_space<vmem_shared>> -> memref<10240x128xf32, #tpu.memory_space<vmem_shared>>
          tpu.enqueue_indirect_dma source(%arg13 : memref<80x128xf32, #tpu.memory_space<vmem>>) target(%dma_start3A_54 : memref<10240x128xf32, #tpu.memory_space<vmem_shared>>) offsets(%arg11 : memref<80xi32, #tpu.memory_space<vmem>>) semaphore(%run_scoped3A : memref<!tpu.dma_semaphore, #tpu.memory_space<semaphore_mem>>) {add = true}
          %dma_wait3A_55 = arith.constant 0 : i32
          %dma_wait3A_56 = arith.constant 0 : i32
          %dma_wait3A_57 = tpu.memref_slice %arg16[%dma_wait3A_55, %dma_wait3A_56] : memref<10240x128xf32, #tpu.memory_space<vmem_shared>> -> memref<10240x128xf32, #tpu.memory_space<vmem_shared>>
          tpu.wait_indirect_dma semaphore(%run_scoped3A : memref<!tpu.dma_semaphore, #tpu.memory_space<semaphore_mem>>) src(%arg13 : memref<80x128xf32, #tpu.memory_space<vmem>>) dst(%dma_wait3A_57 : memref<10240x128xf32, #tpu.memory_space<vmem_shared>>)
          tpu.yield
        }) : () -> ()
        %scan3A_51 = arith.constant 0 : i32
        scf.yield %scan3A_51 : i32
      }
      %scan3A_19 = arith.constant 128 : i32
      %barrier3A_20 = arith.constant 0 : index
      tpu.barrier barrier_id(%barrier3A_20)
      %scan3A_21 = arith.constant 0 : i32
      %scan3A_22 = arith.constant 0 : i32
      %scan3A_23 = arith.constant 8 : i32
      %scan3A_24 = arith.addi %scan3A_22, %scan3A_23 : i32
      %scan3A_25 = arith.constant 1 : i32
      %scan3A_26 = scf.for %scan3A_28 = %scan3A_22 to %scan3A_24 step %scan3A_25 iter_args(%scan3A_29 = %scan3A_21) -> (i32)  : i32 {
        %mul3A = arith.constant 640 : i32
        %mul3A_30 = arith.muli %arg1, %mul3A : i32
        %mul3A_31 = arith.constant 80 : i32
        %mul3A_32 = arith.muli %scan3A_28, %mul3A_31 : i32
        %add3A = arith.addi %mul3A_30, %mul3A_32 : i32
        "tpu.region"() ({
          %run_scoped3A = tpu.sem_alloc : memref<!tpu.dma_semaphore, #tpu.memory_space<semaphore_mem>>
          %dma_start3A = arith.constant 0 : i32
          %dma_start3A_34 = tpu.memref_slice %arg16[%add3A, %dma_start3A] : memref<10240x128xf32, #tpu.memory_space<vmem_shared>> -> memref<80x128xf32, #tpu.memory_space<vmem_shared>>
          %dma_start3A_35 = arith.constant 0 : i32
          %dma_start3A_36 = tpu.memref_slice %arg16[%add3A, %dma_start3A_35] : memref<10240x128xf32, #tpu.memory_space<vmem_shared>> -> memref<80x128xf32, #tpu.memory_space<vmem_shared>>
          tpu.enqueue_dma source(%dma_start3A_36 : memref<80x128xf32, #tpu.memory_space<vmem_shared>>) target(%arg12 : memref<80x128xf32, #tpu.memory_space<vmem>>) target_semaphore(%run_scoped3A : memref<!tpu.dma_semaphore, #tpu.memory_space<semaphore_mem>>)
          %dma_wait3A = arith.constant 0 : i32
          %dma_wait3A_37 = tpu.memref_slice %arg16[%add3A, %dma_wait3A] : memref<10240x128xf32, #tpu.memory_space<vmem_shared>> -> memref<80x128xf32, #tpu.memory_space<vmem_shared>>
          %dma_wait3A_38 = arith.constant 0 : i32
          %dma_wait3A_39 = tpu.memref_slice %arg16[%add3A, %dma_wait3A_38] : memref<10240x128xf32, #tpu.memory_space<vmem_shared>> -> memref<80x128xf32, #tpu.memory_space<vmem_shared>>
          tpu.wait_dma2 semaphore(%run_scoped3A : memref<!tpu.dma_semaphore, #tpu.memory_space<semaphore_mem>>) src(%dma_wait3A_39 : memref<80x128xf32, #tpu.memory_space<vmem_shared>>) dst(%arg12 : memref<80x128xf32, #tpu.memory_space<vmem>>)
          tpu.yield
        }) : () -> ()
        "tpu.region"() ({
          %run_scoped3A = tpu.sem_alloc : memref<!tpu.dma_semaphore, #tpu.memory_space<semaphore_mem>>
          %dma_start3A = arith.constant 0 : i32
          %dma_start3A_34 = tpu.memref_slice %arg6[%add3A, %dma_start3A] : memref<10240x128xf32, #tpu.memory_space<hbm>> -> memref<80x128xf32, #tpu.memory_space<hbm>>
          %dma_start3A_35 = arith.constant 0 : i32
          %dma_start3A_36 = tpu.memref_slice %arg6[%add3A, %dma_start3A_35] : memref<10240x128xf32, #tpu.memory_space<hbm>> -> memref<80x128xf32, #tpu.memory_space<hbm>>
          tpu.enqueue_dma source(%arg12 : memref<80x128xf32, #tpu.memory_space<vmem>>) target(%dma_start3A_36 : memref<80x128xf32, #tpu.memory_space<hbm>>) target_semaphore(%run_scoped3A : memref<!tpu.dma_semaphore, #tpu.memory_space<semaphore_mem>>)
          %dma_wait3A = arith.constant 0 : i32
          %dma_wait3A_37 = tpu.memref_slice %arg6[%add3A, %dma_wait3A] : memref<10240x128xf32, #tpu.memory_space<hbm>> -> memref<80x128xf32, #tpu.memory_space<hbm>>
          %dma_wait3A_38 = arith.constant 0 : i32
          %dma_wait3A_39 = tpu.memref_slice %arg6[%add3A, %dma_wait3A_38] : memref<10240x128xf32, #tpu.memory_space<hbm>> -> memref<80x128xf32, #tpu.memory_space<hbm>>
          tpu.wait_dma2 semaphore(%run_scoped3A : memref<!tpu.dma_semaphore, #tpu.memory_space<semaphore_mem>>) src(%arg12 : memref<80x128xf32, #tpu.memory_space<vmem>>) dst(%dma_wait3A_39 : memref<80x128xf32, #tpu.memory_space<hbm>>)
          tpu.yield
        }) : () -> ()
        %scan3A_33 = arith.constant 0 : i32
        scf.yield %scan3A_33 : i32
      }
      %scan3A_27 = arith.constant 8 : i32
    } else {
    }
    %eq3A_2 = arith.constant 1 : i32
    %eq3A_3 = arith.cmpi eq, %arg0, %eq3A_2 : i32
    %convert_element_type3A_4 = arith.extui %eq3A_3 : i1 to i32
    %cond3A_5 = arith.constant 0 : i32
    %cond3A_6 = arith.cmpi ne, %convert_element_type3A_4, %cond3A_5 : i32
    scf.if %cond3A_6 {
      %scan3A = arith.constant 0 : i32
      %scan3A_7 = arith.constant 0 : i32
      %scan3A_8 = arith.constant 8 : i32
      %scan3A_9 = arith.addi %scan3A_7, %scan3A_8 : i32
      %scan3A_10 = arith.constant 1 : i32
      %scan3A_11 = scf.for %scan3A_28 = %scan3A_7 to %scan3A_9 step %scan3A_10 iter_args(%scan3A_29 = %scan3A) -> (i32)  : i32 {
        %mul3A = arith.constant 640 : i32
        %mul3A_30 = arith.muli %arg1, %mul3A : i32
        %mul3A_31 = arith.constant 80 : i32
        %mul3A_32 = arith.muli %scan3A_28, %mul3A_31 : i32
        %add3A = arith.addi %mul3A_30, %mul3A_32 : i32
        "tpu.region"() ({
          %run_scoped3A = tpu.sem_alloc : memref<!tpu.dma_semaphore, #tpu.memory_space<semaphore_mem>>
          %dma_start3A = arith.constant 0 : i32
          %dma_start3A_34 = tpu.memref_slice %arg3[%add3A, %dma_start3A] : memref<10240x128xf32, #tpu.memory_space<hbm>> -> memref<80x128xf32, #tpu.memory_space<hbm>>
          %dma_start3A_35 = arith.constant 0 : i32
          %dma_start3A_36 = tpu.memref_slice %arg3[%add3A, %dma_start3A_35] : memref<10240x128xf32, #tpu.memory_space<hbm>> -> memref<80x128xf32, #tpu.memory_space<hbm>>
          tpu.enqueue_dma source(%dma_start3A_36 : memref<80x128xf32, #tpu.memory_space<hbm>>) target(%arg12 : memref<80x128xf32, #tpu.memory_space<vmem>>) target_semaphore(%run_scoped3A : memref<!tpu.dma_semaphore, #tpu.memory_space<semaphore_mem>>)
          %dma_wait3A = arith.constant 0 : i32
          %dma_wait3A_37 = tpu.memref_slice %arg3[%add3A, %dma_wait3A] : memref<10240x128xf32, #tpu.memory_space<hbm>> -> memref<80x128xf32, #tpu.memory_space<hbm>>
          %dma_wait3A_38 = arith.constant 0 : i32
          %dma_wait3A_39 = tpu.memref_slice %arg3[%add3A, %dma_wait3A_38] : memref<10240x128xf32, #tpu.memory_space<hbm>> -> memref<80x128xf32, #tpu.memory_space<hbm>>
          tpu.wait_dma2 semaphore(%run_scoped3A : memref<!tpu.dma_semaphore, #tpu.memory_space<semaphore_mem>>) src(%dma_wait3A_39 : memref<80x128xf32, #tpu.memory_space<hbm>>) dst(%arg12 : memref<80x128xf32, #tpu.memory_space<vmem>>)
          tpu.yield
        }) : () -> ()
        "tpu.region"() ({
          %run_scoped3A = tpu.sem_alloc : memref<!tpu.dma_semaphore, #tpu.memory_space<semaphore_mem>>
          %dma_start3A = arith.constant 0 : i32
          %dma_start3A_34 = tpu.memref_slice %arg16[%add3A, %dma_start3A] : memref<10240x128xf32, #tpu.memory_space<vmem_shared>> -> memref<80x128xf32, #tpu.memory_space<vmem_shared>>
          %dma_start3A_35 = arith.constant 0 : i32
          %dma_start3A_36 = tpu.memref_slice %arg16[%add3A, %dma_start3A_35] : memref<10240x128xf32, #tpu.memory_space<vmem_shared>> -> memref<80x128xf32, #tpu.memory_space<vmem_shared>>
          tpu.enqueue_dma source(%arg12 : memref<80x128xf32, #tpu.memory_space<vmem>>) target(%dma_start3A_36 : memref<80x128xf32, #tpu.memory_space<vmem_shared>>) target_semaphore(%run_scoped3A : memref<!tpu.dma_semaphore, #tpu.memory_space<semaphore_mem>>)
          %dma_wait3A = arith.constant 0 : i32
          %dma_wait3A_37 = tpu.memref_slice %arg16[%add3A, %dma_wait3A] : memref<10240x128xf32, #tpu.memory_space<vmem_shared>> -> memref<80x128xf32, #tpu.memory_space<vmem_shared>>
          %dma_wait3A_38 = arith.constant 0 : i32
          %dma_wait3A_39 = tpu.memref_slice %arg16[%add3A, %dma_wait3A_38] : memref<10240x128xf32, #tpu.memory_space<vmem_shared>> -> memref<80x128xf32, #tpu.memory_space<vmem_shared>>
          tpu.wait_dma2 semaphore(%run_scoped3A : memref<!tpu.dma_semaphore, #tpu.memory_space<semaphore_mem>>) src(%arg12 : memref<80x128xf32, #tpu.memory_space<vmem>>) dst(%dma_wait3A_39 : memref<80x128xf32, #tpu.memory_space<vmem_shared>>)
          tpu.yield
        }) : () -> ()
        %scan3A_33 = arith.constant 0 : i32
        scf.yield %scan3A_33 : i32
      }
      %scan3A_12 = arith.constant 8 : i32
      %barrier3A = arith.constant 0 : index
      tpu.barrier barrier_id(%barrier3A)
      %scan3A_13 = arith.constant 0 : i32
      %scan3A_14 = arith.constant 0 : i32
      %scan3A_15 = arith.constant 128 : i32
      %scan3A_16 = arith.addi %scan3A_14, %scan3A_15 : i32
      %scan3A_17 = arith.constant 1 : i32
      %scan3A_18 = scf.for %scan3A_28 = %scan3A_14 to %scan3A_16 step %scan3A_17 iter_args(%scan3A_29 = %scan3A_13) -> (i32)  : i32 {
        %mul3A = arith.constant 20480 : i32
        %mul3A_30 = arith.muli %arg1, %mul3A : i32
        %mul3A_31 = arith.constant 160 : i32
        %mul3A_32 = arith.muli %scan3A_28, %mul3A_31 : i32
        %add3A = arith.addi %mul3A_30, %mul3A_32 : i32
        %add3A_33 = arith.constant 80 : i32
        %add3A_34 = arith.addi %add3A, %add3A_33 : i32
        "tpu.region"() ({
          %run_scoped3A = tpu.sem_alloc : memref<!tpu.dma_semaphore, #tpu.memory_space<semaphore_mem>>
          %dma_start3A_52 = tpu.memref_slice %arg4[%add3A] : memref<327680xi32, #tpu.memory_space<hbm>> -> memref<80xi32, #tpu.memory_space<hbm>>
          %dma_start3A_53 = tpu.memref_slice %arg4[%add3A] : memref<327680xi32, #tpu.memory_space<hbm>> -> memref<80xi32, #tpu.memory_space<hbm>>
          tpu.enqueue_dma source(%dma_start3A_53 : memref<80xi32, #tpu.memory_space<hbm>>) target(%arg8 : memref<80xi32, #tpu.memory_space<vmem>>) target_semaphore(%run_scoped3A : memref<!tpu.dma_semaphore, #tpu.memory_space<semaphore_mem>>)
          %dma_wait3A_54 = tpu.memref_slice %arg4[%add3A] : memref<327680xi32, #tpu.memory_space<hbm>> -> memref<80xi32, #tpu.memory_space<hbm>>
          %dma_wait3A_55 = tpu.memref_slice %arg4[%add3A] : memref<327680xi32, #tpu.memory_space<hbm>> -> memref<80xi32, #tpu.memory_space<hbm>>
          tpu.wait_dma2 semaphore(%run_scoped3A : memref<!tpu.dma_semaphore, #tpu.memory_space<semaphore_mem>>) src(%dma_wait3A_55 : memref<80xi32, #tpu.memory_space<hbm>>) dst(%arg8 : memref<80xi32, #tpu.memory_space<vmem>>)
          tpu.yield
        }) : () -> ()
        %dma_start3A = arith.constant 0 : i32
        %dma_start3A_35 = arith.constant 0 : i32
        %dma_start3A_36 = tpu.memref_slice %arg3[%dma_start3A, %dma_start3A_35] : memref<10240x128xf32, #tpu.memory_space<hbm>> -> memref<10240x128xf32, #tpu.memory_space<hbm>>
        tpu.enqueue_indirect_dma source(%dma_start3A_36 : memref<10240x128xf32, #tpu.memory_space<hbm>>) target(%arg12 : memref<80x128xf32, #tpu.memory_space<vmem>>) offsets(%arg8 : memref<80xi32, #tpu.memory_space<vmem>>) semaphore(%arg14 : memref<!tpu.dma_semaphore, #tpu.memory_space<semaphore_mem>>)
        "tpu.region"() ({
          %run_scoped3A = tpu.sem_alloc : memref<!tpu.dma_semaphore, #tpu.memory_space<semaphore_mem>>
          %dma_start3A_52 = tpu.memref_slice %arg5[%add3A] : memref<327680xi32, #tpu.memory_space<hbm>> -> memref<80xi32, #tpu.memory_space<hbm>>
          %dma_start3A_53 = tpu.memref_slice %arg5[%add3A] : memref<327680xi32, #tpu.memory_space<hbm>> -> memref<80xi32, #tpu.memory_space<hbm>>
          tpu.enqueue_dma source(%dma_start3A_53 : memref<80xi32, #tpu.memory_space<hbm>>) target(%arg9 : memref<80xi32, #tpu.memory_space<vmem>>) target_semaphore(%run_scoped3A : memref<!tpu.dma_semaphore, #tpu.memory_space<semaphore_mem>>)
          %dma_wait3A_54 = tpu.memref_slice %arg5[%add3A] : memref<327680xi32, #tpu.memory_space<hbm>> -> memref<80xi32, #tpu.memory_space<hbm>>
          %dma_wait3A_55 = tpu.memref_slice %arg5[%add3A] : memref<327680xi32, #tpu.memory_space<hbm>> -> memref<80xi32, #tpu.memory_space<hbm>>
          tpu.wait_dma2 semaphore(%run_scoped3A : memref<!tpu.dma_semaphore, #tpu.memory_space<semaphore_mem>>) src(%dma_wait3A_55 : memref<80xi32, #tpu.memory_space<hbm>>) dst(%arg9 : memref<80xi32, #tpu.memory_space<vmem>>)
          tpu.yield
        }) : () -> ()
        "tpu.region"() ({
          %run_scoped3A = tpu.sem_alloc : memref<!tpu.dma_semaphore, #tpu.memory_space<semaphore_mem>>
          %dma_start3A_52 = tpu.memref_slice %arg4[%add3A_34] : memref<327680xi32, #tpu.memory_space<hbm>> -> memref<80xi32, #tpu.memory_space<hbm>>
          %dma_start3A_53 = tpu.memref_slice %arg4[%add3A_34] : memref<327680xi32, #tpu.memory_space<hbm>> -> memref<80xi32, #tpu.memory_space<hbm>>
          tpu.enqueue_dma source(%dma_start3A_53 : memref<80xi32, #tpu.memory_space<hbm>>) target(%arg10 : memref<80xi32, #tpu.memory_space<vmem>>) target_semaphore(%run_scoped3A : memref<!tpu.dma_semaphore, #tpu.memory_space<semaphore_mem>>)
          %dma_wait3A_54 = tpu.memref_slice %arg4[%add3A_34] : memref<327680xi32, #tpu.memory_space<hbm>> -> memref<80xi32, #tpu.memory_space<hbm>>
          %dma_wait3A_55 = tpu.memref_slice %arg4[%add3A_34] : memref<327680xi32, #tpu.memory_space<hbm>> -> memref<80xi32, #tpu.memory_space<hbm>>
          tpu.wait_dma2 semaphore(%run_scoped3A : memref<!tpu.dma_semaphore, #tpu.memory_space<semaphore_mem>>) src(%dma_wait3A_55 : memref<80xi32, #tpu.memory_space<hbm>>) dst(%arg10 : memref<80xi32, #tpu.memory_space<vmem>>)
          tpu.yield
        }) : () -> ()
        %dma_wait3A = arith.constant 0 : i32
        %dma_wait3A_37 = arith.constant 0 : i32
        %dma_wait3A_38 = tpu.memref_slice %arg3[%dma_wait3A, %dma_wait3A_37] : memref<10240x128xf32, #tpu.memory_space<hbm>> -> memref<10240x128xf32, #tpu.memory_space<hbm>>
        tpu.wait_indirect_dma semaphore(%arg14 : memref<!tpu.dma_semaphore, #tpu.memory_space<semaphore_mem>>) src(%dma_wait3A_38 : memref<10240x128xf32, #tpu.memory_space<hbm>>) dst(%arg12 : memref<80x128xf32, #tpu.memory_space<vmem>>)
        %dma_start3A_39 = arith.constant 0 : i32
        %dma_start3A_40 = arith.constant 0 : i32
        %dma_start3A_41 = tpu.memref_slice %arg3[%dma_start3A_39, %dma_start3A_40] : memref<10240x128xf32, #tpu.memory_space<hbm>> -> memref<10240x128xf32, #tpu.memory_space<hbm>>
        tpu.enqueue_indirect_dma source(%dma_start3A_41 : memref<10240x128xf32, #tpu.memory_space<hbm>>) target(%arg13 : memref<80x128xf32, #tpu.memory_space<vmem>>) offsets(%arg10 : memref<80xi32, #tpu.memory_space<vmem>>) semaphore(%arg14 : memref<!tpu.dma_semaphore, #tpu.memory_space<semaphore_mem>>)
        %dma_start3A_42 = arith.constant 0 : i32
        %dma_start3A_43 = arith.constant 0 : i32
        %dma_start3A_44 = tpu.memref_slice %arg16[%dma_start3A_42, %dma_start3A_43] : memref<10240x128xf32, #tpu.memory_space<vmem_shared>> -> memref<10240x128xf32, #tpu.memory_space<vmem_shared>>
        tpu.enqueue_indirect_dma source(%arg12 : memref<80x128xf32, #tpu.memory_space<vmem>>) target(%dma_start3A_44 : memref<10240x128xf32, #tpu.memory_space<vmem_shared>>) offsets(%arg9 : memref<80xi32, #tpu.memory_space<vmem>>) semaphore(%arg15 : memref<!tpu.dma_semaphore, #tpu.memory_space<semaphore_mem>>) {add = true}
        "tpu.region"() ({
          %run_scoped3A = tpu.sem_alloc : memref<!tpu.dma_semaphore, #tpu.memory_space<semaphore_mem>>
          %dma_start3A_52 = tpu.memref_slice %arg5[%add3A_34] : memref<327680xi32, #tpu.memory_space<hbm>> -> memref<80xi32, #tpu.memory_space<hbm>>
          %dma_start3A_53 = tpu.memref_slice %arg5[%add3A_34] : memref<327680xi32, #tpu.memory_space<hbm>> -> memref<80xi32, #tpu.memory_space<hbm>>
          tpu.enqueue_dma source(%dma_start3A_53 : memref<80xi32, #tpu.memory_space<hbm>>) target(%arg11 : memref<80xi32, #tpu.memory_space<vmem>>) target_semaphore(%run_scoped3A : memref<!tpu.dma_semaphore, #tpu.memory_space<semaphore_mem>>)
          %dma_wait3A_54 = tpu.memref_slice %arg5[%add3A_34] : memref<327680xi32, #tpu.memory_space<hbm>> -> memref<80xi32, #tpu.memory_space<hbm>>
          %dma_wait3A_55 = tpu.memref_slice %arg5[%add3A_34] : memref<327680xi32, #tpu.memory_space<hbm>> -> memref<80xi32, #tpu.memory_space<hbm>>
          tpu.wait_dma2 semaphore(%run_scoped3A : memref<!tpu.dma_semaphore, #tpu.memory_space<semaphore_mem>>) src(%dma_wait3A_55 : memref<80xi32, #tpu.memory_space<hbm>>) dst(%arg11 : memref<80xi32, #tpu.memory_space<vmem>>)
          tpu.yield
        }) : () -> ()
        %dma_wait3A_45 = arith.constant 0 : i32
        %dma_wait3A_46 = arith.constant 0 : i32
        %dma_wait3A_47 = tpu.memref_slice %arg3[%dma_wait3A_45, %dma_wait3A_46] : memref<10240x128xf32, #tpu.memory_space<hbm>> -> memref<10240x128xf32, #tpu.memory_space<hbm>>
        tpu.wait_indirect_dma semaphore(%arg14 : memref<!tpu.dma_semaphore, #tpu.memory_space<semaphore_mem>>) src(%dma_wait3A_47 : memref<10240x128xf32, #tpu.memory_space<hbm>>) dst(%arg13 : memref<80x128xf32, #tpu.memory_space<vmem>>)
        %dma_wait3A_48 = arith.constant 0 : i32
        %dma_wait3A_49 = arith.constant 0 : i32
        %dma_wait3A_50 = tpu.memref_slice %arg16[%dma_wait3A_48, %dma_wait3A_49] : memref<10240x128xf32, #tpu.memory_space<vmem_shared>> -> memref<10240x128xf32, #tpu.memory_space<vmem_shared>>
        tpu.wait_indirect_dma semaphore(%arg15 : memref<!tpu.dma_semaphore, #tpu.memory_space<semaphore_mem>>) src(%arg12 : memref<80x128xf32, #tpu.memory_space<vmem>>) dst(%dma_wait3A_50 : memref<10240x128xf32, #tpu.memory_space<vmem_shared>>)
        "tpu.region"() ({
          %run_scoped3A = tpu.sem_alloc : memref<!tpu.dma_semaphore, #tpu.memory_space<semaphore_mem>>
          %dma_start3A_52 = arith.constant 0 : i32
          %dma_start3A_53 = arith.constant 0 : i32
          %dma_start3A_54 = tpu.memref_slice %arg16[%dma_start3A_52, %dma_start3A_53] : memref<10240x128xf32, #tpu.memory_space<vmem_shared>> -> memref<10240x128xf32, #tpu.memory_space<vmem_shared>>
          tpu.enqueue_indirect_dma source(%arg13 : memref<80x128xf32, #tpu.memory_space<vmem>>) target(%dma_start3A_54 : memref<10240x128xf32, #tpu.memory_space<vmem_shared>>) offsets(%arg11 : memref<80xi32, #tpu.memory_space<vmem>>) semaphore(%run_scoped3A : memref<!tpu.dma_semaphore, #tpu.memory_space<semaphore_mem>>) {add = true}
          %dma_wait3A_55 = arith.constant 0 : i32
          %dma_wait3A_56 = arith.constant 0 : i32
          %dma_wait3A_57 = tpu.memref_slice %arg16[%dma_wait3A_55, %dma_wait3A_56] : memref<10240x128xf32, #tpu.memory_space<vmem_shared>> -> memref<10240x128xf32, #tpu.memory_space<vmem_shared>>
          tpu.wait_indirect_dma semaphore(%run_scoped3A : memref<!tpu.dma_semaphore, #tpu.memory_space<semaphore_mem>>) src(%arg13 : memref<80x128xf32, #tpu.memory_space<vmem>>) dst(%dma_wait3A_57 : memref<10240x128xf32, #tpu.memory_space<vmem_shared>>)
          tpu.yield
        }) : () -> ()
        %scan3A_51 = arith.constant 0 : i32
        scf.yield %scan3A_51 : i32
      }
      %scan3A_19 = arith.constant 128 : i32
      %barrier3A_20 = arith.constant 0 : index
      tpu.barrier barrier_id(%barrier3A_20)
      %scan3A_21 = arith.constant 0 : i32
      %scan3A_22 = arith.constant 0 : i32
      %scan3A_23 = arith.constant 8 : i32
      %scan3A_24 = arith.addi %scan3A_22, %scan3A_23 : i32
      %scan3A_25 = arith.constant 1 : i32
      %scan3A_26 = scf.for %scan3A_28 = %scan3A_22 to %scan3A_24 step %scan3A_25 iter_args(%scan3A_29 = %scan3A_21) -> (i32)  : i32 {
        %mul3A = arith.constant 640 : i32
        %mul3A_30 = arith.muli %arg1, %mul3A : i32
        %mul3A_31 = arith.constant 80 : i32
        %mul3A_32 = arith.muli %scan3A_28, %mul3A_31 : i32
        %add3A = arith.addi %mul3A_30, %mul3A_32 : i32
        "tpu.region"() ({
          %run_scoped3A = tpu.sem_alloc : memref<!tpu.dma_semaphore, #tpu.memory_space<semaphore_mem>>
          %dma_start3A = arith.constant 0 : i32
          %dma_start3A_34 = tpu.memref_slice %arg16[%add3A, %dma_start3A] : memref<10240x128xf32, #tpu.memory_space<vmem_shared>> -> memref<80x128xf32, #tpu.memory_space<vmem_shared>>
          %dma_start3A_35 = arith.constant 0 : i32
          %dma_start3A_36 = tpu.memref_slice %arg16[%add3A, %dma_start3A_35] : memref<10240x128xf32, #tpu.memory_space<vmem_shared>> -> memref<80x128xf32, #tpu.memory_space<vmem_shared>>
          tpu.enqueue_dma source(%dma_start3A_36 : memref<80x128xf32, #tpu.memory_space<vmem_shared>>) target(%arg12 : memref<80x128xf32, #tpu.memory_space<vmem>>) target_semaphore(%run_scoped3A : memref<!tpu.dma_semaphore, #tpu.memory_space<semaphore_mem>>)
          %dma_wait3A = arith.constant 0 : i32
          %dma_wait3A_37 = tpu.memref_slice %arg16[%add3A, %dma_wait3A] : memref<10240x128xf32, #tpu.memory_space<vmem_shared>> -> memref<80x128xf32, #tpu.memory_space<vmem_shared>>
          %dma_wait3A_38 = arith.constant 0 : i32
          %dma_wait3A_39 = tpu.memref_slice %arg16[%add3A, %dma_wait3A_38] : memref<10240x128xf32, #tpu.memory_space<vmem_shared>> -> memref<80x128xf32, #tpu.memory_space<vmem_shared>>
          tpu.wait_dma2 semaphore(%run_scoped3A : memref<!tpu.dma_semaphore, #tpu.memory_space<semaphore_mem>>) src(%dma_wait3A_39 : memref<80x128xf32, #tpu.memory_space<vmem_shared>>) dst(%arg12 : memref<80x128xf32, #tpu.memory_space<vmem>>)
          tpu.yield
        }) : () -> ()
        "tpu.region"() ({
          %run_scoped3A = tpu.sem_alloc : memref<!tpu.dma_semaphore, #tpu.memory_space<semaphore_mem>>
          %dma_start3A = arith.constant 0 : i32
          %dma_start3A_34 = tpu.memref_slice %arg7[%add3A, %dma_start3A] : memref<10240x128xf32, #tpu.memory_space<hbm>> -> memref<80x128xf32, #tpu.memory_space<hbm>>
          %dma_start3A_35 = arith.constant 0 : i32
          %dma_start3A_36 = tpu.memref_slice %arg7[%add3A, %dma_start3A_35] : memref<10240x128xf32, #tpu.memory_space<hbm>> -> memref<80x128xf32, #tpu.memory_space<hbm>>
          tpu.enqueue_dma source(%arg12 : memref<80x128xf32, #tpu.memory_space<vmem>>) target(%dma_start3A_36 : memref<80x128xf32, #tpu.memory_space<hbm>>) target_semaphore(%run_scoped3A : memref<!tpu.dma_semaphore, #tpu.memory_space<semaphore_mem>>)
          %dma_wait3A = arith.constant 0 : i32
          %dma_wait3A_37 = tpu.memref_slice %arg7[%add3A, %dma_wait3A] : memref<10240x128xf32, #tpu.memory_space<hbm>> -> memref<80x128xf32, #tpu.memory_space<hbm>>
          %dma_wait3A_38 = arith.constant 0 : i32
          %dma_wait3A_39 = tpu.memref_slice %arg7[%add3A, %dma_wait3A_38] : memref<10240x128xf32, #tpu.memory_space<hbm>> -> memref<80x128xf32, #tpu.memory_space<hbm>>
          tpu.wait_dma2 semaphore(%run_scoped3A : memref<!tpu.dma_semaphore, #tpu.memory_space<semaphore_mem>>) src(%arg12 : memref<80x128xf32, #tpu.memory_space<vmem>>) dst(%dma_wait3A_39 : memref<80x128xf32, #tpu.memory_space<hbm>>)
          tpu.yield
        }) : () -> ()
        %scan3A_33 = arith.constant 0 : i32
        scf.yield %scan3A_33 : i32
      }
      %scan3A_27 = arith.constant 8 : i32
    } else {
    }
    return
  }
}

#map = affine_map<(d0, d1) -> (0, 0)>
#map1 = affine_map<(d0, d1) -> (0)>
module attributes {stable_mosaic.version = 14 : i64} {
  func.func @_agg_call(%arg0: i32, %arg1: i32, %arg2: memref<10240x128xf32, #tpu.memory_space<hbm>>, %arg3: memref<10240x128xf32, #tpu.memory_space<hbm>>, %arg4: memref<327680xi32, #tpu.memory_space<hbm>>, %arg5: memref<327680xi32, #tpu.memory_space<hbm>>, %arg6: memref<10240x128xf32, #tpu.memory_space<hbm>>, %arg7: memref<10240x128xf32, #tpu.memory_space<hbm>>, %arg8: memref<80xi32, #tpu.memory_space<vmem>>, %arg9: memref<80xi32, #tpu.memory_space<vmem>>, %arg10: memref<80xi32, #tpu.memory_space<vmem>>, %arg11: memref<80xi32, #tpu.memory_space<vmem>>, %arg12: memref<80x128xf32, #tpu.memory_space<vmem>>, %arg13: memref<80x128xf32, #tpu.memory_space<vmem>>, %arg14: memref<!tpu.dma_semaphore, #tpu.memory_space<semaphore_mem>>, %arg15: memref<!tpu.dma_semaphore, #tpu.memory_space<semaphore_mem>>, %arg16: memref<10240x128xf32, #tpu.memory_space<vmem_shared>>) attributes {dimension_semantics = [#tpu.dimension_semantics<core_parallel>, #tpu.dimension_semantics<subcore_parallel>], iteration_bounds = array<i64: 2, 16>, scalar_prefetch = 0 : i64, scratch_operands = 9 : i64, tpu.core_type = #tpu.core_type<sc_vector_subcore>, window_params = [{transform_indices = #map}, {transform_indices = #map}, {transform_indices = #map1}, {transform_indices = #map1}, {transform_indices = #map}, {transform_indices = #map}]} {
    %eq3A = arith.constant 0 : i32
    %eq3A_0 = arith.cmpi eq, %arg0, %eq3A : i32
    %convert_element_type3A = arith.extui %eq3A_0 : i1 to i32
    %cond3A = arith.constant 0 : i32
    %cond3A_1 = arith.cmpi ne, %convert_element_type3A, %cond3A : i32
    scf.if %cond3A_1 {
      %scan3A = arith.constant 0 : i32
      %scan3A_7 = arith.constant 0 : i32
      %scan3A_8 = arith.constant 8 : i32
      %scan3A_9 = arith.addi %scan3A_7, %scan3A_8 : i32
      %scan3A_10 = arith.constant 1 : i32
      %scan3A_11 = scf.for %scan3A_28 = %scan3A_7 to %scan3A_9 step %scan3A_10 iter_args(%scan3A_29 = %scan3A) -> (i32)  : i32 {
        %mul3A = arith.constant 640 : i32
        %mul3A_30 = arith.muli %arg1, %mul3A : i32
        %mul3A_31 = arith.constant 80 : i32
        %mul3A_32 = arith.muli %scan3A_28, %mul3A_31 : i32
        %add3A = arith.addi %mul3A_30, %mul3A_32 : i32
        "tpu.region"() ({
          %run_scoped3A = tpu.sem_alloc : memref<!tpu.dma_semaphore, #tpu.memory_space<semaphore_mem>>
          %dma_start3A = arith.constant 0 : i32
          %dma_start3A_34 = tpu.memref_slice %arg2[%add3A, %dma_start3A] : memref<10240x128xf32, #tpu.memory_space<hbm>> -> memref<80x128xf32, #tpu.memory_space<hbm>>
          %dma_start3A_35 = arith.constant 0 : i32
          %dma_start3A_36 = tpu.memref_slice %arg2[%add3A, %dma_start3A_35] : memref<10240x128xf32, #tpu.memory_space<hbm>> -> memref<80x128xf32, #tpu.memory_space<hbm>>
          tpu.enqueue_dma source(%dma_start3A_36 : memref<80x128xf32, #tpu.memory_space<hbm>>) target(%arg12 : memref<80x128xf32, #tpu.memory_space<vmem>>) target_semaphore(%run_scoped3A : memref<!tpu.dma_semaphore, #tpu.memory_space<semaphore_mem>>)
          %dma_wait3A = arith.constant 0 : i32
          %dma_wait3A_37 = tpu.memref_slice %arg2[%add3A, %dma_wait3A] : memref<10240x128xf32, #tpu.memory_space<hbm>> -> memref<80x128xf32, #tpu.memory_space<hbm>>
          %dma_wait3A_38 = arith.constant 0 : i32
          %dma_wait3A_39 = tpu.memref_slice %arg2[%add3A, %dma_wait3A_38] : memref<10240x128xf32, #tpu.memory_space<hbm>> -> memref<80x128xf32, #tpu.memory_space<hbm>>
          tpu.wait_dma2 semaphore(%run_scoped3A : memref<!tpu.dma_semaphore, #tpu.memory_space<semaphore_mem>>) src(%dma_wait3A_39 : memref<80x128xf32, #tpu.memory_space<hbm>>) dst(%arg12 : memref<80x128xf32, #tpu.memory_space<vmem>>)
          tpu.yield
        }) : () -> ()
        "tpu.region"() ({
          %run_scoped3A = tpu.sem_alloc : memref<!tpu.dma_semaphore, #tpu.memory_space<semaphore_mem>>
          %dma_start3A = arith.constant 0 : i32
          %dma_start3A_34 = tpu.memref_slice %arg16[%add3A, %dma_start3A] : memref<10240x128xf32, #tpu.memory_space<vmem_shared>> -> memref<80x128xf32, #tpu.memory_space<vmem_shared>>
          %dma_start3A_35 = arith.constant 0 : i32
          %dma_start3A_36 = tpu.memref_slice %arg16[%add3A, %dma_start3A_35] : memref<10240x128xf32, #tpu.memory_space<vmem_shared>> -> memref<80x128xf32, #tpu.memory_space<vmem_shared>>
          tpu.enqueue_dma source(%arg12 : memref<80x128xf32, #tpu.memory_space<vmem>>) target(%dma_start3A_36 : memref<80x128xf32, #tpu.memory_space<vmem_shared>>) target_semaphore(%run_scoped3A : memref<!tpu.dma_semaphore, #tpu.memory_space<semaphore_mem>>)
          %dma_wait3A = arith.constant 0 : i32
          %dma_wait3A_37 = tpu.memref_slice %arg16[%add3A, %dma_wait3A] : memref<10240x128xf32, #tpu.memory_space<vmem_shared>> -> memref<80x128xf32, #tpu.memory_space<vmem_shared>>
          %dma_wait3A_38 = arith.constant 0 : i32
          %dma_wait3A_39 = tpu.memref_slice %arg16[%add3A, %dma_wait3A_38] : memref<10240x128xf32, #tpu.memory_space<vmem_shared>> -> memref<80x128xf32, #tpu.memory_space<vmem_shared>>
          tpu.wait_dma2 semaphore(%run_scoped3A : memref<!tpu.dma_semaphore, #tpu.memory_space<semaphore_mem>>) src(%arg12 : memref<80x128xf32, #tpu.memory_space<vmem>>) dst(%dma_wait3A_39 : memref<80x128xf32, #tpu.memory_space<vmem_shared>>)
          tpu.yield
        }) : () -> ()
        %scan3A_33 = arith.constant 0 : i32
        scf.yield %scan3A_33 : i32
      }
      %scan3A_12 = arith.constant 8 : i32
      %barrier3A = arith.constant 0 : index
      tpu.barrier barrier_id(%barrier3A)
      %scan3A_13 = arith.constant 0 : i32
      %scan3A_14 = arith.constant 0 : i32
      %scan3A_15 = arith.constant 128 : i32
      %scan3A_16 = arith.addi %scan3A_14, %scan3A_15 : i32
      %scan3A_17 = arith.constant 1 : i32
      %scan3A_18 = scf.for %scan3A_28 = %scan3A_14 to %scan3A_16 step %scan3A_17 iter_args(%scan3A_29 = %scan3A_13) -> (i32)  : i32 {
        %mul3A = arith.constant 20480 : i32
        %mul3A_30 = arith.muli %arg1, %mul3A : i32
        %mul3A_31 = arith.constant 160 : i32
        %mul3A_32 = arith.muli %scan3A_28, %mul3A_31 : i32
        %add3A = arith.addi %mul3A_30, %mul3A_32 : i32
        %add3A_33 = arith.constant 80 : i32
        %add3A_34 = arith.addi %add3A, %add3A_33 : i32
        "tpu.region"() ({
          %run_scoped3A = tpu.sem_alloc : memref<!tpu.dma_semaphore, #tpu.memory_space<semaphore_mem>>
          %dma_start3A_52 = tpu.memref_slice %arg4[%add3A] : memref<327680xi32, #tpu.memory_space<hbm>> -> memref<80xi32, #tpu.memory_space<hbm>>
          %dma_start3A_53 = tpu.memref_slice %arg4[%add3A] : memref<327680xi32, #tpu.memory_space<hbm>> -> memref<80xi32, #tpu.memory_space<hbm>>
          tpu.enqueue_dma source(%dma_start3A_53 : memref<80xi32, #tpu.memory_space<hbm>>) target(%arg8 : memref<80xi32, #tpu.memory_space<vmem>>) target_semaphore(%run_scoped3A : memref<!tpu.dma_semaphore, #tpu.memory_space<semaphore_mem>>)
          %dma_wait3A_54 = tpu.memref_slice %arg4[%add3A] : memref<327680xi32, #tpu.memory_space<hbm>> -> memref<80xi32, #tpu.memory_space<hbm>>
          %dma_wait3A_55 = tpu.memref_slice %arg4[%add3A] : memref<327680xi32, #tpu.memory_space<hbm>> -> memref<80xi32, #tpu.memory_space<hbm>>
          tpu.wait_dma2 semaphore(%run_scoped3A : memref<!tpu.dma_semaphore, #tpu.memory_space<semaphore_mem>>) src(%dma_wait3A_55 : memref<80xi32, #tpu.memory_space<hbm>>) dst(%arg8 : memref<80xi32, #tpu.memory_space<vmem>>)
          tpu.yield
        }) : () -> ()
        %dma_start3A = arith.constant 0 : i32
        %dma_start3A_35 = arith.constant 0 : i32
        %dma_start3A_36 = tpu.memref_slice %arg2[%dma_start3A, %dma_start3A_35] : memref<10240x128xf32, #tpu.memory_space<hbm>> -> memref<10240x128xf32, #tpu.memory_space<hbm>>
        tpu.enqueue_indirect_dma source(%dma_start3A_36 : memref<10240x128xf32, #tpu.memory_space<hbm>>) target(%arg12 : memref<80x128xf32, #tpu.memory_space<vmem>>) offsets(%arg8 : memref<80xi32, #tpu.memory_space<vmem>>) semaphore(%arg14 : memref<!tpu.dma_semaphore, #tpu.memory_space<semaphore_mem>>)
        "tpu.region"() ({
          %run_scoped3A = tpu.sem_alloc : memref<!tpu.dma_semaphore, #tpu.memory_space<semaphore_mem>>
          %dma_start3A_52 = tpu.memref_slice %arg5[%add3A] : memref<327680xi32, #tpu.memory_space<hbm>> -> memref<80xi32, #tpu.memory_space<hbm>>
          %dma_start3A_53 = tpu.memref_slice %arg5[%add3A] : memref<327680xi32, #tpu.memory_space<hbm>> -> memref<80xi32, #tpu.memory_space<hbm>>
          tpu.enqueue_dma source(%dma_start3A_53 : memref<80xi32, #tpu.memory_space<hbm>>) target(%arg9 : memref<80xi32, #tpu.memory_space<vmem>>) target_semaphore(%run_scoped3A : memref<!tpu.dma_semaphore, #tpu.memory_space<semaphore_mem>>)
          %dma_wait3A_54 = tpu.memref_slice %arg5[%add3A] : memref<327680xi32, #tpu.memory_space<hbm>> -> memref<80xi32, #tpu.memory_space<hbm>>
          %dma_wait3A_55 = tpu.memref_slice %arg5[%add3A] : memref<327680xi32, #tpu.memory_space<hbm>> -> memref<80xi32, #tpu.memory_space<hbm>>
          tpu.wait_dma2 semaphore(%run_scoped3A : memref<!tpu.dma_semaphore, #tpu.memory_space<semaphore_mem>>) src(%dma_wait3A_55 : memref<80xi32, #tpu.memory_space<hbm>>) dst(%arg9 : memref<80xi32, #tpu.memory_space<vmem>>)
          tpu.yield
        }) : () -> ()
        "tpu.region"() ({
          %run_scoped3A = tpu.sem_alloc : memref<!tpu.dma_semaphore, #tpu.memory_space<semaphore_mem>>
          %dma_start3A_52 = tpu.memref_slice %arg4[%add3A_34] : memref<327680xi32, #tpu.memory_space<hbm>> -> memref<80xi32, #tpu.memory_space<hbm>>
          %dma_start3A_53 = tpu.memref_slice %arg4[%add3A_34] : memref<327680xi32, #tpu.memory_space<hbm>> -> memref<80xi32, #tpu.memory_space<hbm>>
          tpu.enqueue_dma source(%dma_start3A_53 : memref<80xi32, #tpu.memory_space<hbm>>) target(%arg10 : memref<80xi32, #tpu.memory_space<vmem>>) target_semaphore(%run_scoped3A : memref<!tpu.dma_semaphore, #tpu.memory_space<semaphore_mem>>)
          %dma_wait3A_54 = tpu.memref_slice %arg4[%add3A_34] : memref<327680xi32, #tpu.memory_space<hbm>> -> memref<80xi32, #tpu.memory_space<hbm>>
          %dma_wait3A_55 = tpu.memref_slice %arg4[%add3A_34] : memref<327680xi32, #tpu.memory_space<hbm>> -> memref<80xi32, #tpu.memory_space<hbm>>
          tpu.wait_dma2 semaphore(%run_scoped3A : memref<!tpu.dma_semaphore, #tpu.memory_space<semaphore_mem>>) src(%dma_wait3A_55 : memref<80xi32, #tpu.memory_space<hbm>>) dst(%arg10 : memref<80xi32, #tpu.memory_space<vmem>>)
          tpu.yield
        }) : () -> ()
        %dma_wait3A = arith.constant 0 : i32
        %dma_wait3A_37 = arith.constant 0 : i32
        %dma_wait3A_38 = tpu.memref_slice %arg2[%dma_wait3A, %dma_wait3A_37] : memref<10240x128xf32, #tpu.memory_space<hbm>> -> memref<10240x128xf32, #tpu.memory_space<hbm>>
        tpu.wait_indirect_dma semaphore(%arg14 : memref<!tpu.dma_semaphore, #tpu.memory_space<semaphore_mem>>) src(%dma_wait3A_38 : memref<10240x128xf32, #tpu.memory_space<hbm>>) dst(%arg12 : memref<80x128xf32, #tpu.memory_space<vmem>>)
        %dma_start3A_39 = arith.constant 0 : i32
        %dma_start3A_40 = arith.constant 0 : i32
        %dma_start3A_41 = tpu.memref_slice %arg2[%dma_start3A_39, %dma_start3A_40] : memref<10240x128xf32, #tpu.memory_space<hbm>> -> memref<10240x128xf32, #tpu.memory_space<hbm>>
        tpu.enqueue_indirect_dma source(%dma_start3A_41 : memref<10240x128xf32, #tpu.memory_space<hbm>>) target(%arg13 : memref<80x128xf32, #tpu.memory_space<vmem>>) offsets(%arg10 : memref<80xi32, #tpu.memory_space<vmem>>) semaphore(%arg14 : memref<!tpu.dma_semaphore, #tpu.memory_space<semaphore_mem>>)
        %dma_start3A_42 = arith.constant 0 : i32
        %dma_start3A_43 = arith.constant 0 : i32
        %dma_start3A_44 = tpu.memref_slice %arg16[%dma_start3A_42, %dma_start3A_43] : memref<10240x128xf32, #tpu.memory_space<vmem_shared>> -> memref<10240x128xf32, #tpu.memory_space<vmem_shared>>
        tpu.enqueue_indirect_dma source(%arg12 : memref<80x128xf32, #tpu.memory_space<vmem>>) target(%dma_start3A_44 : memref<10240x128xf32, #tpu.memory_space<vmem_shared>>) offsets(%arg9 : memref<80xi32, #tpu.memory_space<vmem>>) semaphore(%arg15 : memref<!tpu.dma_semaphore, #tpu.memory_space<semaphore_mem>>) {add = true}
        "tpu.region"() ({
          %run_scoped3A = tpu.sem_alloc : memref<!tpu.dma_semaphore, #tpu.memory_space<semaphore_mem>>
          %dma_start3A_52 = tpu.memref_slice %arg5[%add3A_34] : memref<327680xi32, #tpu.memory_space<hbm>> -> memref<80xi32, #tpu.memory_space<hbm>>
          %dma_start3A_53 = tpu.memref_slice %arg5[%add3A_34] : memref<327680xi32, #tpu.memory_space<hbm>> -> memref<80xi32, #tpu.memory_space<hbm>>
          tpu.enqueue_dma source(%dma_start3A_53 : memref<80xi32, #tpu.memory_space<hbm>>) target(%arg11 : memref<80xi32, #tpu.memory_space<vmem>>) target_semaphore(%run_scoped3A : memref<!tpu.dma_semaphore, #tpu.memory_space<semaphore_mem>>)
          %dma_wait3A_54 = tpu.memref_slice %arg5[%add3A_34] : memref<327680xi32, #tpu.memory_space<hbm>> -> memref<80xi32, #tpu.memory_space<hbm>>
          %dma_wait3A_55 = tpu.memref_slice %arg5[%add3A_34] : memref<327680xi32, #tpu.memory_space<hbm>> -> memref<80xi32, #tpu.memory_space<hbm>>
          tpu.wait_dma2 semaphore(%run_scoped3A : memref<!tpu.dma_semaphore, #tpu.memory_space<semaphore_mem>>) src(%dma_wait3A_55 : memref<80xi32, #tpu.memory_space<hbm>>) dst(%arg11 : memref<80xi32, #tpu.memory_space<vmem>>)
          tpu.yield
        }) : () -> ()
        %dma_wait3A_45 = arith.constant 0 : i32
        %dma_wait3A_46 = arith.constant 0 : i32
        %dma_wait3A_47 = tpu.memref_slice %arg2[%dma_wait3A_45, %dma_wait3A_46] : memref<10240x128xf32, #tpu.memory_space<hbm>> -> memref<10240x128xf32, #tpu.memory_space<hbm>>
        tpu.wait_indirect_dma semaphore(%arg14 : memref<!tpu.dma_semaphore, #tpu.memory_space<semaphore_mem>>) src(%dma_wait3A_47 : memref<10240x128xf32, #tpu.memory_space<hbm>>) dst(%arg13 : memref<80x128xf32, #tpu.memory_space<vmem>>)
        %dma_wait3A_48 = arith.constant 0 : i32
        %dma_wait3A_49 = arith.constant 0 : i32
        %dma_wait3A_50 = tpu.memref_slice %arg16[%dma_wait3A_48, %dma_wait3A_49] : memref<10240x128xf32, #tpu.memory_space<vmem_shared>> -> memref<10240x128xf32, #tpu.memory_space<vmem_shared>>
        tpu.wait_indirect_dma semaphore(%arg15 : memref<!tpu.dma_semaphore, #tpu.memory_space<semaphore_mem>>) src(%arg12 : memref<80x128xf32, #tpu.memory_space<vmem>>) dst(%dma_wait3A_50 : memref<10240x128xf32, #tpu.memory_space<vmem_shared>>)
        "tpu.region"() ({
          %run_scoped3A = tpu.sem_alloc : memref<!tpu.dma_semaphore, #tpu.memory_space<semaphore_mem>>
          %dma_start3A_52 = arith.constant 0 : i32
          %dma_start3A_53 = arith.constant 0 : i32
          %dma_start3A_54 = tpu.memref_slice %arg16[%dma_start3A_52, %dma_start3A_53] : memref<10240x128xf32, #tpu.memory_space<vmem_shared>> -> memref<10240x128xf32, #tpu.memory_space<vmem_shared>>
          tpu.enqueue_indirect_dma source(%arg13 : memref<80x128xf32, #tpu.memory_space<vmem>>) target(%dma_start3A_54 : memref<10240x128xf32, #tpu.memory_space<vmem_shared>>) offsets(%arg11 : memref<80xi32, #tpu.memory_space<vmem>>) semaphore(%run_scoped3A : memref<!tpu.dma_semaphore, #tpu.memory_space<semaphore_mem>>) {add = true}
          %dma_wait3A_55 = arith.constant 0 : i32
          %dma_wait3A_56 = arith.constant 0 : i32
          %dma_wait3A_57 = tpu.memref_slice %arg16[%dma_wait3A_55, %dma_wait3A_56] : memref<10240x128xf32, #tpu.memory_space<vmem_shared>> -> memref<10240x128xf32, #tpu.memory_space<vmem_shared>>
          tpu.wait_indirect_dma semaphore(%run_scoped3A : memref<!tpu.dma_semaphore, #tpu.memory_space<semaphore_mem>>) src(%arg13 : memref<80x128xf32, #tpu.memory_space<vmem>>) dst(%dma_wait3A_57 : memref<10240x128xf32, #tpu.memory_space<vmem_shared>>)
          tpu.yield
        }) : () -> ()
        %scan3A_51 = arith.constant 0 : i32
        scf.yield %scan3A_51 : i32
      }
      %scan3A_19 = arith.constant 128 : i32
      %barrier3A_20 = arith.constant 0 : index
      tpu.barrier barrier_id(%barrier3A_20)
      %scan3A_21 = arith.constant 0 : i32
      %scan3A_22 = arith.constant 0 : i32
      %scan3A_23 = arith.constant 8 : i32
      %scan3A_24 = arith.addi %scan3A_22, %scan3A_23 : i32
      %scan3A_25 = arith.constant 1 : i32
      %scan3A_26 = scf.for %scan3A_28 = %scan3A_22 to %scan3A_24 step %scan3A_25 iter_args(%scan3A_29 = %scan3A_21) -> (i32)  : i32 {
        %mul3A = arith.constant 640 : i32
        %mul3A_30 = arith.muli %arg1, %mul3A : i32
        %mul3A_31 = arith.constant 80 : i32
        %mul3A_32 = arith.muli %scan3A_28, %mul3A_31 : i32
        %add3A = arith.addi %mul3A_30, %mul3A_32 : i32
        "tpu.region"() ({
          %run_scoped3A = tpu.sem_alloc : memref<!tpu.dma_semaphore, #tpu.memory_space<semaphore_mem>>
          %dma_start3A = arith.constant 0 : i32
          %dma_start3A_34 = tpu.memref_slice %arg16[%add3A, %dma_start3A] : memref<10240x128xf32, #tpu.memory_space<vmem_shared>> -> memref<80x128xf32, #tpu.memory_space<vmem_shared>>
          %dma_start3A_35 = arith.constant 0 : i32
          %dma_start3A_36 = tpu.memref_slice %arg16[%add3A, %dma_start3A_35] : memref<10240x128xf32, #tpu.memory_space<vmem_shared>> -> memref<80x128xf32, #tpu.memory_space<vmem_shared>>
          tpu.enqueue_dma source(%dma_start3A_36 : memref<80x128xf32, #tpu.memory_space<vmem_shared>>) target(%arg12 : memref<80x128xf32, #tpu.memory_space<vmem>>) target_semaphore(%run_scoped3A : memref<!tpu.dma_semaphore, #tpu.memory_space<semaphore_mem>>)
          %dma_wait3A = arith.constant 0 : i32
          %dma_wait3A_37 = tpu.memref_slice %arg16[%add3A, %dma_wait3A] : memref<10240x128xf32, #tpu.memory_space<vmem_shared>> -> memref<80x128xf32, #tpu.memory_space<vmem_shared>>
          %dma_wait3A_38 = arith.constant 0 : i32
          %dma_wait3A_39 = tpu.memref_slice %arg16[%add3A, %dma_wait3A_38] : memref<10240x128xf32, #tpu.memory_space<vmem_shared>> -> memref<80x128xf32, #tpu.memory_space<vmem_shared>>
          tpu.wait_dma2 semaphore(%run_scoped3A : memref<!tpu.dma_semaphore, #tpu.memory_space<semaphore_mem>>) src(%dma_wait3A_39 : memref<80x128xf32, #tpu.memory_space<vmem_shared>>) dst(%arg12 : memref<80x128xf32, #tpu.memory_space<vmem>>)
          tpu.yield
        }) : () -> ()
        "tpu.region"() ({
          %run_scoped3A = tpu.sem_alloc : memref<!tpu.dma_semaphore, #tpu.memory_space<semaphore_mem>>
          %dma_start3A = arith.constant 0 : i32
          %dma_start3A_34 = tpu.memref_slice %arg6[%add3A, %dma_start3A] : memref<10240x128xf32, #tpu.memory_space<hbm>> -> memref<80x128xf32, #tpu.memory_space<hbm>>
          %dma_start3A_35 = arith.constant 0 : i32
          %dma_start3A_36 = tpu.memref_slice %arg6[%add3A, %dma_start3A_35] : memref<10240x128xf32, #tpu.memory_space<hbm>> -> memref<80x128xf32, #tpu.memory_space<hbm>>
          tpu.enqueue_dma source(%arg12 : memref<80x128xf32, #tpu.memory_space<vmem>>) target(%dma_start3A_36 : memref<80x128xf32, #tpu.memory_space<hbm>>) target_semaphore(%run_scoped3A : memref<!tpu.dma_semaphore, #tpu.memory_space<semaphore_mem>>)
          %dma_wait3A = arith.constant 0 : i32
          %dma_wait3A_37 = tpu.memref_slice %arg6[%add3A, %dma_wait3A] : memref<10240x128xf32, #tpu.memory_space<hbm>> -> memref<80x128xf32, #tpu.memory_space<hbm>>
          %dma_wait3A_38 = arith.constant 0 : i32
          %dma_wait3A_39 = tpu.memref_slice %arg6[%add3A, %dma_wait3A_38] : memref<10240x128xf32, #tpu.memory_space<hbm>> -> memref<80x128xf32, #tpu.memory_space<hbm>>
          tpu.wait_dma2 semaphore(%run_scoped3A : memref<!tpu.dma_semaphore, #tpu.memory_space<semaphore_mem>>) src(%arg12 : memref<80x128xf32, #tpu.memory_space<vmem>>) dst(%dma_wait3A_39 : memref<80x128xf32, #tpu.memory_space<hbm>>)
          tpu.yield
        }) : () -> ()
        %scan3A_33 = arith.constant 0 : i32
        scf.yield %scan3A_33 : i32
      }
      %scan3A_27 = arith.constant 8 : i32
    } else {
    }
    %eq3A_2 = arith.constant 1 : i32
    %eq3A_3 = arith.cmpi eq, %arg0, %eq3A_2 : i32
    %convert_element_type3A_4 = arith.extui %eq3A_3 : i1 to i32
    %cond3A_5 = arith.constant 0 : i32
    %cond3A_6 = arith.cmpi ne, %convert_element_type3A_4, %cond3A_5 : i32
    scf.if %cond3A_6 {
      %scan3A = arith.constant 0 : i32
      %scan3A_7 = arith.constant 0 : i32
      %scan3A_8 = arith.constant 8 : i32
      %scan3A_9 = arith.addi %scan3A_7, %scan3A_8 : i32
      %scan3A_10 = arith.constant 1 : i32
      %scan3A_11 = scf.for %scan3A_28 = %scan3A_7 to %scan3A_9 step %scan3A_10 iter_args(%scan3A_29 = %scan3A) -> (i32)  : i32 {
        %mul3A = arith.constant 640 : i32
        %mul3A_30 = arith.muli %arg1, %mul3A : i32
        %mul3A_31 = arith.constant 80 : i32
        %mul3A_32 = arith.muli %scan3A_28, %mul3A_31 : i32
        %add3A = arith.addi %mul3A_30, %mul3A_32 : i32
        "tpu.region"() ({
          %run_scoped3A = tpu.sem_alloc : memref<!tpu.dma_semaphore, #tpu.memory_space<semaphore_mem>>
          %dma_start3A = arith.constant 0 : i32
          %dma_start3A_34 = tpu.memref_slice %arg3[%add3A, %dma_start3A] : memref<10240x128xf32, #tpu.memory_space<hbm>> -> memref<80x128xf32, #tpu.memory_space<hbm>>
          %dma_start3A_35 = arith.constant 0 : i32
          %dma_start3A_36 = tpu.memref_slice %arg3[%add3A, %dma_start3A_35] : memref<10240x128xf32, #tpu.memory_space<hbm>> -> memref<80x128xf32, #tpu.memory_space<hbm>>
          tpu.enqueue_dma source(%dma_start3A_36 : memref<80x128xf32, #tpu.memory_space<hbm>>) target(%arg12 : memref<80x128xf32, #tpu.memory_space<vmem>>) target_semaphore(%run_scoped3A : memref<!tpu.dma_semaphore, #tpu.memory_space<semaphore_mem>>)
          %dma_wait3A = arith.constant 0 : i32
          %dma_wait3A_37 = tpu.memref_slice %arg3[%add3A, %dma_wait3A] : memref<10240x128xf32, #tpu.memory_space<hbm>> -> memref<80x128xf32, #tpu.memory_space<hbm>>
          %dma_wait3A_38 = arith.constant 0 : i32
          %dma_wait3A_39 = tpu.memref_slice %arg3[%add3A, %dma_wait3A_38] : memref<10240x128xf32, #tpu.memory_space<hbm>> -> memref<80x128xf32, #tpu.memory_space<hbm>>
          tpu.wait_dma2 semaphore(%run_scoped3A : memref<!tpu.dma_semaphore, #tpu.memory_space<semaphore_mem>>) src(%dma_wait3A_39 : memref<80x128xf32, #tpu.memory_space<hbm>>) dst(%arg12 : memref<80x128xf32, #tpu.memory_space<vmem>>)
          tpu.yield
        }) : () -> ()
        "tpu.region"() ({
          %run_scoped3A = tpu.sem_alloc : memref<!tpu.dma_semaphore, #tpu.memory_space<semaphore_mem>>
          %dma_start3A = arith.constant 0 : i32
          %dma_start3A_34 = tpu.memref_slice %arg16[%add3A, %dma_start3A] : memref<10240x128xf32, #tpu.memory_space<vmem_shared>> -> memref<80x128xf32, #tpu.memory_space<vmem_shared>>
          %dma_start3A_35 = arith.constant 0 : i32
          %dma_start3A_36 = tpu.memref_slice %arg16[%add3A, %dma_start3A_35] : memref<10240x128xf32, #tpu.memory_space<vmem_shared>> -> memref<80x128xf32, #tpu.memory_space<vmem_shared>>
          tpu.enqueue_dma source(%arg12 : memref<80x128xf32, #tpu.memory_space<vmem>>) target(%dma_start3A_36 : memref<80x128xf32, #tpu.memory_space<vmem_shared>>) target_semaphore(%run_scoped3A : memref<!tpu.dma_semaphore, #tpu.memory_space<semaphore_mem>>)
          %dma_wait3A = arith.constant 0 : i32
          %dma_wait3A_37 = tpu.memref_slice %arg16[%add3A, %dma_wait3A] : memref<10240x128xf32, #tpu.memory_space<vmem_shared>> -> memref<80x128xf32, #tpu.memory_space<vmem_shared>>
          %dma_wait3A_38 = arith.constant 0 : i32
          %dma_wait3A_39 = tpu.memref_slice %arg16[%add3A, %dma_wait3A_38] : memref<10240x128xf32, #tpu.memory_space<vmem_shared>> -> memref<80x128xf32, #tpu.memory_space<vmem_shared>>
          tpu.wait_dma2 semaphore(%run_scoped3A : memref<!tpu.dma_semaphore, #tpu.memory_space<semaphore_mem>>) src(%arg12 : memref<80x128xf32, #tpu.memory_space<vmem>>) dst(%dma_wait3A_39 : memref<80x128xf32, #tpu.memory_space<vmem_shared>>)
          tpu.yield
        }) : () -> ()
        %scan3A_33 = arith.constant 0 : i32
        scf.yield %scan3A_33 : i32
      }
      %scan3A_12 = arith.constant 8 : i32
      %barrier3A = arith.constant 0 : index
      tpu.barrier barrier_id(%barrier3A)
      %scan3A_13 = arith.constant 0 : i32
      %scan3A_14 = arith.constant 0 : i32
      %scan3A_15 = arith.constant 128 : i32
      %scan3A_16 = arith.addi %scan3A_14, %scan3A_15 : i32
      %scan3A_17 = arith.constant 1 : i32
      %scan3A_18 = scf.for %scan3A_28 = %scan3A_14 to %scan3A_16 step %scan3A_17 iter_args(%scan3A_29 = %scan3A_13) -> (i32)  : i32 {
        %mul3A = arith.constant 20480 : i32
        %mul3A_30 = arith.muli %arg1, %mul3A : i32
        %mul3A_31 = arith.constant 160 : i32
        %mul3A_32 = arith.muli %scan3A_28, %mul3A_31 : i32
        %add3A = arith.addi %mul3A_30, %mul3A_32 : i32
        %add3A_33 = arith.constant 80 : i32
        %add3A_34 = arith.addi %add3A, %add3A_33 : i32
        "tpu.region"() ({
          %run_scoped3A = tpu.sem_alloc : memref<!tpu.dma_semaphore, #tpu.memory_space<semaphore_mem>>
          %dma_start3A_52 = tpu.memref_slice %arg4[%add3A] : memref<327680xi32, #tpu.memory_space<hbm>> -> memref<80xi32, #tpu.memory_space<hbm>>
          %dma_start3A_53 = tpu.memref_slice %arg4[%add3A] : memref<327680xi32, #tpu.memory_space<hbm>> -> memref<80xi32, #tpu.memory_space<hbm>>
          tpu.enqueue_dma source(%dma_start3A_53 : memref<80xi32, #tpu.memory_space<hbm>>) target(%arg8 : memref<80xi32, #tpu.memory_space<vmem>>) target_semaphore(%run_scoped3A : memref<!tpu.dma_semaphore, #tpu.memory_space<semaphore_mem>>)
          %dma_wait3A_54 = tpu.memref_slice %arg4[%add3A] : memref<327680xi32, #tpu.memory_space<hbm>> -> memref<80xi32, #tpu.memory_space<hbm>>
          %dma_wait3A_55 = tpu.memref_slice %arg4[%add3A] : memref<327680xi32, #tpu.memory_space<hbm>> -> memref<80xi32, #tpu.memory_space<hbm>>
          tpu.wait_dma2 semaphore(%run_scoped3A : memref<!tpu.dma_semaphore, #tpu.memory_space<semaphore_mem>>) src(%dma_wait3A_55 : memref<80xi32, #tpu.memory_space<hbm>>) dst(%arg8 : memref<80xi32, #tpu.memory_space<vmem>>)
          tpu.yield
        }) : () -> ()
        %dma_start3A = arith.constant 0 : i32
        %dma_start3A_35 = arith.constant 0 : i32
        %dma_start3A_36 = tpu.memref_slice %arg3[%dma_start3A, %dma_start3A_35] : memref<10240x128xf32, #tpu.memory_space<hbm>> -> memref<10240x128xf32, #tpu.memory_space<hbm>>
        tpu.enqueue_indirect_dma source(%dma_start3A_36 : memref<10240x128xf32, #tpu.memory_space<hbm>>) target(%arg12 : memref<80x128xf32, #tpu.memory_space<vmem>>) offsets(%arg8 : memref<80xi32, #tpu.memory_space<vmem>>) semaphore(%arg14 : memref<!tpu.dma_semaphore, #tpu.memory_space<semaphore_mem>>)
        "tpu.region"() ({
          %run_scoped3A = tpu.sem_alloc : memref<!tpu.dma_semaphore, #tpu.memory_space<semaphore_mem>>
          %dma_start3A_52 = tpu.memref_slice %arg5[%add3A] : memref<327680xi32, #tpu.memory_space<hbm>> -> memref<80xi32, #tpu.memory_space<hbm>>
          %dma_start3A_53 = tpu.memref_slice %arg5[%add3A] : memref<327680xi32, #tpu.memory_space<hbm>> -> memref<80xi32, #tpu.memory_space<hbm>>
          tpu.enqueue_dma source(%dma_start3A_53 : memref<80xi32, #tpu.memory_space<hbm>>) target(%arg9 : memref<80xi32, #tpu.memory_space<vmem>>) target_semaphore(%run_scoped3A : memref<!tpu.dma_semaphore, #tpu.memory_space<semaphore_mem>>)
          %dma_wait3A_54 = tpu.memref_slice %arg5[%add3A] : memref<327680xi32, #tpu.memory_space<hbm>> -> memref<80xi32, #tpu.memory_space<hbm>>
          %dma_wait3A_55 = tpu.memref_slice %arg5[%add3A] : memref<327680xi32, #tpu.memory_space<hbm>> -> memref<80xi32, #tpu.memory_space<hbm>>
          tpu.wait_dma2 semaphore(%run_scoped3A : memref<!tpu.dma_semaphore, #tpu.memory_space<semaphore_mem>>) src(%dma_wait3A_55 : memref<80xi32, #tpu.memory_space<hbm>>) dst(%arg9 : memref<80xi32, #tpu.memory_space<vmem>>)
          tpu.yield
        }) : () -> ()
        "tpu.region"() ({
          %run_scoped3A = tpu.sem_alloc : memref<!tpu.dma_semaphore, #tpu.memory_space<semaphore_mem>>
          %dma_start3A_52 = tpu.memref_slice %arg4[%add3A_34] : memref<327680xi32, #tpu.memory_space<hbm>> -> memref<80xi32, #tpu.memory_space<hbm>>
          %dma_start3A_53 = tpu.memref_slice %arg4[%add3A_34] : memref<327680xi32, #tpu.memory_space<hbm>> -> memref<80xi32, #tpu.memory_space<hbm>>
          tpu.enqueue_dma source(%dma_start3A_53 : memref<80xi32, #tpu.memory_space<hbm>>) target(%arg10 : memref<80xi32, #tpu.memory_space<vmem>>) target_semaphore(%run_scoped3A : memref<!tpu.dma_semaphore, #tpu.memory_space<semaphore_mem>>)
          %dma_wait3A_54 = tpu.memref_slice %arg4[%add3A_34] : memref<327680xi32, #tpu.memory_space<hbm>> -> memref<80xi32, #tpu.memory_space<hbm>>
          %dma_wait3A_55 = tpu.memref_slice %arg4[%add3A_34] : memref<327680xi32, #tpu.memory_space<hbm>> -> memref<80xi32, #tpu.memory_space<hbm>>
          tpu.wait_dma2 semaphore(%run_scoped3A : memref<!tpu.dma_semaphore, #tpu.memory_space<semaphore_mem>>) src(%dma_wait3A_55 : memref<80xi32, #tpu.memory_space<hbm>>) dst(%arg10 : memref<80xi32, #tpu.memory_space<vmem>>)
          tpu.yield
        }) : () -> ()
        %dma_wait3A = arith.constant 0 : i32
        %dma_wait3A_37 = arith.constant 0 : i32
        %dma_wait3A_38 = tpu.memref_slice %arg3[%dma_wait3A, %dma_wait3A_37] : memref<10240x128xf32, #tpu.memory_space<hbm>> -> memref<10240x128xf32, #tpu.memory_space<hbm>>
        tpu.wait_indirect_dma semaphore(%arg14 : memref<!tpu.dma_semaphore, #tpu.memory_space<semaphore_mem>>) src(%dma_wait3A_38 : memref<10240x128xf32, #tpu.memory_space<hbm>>) dst(%arg12 : memref<80x128xf32, #tpu.memory_space<vmem>>)
        %dma_start3A_39 = arith.constant 0 : i32
        %dma_start3A_40 = arith.constant 0 : i32
        %dma_start3A_41 = tpu.memref_slice %arg3[%dma_start3A_39, %dma_start3A_40] : memref<10240x128xf32, #tpu.memory_space<hbm>> -> memref<10240x128xf32, #tpu.memory_space<hbm>>
        tpu.enqueue_indirect_dma source(%dma_start3A_41 : memref<10240x128xf32, #tpu.memory_space<hbm>>) target(%arg13 : memref<80x128xf32, #tpu.memory_space<vmem>>) offsets(%arg10 : memref<80xi32, #tpu.memory_space<vmem>>) semaphore(%arg14 : memref<!tpu.dma_semaphore, #tpu.memory_space<semaphore_mem>>)
        %dma_start3A_42 = arith.constant 0 : i32
        %dma_start3A_43 = arith.constant 0 : i32
        %dma_start3A_44 = tpu.memref_slice %arg16[%dma_start3A_42, %dma_start3A_43] : memref<10240x128xf32, #tpu.memory_space<vmem_shared>> -> memref<10240x128xf32, #tpu.memory_space<vmem_shared>>
        tpu.enqueue_indirect_dma source(%arg12 : memref<80x128xf32, #tpu.memory_space<vmem>>) target(%dma_start3A_44 : memref<10240x128xf32, #tpu.memory_space<vmem_shared>>) offsets(%arg9 : memref<80xi32, #tpu.memory_space<vmem>>) semaphore(%arg15 : memref<!tpu.dma_semaphore, #tpu.memory_space<semaphore_mem>>) {add = true}
        "tpu.region"() ({
          %run_scoped3A = tpu.sem_alloc : memref<!tpu.dma_semaphore, #tpu.memory_space<semaphore_mem>>
          %dma_start3A_52 = tpu.memref_slice %arg5[%add3A_34] : memref<327680xi32, #tpu.memory_space<hbm>> -> memref<80xi32, #tpu.memory_space<hbm>>
          %dma_start3A_53 = tpu.memref_slice %arg5[%add3A_34] : memref<327680xi32, #tpu.memory_space<hbm>> -> memref<80xi32, #tpu.memory_space<hbm>>
          tpu.enqueue_dma source(%dma_start3A_53 : memref<80xi32, #tpu.memory_space<hbm>>) target(%arg11 : memref<80xi32, #tpu.memory_space<vmem>>) target_semaphore(%run_scoped3A : memref<!tpu.dma_semaphore, #tpu.memory_space<semaphore_mem>>)
          %dma_wait3A_54 = tpu.memref_slice %arg5[%add3A_34] : memref<327680xi32, #tpu.memory_space<hbm>> -> memref<80xi32, #tpu.memory_space<hbm>>
          %dma_wait3A_55 = tpu.memref_slice %arg5[%add3A_34] : memref<327680xi32, #tpu.memory_space<hbm>> -> memref<80xi32, #tpu.memory_space<hbm>>
          tpu.wait_dma2 semaphore(%run_scoped3A : memref<!tpu.dma_semaphore, #tpu.memory_space<semaphore_mem>>) src(%dma_wait3A_55 : memref<80xi32, #tpu.memory_space<hbm>>) dst(%arg11 : memref<80xi32, #tpu.memory_space<vmem>>)
          tpu.yield
        }) : () -> ()
        %dma_wait3A_45 = arith.constant 0 : i32
        %dma_wait3A_46 = arith.constant 0 : i32
        %dma_wait3A_47 = tpu.memref_slice %arg3[%dma_wait3A_45, %dma_wait3A_46] : memref<10240x128xf32, #tpu.memory_space<hbm>> -> memref<10240x128xf32, #tpu.memory_space<hbm>>
        tpu.wait_indirect_dma semaphore(%arg14 : memref<!tpu.dma_semaphore, #tpu.memory_space<semaphore_mem>>) src(%dma_wait3A_47 : memref<10240x128xf32, #tpu.memory_space<hbm>>) dst(%arg13 : memref<80x128xf32, #tpu.memory_space<vmem>>)
        %dma_wait3A_48 = arith.constant 0 : i32
        %dma_wait3A_49 = arith.constant 0 : i32
        %dma_wait3A_50 = tpu.memref_slice %arg16[%dma_wait3A_48, %dma_wait3A_49] : memref<10240x128xf32, #tpu.memory_space<vmem_shared>> -> memref<10240x128xf32, #tpu.memory_space<vmem_shared>>
        tpu.wait_indirect_dma semaphore(%arg15 : memref<!tpu.dma_semaphore, #tpu.memory_space<semaphore_mem>>) src(%arg12 : memref<80x128xf32, #tpu.memory_space<vmem>>) dst(%dma_wait3A_50 : memref<10240x128xf32, #tpu.memory_space<vmem_shared>>)
        "tpu.region"() ({
          %run_scoped3A = tpu.sem_alloc : memref<!tpu.dma_semaphore, #tpu.memory_space<semaphore_mem>>
          %dma_start3A_52 = arith.constant 0 : i32
          %dma_start3A_53 = arith.constant 0 : i32
          %dma_start3A_54 = tpu.memref_slice %arg16[%dma_start3A_52, %dma_start3A_53] : memref<10240x128xf32, #tpu.memory_space<vmem_shared>> -> memref<10240x128xf32, #tpu.memory_space<vmem_shared>>
          tpu.enqueue_indirect_dma source(%arg13 : memref<80x128xf32, #tpu.memory_space<vmem>>) target(%dma_start3A_54 : memref<10240x128xf32, #tpu.memory_space<vmem_shared>>) offsets(%arg11 : memref<80xi32, #tpu.memory_space<vmem>>) semaphore(%run_scoped3A : memref<!tpu.dma_semaphore, #tpu.memory_space<semaphore_mem>>) {add = true}
          %dma_wait3A_55 = arith.constant 0 : i32
          %dma_wait3A_56 = arith.constant 0 : i32
          %dma_wait3A_57 = tpu.memref_slice %arg16[%dma_wait3A_55, %dma_wait3A_56] : memref<10240x128xf32, #tpu.memory_space<vmem_shared>> -> memref<10240x128xf32, #tpu.memory_space<vmem_shared>>
          tpu.wait_indirect_dma semaphore(%run_scoped3A : memref<!tpu.dma_semaphore, #tpu.memory_space<semaphore_mem>>) src(%arg13 : memref<80x128xf32, #tpu.memory_space<vmem>>) dst(%dma_wait3A_57 : memref<10240x128xf32, #tpu.memory_space<vmem_shared>>)
          tpu.yield
        }) : () -> ()
        %scan3A_51 = arith.constant 0 : i32
        scf.yield %scan3A_51 : i32
      }
      %scan3A_19 = arith.constant 128 : i32
      %barrier3A_20 = arith.constant 0 : index
      tpu.barrier barrier_id(%barrier3A_20)
      %scan3A_21 = arith.constant 0 : i32
      %scan3A_22 = arith.constant 0 : i32
      %scan3A_23 = arith.constant 8 : i32
      %scan3A_24 = arith.addi %scan3A_22, %scan3A_23 : i32
      %scan3A_25 = arith.constant 1 : i32
      %scan3A_26 = scf.for %scan3A_28 = %scan3A_22 to %scan3A_24 step %scan3A_25 iter_args(%scan3A_29 = %scan3A_21) -> (i32)  : i32 {
        %mul3A = arith.constant 640 : i32
        %mul3A_30 = arith.muli %arg1, %mul3A : i32
        %mul3A_31 = arith.constant 80 : i32
        %mul3A_32 = arith.muli %scan3A_28, %mul3A_31 : i32
        %add3A = arith.addi %mul3A_30, %mul3A_32 : i32
        "tpu.region"() ({
          %run_scoped3A = tpu.sem_alloc : memref<!tpu.dma_semaphore, #tpu.memory_space<semaphore_mem>>
          %dma_start3A = arith.constant 0 : i32
          %dma_start3A_34 = tpu.memref_slice %arg16[%add3A, %dma_start3A] : memref<10240x128xf32, #tpu.memory_space<vmem_shared>> -> memref<80x128xf32, #tpu.memory_space<vmem_shared>>
          %dma_start3A_35 = arith.constant 0 : i32
          %dma_start3A_36 = tpu.memref_slice %arg16[%add3A, %dma_start3A_35] : memref<10240x128xf32, #tpu.memory_space<vmem_shared>> -> memref<80x128xf32, #tpu.memory_space<vmem_shared>>
          tpu.enqueue_dma source(%dma_start3A_36 : memref<80x128xf32, #tpu.memory_space<vmem_shared>>) target(%arg12 : memref<80x128xf32, #tpu.memory_space<vmem>>) target_semaphore(%run_scoped3A : memref<!tpu.dma_semaphore, #tpu.memory_space<semaphore_mem>>)
          %dma_wait3A = arith.constant 0 : i32
          %dma_wait3A_37 = tpu.memref_slice %arg16[%add3A, %dma_wait3A] : memref<10240x128xf32, #tpu.memory_space<vmem_shared>> -> memref<80x128xf32, #tpu.memory_space<vmem_shared>>
          %dma_wait3A_38 = arith.constant 0 : i32
          %dma_wait3A_39 = tpu.memref_slice %arg16[%add3A, %dma_wait3A_38] : memref<10240x128xf32, #tpu.memory_space<vmem_shared>> -> memref<80x128xf32, #tpu.memory_space<vmem_shared>>
          tpu.wait_dma2 semaphore(%run_scoped3A : memref<!tpu.dma_semaphore, #tpu.memory_space<semaphore_mem>>) src(%dma_wait3A_39 : memref<80x128xf32, #tpu.memory_space<vmem_shared>>) dst(%arg12 : memref<80x128xf32, #tpu.memory_space<vmem>>)
          tpu.yield
        }) : () -> ()
        "tpu.region"() ({
          %run_scoped3A = tpu.sem_alloc : memref<!tpu.dma_semaphore, #tpu.memory_space<semaphore_mem>>
          %dma_start3A = arith.constant 0 : i32
          %dma_start3A_34 = tpu.memref_slice %arg7[%add3A, %dma_start3A] : memref<10240x128xf32, #tpu.memory_space<hbm>> -> memref<80x128xf32, #tpu.memory_space<hbm>>
          %dma_start3A_35 = arith.constant 0 : i32
          %dma_start3A_36 = tpu.memref_slice %arg7[%add3A, %dma_start3A_35] : memref<10240x128xf32, #tpu.memory_space<hbm>> -> memref<80x128xf32, #tpu.memory_space<hbm>>
          tpu.enqueue_dma source(%arg12 : memref<80x128xf32, #tpu.memory_space<vmem>>) target(%dma_start3A_36 : memref<80x128xf32, #tpu.memory_space<hbm>>) target_semaphore(%run_scoped3A : memref<!tpu.dma_semaphore, #tpu.memory_space<semaphore_mem>>)
          %dma_wait3A = arith.constant 0 : i32
          %dma_wait3A_37 = tpu.memref_slice %arg7[%add3A, %dma_wait3A] : memref<10240x128xf32, #tpu.memory_space<hbm>> -> memref<80x128xf32, #tpu.memory_space<hbm>>
          %dma_wait3A_38 = arith.constant 0 : i32
          %dma_wait3A_39 = tpu.memref_slice %arg7[%add3A, %dma_wait3A_38] : memref<10240x128xf32, #tpu.memory_space<hbm>> -> memref<80x128xf32, #tpu.memory_space<hbm>>
          tpu.wait_dma2 semaphore(%run_scoped3A : memref<!tpu.dma_semaphore, #tpu.memory_space<semaphore_mem>>) src(%arg12 : memref<80x128xf32, #tpu.memory_space<vmem>>) dst(%dma_wait3A_39 : memref<80x128xf32, #tpu.memory_space<hbm>>)
          tpu.yield
        }) : () -> ()
        %scan3A_33 = arith.constant 0 : i32
        scf.yield %scan3A_33 : i32
      }
      %scan3A_27 = arith.constant 8 : i32
    } else {
    }
    return
  }
}

#map = affine_map<(d0, d1) -> (0)>
#map1 = affine_map<(d0, d1) -> (0, 0)>
module attributes {stable_mosaic.version = 14 : i64} {
  func.func @_encode_call(%arg0: i32, %arg1: i32, %arg2: memref<10240xi32, #tpu.memory_space<hbm>>, %arg3: memref<2560x128xi32, #tpu.memory_space<hbm>>, %arg4: memref<20000x128xf32, #tpu.memory_space<hbm>>, %arg5: memref<20000x768xf32, #tpu.memory_space<hbm>>, %arg6: memref<10240x128xf32, #tpu.memory_space<hbm>>, %arg7: memref<10240x768xf32, #tpu.memory_space<hbm>>, %arg8: memref<2x10240xf32, #tpu.memory_space<hbm>>, %arg9: memref<80xi32, #tpu.memory_space<vmem>>, %arg10: memref<8x128xi32, #tpu.memory_space<vmem>>, %arg11: memref<80x128xf32, #tpu.memory_space<vmem>>, %arg12: memref<80x768xf32, #tpu.memory_space<vmem>>, %arg13: memref<128xf32, #tpu.memory_space<vmem>>, %arg14: memref<640xf32, #tpu.memory_space<vmem>>, %arg15: memref<!tpu.dma_semaphore, #tpu.memory_space<semaphore_mem>>, %arg16: memref<!tpu.dma_semaphore, #tpu.memory_space<semaphore_mem>>, %arg17: memref<10240xf32, #tpu.memory_space<vmem_shared>>) attributes {dimension_semantics = [#tpu.dimension_semantics<core_parallel>, #tpu.dimension_semantics<subcore_parallel>], iteration_bounds = array<i64: 2, 16>, scalar_prefetch = 0 : i64, scratch_operands = 9 : i64, tpu.core_type = #tpu.core_type<sc_vector_subcore>, window_params = [{transform_indices = #map}, {transform_indices = #map1}, {transform_indices = #map1}, {transform_indices = #map1}, {transform_indices = #map1}, {transform_indices = #map1}, {transform_indices = #map1}]} {
    %mul3A = arith.constant 2 : i32
    %mul3A_0 = arith.muli %arg1, %mul3A : i32
    %add3A = arith.addi %mul3A_0, %arg0 : i32
    %scan3A = arith.constant 0 : i32
    %scan3A_1 = arith.constant 0 : i32
    %scan3A_2 = arith.constant 8 : i32
    %scan3A_3 = arith.addi %scan3A_1, %scan3A_2 : i32
    %scan3A_4 = arith.constant 1 : i32
    %scan3A_5 = scf.for %scan3A_35 = %scan3A_1 to %scan3A_3 step %scan3A_4 iter_args(%scan3A_36 = %scan3A) -> (i32)  : i32 {
      %broadcast_in_dim3A = arith.constant 1.000000e+00 : f32
      %broadcast_in_dim3A_37 = vector.broadcast %broadcast_in_dim3A : f32 to vector<16xf32>
      %mul3A_38 = arith.constant 16 : i32
      %mul3A_39 = arith.muli %scan3A_35, %mul3A_38 : i32
      %swap3A = arith.index_cast %mul3A_39 : i32 to index
      %swap3A_40 = tpu.vector_load %arg13[%swap3A] {strides = array<i32>} : memref<128xf32, #tpu.memory_space<vmem>>, vector<16xf32>,
      %swap3A_41 = vector.shape_cast %swap3A_40 : vector<16xf32> to vector<16xf32>
      %swap3A_42 = vector.shape_cast %broadcast_in_dim3A_37 : vector<16xf32> to vector<16xf32>
      tpu.vector_store %arg13[%swap3A], %swap3A_42 {strides = array<i32>} : memref<128xf32, #tpu.memory_space<vmem>>, vector<16xf32>,
      %scan3A_43 = arith.constant 0 : i32
      scf.yield %scan3A_43 : i32
    }
    %scan3A_6 = arith.constant 8 : i32
    %scan3A_7 = arith.constant 0 : i32
    %scan3A_8 = arith.constant 0 : i32
    %scan3A_9 = arith.constant 40 : i32
    %scan3A_10 = arith.addi %scan3A_8, %scan3A_9 : i32
    %scan3A_11 = arith.constant 1 : i32
    %scan3A_12 = scf.for %scan3A_35 = %scan3A_8 to %scan3A_10 step %scan3A_11 iter_args(%scan3A_36 = %scan3A_7) -> (i32)  : i32 {
      %broadcast_in_dim3A = arith.constant 0.000000e+00 : f32
      %broadcast_in_dim3A_37 = vector.broadcast %broadcast_in_dim3A : f32 to vector<16xf32>
      %mul3A_38 = arith.constant 16 : i32
      %mul3A_39 = arith.muli %scan3A_35, %mul3A_38 : i32
      %swap3A = arith.index_cast %mul3A_39 : i32 to index
      %swap3A_40 = tpu.vector_load %arg14[%swap3A] {strides = array<i32>} : memref<640xf32, #tpu.memory_space<vmem>>, vector<16xf32>,
      %swap3A_41 = vector.shape_cast %swap3A_40 : vector<16xf32> to vector<16xf32>
      %swap3A_42 = vector.shape_cast %broadcast_in_dim3A_37 : vector<16xf32> to vector<16xf32>
      tpu.vector_store %arg14[%swap3A], %swap3A_42 {strides = array<i32>} : memref<640xf32, #tpu.memory_space<vmem>>, vector<16xf32>,
      %scan3A_43 = arith.constant 0 : i32
      scf.yield %scan3A_43 : i32
    }
    %scan3A_13 = arith.constant 40 : i32
    %mul3A_14 = arith.constant 640 : i32
    %mul3A_15 = arith.muli %arg1, %mul3A_14 : i32
    "tpu.region"() ({
      %run_scoped3A = tpu.sem_alloc : memref<!tpu.dma_semaphore, #tpu.memory_space<semaphore_mem>>
      %dma_start3A = tpu.memref_slice %arg17[%mul3A_15] : memref<10240xf32, #tpu.memory_space<vmem_shared>> -> memref<640xf32, #tpu.memory_space<vmem_shared>>
      %dma_start3A_35 = tpu.memref_slice %arg17[%mul3A_15] : memref<10240xf32, #tpu.memory_space<vmem_shared>> -> memref<640xf32, #tpu.memory_space<vmem_shared>>
      tpu.enqueue_dma source(%arg14 : memref<640xf32, #tpu.memory_space<vmem>>) target(%dma_start3A_35 : memref<640xf32, #tpu.memory_space<vmem_shared>>) target_semaphore(%run_scoped3A : memref<!tpu.dma_semaphore, #tpu.memory_space<semaphore_mem>>)
      %dma_wait3A = tpu.memref_slice %arg17[%mul3A_15] : memref<10240xf32, #tpu.memory_space<vmem_shared>> -> memref<640xf32, #tpu.memory_space<vmem_shared>>
      %dma_wait3A_36 = tpu.memref_slice %arg17[%mul3A_15] : memref<10240xf32, #tpu.memory_space<vmem_shared>> -> memref<640xf32, #tpu.memory_space<vmem_shared>>
      tpu.wait_dma2 semaphore(%run_scoped3A : memref<!tpu.dma_semaphore, #tpu.memory_space<semaphore_mem>>) src(%arg14 : memref<640xf32, #tpu.memory_space<vmem>>) dst(%dma_wait3A_36 : memref<640xf32, #tpu.memory_space<vmem_shared>>)
      tpu.yield
    }) : () -> ()
    %barrier3A = arith.constant 0 : index
    tpu.barrier barrier_id(%barrier3A)
    %scan3A_16 = arith.constant 0 : i32
    %scan3A_17 = arith.constant 0 : i32
    %scan3A_18 = arith.constant 4 : i32
    %scan3A_19 = arith.addi %scan3A_17, %scan3A_18 : i32
    %scan3A_20 = arith.constant 1 : i32
    %scan3A_21 = scf.for %scan3A_35 = %scan3A_17 to %scan3A_19 step %scan3A_20 iter_args(%scan3A_36 = %scan3A_16) -> (i32)  : i32 {
      %mul3A_37 = arith.constant 320 : i32
      %mul3A_38 = arith.muli %add3A, %mul3A_37 : i32
      %mul3A_39 = arith.constant 80 : i32
      %mul3A_40 = arith.muli %scan3A_35, %mul3A_39 : i32
      %add3A_41 = arith.addi %mul3A_38, %mul3A_40 : i32
      "tpu.region"() ({
        %run_scoped3A = tpu.sem_alloc : memref<!tpu.dma_semaphore, #tpu.memory_space<semaphore_mem>>
        %dma_start3A_69 = tpu.memref_slice %arg2[%add3A_41] : memref<10240xi32, #tpu.memory_space<hbm>> -> memref<80xi32, #tpu.memory_space<hbm>>
        %dma_start3A_70 = tpu.memref_slice %arg2[%add3A_41] : memref<10240xi32, #tpu.memory_space<hbm>> -> memref<80xi32, #tpu.memory_space<hbm>>
        tpu.enqueue_dma source(%dma_start3A_70 : memref<80xi32, #tpu.memory_space<hbm>>) target(%arg9 : memref<80xi32, #tpu.memory_space<vmem>>) target_semaphore(%run_scoped3A : memref<!tpu.dma_semaphore, #tpu.memory_space<semaphore_mem>>)
        %dma_wait3A_71 = tpu.memref_slice %arg2[%add3A_41] : memref<10240xi32, #tpu.memory_space<hbm>> -> memref<80xi32, #tpu.memory_space<hbm>>
        %dma_wait3A_72 = tpu.memref_slice %arg2[%add3A_41] : memref<10240xi32, #tpu.memory_space<hbm>> -> memref<80xi32, #tpu.memory_space<hbm>>
        tpu.wait_dma2 semaphore(%run_scoped3A : memref<!tpu.dma_semaphore, #tpu.memory_space<semaphore_mem>>) src(%dma_wait3A_72 : memref<80xi32, #tpu.memory_space<hbm>>) dst(%arg9 : memref<80xi32, #tpu.memory_space<vmem>>)
        tpu.yield
      }) : () -> ()
      %dma_start3A = arith.constant 0 : i32
      %dma_start3A_42 = arith.constant 0 : i32
      %dma_start3A_43 = tpu.memref_slice %arg4[%dma_start3A, %dma_start3A_42] : memref<20000x128xf32, #tpu.memory_space<hbm>> -> memref<20000x128xf32, #tpu.memory_space<hbm>>
      tpu.enqueue_indirect_dma source(%dma_start3A_43 : memref<20000x128xf32, #tpu.memory_space<hbm>>) target(%arg11 : memref<80x128xf32, #tpu.memory_space<vmem>>) offsets(%arg9 : memref<80xi32, #tpu.memory_space<vmem>>) semaphore(%arg15 : memref<!tpu.dma_semaphore, #tpu.memory_space<semaphore_mem>>)
      %dma_start3A_44 = arith.constant 0 : i32
      %dma_start3A_45 = arith.constant 0 : i32
      %dma_start3A_46 = tpu.memref_slice %arg5[%dma_start3A_44, %dma_start3A_45] : memref<20000x768xf32, #tpu.memory_space<hbm>> -> memref<20000x768xf32, #tpu.memory_space<hbm>>
      tpu.enqueue_indirect_dma source(%dma_start3A_46 : memref<20000x768xf32, #tpu.memory_space<hbm>>) target(%arg12 : memref<80x768xf32, #tpu.memory_space<vmem>>) offsets(%arg9 : memref<80xi32, #tpu.memory_space<vmem>>) semaphore(%arg16 : memref<!tpu.dma_semaphore, #tpu.memory_space<semaphore_mem>>)
      %dma_wait3A = arith.constant 0 : i32
      %dma_wait3A_47 = arith.constant 0 : i32
      %dma_wait3A_48 = tpu.memref_slice %arg4[%dma_wait3A, %dma_wait3A_47] : memref<20000x128xf32, #tpu.memory_space<hbm>> -> memref<20000x128xf32, #tpu.memory_space<hbm>>
      tpu.wait_indirect_dma semaphore(%arg15 : memref<!tpu.dma_semaphore, #tpu.memory_space<semaphore_mem>>) src(%dma_wait3A_48 : memref<20000x128xf32, #tpu.memory_space<hbm>>) dst(%arg11 : memref<80x128xf32, #tpu.memory_space<vmem>>)
      %dma_start3A_49 = arith.constant 0 : i32
      %dma_start3A_50 = tpu.memref_slice %arg6[%add3A_41, %dma_start3A_49] : memref<10240x128xf32, #tpu.memory_space<hbm>> -> memref<80x128xf32, #tpu.memory_space<hbm>>
      %dma_start3A_51 = arith.constant 0 : i32
      %dma_start3A_52 = tpu.memref_slice %arg6[%add3A_41, %dma_start3A_51] : memref<10240x128xf32, #tpu.memory_space<hbm>> -> memref<80x128xf32, #tpu.memory_space<hbm>>
      tpu.enqueue_dma source(%arg11 : memref<80x128xf32, #tpu.memory_space<vmem>>) target(%dma_start3A_52 : memref<80x128xf32, #tpu.memory_space<hbm>>) target_semaphore(%arg15 : memref<!tpu.dma_semaphore, #tpu.memory_space<semaphore_mem>>)
      %dma_wait3A_53 = arith.constant 0 : i32
      %dma_wait3A_54 = arith.constant 0 : i32
      %dma_wait3A_55 = tpu.memref_slice %arg5[%dma_wait3A_53, %dma_wait3A_54] : memref<20000x768xf32, #tpu.memory_space<hbm>> -> memref<20000x768xf32, #tpu.memory_space<hbm>>
      tpu.wait_indirect_dma semaphore(%arg16 : memref<!tpu.dma_semaphore, #tpu.memory_space<semaphore_mem>>) src(%dma_wait3A_55 : memref<20000x768xf32, #tpu.memory_space<hbm>>) dst(%arg12 : memref<80x768xf32, #tpu.memory_space<vmem>>)
      %dma_start3A_56 = arith.constant 0 : i32
      %dma_start3A_57 = tpu.memref_slice %arg7[%add3A_41, %dma_start3A_56] : memref<10240x768xf32, #tpu.memory_space<hbm>> -> memref<80x768xf32, #tpu.memory_space<hbm>>
      %dma_start3A_58 = arith.constant 0 : i32
      %dma_start3A_59 = tpu.memref_slice %arg7[%add3A_41, %dma_start3A_58] : memref<10240x768xf32, #tpu.memory_space<hbm>> -> memref<80x768xf32, #tpu.memory_space<hbm>>
      tpu.enqueue_dma source(%arg12 : memref<80x768xf32, #tpu.memory_space<vmem>>) target(%dma_start3A_59 : memref<80x768xf32, #tpu.memory_space<hbm>>) target_semaphore(%arg16 : memref<!tpu.dma_semaphore, #tpu.memory_space<semaphore_mem>>)
      %dma_wait3A_60 = arith.constant 0 : i32
      %dma_wait3A_61 = tpu.memref_slice %arg6[%add3A_41, %dma_wait3A_60] : memref<10240x128xf32, #tpu.memory_space<hbm>> -> memref<80x128xf32, #tpu.memory_space<hbm>>
      %dma_wait3A_62 = arith.constant 0 : i32
      %dma_wait3A_63 = tpu.memref_slice %arg6[%add3A_41, %dma_wait3A_62] : memref<10240x128xf32, #tpu.memory_space<hbm>> -> memref<80x128xf32, #tpu.memory_space<hbm>>
      tpu.wait_dma2 semaphore(%arg15 : memref<!tpu.dma_semaphore, #tpu.memory_space<semaphore_mem>>) src(%arg11 : memref<80x128xf32, #tpu.memory_space<vmem>>) dst(%dma_wait3A_63 : memref<80x128xf32, #tpu.memory_space<hbm>>)
      %dma_wait3A_64 = arith.constant 0 : i32
      %dma_wait3A_65 = tpu.memref_slice %arg7[%add3A_41, %dma_wait3A_64] : memref<10240x768xf32, #tpu.memory_space<hbm>> -> memref<80x768xf32, #tpu.memory_space<hbm>>
      %dma_wait3A_66 = arith.constant 0 : i32
      %dma_wait3A_67 = tpu.memref_slice %arg7[%add3A_41, %dma_wait3A_66] : memref<10240x768xf32, #tpu.memory_space<hbm>> -> memref<80x768xf32, #tpu.memory_space<hbm>>
      tpu.wait_dma2 semaphore(%arg16 : memref<!tpu.dma_semaphore, #tpu.memory_space<semaphore_mem>>) src(%arg12 : memref<80x768xf32, #tpu.memory_space<vmem>>) dst(%dma_wait3A_67 : memref<80x768xf32, #tpu.memory_space<hbm>>)
      %scan3A_68 = arith.constant 0 : i32
      scf.yield %scan3A_68 : i32
    }
    %scan3A_22 = arith.constant 4 : i32
    %scan3A_23 = arith.constant 0 : i32
    %scan3A_24 = arith.constant 0 : i32
    %scan3A_25 = arith.constant 10 : i32
    %scan3A_26 = arith.addi %scan3A_24, %scan3A_25 : i32
    %scan3A_27 = arith.constant 1 : i32
    %scan3A_28 = scf.for %scan3A_35 = %scan3A_24 to %scan3A_26 step %scan3A_27 iter_args(%scan3A_36 = %scan3A_23) -> (i32)  : i32 {
      %mul3A_37 = arith.constant 163840 : i32
      %mul3A_38 = arith.muli %arg0, %mul3A_37 : i32
      %mul3A_39 = arith.constant 10240 : i32
      %mul3A_40 = arith.muli %arg1, %mul3A_39 : i32
      %add3A_41 = arith.addi %mul3A_38, %mul3A_40 : i32
      %jit3A = arith.constant 128 : i32
      %div3A = arith.divsi %add3A_41, %jit3A : i32
      %sign3A = arith.constant 0 : i32
      %sign3A_42 = arith.cmpi sgt, %add3A_41, %sign3A : i32
      %sign3A_43 = arith.extui %sign3A_42 : i1 to i32
      %sign3A_44 = arith.constant 0 : i32
      %sign3A_45 = arith.cmpi slt, %add3A_41, %sign3A_44 : i32
      %sign3A_46 = arith.extui %sign3A_45 : i1 to i32
      %sign3A_47 = arith.subi %sign3A_43, %sign3A_46 : i32
      %sign3A_48 = arith.constant 0 : i32
      %sign3A_49 = arith.cmpi sgt, %jit3A, %sign3A_48 : i32
      %sign3A_50 = arith.extui %sign3A_49 : i1 to i32
      %sign3A_51 = arith.constant 0 : i32
      %sign3A_52 = arith.cmpi slt, %jit3A, %sign3A_51 : i32
      %sign3A_53 = arith.extui %sign3A_52 : i1 to i32
      %sign3A_54 = arith.subi %sign3A_50, %sign3A_53 : i32
      %ne3A = arith.cmpi ne, %sign3A_47, %sign3A_54 : i32
      %rem3A = arith.remsi %add3A_41, %jit3A : i32
      %ne3A_55 = arith.constant 0 : i32
      %ne3A_56 = arith.cmpi ne, %rem3A, %ne3A_55 : i32
      %and3A = arith.andi %ne3A, %ne3A_56 : i1
      %sub3A = arith.constant 1 : i32
      %sub3A_57 = arith.subi %div3A, %sub3A : i32
      %select_n3A = arith.select %and3A, %sub3A_57, %div3A : i32
      %mul3A_58 = arith.constant 8 : i32
      %mul3A_59 = arith.muli %scan3A_35, %mul3A_58 : i32
      %add3A_60 = arith.addi %select_n3A, %mul3A_59 : i32
      %multiple_of3A = tpu.assume_multiple %add3A_60, 8 : i32
      "tpu.region"() ({
        %run_scoped3A = tpu.sem_alloc : memref<!tpu.dma_semaphore, #tpu.memory_space<semaphore_mem>>
        %dma_start3A_156 = arith.constant 0 : i32
        %dma_start3A_157 = tpu.memref_slice %arg3[%multiple_of3A, %dma_start3A_156] : memref<2560x128xi32, #tpu.memory_space<hbm>> -> memref<8x128xi32, #tpu.memory_space<hbm>>
        %dma_start3A_158 = arith.constant 0 : i32
        %dma_start3A_159 = tpu.memref_slice %arg3[%multiple_of3A, %dma_start3A_158] : memref<2560x128xi32, #tpu.memory_space<hbm>> -> memref<8x128xi32, #tpu.memory_space<hbm>>
        tpu.enqueue_dma source(%dma_start3A_159 : memref<8x128xi32, #tpu.memory_space<hbm>>) target(%arg10 : memref<8x128xi32, #tpu.memory_space<vmem>>) target_semaphore(%run_scoped3A : memref<!tpu.dma_semaphore, #tpu.memory_space<semaphore_mem>>)
        %dma_wait3A_160 = arith.constant 0 : i32
        %dma_wait3A_161 = tpu.memref_slice %arg3[%multiple_of3A, %dma_wait3A_160] : memref<2560x128xi32, #tpu.memory_space<hbm>> -> memref<8x128xi32, #tpu.memory_space<hbm>>
        %dma_wait3A_162 = arith.constant 0 : i32
        %dma_wait3A_163 = tpu.memref_slice %arg3[%multiple_of3A, %dma_wait3A_162] : memref<2560x128xi32, #tpu.memory_space<hbm>> -> memref<8x128xi32, #tpu.memory_space<hbm>>
        tpu.wait_dma2 semaphore(%run_scoped3A : memref<!tpu.dma_semaphore, #tpu.memory_space<semaphore_mem>>) src(%dma_wait3A_163 : memref<8x128xi32, #tpu.memory_space<hbm>>) dst(%arg10 : memref<8x128xi32, #tpu.memory_space<vmem>>)
        tpu.yield
      }) : () -> ()
      %dma_start3A = arith.constant 0 : i32
      %dma_start3A_61 = arith.constant 0 : i32
      %dma_start3A_62 = tpu.memref_slice %arg10[%dma_start3A, %dma_start3A_61] : memref<8x128xi32, #tpu.memory_space<vmem>> -> memref<1x128xi32, #tpu.memory_space<vmem>>
      %dma_start3A_63 = tpu.memref_squeeze %dma_start3A_62 : memref<1x128xi32, #tpu.memory_space<vmem>> -> memref<128xi32, #tpu.memory_space<vmem>>
      %dma_start3A_64 = arith.constant 0 : i32
      %dma_start3A_65 = tpu.memref_slice %arg17[%dma_start3A_64] : memref<10240xf32, #tpu.memory_space<vmem_shared>> -> memref<10240xf32, #tpu.memory_space<vmem_shared>>
      tpu.enqueue_indirect_dma source(%arg13 : memref<128xf32, #tpu.memory_space<vmem>>) target(%dma_start3A_65 : memref<10240xf32, #tpu.memory_space<vmem_shared>>) offsets(%dma_start3A_63 : memref<128xi32, #tpu.memory_space<vmem>>) semaphore(%arg15 : memref<!tpu.dma_semaphore, #tpu.memory_space<semaphore_mem>>) {add = true}
      %dma_start3A_66 = arith.constant 1 : i32
      %dma_start3A_67 = arith.constant 0 : i32
      %dma_start3A_68 = tpu.memref_slice %arg10[%dma_start3A_66, %dma_start3A_67] : memref<8x128xi32, #tpu.memory_space<vmem>> -> memref<1x128xi32, #tpu.memory_space<vmem>>
      %dma_start3A_69 = tpu.memref_squeeze %dma_start3A_68 : memref<1x128xi32, #tpu.memory_space<vmem>> -> memref<128xi32, #tpu.memory_space<vmem>>
      %dma_start3A_70 = arith.constant 0 : i32
      %dma_start3A_71 = tpu.memref_slice %arg17[%dma_start3A_70] : memref<10240xf32, #tpu.memory_space<vmem_shared>> -> memref<10240xf32, #tpu.memory_space<vmem_shared>>
      tpu.enqueue_indirect_dma source(%arg13 : memref<128xf32, #tpu.memory_space<vmem>>) target(%dma_start3A_71 : memref<10240xf32, #tpu.memory_space<vmem_shared>>) offsets(%dma_start3A_69 : memref<128xi32, #tpu.memory_space<vmem>>) semaphore(%arg15 : memref<!tpu.dma_semaphore, #tpu.memory_space<semaphore_mem>>) {add = true}
      %dma_start3A_72 = arith.constant 2 : i32
      %dma_start3A_73 = arith.constant 0 : i32
      %dma_start3A_74 = tpu.memref_slice %arg10[%dma_start3A_72, %dma_start3A_73] : memref<8x128xi32, #tpu.memory_space<vmem>> -> memref<1x128xi32, #tpu.memory_space<vmem>>
      %dma_start3A_75 = tpu.memref_squeeze %dma_start3A_74 : memref<1x128xi32, #tpu.memory_space<vmem>> -> memref<128xi32, #tpu.memory_space<vmem>>
      %dma_start3A_76 = arith.constant 0 : i32
      %dma_start3A_77 = tpu.memref_slice %arg17[%dma_start3A_76] : memref<10240xf32, #tpu.memory_space<vmem_shared>> -> memref<10240xf32, #tpu.memory_space<vmem_shared>>
      tpu.enqueue_indirect_dma source(%arg13 : memref<128xf32, #tpu.memory_space<vmem>>) target(%dma_start3A_77 : memref<10240xf32, #tpu.memory_space<vmem_shared>>) offsets(%dma_start3A_75 : memref<128xi32, #tpu.memory_space<vmem>>) semaphore(%arg15 : memref<!tpu.dma_semaphore, #tpu.memory_space<semaphore_mem>>) {add = true}
      %dma_start3A_78 = arith.constant 3 : i32
      %dma_start3A_79 = arith.constant 0 : i32
      %dma_start3A_80 = tpu.memref_slice %arg10[%dma_start3A_78, %dma_start3A_79] : memref<8x128xi32, #tpu.memory_space<vmem>> -> memref<1x128xi32, #tpu.memory_space<vmem>>
      %dma_start3A_81 = tpu.memref_squeeze %dma_start3A_80 : memref<1x128xi32, #tpu.memory_space<vmem>> -> memref<128xi32, #tpu.memory_space<vmem>>
      %dma_start3A_82 = arith.constant 0 : i32
      %dma_start3A_83 = tpu.memref_slice %arg17[%dma_start3A_82] : memref<10240xf32, #tpu.memory_space<vmem_shared>> -> memref<10240xf32, #tpu.memory_space<vmem_shared>>
      tpu.enqueue_indirect_dma source(%arg13 : memref<128xf32, #tpu.memory_space<vmem>>) target(%dma_start3A_83 : memref<10240xf32, #tpu.memory_space<vmem_shared>>) offsets(%dma_start3A_81 : memref<128xi32, #tpu.memory_space<vmem>>) semaphore(%arg15 : memref<!tpu.dma_semaphore, #tpu.memory_space<semaphore_mem>>) {add = true}
      %dma_start3A_84 = arith.constant 4 : i32
      %dma_start3A_85 = arith.constant 0 : i32
      %dma_start3A_86 = tpu.memref_slice %arg10[%dma_start3A_84, %dma_start3A_85] : memref<8x128xi32, #tpu.memory_space<vmem>> -> memref<1x128xi32, #tpu.memory_space<vmem>>
      %dma_start3A_87 = tpu.memref_squeeze %dma_start3A_86 : memref<1x128xi32, #tpu.memory_space<vmem>> -> memref<128xi32, #tpu.memory_space<vmem>>
      %dma_start3A_88 = arith.constant 0 : i32
      %dma_start3A_89 = tpu.memref_slice %arg17[%dma_start3A_88] : memref<10240xf32, #tpu.memory_space<vmem_shared>> -> memref<10240xf32, #tpu.memory_space<vmem_shared>>
      tpu.enqueue_indirect_dma source(%arg13 : memref<128xf32, #tpu.memory_space<vmem>>) target(%dma_start3A_89 : memref<10240xf32, #tpu.memory_space<vmem_shared>>) offsets(%dma_start3A_87 : memref<128xi32, #tpu.memory_space<vmem>>) semaphore(%arg15 : memref<!tpu.dma_semaphore, #tpu.memory_space<semaphore_mem>>) {add = true}
      %dma_start3A_90 = arith.constant 5 : i32
      %dma_start3A_91 = arith.constant 0 : i32
      %dma_start3A_92 = tpu.memref_slice %arg10[%dma_start3A_90, %dma_start3A_91] : memref<8x128xi32, #tpu.memory_space<vmem>> -> memref<1x128xi32, #tpu.memory_space<vmem>>
      %dma_start3A_93 = tpu.memref_squeeze %dma_start3A_92 : memref<1x128xi32, #tpu.memory_space<vmem>> -> memref<128xi32, #tpu.memory_space<vmem>>
      %dma_start3A_94 = arith.constant 0 : i32
      %dma_start3A_95 = tpu.memref_slice %arg17[%dma_start3A_94] : memref<10240xf32, #tpu.memory_space<vmem_shared>> -> memref<10240xf32, #tpu.memory_space<vmem_shared>>
      tpu.enqueue_indirect_dma source(%arg13 : memref<128xf32, #tpu.memory_space<vmem>>) target(%dma_start3A_95 : memref<10240xf32, #tpu.memory_space<vmem_shared>>) offsets(%dma_start3A_93 : memref<128xi32, #tpu.memory_space<vmem>>) semaphore(%arg15 : memref<!tpu.dma_semaphore, #tpu.memory_space<semaphore_mem>>) {add = true}
      %dma_start3A_96 = arith.constant 6 : i32
      %dma_start3A_97 = arith.constant 0 : i32
      %dma_start3A_98 = tpu.memref_slice %arg10[%dma_start3A_96, %dma_start3A_97] : memref<8x128xi32, #tpu.memory_space<vmem>> -> memref<1x128xi32, #tpu.memory_space<vmem>>
      %dma_start3A_99 = tpu.memref_squeeze %dma_start3A_98 : memref<1x128xi32, #tpu.memory_space<vmem>> -> memref<128xi32, #tpu.memory_space<vmem>>
      %dma_start3A_100 = arith.constant 0 : i32
      %dma_start3A_101 = tpu.memref_slice %arg17[%dma_start3A_100] : memref<10240xf32, #tpu.memory_space<vmem_shared>> -> memref<10240xf32, #tpu.memory_space<vmem_shared>>
      tpu.enqueue_indirect_dma source(%arg13 : memref<128xf32, #tpu.memory_space<vmem>>) target(%dma_start3A_101 : memref<10240xf32, #tpu.memory_space<vmem_shared>>) offsets(%dma_start3A_99 : memref<128xi32, #tpu.memory_space<vmem>>) semaphore(%arg15 : memref<!tpu.dma_semaphore, #tpu.memory_space<semaphore_mem>>) {add = true}
      %dma_start3A_102 = arith.constant 7 : i32
      %dma_start3A_103 = arith.constant 0 : i32
      %dma_start3A_104 = tpu.memref_slice %arg10[%dma_start3A_102, %dma_start3A_103] : memref<8x128xi32, #tpu.memory_space<vmem>> -> memref<1x128xi32, #tpu.memory_space<vmem>>
      %dma_start3A_105 = tpu.memref_squeeze %dma_start3A_104 : memref<1x128xi32, #tpu.memory_space<vmem>> -> memref<128xi32, #tpu.memory_space<vmem>>
      %dma_start3A_106 = arith.constant 0 : i32
      %dma_start3A_107 = tpu.memref_slice %arg17[%dma_start3A_106] : memref<10240xf32, #tpu.memory_space<vmem_shared>> -> memref<10240xf32, #tpu.memory_space<vmem_shared>>
      tpu.enqueue_indirect_dma source(%arg13 : memref<128xf32, #tpu.memory_space<vmem>>) target(%dma_start3A_107 : memref<10240xf32, #tpu.memory_space<vmem_shared>>) offsets(%dma_start3A_105 : memref<128xi32, #tpu.memory_space<vmem>>) semaphore(%arg15 : memref<!tpu.dma_semaphore, #tpu.memory_space<semaphore_mem>>) {add = true}
      %dma_wait3A = arith.constant 0 : i32
      %dma_wait3A_108 = arith.constant 0 : i32
      %dma_wait3A_109 = tpu.memref_slice %arg10[%dma_wait3A, %dma_wait3A_108] : memref<8x128xi32, #tpu.memory_space<vmem>> -> memref<1x128xi32, #tpu.memory_space<vmem>>
      %dma_wait3A_110 = tpu.memref_squeeze %dma_wait3A_109 : memref<1x128xi32, #tpu.memory_space<vmem>> -> memref<128xi32, #tpu.memory_space<vmem>>
      %dma_wait3A_111 = arith.constant 0 : i32
      %dma_wait3A_112 = tpu.memref_slice %arg17[%dma_wait3A_111] : memref<10240xf32, #tpu.memory_space<vmem_shared>> -> memref<10240xf32, #tpu.memory_space<vmem_shared>>
      tpu.wait_indirect_dma semaphore(%arg15 : memref<!tpu.dma_semaphore, #tpu.memory_space<semaphore_mem>>) src(%arg13 : memref<128xf32, #tpu.memory_space<vmem>>) dst(%dma_wait3A_112 : memref<10240xf32, #tpu.memory_space<vmem_shared>>)
      %dma_wait3A_113 = arith.constant 1 : i32
      %dma_wait3A_114 = arith.constant 0 : i32
      %dma_wait3A_115 = tpu.memref_slice %arg10[%dma_wait3A_113, %dma_wait3A_114] : memref<8x128xi32, #tpu.memory_space<vmem>> -> memref<1x128xi32, #tpu.memory_space<vmem>>
      %dma_wait3A_116 = tpu.memref_squeeze %dma_wait3A_115 : memref<1x128xi32, #tpu.memory_space<vmem>> -> memref<128xi32, #tpu.memory_space<vmem>>
      %dma_wait3A_117 = arith.constant 0 : i32
      %dma_wait3A_118 = tpu.memref_slice %arg17[%dma_wait3A_117] : memref<10240xf32, #tpu.memory_space<vmem_shared>> -> memref<10240xf32, #tpu.memory_space<vmem_shared>>
      tpu.wait_indirect_dma semaphore(%arg15 : memref<!tpu.dma_semaphore, #tpu.memory_space<semaphore_mem>>) src(%arg13 : memref<128xf32, #tpu.memory_space<vmem>>) dst(%dma_wait3A_118 : memref<10240xf32, #tpu.memory_space<vmem_shared>>)
      %dma_wait3A_119 = arith.constant 2 : i32
      %dma_wait3A_120 = arith.constant 0 : i32
      %dma_wait3A_121 = tpu.memref_slice %arg10[%dma_wait3A_119, %dma_wait3A_120] : memref<8x128xi32, #tpu.memory_space<vmem>> -> memref<1x128xi32, #tpu.memory_space<vmem>>
      %dma_wait3A_122 = tpu.memref_squeeze %dma_wait3A_121 : memref<1x128xi32, #tpu.memory_space<vmem>> -> memref<128xi32, #tpu.memory_space<vmem>>
      %dma_wait3A_123 = arith.constant 0 : i32
      %dma_wait3A_124 = tpu.memref_slice %arg17[%dma_wait3A_123] : memref<10240xf32, #tpu.memory_space<vmem_shared>> -> memref<10240xf32, #tpu.memory_space<vmem_shared>>
      tpu.wait_indirect_dma semaphore(%arg15 : memref<!tpu.dma_semaphore, #tpu.memory_space<semaphore_mem>>) src(%arg13 : memref<128xf32, #tpu.memory_space<vmem>>) dst(%dma_wait3A_124 : memref<10240xf32, #tpu.memory_space<vmem_shared>>)
      %dma_wait3A_125 = arith.constant 3 : i32
      %dma_wait3A_126 = arith.constant 0 : i32
      %dma_wait3A_127 = tpu.memref_slice %arg10[%dma_wait3A_125, %dma_wait3A_126] : memref<8x128xi32, #tpu.memory_space<vmem>> -> memref<1x128xi32, #tpu.memory_space<vmem>>
      %dma_wait3A_128 = tpu.memref_squeeze %dma_wait3A_127 : memref<1x128xi32, #tpu.memory_space<vmem>> -> memref<128xi32, #tpu.memory_space<vmem>>
      %dma_wait3A_129 = arith.constant 0 : i32
      %dma_wait3A_130 = tpu.memref_slice %arg17[%dma_wait3A_129] : memref<10240xf32, #tpu.memory_space<vmem_shared>> -> memref<10240xf32, #tpu.memory_space<vmem_shared>>
      tpu.wait_indirect_dma semaphore(%arg15 : memref<!tpu.dma_semaphore, #tpu.memory_space<semaphore_mem>>) src(%arg13 : memref<128xf32, #tpu.memory_space<vmem>>) dst(%dma_wait3A_130 : memref<10240xf32, #tpu.memory_space<vmem_shared>>)
      %dma_wait3A_131 = arith.constant 4 : i32
      %dma_wait3A_132 = arith.constant 0 : i32
      %dma_wait3A_133 = tpu.memref_slice %arg10[%dma_wait3A_131, %dma_wait3A_132] : memref<8x128xi32, #tpu.memory_space<vmem>> -> memref<1x128xi32, #tpu.memory_space<vmem>>
      %dma_wait3A_134 = tpu.memref_squeeze %dma_wait3A_133 : memref<1x128xi32, #tpu.memory_space<vmem>> -> memref<128xi32, #tpu.memory_space<vmem>>
      %dma_wait3A_135 = arith.constant 0 : i32
      %dma_wait3A_136 = tpu.memref_slice %arg17[%dma_wait3A_135] : memref<10240xf32, #tpu.memory_space<vmem_shared>> -> memref<10240xf32, #tpu.memory_space<vmem_shared>>
      tpu.wait_indirect_dma semaphore(%arg15 : memref<!tpu.dma_semaphore, #tpu.memory_space<semaphore_mem>>) src(%arg13 : memref<128xf32, #tpu.memory_space<vmem>>) dst(%dma_wait3A_136 : memref<10240xf32, #tpu.memory_space<vmem_shared>>)
      %dma_wait3A_137 = arith.constant 5 : i32
      %dma_wait3A_138 = arith.constant 0 : i32
      %dma_wait3A_139 = tpu.memref_slice %arg10[%dma_wait3A_137, %dma_wait3A_138] : memref<8x128xi32, #tpu.memory_space<vmem>> -> memref<1x128xi32, #tpu.memory_space<vmem>>
      %dma_wait3A_140 = tpu.memref_squeeze %dma_wait3A_139 : memref<1x128xi32, #tpu.memory_space<vmem>> -> memref<128xi32, #tpu.memory_space<vmem>>
      %dma_wait3A_141 = arith.constant 0 : i32
      %dma_wait3A_142 = tpu.memref_slice %arg17[%dma_wait3A_141] : memref<10240xf32, #tpu.memory_space<vmem_shared>> -> memref<10240xf32, #tpu.memory_space<vmem_shared>>
      tpu.wait_indirect_dma semaphore(%arg15 : memref<!tpu.dma_semaphore, #tpu.memory_space<semaphore_mem>>) src(%arg13 : memref<128xf32, #tpu.memory_space<vmem>>) dst(%dma_wait3A_142 : memref<10240xf32, #tpu.memory_space<vmem_shared>>)
      %dma_wait3A_143 = arith.constant 6 : i32
      %dma_wait3A_144 = arith.constant 0 : i32
      %dma_wait3A_145 = tpu.memref_slice %arg10[%dma_wait3A_143, %dma_wait3A_144] : memref<8x128xi32, #tpu.memory_space<vmem>> -> memref<1x128xi32, #tpu.memory_space<vmem>>
      %dma_wait3A_146 = tpu.memref_squeeze %dma_wait3A_145 : memref<1x128xi32, #tpu.memory_space<vmem>> -> memref<128xi32, #tpu.memory_space<vmem>>
      %dma_wait3A_147 = arith.constant 0 : i32
      %dma_wait3A_148 = tpu.memref_slice %arg17[%dma_wait3A_147] : memref<10240xf32, #tpu.memory_space<vmem_shared>> -> memref<10240xf32, #tpu.memory_space<vmem_shared>>
      tpu.wait_indirect_dma semaphore(%arg15 : memref<!tpu.dma_semaphore, #tpu.memory_space<semaphore_mem>>) src(%arg13 : memref<128xf32, #tpu.memory_space<vmem>>) dst(%dma_wait3A_148 : memref<10240xf32, #tpu.memory_space<vmem_shared>>)
      %dma_wait3A_149 = arith.constant 7 : i32
      %dma_wait3A_150 = arith.constant 0 : i32
      %dma_wait3A_151 = tpu.memref_slice %arg10[%dma_wait3A_149, %dma_wait3A_150] : memref<8x128xi32, #tpu.memory_space<vmem>> -> memref<1x128xi32, #tpu.memory_space<vmem>>
      %dma_wait3A_152 = tpu.memref_squeeze %dma_wait3A_151 : memref<1x128xi32, #tpu.memory_space<vmem>> -> memref<128xi32, #tpu.memory_space<vmem>>
      %dma_wait3A_153 = arith.constant 0 : i32
      %dma_wait3A_154 = tpu.memref_slice %arg17[%dma_wait3A_153] : memref<10240xf32, #tpu.memory_space<vmem_shared>> -> memref<10240xf32, #tpu.memory_space<vmem_shared>>
      tpu.wait_indirect_dma semaphore(%arg15 : memref<!tpu.dma_semaphore, #tpu.memory_space<semaphore_mem>>) src(%arg13 : memref<128xf32, #tpu.memory_space<vmem>>) dst(%dma_wait3A_154 : memref<10240xf32, #tpu.memory_space<vmem_shared>>)
      %scan3A_155 = arith.constant 0 : i32
      scf.yield %scan3A_155 : i32
    }
    %scan3A_29 = arith.constant 10 : i32
    %barrier3A_30 = arith.constant 0 : index
    tpu.barrier barrier_id(%barrier3A_30)
    %mul3A_31 = arith.constant 640 : i32
    %mul3A_32 = arith.muli %arg1, %mul3A_31 : i32
    "tpu.region"() ({
      %run_scoped3A = tpu.sem_alloc : memref<!tpu.dma_semaphore, #tpu.memory_space<semaphore_mem>>
      %dma_start3A = tpu.memref_slice %arg17[%mul3A_32] : memref<10240xf32, #tpu.memory_space<vmem_shared>> -> memref<640xf32, #tpu.memory_space<vmem_shared>>
      %dma_start3A_35 = tpu.memref_slice %arg17[%mul3A_32] : memref<10240xf32, #tpu.memory_space<vmem_shared>> -> memref<640xf32, #tpu.memory_space<vmem_shared>>
      tpu.enqueue_dma source(%dma_start3A_35 : memref<640xf32, #tpu.memory_space<vmem_shared>>) target(%arg14 : memref<640xf32, #tpu.memory_space<vmem>>) target_semaphore(%run_scoped3A : memref<!tpu.dma_semaphore, #tpu.memory_space<semaphore_mem>>)
      %dma_wait3A = tpu.memref_slice %arg17[%mul3A_32] : memref<10240xf32, #tpu.memory_space<vmem_shared>> -> memref<640xf32, #tpu.memory_space<vmem_shared>>
      %dma_wait3A_36 = tpu.memref_slice %arg17[%mul3A_32] : memref<10240xf32, #tpu.memory_space<vmem_shared>> -> memref<640xf32, #tpu.memory_space<vmem_shared>>
      tpu.wait_dma2 semaphore(%run_scoped3A : memref<!tpu.dma_semaphore, #tpu.memory_space<semaphore_mem>>) src(%dma_wait3A_36 : memref<640xf32, #tpu.memory_space<vmem_shared>>) dst(%arg14 : memref<640xf32, #tpu.memory_space<vmem>>)
      tpu.yield
    }) : () -> ()
    %mul3A_33 = arith.constant 640 : i32
    %mul3A_34 = arith.muli %arg1, %mul3A_33 : i32
    "tpu.region"() ({
      %run_scoped3A = tpu.sem_alloc : memref<!tpu.dma_semaphore, #tpu.memory_space<semaphore_mem>>
      %dma_start3A = tpu.memref_slice %arg8[%arg0, %mul3A_34] : memref<2x10240xf32, #tpu.memory_space<hbm>> -> memref<1x640xf32, #tpu.memory_space<hbm>>
      %dma_start3A_35 = tpu.memref_squeeze %dma_start3A : memref<1x640xf32, #tpu.memory_space<hbm>> -> memref<640xf32, #tpu.memory_space<hbm>>
      %dma_start3A_36 = tpu.memref_slice %arg8[%arg0, %mul3A_34] : memref<2x10240xf32, #tpu.memory_space<hbm>> -> memref<1x640xf32, #tpu.memory_space<hbm>>
      %dma_start3A_37 = tpu.memref_squeeze %dma_start3A_36 : memref<1x640xf32, #tpu.memory_space<hbm>> -> memref<640xf32, #tpu.memory_space<hbm>>
      tpu.enqueue_dma source(%arg14 : memref<640xf32, #tpu.memory_space<vmem>>) target(%dma_start3A_37 : memref<640xf32, #tpu.memory_space<hbm>>) target_semaphore(%run_scoped3A : memref<!tpu.dma_semaphore, #tpu.memory_space<semaphore_mem>>)
      %dma_wait3A = tpu.memref_slice %arg8[%arg0, %mul3A_34] : memref<2x10240xf32, #tpu.memory_space<hbm>> -> memref<1x640xf32, #tpu.memory_space<hbm>>
      %dma_wait3A_38 = tpu.memref_squeeze %dma_wait3A : memref<1x640xf32, #tpu.memory_space<hbm>> -> memref<640xf32, #tpu.memory_space<hbm>>
      %dma_wait3A_39 = tpu.memref_slice %arg8[%arg0, %mul3A_34] : memref<2x10240xf32, #tpu.memory_space<hbm>> -> memref<1x640xf32, #tpu.memory_space<hbm>>
      %dma_wait3A_40 = tpu.memref_squeeze %dma_wait3A_39 : memref<1x640xf32, #tpu.memory_space<hbm>> -> memref<640xf32, #tpu.memory_space<hbm>>
      tpu.wait_dma2 semaphore(%run_scoped3A : memref<!tpu.dma_semaphore, #tpu.memory_space<semaphore_mem>>) src(%arg14 : memref<640xf32, #tpu.memory_space<vmem>>) dst(%dma_wait3A_40 : memref<640xf32, #tpu.memory_space<hbm>>)
      tpu.yield
    }) : () -> ()
    return
  }
}

#map = affine_map<(d0, d1) -> (0, 0)>
#map1 = affine_map<(d0, d1) -> (0)>
module attributes {stable_mosaic.version = 14 : i64} {
  func.func @_pool_call(%arg0: i32, %arg1: i32, %arg2: memref<10240x128xf32, #tpu.memory_space<hbm>>, %arg3: memref<10240x128xf32, #tpu.memory_space<hbm>>, %arg4: memref<10240xi32, #tpu.memory_space<hbm>>, %arg5: memref<384x128xf32, #tpu.memory_space<hbm>>, %arg6: memref<384x128xf32, #tpu.memory_space<hbm>>, %arg7: memref<384x128xf32, #tpu.memory_space<hbm>>, %arg8: memref<80xi32, #tpu.memory_space<vmem>>, %arg9: memref<80x128xf32, #tpu.memory_space<vmem>>, %arg10: memref<80x128xf32, #tpu.memory_space<vmem>>, %arg11: memref<!tpu.dma_semaphore, #tpu.memory_space<semaphore_mem>>, %arg12: memref<384x128xf32, #tpu.memory_space<vmem_shared>>, %arg13: memref<384x128xf32, #tpu.memory_space<vmem_shared>>) attributes {dimension_semantics = [#tpu.dimension_semantics<core_parallel>, #tpu.dimension_semantics<subcore_parallel>], iteration_bounds = array<i64: 2, 16>, scalar_prefetch = 0 : i64, scratch_operands = 6 : i64, tpu.core_type = #tpu.core_type<sc_vector_subcore>, window_params = [{transform_indices = #map}, {transform_indices = #map}, {transform_indices = #map1}, {transform_indices = #map}, {transform_indices = #map}, {transform_indices = #map}]} {
    %scan3A = arith.constant 0 : i32
    %scan3A_0 = arith.constant 0 : i32
    %scan3A_1 = arith.constant 80 : i32
    %scan3A_2 = arith.addi %scan3A_0, %scan3A_1 : i32
    %scan3A_3 = arith.constant 1 : i32
    %scan3A_4 = scf.for %scan3A_29 = %scan3A_0 to %scan3A_2 step %scan3A_3 iter_args(%scan3A_30 = %scan3A) -> (i32)  : i32 {
      %broadcast_in_dim3A = arith.constant 0.000000e+00 : f32
      %broadcast_in_dim3A_31 = vector.broadcast %broadcast_in_dim3A : f32 to vector<16xf32>
      %swap3A = arith.index_cast %scan3A_29 : i32 to index
      %swap3A_32 = arith.constant 0 : index
      %swap3A_33 = tpu.vector_load %arg9[%swap3A, %swap3A_32] {strides = array<i32>} : memref<80x128xf32, #tpu.memory_space<vmem>>, vector<1x16xf32>,
      %swap3A_34 = vector.shape_cast %swap3A_33 : vector<1x16xf32> to vector<16xf32>
      %swap3A_35 = vector.shape_cast %broadcast_in_dim3A_31 : vector<16xf32> to vector<1x16xf32>
      tpu.vector_store %arg9[%swap3A, %swap3A_32], %swap3A_35 {strides = array<i32>} : memref<80x128xf32, #tpu.memory_space<vmem>>, vector<1x16xf32>,
      %broadcast_in_dim3A_36 = arith.constant 1.000000e+00 : f32
      %broadcast_in_dim3A_37 = vector.broadcast %broadcast_in_dim3A_36 : f32 to vector<16xf32>
      %swap3A_38 = arith.index_cast %scan3A_29 : i32 to index
      %swap3A_39 = arith.constant 0 : index
      %swap3A_40 = tpu.vector_load %arg10[%swap3A_38, %swap3A_39] {strides = array<i32>} : memref<80x128xf32, #tpu.memory_space<vmem>>, vector<1x16xf32>,
      %swap3A_41 = vector.shape_cast %swap3A_40 : vector<1x16xf32> to vector<16xf32>
      %swap3A_42 = vector.shape_cast %broadcast_in_dim3A_37 : vector<16xf32> to vector<1x16xf32>
      tpu.vector_store %arg10[%swap3A_38, %swap3A_39], %swap3A_42 {strides = array<i32>} : memref<80x128xf32, #tpu.memory_space<vmem>>, vector<1x16xf32>,
      %broadcast_in_dim3A_43 = arith.constant 0.000000e+00 : f32
      %broadcast_in_dim3A_44 = vector.broadcast %broadcast_in_dim3A_43 : f32 to vector<16xf32>
      %swap3A_45 = arith.index_cast %scan3A_29 : i32 to index
      %swap3A_46 = arith.constant 16 : index
      %swap3A_47 = tpu.vector_load %arg9[%swap3A_45, %swap3A_46] {strides = array<i32>} : memref<80x128xf32, #tpu.memory_space<vmem>>, vector<1x16xf32>,
      %swap3A_48 = vector.shape_cast %swap3A_47 : vector<1x16xf32> to vector<16xf32>
      %swap3A_49 = vector.shape_cast %broadcast_in_dim3A_44 : vector<16xf32> to vector<1x16xf32>
      tpu.vector_store %arg9[%swap3A_45, %swap3A_46], %swap3A_49 {strides = array<i32>} : memref<80x128xf32, #tpu.memory_space<vmem>>, vector<1x16xf32>,
      %broadcast_in_dim3A_50 = arith.constant 1.000000e+00 : f32
      %broadcast_in_dim3A_51 = vector.broadcast %broadcast_in_dim3A_50 : f32 to vector<16xf32>
      %swap3A_52 = arith.index_cast %scan3A_29 : i32 to index
      %swap3A_53 = arith.constant 16 : index
      %swap3A_54 = tpu.vector_load %arg10[%swap3A_52, %swap3A_53] {strides = array<i32>} : memref<80x128xf32, #tpu.memory_space<vmem>>, vector<1x16xf32>,
      %swap3A_55 = vector.shape_cast %swap3A_54 : vector<1x16xf32> to vector<16xf32>
      %swap3A_56 = vector.shape_cast %broadcast_in_dim3A_51 : vector<16xf32> to vector<1x16xf32>
      tpu.vector_store %arg10[%swap3A_52, %swap3A_53], %swap3A_56 {strides = array<i32>} : memref<80x128xf32, #tpu.memory_space<vmem>>, vector<1x16xf32>,
      %broadcast_in_dim3A_57 = arith.constant 0.000000e+00 : f32
      %broadcast_in_dim3A_58 = vector.broadcast %broadcast_in_dim3A_57 : f32 to vector<16xf32>
      %swap3A_59 = arith.index_cast %scan3A_29 : i32 to index
      %swap3A_60 = arith.constant 32 : index
      %swap3A_61 = tpu.vector_load %arg9[%swap3A_59, %swap3A_60] {strides = array<i32>} : memref<80x128xf32, #tpu.memory_space<vmem>>, vector<1x16xf32>,
      %swap3A_62 = vector.shape_cast %swap3A_61 : vector<1x16xf32> to vector<16xf32>
      %swap3A_63 = vector.shape_cast %broadcast_in_dim3A_58 : vector<16xf32> to vector<1x16xf32>
      tpu.vector_store %arg9[%swap3A_59, %swap3A_60], %swap3A_63 {strides = array<i32>} : memref<80x128xf32, #tpu.memory_space<vmem>>, vector<1x16xf32>,
      %broadcast_in_dim3A_64 = arith.constant 1.000000e+00 : f32
      %broadcast_in_dim3A_65 = vector.broadcast %broadcast_in_dim3A_64 : f32 to vector<16xf32>
      %swap3A_66 = arith.index_cast %scan3A_29 : i32 to index
      %swap3A_67 = arith.constant 32 : index
      %swap3A_68 = tpu.vector_load %arg10[%swap3A_66, %swap3A_67] {strides = array<i32>} : memref<80x128xf32, #tpu.memory_space<vmem>>, vector<1x16xf32>,
      %swap3A_69 = vector.shape_cast %swap3A_68 : vector<1x16xf32> to vector<16xf32>
      %swap3A_70 = vector.shape_cast %broadcast_in_dim3A_65 : vector<16xf32> to vector<1x16xf32>
      tpu.vector_store %arg10[%swap3A_66, %swap3A_67], %swap3A_70 {strides = array<i32>} : memref<80x128xf32, #tpu.memory_space<vmem>>, vector<1x16xf32>,
      %broadcast_in_dim3A_71 = arith.constant 0.000000e+00 : f32
      %broadcast_in_dim3A_72 = vector.broadcast %broadcast_in_dim3A_71 : f32 to vector<16xf32>
      %swap3A_73 = arith.index_cast %scan3A_29 : i32 to index
      %swap3A_74 = arith.constant 48 : index
      %swap3A_75 = tpu.vector_load %arg9[%swap3A_73, %swap3A_74] {strides = array<i32>} : memref<80x128xf32, #tpu.memory_space<vmem>>, vector<1x16xf32>,
      %swap3A_76 = vector.shape_cast %swap3A_75 : vector<1x16xf32> to vector<16xf32>
      %swap3A_77 = vector.shape_cast %broadcast_in_dim3A_72 : vector<16xf32> to vector<1x16xf32>
      tpu.vector_store %arg9[%swap3A_73, %swap3A_74], %swap3A_77 {strides = array<i32>} : memref<80x128xf32, #tpu.memory_space<vmem>>, vector<1x16xf32>,
      %broadcast_in_dim3A_78 = arith.constant 1.000000e+00 : f32
      %broadcast_in_dim3A_79 = vector.broadcast %broadcast_in_dim3A_78 : f32 to vector<16xf32>
      %swap3A_80 = arith.index_cast %scan3A_29 : i32 to index
      %swap3A_81 = arith.constant 48 : index
      %swap3A_82 = tpu.vector_load %arg10[%swap3A_80, %swap3A_81] {strides = array<i32>} : memref<80x128xf32, #tpu.memory_space<vmem>>, vector<1x16xf32>,
      %swap3A_83 = vector.shape_cast %swap3A_82 : vector<1x16xf32> to vector<16xf32>
      %swap3A_84 = vector.shape_cast %broadcast_in_dim3A_79 : vector<16xf32> to vector<1x16xf32>
      tpu.vector_store %arg10[%swap3A_80, %swap3A_81], %swap3A_84 {strides = array<i32>} : memref<80x128xf32, #tpu.memory_space<vmem>>, vector<1x16xf32>,
      %broadcast_in_dim3A_85 = arith.constant 0.000000e+00 : f32
      %broadcast_in_dim3A_86 = vector.broadcast %broadcast_in_dim3A_85 : f32 to vector<16xf32>
      %swap3A_87 = arith.index_cast %scan3A_29 : i32 to index
      %swap3A_88 = arith.constant 64 : index
      %swap3A_89 = tpu.vector_load %arg9[%swap3A_87, %swap3A_88] {strides = array<i32>} : memref<80x128xf32, #tpu.memory_space<vmem>>, vector<1x16xf32>,
      %swap3A_90 = vector.shape_cast %swap3A_89 : vector<1x16xf32> to vector<16xf32>
      %swap3A_91 = vector.shape_cast %broadcast_in_dim3A_86 : vector<16xf32> to vector<1x16xf32>
      tpu.vector_store %arg9[%swap3A_87, %swap3A_88], %swap3A_91 {strides = array<i32>} : memref<80x128xf32, #tpu.memory_space<vmem>>, vector<1x16xf32>,
      %broadcast_in_dim3A_92 = arith.constant 1.000000e+00 : f32
      %broadcast_in_dim3A_93 = vector.broadcast %broadcast_in_dim3A_92 : f32 to vector<16xf32>
      %swap3A_94 = arith.index_cast %scan3A_29 : i32 to index
      %swap3A_95 = arith.constant 64 : index
      %swap3A_96 = tpu.vector_load %arg10[%swap3A_94, %swap3A_95] {strides = array<i32>} : memref<80x128xf32, #tpu.memory_space<vmem>>, vector<1x16xf32>,
      %swap3A_97 = vector.shape_cast %swap3A_96 : vector<1x16xf32> to vector<16xf32>
      %swap3A_98 = vector.shape_cast %broadcast_in_dim3A_93 : vector<16xf32> to vector<1x16xf32>
      tpu.vector_store %arg10[%swap3A_94, %swap3A_95], %swap3A_98 {strides = array<i32>} : memref<80x128xf32, #tpu.memory_space<vmem>>, vector<1x16xf32>,
      %broadcast_in_dim3A_99 = arith.constant 0.000000e+00 : f32
      %broadcast_in_dim3A_100 = vector.broadcast %broadcast_in_dim3A_99 : f32 to vector<16xf32>
      %swap3A_101 = arith.index_cast %scan3A_29 : i32 to index
      %swap3A_102 = arith.constant 80 : index
      %swap3A_103 = tpu.vector_load %arg9[%swap3A_101, %swap3A_102] {strides = array<i32>} : memref<80x128xf32, #tpu.memory_space<vmem>>, vector<1x16xf32>,
      %swap3A_104 = vector.shape_cast %swap3A_103 : vector<1x16xf32> to vector<16xf32>
      %swap3A_105 = vector.shape_cast %broadcast_in_dim3A_100 : vector<16xf32> to vector<1x16xf32>
      tpu.vector_store %arg9[%swap3A_101, %swap3A_102], %swap3A_105 {strides = array<i32>} : memref<80x128xf32, #tpu.memory_space<vmem>>, vector<1x16xf32>,
      %broadcast_in_dim3A_106 = arith.constant 1.000000e+00 : f32
      %broadcast_in_dim3A_107 = vector.broadcast %broadcast_in_dim3A_106 : f32 to vector<16xf32>
      %swap3A_108 = arith.index_cast %scan3A_29 : i32 to index
      %swap3A_109 = arith.constant 80 : index
      %swap3A_110 = tpu.vector_load %arg10[%swap3A_108, %swap3A_109] {strides = array<i32>} : memref<80x128xf32, #tpu.memory_space<vmem>>, vector<1x16xf32>,
      %swap3A_111 = vector.shape_cast %swap3A_110 : vector<1x16xf32> to vector<16xf32>
      %swap3A_112 = vector.shape_cast %broadcast_in_dim3A_107 : vector<16xf32> to vector<1x16xf32>
      tpu.vector_store %arg10[%swap3A_108, %swap3A_109], %swap3A_112 {strides = array<i32>} : memref<80x128xf32, #tpu.memory_space<vmem>>, vector<1x16xf32>,
      %broadcast_in_dim3A_113 = arith.constant 0.000000e+00 : f32
      %broadcast_in_dim3A_114 = vector.broadcast %broadcast_in_dim3A_113 : f32 to vector<16xf32>
      %swap3A_115 = arith.index_cast %scan3A_29 : i32 to index
      %swap3A_116 = arith.constant 96 : index
      %swap3A_117 = tpu.vector_load %arg9[%swap3A_115, %swap3A_116] {strides = array<i32>} : memref<80x128xf32, #tpu.memory_space<vmem>>, vector<1x16xf32>,
      %swap3A_118 = vector.shape_cast %swap3A_117 : vector<1x16xf32> to vector<16xf32>
      %swap3A_119 = vector.shape_cast %broadcast_in_dim3A_114 : vector<16xf32> to vector<1x16xf32>
      tpu.vector_store %arg9[%swap3A_115, %swap3A_116], %swap3A_119 {strides = array<i32>} : memref<80x128xf32, #tpu.memory_space<vmem>>, vector<1x16xf32>,
      %broadcast_in_dim3A_120 = arith.constant 1.000000e+00 : f32
      %broadcast_in_dim3A_121 = vector.broadcast %broadcast_in_dim3A_120 : f32 to vector<16xf32>
      %swap3A_122 = arith.index_cast %scan3A_29 : i32 to index
      %swap3A_123 = arith.constant 96 : index
      %swap3A_124 = tpu.vector_load %arg10[%swap3A_122, %swap3A_123] {strides = array<i32>} : memref<80x128xf32, #tpu.memory_space<vmem>>, vector<1x16xf32>,
      %swap3A_125 = vector.shape_cast %swap3A_124 : vector<1x16xf32> to vector<16xf32>
      %swap3A_126 = vector.shape_cast %broadcast_in_dim3A_121 : vector<16xf32> to vector<1x16xf32>
      tpu.vector_store %arg10[%swap3A_122, %swap3A_123], %swap3A_126 {strides = array<i32>} : memref<80x128xf32, #tpu.memory_space<vmem>>, vector<1x16xf32>,
      %broadcast_in_dim3A_127 = arith.constant 0.000000e+00 : f32
      %broadcast_in_dim3A_128 = vector.broadcast %broadcast_in_dim3A_127 : f32 to vector<16xf32>
      %swap3A_129 = arith.index_cast %scan3A_29 : i32 to index
      %swap3A_130 = arith.constant 112 : index
      %swap3A_131 = tpu.vector_load %arg9[%swap3A_129, %swap3A_130] {strides = array<i32>} : memref<80x128xf32, #tpu.memory_space<vmem>>, vector<1x16xf32>,
      %swap3A_132 = vector.shape_cast %swap3A_131 : vector<1x16xf32> to vector<16xf32>
      %swap3A_133 = vector.shape_cast %broadcast_in_dim3A_128 : vector<16xf32> to vector<1x16xf32>
      tpu.vector_store %arg9[%swap3A_129, %swap3A_130], %swap3A_133 {strides = array<i32>} : memref<80x128xf32, #tpu.memory_space<vmem>>, vector<1x16xf32>,
      %broadcast_in_dim3A_134 = arith.constant 1.000000e+00 : f32
      %broadcast_in_dim3A_135 = vector.broadcast %broadcast_in_dim3A_134 : f32 to vector<16xf32>
      %swap3A_136 = arith.index_cast %scan3A_29 : i32 to index
      %swap3A_137 = arith.constant 112 : index
      %swap3A_138 = tpu.vector_load %arg10[%swap3A_136, %swap3A_137] {strides = array<i32>} : memref<80x128xf32, #tpu.memory_space<vmem>>, vector<1x16xf32>,
      %swap3A_139 = vector.shape_cast %swap3A_138 : vector<1x16xf32> to vector<16xf32>
      %swap3A_140 = vector.shape_cast %broadcast_in_dim3A_135 : vector<16xf32> to vector<1x16xf32>
      tpu.vector_store %arg10[%swap3A_136, %swap3A_137], %swap3A_140 {strides = array<i32>} : memref<80x128xf32, #tpu.memory_space<vmem>>, vector<1x16xf32>,
      %scan3A_141 = arith.constant 0 : i32
      scf.yield %scan3A_141 : i32
    }
    %scan3A_5 = arith.constant 80 : i32
    %mul3A = arith.constant 24 : i32
    %mul3A_6 = arith.muli %arg1, %mul3A : i32
    "tpu.region"() ({
      %run_scoped3A = tpu.sem_alloc : memref<!tpu.dma_semaphore, #tpu.memory_space<semaphore_mem>>
      %dma_start3A = arith.constant 0 : i32
      %dma_start3A_29 = arith.constant 0 : i32
      %dma_start3A_30 = tpu.memref_slice %arg9[%dma_start3A, %dma_start3A_29] : memref<80x128xf32, #tpu.memory_space<vmem>> -> memref<24x128xf32, #tpu.memory_space<vmem>>
      %dma_start3A_31 = arith.constant 0 : i32
      %dma_start3A_32 = tpu.memref_slice %arg12[%mul3A_6, %dma_start3A_31] : memref<384x128xf32, #tpu.memory_space<vmem_shared>> -> memref<24x128xf32, #tpu.memory_space<vmem_shared>>
      %dma_start3A_33 = arith.constant 0 : i32
      %dma_start3A_34 = tpu.memref_slice %arg12[%mul3A_6, %dma_start3A_33] : memref<384x128xf32, #tpu.memory_space<vmem_shared>> -> memref<24x128xf32, #tpu.memory_space<vmem_shared>>
      %dma_start3A_35 = arith.constant 0 : i32
      %dma_start3A_36 = arith.constant 0 : i32
      %dma_start3A_37 = tpu.memref_slice %arg9[%dma_start3A_35, %dma_start3A_36] : memref<80x128xf32, #tpu.memory_space<vmem>> -> memref<24x128xf32, #tpu.memory_space<vmem>>
      tpu.enqueue_dma source(%dma_start3A_37 : memref<24x128xf32, #tpu.memory_space<vmem>>) target(%dma_start3A_34 : memref<24x128xf32, #tpu.memory_space<vmem_shared>>) target_semaphore(%run_scoped3A : memref<!tpu.dma_semaphore, #tpu.memory_space<semaphore_mem>>)
      %dma_wait3A = arith.constant 0 : i32
      %dma_wait3A_38 = arith.constant 0 : i32
      %dma_wait3A_39 = tpu.memref_slice %arg9[%dma_wait3A, %dma_wait3A_38] : memref<80x128xf32, #tpu.memory_space<vmem>> -> memref<24x128xf32, #tpu.memory_space<vmem>>
      %dma_wait3A_40 = arith.constant 0 : i32
      %dma_wait3A_41 = tpu.memref_slice %arg12[%mul3A_6, %dma_wait3A_40] : memref<384x128xf32, #tpu.memory_space<vmem_shared>> -> memref<24x128xf32, #tpu.memory_space<vmem_shared>>
      %dma_wait3A_42 = arith.constant 0 : i32
      %dma_wait3A_43 = tpu.memref_slice %arg12[%mul3A_6, %dma_wait3A_42] : memref<384x128xf32, #tpu.memory_space<vmem_shared>> -> memref<24x128xf32, #tpu.memory_space<vmem_shared>>
      %dma_wait3A_44 = arith.constant 0 : i32
      %dma_wait3A_45 = arith.constant 0 : i32
      %dma_wait3A_46 = tpu.memref_slice %arg9[%dma_wait3A_44, %dma_wait3A_45] : memref<80x128xf32, #tpu.memory_space<vmem>> -> memref<24x128xf32, #tpu.memory_space<vmem>>
      tpu.wait_dma2 semaphore(%run_scoped3A : memref<!tpu.dma_semaphore, #tpu.memory_space<semaphore_mem>>) src(%dma_wait3A_46 : memref<24x128xf32, #tpu.memory_space<vmem>>) dst(%dma_wait3A_43 : memref<24x128xf32, #tpu.memory_space<vmem_shared>>)
      tpu.yield
    }) : () -> ()
    %mul3A_7 = arith.constant 24 : i32
    %mul3A_8 = arith.muli %arg1, %mul3A_7 : i32
    "tpu.region"() ({
      %run_scoped3A = tpu.sem_alloc : memref<!tpu.dma_semaphore, #tpu.memory_space<semaphore_mem>>
      %dma_start3A = arith.constant 0 : i32
      %dma_start3A_29 = arith.constant 0 : i32
      %dma_start3A_30 = tpu.memref_slice %arg9[%dma_start3A, %dma_start3A_29] : memref<80x128xf32, #tpu.memory_space<vmem>> -> memref<24x128xf32, #tpu.memory_space<vmem>>
      %dma_start3A_31 = arith.constant 0 : i32
      %dma_start3A_32 = tpu.memref_slice %arg13[%mul3A_8, %dma_start3A_31] : memref<384x128xf32, #tpu.memory_space<vmem_shared>> -> memref<24x128xf32, #tpu.memory_space<vmem_shared>>
      %dma_start3A_33 = arith.constant 0 : i32
      %dma_start3A_34 = tpu.memref_slice %arg13[%mul3A_8, %dma_start3A_33] : memref<384x128xf32, #tpu.memory_space<vmem_shared>> -> memref<24x128xf32, #tpu.memory_space<vmem_shared>>
      %dma_start3A_35 = arith.constant 0 : i32
      %dma_start3A_36 = arith.constant 0 : i32
      %dma_start3A_37 = tpu.memref_slice %arg9[%dma_start3A_35, %dma_start3A_36] : memref<80x128xf32, #tpu.memory_space<vmem>> -> memref<24x128xf32, #tpu.memory_space<vmem>>
      tpu.enqueue_dma source(%dma_start3A_37 : memref<24x128xf32, #tpu.memory_space<vmem>>) target(%dma_start3A_34 : memref<24x128xf32, #tpu.memory_space<vmem_shared>>) target_semaphore(%run_scoped3A : memref<!tpu.dma_semaphore, #tpu.memory_space<semaphore_mem>>)
      %dma_wait3A = arith.constant 0 : i32
      %dma_wait3A_38 = arith.constant 0 : i32
      %dma_wait3A_39 = tpu.memref_slice %arg9[%dma_wait3A, %dma_wait3A_38] : memref<80x128xf32, #tpu.memory_space<vmem>> -> memref<24x128xf32, #tpu.memory_space<vmem>>
      %dma_wait3A_40 = arith.constant 0 : i32
      %dma_wait3A_41 = tpu.memref_slice %arg13[%mul3A_8, %dma_wait3A_40] : memref<384x128xf32, #tpu.memory_space<vmem_shared>> -> memref<24x128xf32, #tpu.memory_space<vmem_shared>>
      %dma_wait3A_42 = arith.constant 0 : i32
      %dma_wait3A_43 = tpu.memref_slice %arg13[%mul3A_8, %dma_wait3A_42] : memref<384x128xf32, #tpu.memory_space<vmem_shared>> -> memref<24x128xf32, #tpu.memory_space<vmem_shared>>
      %dma_wait3A_44 = arith.constant 0 : i32
      %dma_wait3A_45 = arith.constant 0 : i32
      %dma_wait3A_46 = tpu.memref_slice %arg9[%dma_wait3A_44, %dma_wait3A_45] : memref<80x128xf32, #tpu.memory_space<vmem>> -> memref<24x128xf32, #tpu.memory_space<vmem>>
      tpu.wait_dma2 semaphore(%run_scoped3A : memref<!tpu.dma_semaphore, #tpu.memory_space<semaphore_mem>>) src(%dma_wait3A_46 : memref<24x128xf32, #tpu.memory_space<vmem>>) dst(%dma_wait3A_43 : memref<24x128xf32, #tpu.memory_space<vmem_shared>>)
      tpu.yield
    }) : () -> ()
    %barrier3A = arith.constant 0 : index
    tpu.barrier barrier_id(%barrier3A)
    %eq3A = arith.constant 0 : i32
    %eq3A_9 = arith.cmpi eq, %arg0, %eq3A : i32
    %convert_element_type3A = arith.extui %eq3A_9 : i1 to i32
    %cond3A = arith.constant 0 : i32
    %cond3A_10 = arith.cmpi ne, %convert_element_type3A, %cond3A : i32
    scf.if %cond3A_10 {
      %scan3A_29 = arith.constant 0 : i32
      %scan3A_30 = arith.constant 0 : i32
      %scan3A_31 = arith.constant 8 : i32
      %scan3A_32 = arith.addi %scan3A_30, %scan3A_31 : i32
      %scan3A_33 = arith.constant 1 : i32
      %scan3A_34 = scf.for %scan3A_36 = %scan3A_30 to %scan3A_32 step %scan3A_33 iter_args(%scan3A_37 = %scan3A_29) -> (i32)  : i32 {
        %mul3A_38 = arith.constant 640 : i32
        %mul3A_39 = arith.muli %arg1, %mul3A_38 : i32
        %mul3A_40 = arith.constant 80 : i32
        %mul3A_41 = arith.muli %scan3A_36, %mul3A_40 : i32
        %add3A = arith.addi %mul3A_39, %mul3A_41 : i32
        "tpu.region"() ({
          %run_scoped3A = tpu.sem_alloc : memref<!tpu.dma_semaphore, #tpu.memory_space<semaphore_mem>>
          %dma_start3A = tpu.memref_slice %arg4[%add3A] : memref<10240xi32, #tpu.memory_space<hbm>> -> memref<80xi32, #tpu.memory_space<hbm>>
          %dma_start3A_48 = tpu.memref_slice %arg4[%add3A] : memref<10240xi32, #tpu.memory_space<hbm>> -> memref<80xi32, #tpu.memory_space<hbm>>
          tpu.enqueue_dma source(%dma_start3A_48 : memref<80xi32, #tpu.memory_space<hbm>>) target(%arg8 : memref<80xi32, #tpu.memory_space<vmem>>) target_semaphore(%run_scoped3A : memref<!tpu.dma_semaphore, #tpu.memory_space<semaphore_mem>>)
          %dma_wait3A = tpu.memref_slice %arg4[%add3A] : memref<10240xi32, #tpu.memory_space<hbm>> -> memref<80xi32, #tpu.memory_space<hbm>>
          %dma_wait3A_49 = tpu.memref_slice %arg4[%add3A] : memref<10240xi32, #tpu.memory_space<hbm>> -> memref<80xi32, #tpu.memory_space<hbm>>
          tpu.wait_dma2 semaphore(%run_scoped3A : memref<!tpu.dma_semaphore, #tpu.memory_space<semaphore_mem>>) src(%dma_wait3A_49 : memref<80xi32, #tpu.memory_space<hbm>>) dst(%arg8 : memref<80xi32, #tpu.memory_space<vmem>>)
          tpu.yield
        }) : () -> ()
        "tpu.region"() ({
          %run_scoped3A = tpu.sem_alloc : memref<!tpu.dma_semaphore, #tpu.memory_space<semaphore_mem>>
          %dma_start3A = arith.constant 0 : i32
          %dma_start3A_48 = tpu.memref_slice %arg2[%add3A, %dma_start3A] : memref<10240x128xf32, #tpu.memory_space<hbm>> -> memref<80x128xf32, #tpu.memory_space<hbm>>
          %dma_start3A_49 = arith.constant 0 : i32
          %dma_start3A_50 = tpu.memref_slice %arg2[%add3A, %dma_start3A_49] : memref<10240x128xf32, #tpu.memory_space<hbm>> -> memref<80x128xf32, #tpu.memory_space<hbm>>
          tpu.enqueue_dma source(%dma_start3A_50 : memref<80x128xf32, #tpu.memory_space<hbm>>) target(%arg9 : memref<80x128xf32, #tpu.memory_space<vmem>>) target_semaphore(%run_scoped3A : memref<!tpu.dma_semaphore, #tpu.memory_space<semaphore_mem>>)
          %dma_wait3A = arith.constant 0 : i32
          %dma_wait3A_51 = tpu.memref_slice %arg2[%add3A, %dma_wait3A] : memref<10240x128xf32, #tpu.memory_space<hbm>> -> memref<80x128xf32, #tpu.memory_space<hbm>>
          %dma_wait3A_52 = arith.constant 0 : i32
          %dma_wait3A_53 = tpu.memref_slice %arg2[%add3A, %dma_wait3A_52] : memref<10240x128xf32, #tpu.memory_space<hbm>> -> memref<80x128xf32, #tpu.memory_space<hbm>>
          tpu.wait_dma2 semaphore(%run_scoped3A : memref<!tpu.dma_semaphore, #tpu.memory_space<semaphore_mem>>) src(%dma_wait3A_53 : memref<80x128xf32, #tpu.memory_space<hbm>>) dst(%arg9 : memref<80x128xf32, #tpu.memory_space<vmem>>)
          tpu.yield
        }) : () -> ()
        "tpu.region"() ({
          %run_scoped3A = tpu.sem_alloc : memref<!tpu.dma_semaphore, #tpu.memory_space<semaphore_mem>>
          %dma_start3A = arith.constant 0 : i32
          %dma_start3A_48 = arith.constant 0 : i32
          %dma_start3A_49 = tpu.memref_slice %arg12[%dma_start3A, %dma_start3A_48] : memref<384x128xf32, #tpu.memory_space<vmem_shared>> -> memref<384x128xf32, #tpu.memory_space<vmem_shared>>
          tpu.enqueue_indirect_dma source(%arg9 : memref<80x128xf32, #tpu.memory_space<vmem>>) target(%dma_start3A_49 : memref<384x128xf32, #tpu.memory_space<vmem_shared>>) offsets(%arg8 : memref<80xi32, #tpu.memory_space<vmem>>) semaphore(%run_scoped3A : memref<!tpu.dma_semaphore, #tpu.memory_space<semaphore_mem>>) {add = true}
          %dma_wait3A = arith.constant 0 : i32
          %dma_wait3A_50 = arith.constant 0 : i32
          %dma_wait3A_51 = tpu.memref_slice %arg12[%dma_wait3A, %dma_wait3A_50] : memref<384x128xf32, #tpu.memory_space<vmem_shared>> -> memref<384x128xf32, #tpu.memory_space<vmem_shared>>
          tpu.wait_indirect_dma semaphore(%run_scoped3A : memref<!tpu.dma_semaphore, #tpu.memory_space<semaphore_mem>>) src(%arg9 : memref<80x128xf32, #tpu.memory_space<vmem>>) dst(%dma_wait3A_51 : memref<384x128xf32, #tpu.memory_space<vmem_shared>>)
          tpu.yield
        }) : () -> ()
        %eq3A_42 = arith.constant 0 : i32
        %eq3A_43 = arith.cmpi eq, %arg0, %eq3A_42 : i32
        %convert_element_type3A_44 = arith.extui %eq3A_43 : i1 to i32
        %cond3A_45 = arith.constant 0 : i32
        %cond3A_46 = arith.cmpi ne, %convert_element_type3A_44, %cond3A_45 : i32
        scf.if %cond3A_46 {
          "tpu.region"() ({
            %run_scoped3A = tpu.sem_alloc : memref<!tpu.dma_semaphore, #tpu.memory_space<semaphore_mem>>
            %dma_start3A = arith.constant 0 : i32
            %dma_start3A_48 = arith.constant 0 : i32
            %dma_start3A_49 = tpu.memref_slice %arg13[%dma_start3A, %dma_start3A_48] : memref<384x128xf32, #tpu.memory_space<vmem_shared>> -> memref<384x128xf32, #tpu.memory_space<vmem_shared>>
            tpu.enqueue_indirect_dma source(%arg10 : memref<80x128xf32, #tpu.memory_space<vmem>>) target(%dma_start3A_49 : memref<384x128xf32, #tpu.memory_space<vmem_shared>>) offsets(%arg8 : memref<80xi32, #tpu.memory_space<vmem>>) semaphore(%run_scoped3A : memref<!tpu.dma_semaphore, #tpu.memory_space<semaphore_mem>>) {add = true}
            %dma_wait3A = arith.constant 0 : i32
            %dma_wait3A_50 = arith.constant 0 : i32
            %dma_wait3A_51 = tpu.memref_slice %arg13[%dma_wait3A, %dma_wait3A_50] : memref<384x128xf32, #tpu.memory_space<vmem_shared>> -> memref<384x128xf32, #tpu.memory_space<vmem_shared>>
            tpu.wait_indirect_dma semaphore(%run_scoped3A : memref<!tpu.dma_semaphore, #tpu.memory_space<semaphore_mem>>) src(%arg10 : memref<80x128xf32, #tpu.memory_space<vmem>>) dst(%dma_wait3A_51 : memref<384x128xf32, #tpu.memory_space<vmem_shared>>)
            tpu.yield
          }) : () -> ()
        } else {
        }
        %scan3A_47 = arith.constant 0 : i32
        scf.yield %scan3A_47 : i32
      }
      %scan3A_35 = arith.constant 8 : i32
    } else {
    }
    %eq3A_11 = arith.constant 1 : i32
    %eq3A_12 = arith.cmpi eq, %arg0, %eq3A_11 : i32
    %convert_element_type3A_13 = arith.extui %eq3A_12 : i1 to i32
    %cond3A_14 = arith.constant 0 : i32
    %cond3A_15 = arith.cmpi ne, %convert_element_type3A_13, %cond3A_14 : i32
    scf.if %cond3A_15 {
      %scan3A_29 = arith.constant 0 : i32
      %scan3A_30 = arith.constant 0 : i32
      %scan3A_31 = arith.constant 8 : i32
      %scan3A_32 = arith.addi %scan3A_30, %scan3A_31 : i32
      %scan3A_33 = arith.constant 1 : i32
      %scan3A_34 = scf.for %scan3A_36 = %scan3A_30 to %scan3A_32 step %scan3A_33 iter_args(%scan3A_37 = %scan3A_29) -> (i32)  : i32 {
        %mul3A_38 = arith.constant 640 : i32
        %mul3A_39 = arith.muli %arg1, %mul3A_38 : i32
        %mul3A_40 = arith.constant 80 : i32
        %mul3A_41 = arith.muli %scan3A_36, %mul3A_40 : i32
        %add3A = arith.addi %mul3A_39, %mul3A_41 : i32
        "tpu.region"() ({
          %run_scoped3A = tpu.sem_alloc : memref<!tpu.dma_semaphore, #tpu.memory_space<semaphore_mem>>
          %dma_start3A = tpu.memref_slice %arg4[%add3A] : memref<10240xi32, #tpu.memory_space<hbm>> -> memref<80xi32, #tpu.memory_space<hbm>>
          %dma_start3A_48 = tpu.memref_slice %arg4[%add3A] : memref<10240xi32, #tpu.memory_space<hbm>> -> memref<80xi32, #tpu.memory_space<hbm>>
          tpu.enqueue_dma source(%dma_start3A_48 : memref<80xi32, #tpu.memory_space<hbm>>) target(%arg8 : memref<80xi32, #tpu.memory_space<vmem>>) target_semaphore(%run_scoped3A : memref<!tpu.dma_semaphore, #tpu.memory_space<semaphore_mem>>)
          %dma_wait3A = tpu.memref_slice %arg4[%add3A] : memref<10240xi32, #tpu.memory_space<hbm>> -> memref<80xi32, #tpu.memory_space<hbm>>
          %dma_wait3A_49 = tpu.memref_slice %arg4[%add3A] : memref<10240xi32, #tpu.memory_space<hbm>> -> memref<80xi32, #tpu.memory_space<hbm>>
          tpu.wait_dma2 semaphore(%run_scoped3A : memref<!tpu.dma_semaphore, #tpu.memory_space<semaphore_mem>>) src(%dma_wait3A_49 : memref<80xi32, #tpu.memory_space<hbm>>) dst(%arg8 : memref<80xi32, #tpu.memory_space<vmem>>)
          tpu.yield
        }) : () -> ()
        "tpu.region"() ({
          %run_scoped3A = tpu.sem_alloc : memref<!tpu.dma_semaphore, #tpu.memory_space<semaphore_mem>>
          %dma_start3A = arith.constant 0 : i32
          %dma_start3A_48 = tpu.memref_slice %arg3[%add3A, %dma_start3A] : memref<10240x128xf32, #tpu.memory_space<hbm>> -> memref<80x128xf32, #tpu.memory_space<hbm>>
          %dma_start3A_49 = arith.constant 0 : i32
          %dma_start3A_50 = tpu.memref_slice %arg3[%add3A, %dma_start3A_49] : memref<10240x128xf32, #tpu.memory_space<hbm>> -> memref<80x128xf32, #tpu.memory_space<hbm>>
          tpu.enqueue_dma source(%dma_start3A_50 : memref<80x128xf32, #tpu.memory_space<hbm>>) target(%arg9 : memref<80x128xf32, #tpu.memory_space<vmem>>) target_semaphore(%run_scoped3A : memref<!tpu.dma_semaphore, #tpu.memory_space<semaphore_mem>>)
          %dma_wait3A = arith.constant 0 : i32
          %dma_wait3A_51 = tpu.memref_slice %arg3[%add3A, %dma_wait3A] : memref<10240x128xf32, #tpu.memory_space<hbm>> -> memref<80x128xf32, #tpu.memory_space<hbm>>
          %dma_wait3A_52 = arith.constant 0 : i32
          %dma_wait3A_53 = tpu.memref_slice %arg3[%add3A, %dma_wait3A_52] : memref<10240x128xf32, #tpu.memory_space<hbm>> -> memref<80x128xf32, #tpu.memory_space<hbm>>
          tpu.wait_dma2 semaphore(%run_scoped3A : memref<!tpu.dma_semaphore, #tpu.memory_space<semaphore_mem>>) src(%dma_wait3A_53 : memref<80x128xf32, #tpu.memory_space<hbm>>) dst(%arg9 : memref<80x128xf32, #tpu.memory_space<vmem>>)
          tpu.yield
        }) : () -> ()
        "tpu.region"() ({
          %run_scoped3A = tpu.sem_alloc : memref<!tpu.dma_semaphore, #tpu.memory_space<semaphore_mem>>
          %dma_start3A = arith.constant 0 : i32
          %dma_start3A_48 = arith.constant 0 : i32
          %dma_start3A_49 = tpu.memref_slice %arg12[%dma_start3A, %dma_start3A_48] : memref<384x128xf32, #tpu.memory_space<vmem_shared>> -> memref<384x128xf32, #tpu.memory_space<vmem_shared>>
          tpu.enqueue_indirect_dma source(%arg9 : memref<80x128xf32, #tpu.memory_space<vmem>>) target(%dma_start3A_49 : memref<384x128xf32, #tpu.memory_space<vmem_shared>>) offsets(%arg8 : memref<80xi32, #tpu.memory_space<vmem>>) semaphore(%run_scoped3A : memref<!tpu.dma_semaphore, #tpu.memory_space<semaphore_mem>>) {add = true}
          %dma_wait3A = arith.constant 0 : i32
          %dma_wait3A_50 = arith.constant 0 : i32
          %dma_wait3A_51 = tpu.memref_slice %arg12[%dma_wait3A, %dma_wait3A_50] : memref<384x128xf32, #tpu.memory_space<vmem_shared>> -> memref<384x128xf32, #tpu.memory_space<vmem_shared>>
          tpu.wait_indirect_dma semaphore(%run_scoped3A : memref<!tpu.dma_semaphore, #tpu.memory_space<semaphore_mem>>) src(%arg9 : memref<80x128xf32, #tpu.memory_space<vmem>>) dst(%dma_wait3A_51 : memref<384x128xf32, #tpu.memory_space<vmem_shared>>)
          tpu.yield
        }) : () -> ()
        %eq3A_42 = arith.constant 0 : i32
        %eq3A_43 = arith.cmpi eq, %arg0, %eq3A_42 : i32
        %convert_element_type3A_44 = arith.extui %eq3A_43 : i1 to i32
        %cond3A_45 = arith.constant 0 : i32
        %cond3A_46 = arith.cmpi ne, %convert_element_type3A_44, %cond3A_45 : i32
        scf.if %cond3A_46 {
          "tpu.region"() ({
            %run_scoped3A = tpu.sem_alloc : memref<!tpu.dma_semaphore, #tpu.memory_space<semaphore_mem>>
            %dma_start3A = arith.constant 0 : i32
            %dma_start3A_48 = arith.constant 0 : i32
            %dma_start3A_49 = tpu.memref_slice %arg13[%dma_start3A, %dma_start3A_48] : memref<384x128xf32, #tpu.memory_space<vmem_shared>> -> memref<384x128xf32, #tpu.memory_space<vmem_shared>>
            tpu.enqueue_indirect_dma source(%arg10 : memref<80x128xf32, #tpu.memory_space<vmem>>) target(%dma_start3A_49 : memref<384x128xf32, #tpu.memory_space<vmem_shared>>) offsets(%arg8 : memref<80xi32, #tpu.memory_space<vmem>>) semaphore(%run_scoped3A : memref<!tpu.dma_semaphore, #tpu.memory_space<semaphore_mem>>) {add = true}
            %dma_wait3A = arith.constant 0 : i32
            %dma_wait3A_50 = arith.constant 0 : i32
            %dma_wait3A_51 = tpu.memref_slice %arg13[%dma_wait3A, %dma_wait3A_50] : memref<384x128xf32, #tpu.memory_space<vmem_shared>> -> memref<384x128xf32, #tpu.memory_space<vmem_shared>>
            tpu.wait_indirect_dma semaphore(%run_scoped3A : memref<!tpu.dma_semaphore, #tpu.memory_space<semaphore_mem>>) src(%arg10 : memref<80x128xf32, #tpu.memory_space<vmem>>) dst(%dma_wait3A_51 : memref<384x128xf32, #tpu.memory_space<vmem_shared>>)
            tpu.yield
          }) : () -> ()
        } else {
        }
        %scan3A_47 = arith.constant 0 : i32
        scf.yield %scan3A_47 : i32
      }
      %scan3A_35 = arith.constant 8 : i32
    } else {
    }
    %barrier3A_16 = arith.constant 0 : index
    tpu.barrier barrier_id(%barrier3A_16)
    %mul3A_17 = arith.constant 24 : i32
    %mul3A_18 = arith.muli %arg1, %mul3A_17 : i32
    "tpu.region"() ({
      %run_scoped3A = tpu.sem_alloc : memref<!tpu.dma_semaphore, #tpu.memory_space<semaphore_mem>>
      %dma_start3A = arith.constant 0 : i32
      %dma_start3A_29 = arith.constant 0 : i32
      %dma_start3A_30 = tpu.memref_slice %arg9[%dma_start3A, %dma_start3A_29] : memref<80x128xf32, #tpu.memory_space<vmem>> -> memref<24x128xf32, #tpu.memory_space<vmem>>
      %dma_start3A_31 = arith.constant 0 : i32
      %dma_start3A_32 = tpu.memref_slice %arg12[%mul3A_18, %dma_start3A_31] : memref<384x128xf32, #tpu.memory_space<vmem_shared>> -> memref<24x128xf32, #tpu.memory_space<vmem_shared>>
      %dma_start3A_33 = arith.constant 0 : i32
      %dma_start3A_34 = arith.constant 0 : i32
      %dma_start3A_35 = tpu.memref_slice %arg9[%dma_start3A_33, %dma_start3A_34] : memref<80x128xf32, #tpu.memory_space<vmem>> -> memref<24x128xf32, #tpu.memory_space<vmem>>
      %dma_start3A_36 = arith.constant 0 : i32
      %dma_start3A_37 = tpu.memref_slice %arg12[%mul3A_18, %dma_start3A_36] : memref<384x128xf32, #tpu.memory_space<vmem_shared>> -> memref<24x128xf32, #tpu.memory_space<vmem_shared>>
      tpu.enqueue_dma source(%dma_start3A_37 : memref<24x128xf32, #tpu.memory_space<vmem_shared>>) target(%dma_start3A_35 : memref<24x128xf32, #tpu.memory_space<vmem>>) target_semaphore(%run_scoped3A : memref<!tpu.dma_semaphore, #tpu.memory_space<semaphore_mem>>)
      %dma_wait3A = arith.constant 0 : i32
      %dma_wait3A_38 = arith.constant 0 : i32
      %dma_wait3A_39 = tpu.memref_slice %arg9[%dma_wait3A, %dma_wait3A_38] : memref<80x128xf32, #tpu.memory_space<vmem>> -> memref<24x128xf32, #tpu.memory_space<vmem>>
      %dma_wait3A_40 = arith.constant 0 : i32
      %dma_wait3A_41 = tpu.memref_slice %arg12[%mul3A_18, %dma_wait3A_40] : memref<384x128xf32, #tpu.memory_space<vmem_shared>> -> memref<24x128xf32, #tpu.memory_space<vmem_shared>>
      %dma_wait3A_42 = arith.constant 0 : i32
      %dma_wait3A_43 = arith.constant 0 : i32
      %dma_wait3A_44 = tpu.memref_slice %arg9[%dma_wait3A_42, %dma_wait3A_43] : memref<80x128xf32, #tpu.memory_space<vmem>> -> memref<24x128xf32, #tpu.memory_space<vmem>>
      %dma_wait3A_45 = arith.constant 0 : i32
      %dma_wait3A_46 = tpu.memref_slice %arg12[%mul3A_18, %dma_wait3A_45] : memref<384x128xf32, #tpu.memory_space<vmem_shared>> -> memref<24x128xf32, #tpu.memory_space<vmem_shared>>
      tpu.wait_dma2 semaphore(%run_scoped3A : memref<!tpu.dma_semaphore, #tpu.memory_space<semaphore_mem>>) src(%dma_wait3A_46 : memref<24x128xf32, #tpu.memory_space<vmem_shared>>) dst(%dma_wait3A_44 : memref<24x128xf32, #tpu.memory_space<vmem>>)
      tpu.yield
    }) : () -> ()
    %eq3A_19 = arith.constant 0 : i32
    %eq3A_20 = arith.cmpi eq, %arg0, %eq3A_19 : i32
    %convert_element_type3A_21 = arith.extui %eq3A_20 : i1 to i32
    %cond3A_22 = arith.constant 0 : i32
    %cond3A_23 = arith.cmpi ne, %convert_element_type3A_21, %cond3A_22 : i32
    scf.if %cond3A_23 {
      %mul3A_29 = arith.constant 24 : i32
      %mul3A_30 = arith.muli %arg1, %mul3A_29 : i32
      "tpu.region"() ({
        %run_scoped3A = tpu.sem_alloc : memref<!tpu.dma_semaphore, #tpu.memory_space<semaphore_mem>>
        %dma_start3A = arith.constant 0 : i32
        %dma_start3A_35 = arith.constant 0 : i32
        %dma_start3A_36 = tpu.memref_slice %arg9[%dma_start3A, %dma_start3A_35] : memref<80x128xf32, #tpu.memory_space<vmem>> -> memref<24x128xf32, #tpu.memory_space<vmem>>
        %dma_start3A_37 = arith.constant 0 : i32
        %dma_start3A_38 = tpu.memref_slice %arg5[%mul3A_30, %dma_start3A_37] : memref<384x128xf32, #tpu.memory_space<hbm>> -> memref<24x128xf32, #tpu.memory_space<hbm>>
        %dma_start3A_39 = arith.constant 0 : i32
        %dma_start3A_40 = tpu.memref_slice %arg5[%mul3A_30, %dma_start3A_39] : memref<384x128xf32, #tpu.memory_space<hbm>> -> memref<24x128xf32, #tpu.memory_space<hbm>>
        %dma_start3A_41 = arith.constant 0 : i32
        %dma_start3A_42 = arith.constant 0 : i32
        %dma_start3A_43 = tpu.memref_slice %arg9[%dma_start3A_41, %dma_start3A_42] : memref<80x128xf32, #tpu.memory_space<vmem>> -> memref<24x128xf32, #tpu.memory_space<vmem>>
        tpu.enqueue_dma source(%dma_start3A_43 : memref<24x128xf32, #tpu.memory_space<vmem>>) target(%dma_start3A_40 : memref<24x128xf32, #tpu.memory_space<hbm>>) target_semaphore(%run_scoped3A : memref<!tpu.dma_semaphore, #tpu.memory_space<semaphore_mem>>)
        %dma_wait3A = arith.constant 0 : i32
        %dma_wait3A_44 = arith.constant 0 : i32
        %dma_wait3A_45 = tpu.memref_slice %arg9[%dma_wait3A, %dma_wait3A_44] : memref<80x128xf32, #tpu.memory_space<vmem>> -> memref<24x128xf32, #tpu.memory_space<vmem>>
        %dma_wait3A_46 = arith.constant 0 : i32
        %dma_wait3A_47 = tpu.memref_slice %arg5[%mul3A_30, %dma_wait3A_46] : memref<384x128xf32, #tpu.memory_space<hbm>> -> memref<24x128xf32, #tpu.memory_space<hbm>>
        %dma_wait3A_48 = arith.constant 0 : i32
        %dma_wait3A_49 = tpu.memref_slice %arg5[%mul3A_30, %dma_wait3A_48] : memref<384x128xf32, #tpu.memory_space<hbm>> -> memref<24x128xf32, #tpu.memory_space<hbm>>
        %dma_wait3A_50 = arith.constant 0 : i32
        %dma_wait3A_51 = arith.constant 0 : i32
        %dma_wait3A_52 = tpu.memref_slice %arg9[%dma_wait3A_50, %dma_wait3A_51] : memref<80x128xf32, #tpu.memory_space<vmem>> -> memref<24x128xf32, #tpu.memory_space<vmem>>
        tpu.wait_dma2 semaphore(%run_scoped3A : memref<!tpu.dma_semaphore, #tpu.memory_space<semaphore_mem>>) src(%dma_wait3A_52 : memref<24x128xf32, #tpu.memory_space<vmem>>) dst(%dma_wait3A_49 : memref<24x128xf32, #tpu.memory_space<hbm>>)
        tpu.yield
      }) : () -> ()
      %mul3A_31 = arith.constant 24 : i32
      %mul3A_32 = arith.muli %arg1, %mul3A_31 : i32
      "tpu.region"() ({
        %run_scoped3A = tpu.sem_alloc : memref<!tpu.dma_semaphore, #tpu.memory_space<semaphore_mem>>
        %dma_start3A = arith.constant 0 : i32
        %dma_start3A_35 = arith.constant 0 : i32
        %dma_start3A_36 = tpu.memref_slice %arg10[%dma_start3A, %dma_start3A_35] : memref<80x128xf32, #tpu.memory_space<vmem>> -> memref<24x128xf32, #tpu.memory_space<vmem>>
        %dma_start3A_37 = arith.constant 0 : i32
        %dma_start3A_38 = tpu.memref_slice %arg13[%mul3A_32, %dma_start3A_37] : memref<384x128xf32, #tpu.memory_space<vmem_shared>> -> memref<24x128xf32, #tpu.memory_space<vmem_shared>>
        %dma_start3A_39 = arith.constant 0 : i32
        %dma_start3A_40 = arith.constant 0 : i32
        %dma_start3A_41 = tpu.memref_slice %arg10[%dma_start3A_39, %dma_start3A_40] : memref<80x128xf32, #tpu.memory_space<vmem>> -> memref<24x128xf32, #tpu.memory_space<vmem>>
        %dma_start3A_42 = arith.constant 0 : i32
        %dma_start3A_43 = tpu.memref_slice %arg13[%mul3A_32, %dma_start3A_42] : memref<384x128xf32, #tpu.memory_space<vmem_shared>> -> memref<24x128xf32, #tpu.memory_space<vmem_shared>>
        tpu.enqueue_dma source(%dma_start3A_43 : memref<24x128xf32, #tpu.memory_space<vmem_shared>>) target(%dma_start3A_41 : memref<24x128xf32, #tpu.memory_space<vmem>>) target_semaphore(%run_scoped3A : memref<!tpu.dma_semaphore, #tpu.memory_space<semaphore_mem>>)
        %dma_wait3A = arith.constant 0 : i32
        %dma_wait3A_44 = arith.constant 0 : i32
        %dma_wait3A_45 = tpu.memref_slice %arg10[%dma_wait3A, %dma_wait3A_44] : memref<80x128xf32, #tpu.memory_space<vmem>> -> memref<24x128xf32, #tpu.memory_space<vmem>>
        %dma_wait3A_46 = arith.constant 0 : i32
        %dma_wait3A_47 = tpu.memref_slice %arg13[%mul3A_32, %dma_wait3A_46] : memref<384x128xf32, #tpu.memory_space<vmem_shared>> -> memref<24x128xf32, #tpu.memory_space<vmem_shared>>
        %dma_wait3A_48 = arith.constant 0 : i32
        %dma_wait3A_49 = arith.constant 0 : i32
        %dma_wait3A_50 = tpu.memref_slice %arg10[%dma_wait3A_48, %dma_wait3A_49] : memref<80x128xf32, #tpu.memory_space<vmem>> -> memref<24x128xf32, #tpu.memory_space<vmem>>
        %dma_wait3A_51 = arith.constant 0 : i32
        %dma_wait3A_52 = tpu.memref_slice %arg13[%mul3A_32, %dma_wait3A_51] : memref<384x128xf32, #tpu.memory_space<vmem_shared>> -> memref<24x128xf32, #tpu.memory_space<vmem_shared>>
        tpu.wait_dma2 semaphore(%run_scoped3A : memref<!tpu.dma_semaphore, #tpu.memory_space<semaphore_mem>>) src(%dma_wait3A_52 : memref<24x128xf32, #tpu.memory_space<vmem_shared>>) dst(%dma_wait3A_50 : memref<24x128xf32, #tpu.memory_space<vmem>>)
        tpu.yield
      }) : () -> ()
      %mul3A_33 = arith.constant 24 : i32
      %mul3A_34 = arith.muli %arg1, %mul3A_33 : i32
      "tpu.region"() ({
        %run_scoped3A = tpu.sem_alloc : memref<!tpu.dma_semaphore, #tpu.memory_space<semaphore_mem>>
        %dma_start3A = arith.constant 0 : i32
        %dma_start3A_35 = arith.constant 0 : i32
        %dma_start3A_36 = tpu.memref_slice %arg10[%dma_start3A, %dma_start3A_35] : memref<80x128xf32, #tpu.memory_space<vmem>> -> memref<24x128xf32, #tpu.memory_space<vmem>>
        %dma_start3A_37 = arith.constant 0 : i32
        %dma_start3A_38 = tpu.memref_slice %arg7[%mul3A_34, %dma_start3A_37] : memref<384x128xf32, #tpu.memory_space<hbm>> -> memref<24x128xf32, #tpu.memory_space<hbm>>
        %dma_start3A_39 = arith.constant 0 : i32
        %dma_start3A_40 = tpu.memref_slice %arg7[%mul3A_34, %dma_start3A_39] : memref<384x128xf32, #tpu.memory_space<hbm>> -> memref<24x128xf32, #tpu.memory_space<hbm>>
        %dma_start3A_41 = arith.constant 0 : i32
        %dma_start3A_42 = arith.constant 0 : i32
        %dma_start3A_43 = tpu.memref_slice %arg10[%dma_start3A_41, %dma_start3A_42] : memref<80x128xf32, #tpu.memory_space<vmem>> -> memref<24x128xf32, #tpu.memory_space<vmem>>
        tpu.enqueue_dma source(%dma_start3A_43 : memref<24x128xf32, #tpu.memory_space<vmem>>) target(%dma_start3A_40 : memref<24x128xf32, #tpu.memory_space<hbm>>) target_semaphore(%run_scoped3A : memref<!tpu.dma_semaphore, #tpu.memory_space<semaphore_mem>>)
        %dma_wait3A = arith.constant 0 : i32
        %dma_wait3A_44 = arith.constant 0 : i32
        %dma_wait3A_45 = tpu.memref_slice %arg10[%dma_wait3A, %dma_wait3A_44] : memref<80x128xf32, #tpu.memory_space<vmem>> -> memref<24x128xf32, #tpu.memory_space<vmem>>
        %dma_wait3A_46 = arith.constant 0 : i32
        %dma_wait3A_47 = tpu.memref_slice %arg7[%mul3A_34, %dma_wait3A_46] : memref<384x128xf32, #tpu.memory_space<hbm>> -> memref<24x128xf32, #tpu.memory_space<hbm>>
        %dma_wait3A_48 = arith.constant 0 : i32
        %dma_wait3A_49 = tpu.memref_slice %arg7[%mul3A_34, %dma_wait3A_48] : memref<384x128xf32, #tpu.memory_space<hbm>> -> memref<24x128xf32, #tpu.memory_space<hbm>>
        %dma_wait3A_50 = arith.constant 0 : i32
        %dma_wait3A_51 = arith.constant 0 : i32
        %dma_wait3A_52 = tpu.memref_slice %arg10[%dma_wait3A_50, %dma_wait3A_51] : memref<80x128xf32, #tpu.memory_space<vmem>> -> memref<24x128xf32, #tpu.memory_space<vmem>>
        tpu.wait_dma2 semaphore(%run_scoped3A : memref<!tpu.dma_semaphore, #tpu.memory_space<semaphore_mem>>) src(%dma_wait3A_52 : memref<24x128xf32, #tpu.memory_space<vmem>>) dst(%dma_wait3A_49 : memref<24x128xf32, #tpu.memory_space<hbm>>)
        tpu.yield
      }) : () -> ()
    } else {
    }
    %eq3A_24 = arith.constant 1 : i32
    %eq3A_25 = arith.cmpi eq, %arg0, %eq3A_24 : i32
    %convert_element_type3A_26 = arith.extui %eq3A_25 : i1 to i32
    %cond3A_27 = arith.constant 0 : i32
    %cond3A_28 = arith.cmpi ne, %convert_element_type3A_26, %cond3A_27 : i32
    scf.if %cond3A_28 {
      %mul3A_29 = arith.constant 24 : i32
      %mul3A_30 = arith.muli %arg1, %mul3A_29 : i32
      "tpu.region"() ({
        %run_scoped3A = tpu.sem_alloc : memref<!tpu.dma_semaphore, #tpu.memory_space<semaphore_mem>>
        %dma_start3A = arith.constant 0 : i32
        %dma_start3A_31 = arith.constant 0 : i32
        %dma_start3A_32 = tpu.memref_slice %arg9[%dma_start3A, %dma_start3A_31] : memref<80x128xf32, #tpu.memory_space<vmem>> -> memref<24x128xf32, #tpu.memory_space<vmem>>
        %dma_start3A_33 = arith.constant 0 : i32
        %dma_start3A_34 = tpu.memref_slice %arg6[%mul3A_30, %dma_start3A_33] : memref<384x128xf32, #tpu.memory_space<hbm>> -> memref<24x128xf32, #tpu.memory_space<hbm>>
        %dma_start3A_35 = arith.constant 0 : i32
        %dma_start3A_36 = tpu.memref_slice %arg6[%mul3A_30, %dma_start3A_35] : memref<384x128xf32, #tpu.memory_space<hbm>> -> memref<24x128xf32, #tpu.memory_space<hbm>>
        %dma_start3A_37 = arith.constant 0 : i32
        %dma_start3A_38 = arith.constant 0 : i32
        %dma_start3A_39 = tpu.memref_slice %arg9[%dma_start3A_37, %dma_start3A_38] : memref<80x128xf32, #tpu.memory_space<vmem>> -> memref<24x128xf32, #tpu.memory_space<vmem>>
        tpu.enqueue_dma source(%dma_start3A_39 : memref<24x128xf32, #tpu.memory_space<vmem>>) target(%dma_start3A_36 : memref<24x128xf32, #tpu.memory_space<hbm>>) target_semaphore(%run_scoped3A : memref<!tpu.dma_semaphore, #tpu.memory_space<semaphore_mem>>)
        %dma_wait3A = arith.constant 0 : i32
        %dma_wait3A_40 = arith.constant 0 : i32
        %dma_wait3A_41 = tpu.memref_slice %arg9[%dma_wait3A, %dma_wait3A_40] : memref<80x128xf32, #tpu.memory_space<vmem>> -> memref<24x128xf32, #tpu.memory_space<vmem>>
        %dma_wait3A_42 = arith.constant 0 : i32
        %dma_wait3A_43 = tpu.memref_slice %arg6[%mul3A_30, %dma_wait3A_42] : memref<384x128xf32, #tpu.memory_space<hbm>> -> memref<24x128xf32, #tpu.memory_space<hbm>>
        %dma_wait3A_44 = arith.constant 0 : i32
        %dma_wait3A_45 = tpu.memref_slice %arg6[%mul3A_30, %dma_wait3A_44] : memref<384x128xf32, #tpu.memory_space<hbm>> -> memref<24x128xf32, #tpu.memory_space<hbm>>
        %dma_wait3A_46 = arith.constant 0 : i32
        %dma_wait3A_47 = arith.constant 0 : i32
        %dma_wait3A_48 = tpu.memref_slice %arg9[%dma_wait3A_46, %dma_wait3A_47] : memref<80x128xf32, #tpu.memory_space<vmem>> -> memref<24x128xf32, #tpu.memory_space<vmem>>
        tpu.wait_dma2 semaphore(%run_scoped3A : memref<!tpu.dma_semaphore, #tpu.memory_space<semaphore_mem>>) src(%dma_wait3A_48 : memref<24x128xf32, #tpu.memory_space<vmem>>) dst(%dma_wait3A_45 : memref<24x128xf32, #tpu.memory_space<hbm>>)
        tpu.yield
      }) : () -> ()
    } else {
    }
    return
  }
}

module attributes {stable_mosaic.version = 14 : i64} {
  func.func @_tca_body(%arg0: i32, %arg1: memref<256x128xf32, #tpu.memory_space<vmem>>, %arg2: memref<256x768xf32, #tpu.memory_space<vmem>>, %arg3: memref<256x2xf32, #tpu.memory_space<vmem>>, %arg4: memref<768x128xf32, #tpu.memory_space<vmem>>, %arg5: memref<1x128xf32, #tpu.memory_space<vmem>>, %arg6: memref<256x128xf32, #tpu.memory_space<vmem>>, %arg7: memref<256x128xf32, #tpu.memory_space<vmem>>, %arg8: memref<256x1xf32, #tpu.memory_space<vmem>>) attributes {dimension_semantics = [#tpu.dimension_semantics<arbitrary>], iteration_bounds = array<i64: 40>, scalar_prefetch = 0 : i64, scratch_operands = 0 : i64, tpu.core_type = #tpu.core_type<tc>, window_params = [{transform_indices = @transform_0, window_bounds = array<i64: 256, 128>}, {transform_indices = @transform_1, window_bounds = array<i64: 256, 768>}, {transform_indices = @transform_2, window_bounds = array<i64: 256, 2>}, {pipeline_mode = #tpu.pipeline_mode<synchronous>, transform_indices = @transform_3, window_bounds = array<i64: 768, 128>}, {pipeline_mode = #tpu.pipeline_mode<synchronous>, transform_indices = @transform_4, window_bounds = array<i64: 1, 128>}, {transform_indices = @transform_5, window_bounds = array<i64: 256, 128>}, {transform_indices = @transform_6, window_bounds = array<i64: 256, 128>}, {transform_indices = @transform_7, window_bounds = array<i64: 256, 1>}]} {
    %get3A = arith.constant 0 : index
    %get3A_0 = arith.constant 0 : index
    %get3A_1 = vector.load %arg3[%get3A, %get3A_0] : memref<256x2xf32, #tpu.memory_space<vmem>>, vector<256x1xf32>
    %get3A_2 = arith.constant 0 : index
    %get3A_3 = arith.constant 1 : index
    %get3A_4 = vector.load %arg3[%get3A_2, %get3A_3] : memref<256x2xf32, #tpu.memory_space<vmem>>, vector<256x1xf32>
    %add3A = arith.addf %get3A_1, %get3A_4 : vector<256x1xf32>
    %add3A_5 = arith.constant 1.000000e+00 : f32
    %add3A_6 = vector.broadcast %add3A_5 : f32 to vector<256x1xf32>
    %add3A_7 = arith.addf %add3A, %add3A_6 : vector<256x1xf32>
    %rsqrt3A = math.rsqrt %add3A_7 : vector<256x1xf32>
    %get3A_8 = arith.constant 0 : index
    %get3A_9 = arith.constant 0 : index
    %get3A_10 = vector.load %arg2[%get3A_8, %get3A_9] : memref<256x768xf32, #tpu.memory_space<vmem>>, vector<256x768xf32>
    %get3A_11 = arith.constant 0 : index
    %get3A_12 = arith.constant 0 : index
    %get3A_13 = vector.load %arg4[%get3A_11, %get3A_12] : memref<768x128xf32, #tpu.memory_space<vmem>>, vector<768x128xf32>
    %dot_general3A = arith.constant dense<0.000000e+00> : vector<256x128xf32>
    %dot_general3A_14 = tpu.matmul %get3A_10, %get3A_13, %dot_general3A {dimension_numbers = #tpu.dot_dimension_numbers<[1], [0], [0], [1], [0, 0, 1, 1], [], []>, transpose_lhs_hint = false} : vector<256x768xf32>, vector<768x128xf32>, vector<256x128xf32> -> vector<256x128xf32>
    %get3A_15 = arith.constant 0 : index
    %get3A_16 = arith.constant 0 : index
    %get3A_17 = vector.load %arg5[%get3A_15, %get3A_16] : memref<1x128xf32, #tpu.memory_space<vmem>>, vector<1x128xf32>
    %add3A_18 = vector.broadcast %get3A_17 : vector<1x128xf32> to vector<256x128xf32>
    %add3A_19 = arith.addf %dot_general3A_14, %add3A_18 : vector<256x128xf32>
    %get3A_20 = arith.constant 0 : index
    %get3A_21 = arith.constant 0 : index
    %get3A_22 = vector.load %arg1[%get3A_20, %get3A_21] : memref<256x128xf32, #tpu.memory_space<vmem>>, vector<256x128xf32>
    %mul3A = vector.broadcast %rsqrt3A : vector<256x1xf32> to vector<256x128xf32>
    %mul3A_23 = arith.mulf %get3A_22, %mul3A : vector<256x128xf32>
    %swap3A = arith.constant 0 : index
    %swap3A_24 = arith.constant 0 : index
    %swap3A_25 = vector.load %arg6[%swap3A, %swap3A_24] : memref<256x128xf32, #tpu.memory_space<vmem>>, vector<256x128xf32>
    tpu.vector_store %arg6[%swap3A, %swap3A_24], %mul3A_23 {strides = array<i32>} : memref<256x128xf32, #tpu.memory_space<vmem>>, vector<256x128xf32>,
    %mul3A_26 = vector.broadcast %rsqrt3A : vector<256x1xf32> to vector<256x128xf32>
    %mul3A_27 = arith.mulf %add3A_19, %mul3A_26 : vector<256x128xf32>
    %swap3A_28 = arith.constant 0 : index
    %swap3A_29 = arith.constant 0 : index
    %swap3A_30 = vector.load %arg7[%swap3A_28, %swap3A_29] : memref<256x128xf32, #tpu.memory_space<vmem>>, vector<256x128xf32>
    tpu.vector_store %arg7[%swap3A_28, %swap3A_29], %mul3A_27 {strides = array<i32>} : memref<256x128xf32, #tpu.memory_space<vmem>>, vector<256x128xf32>,
    %swap3A_31 = arith.constant 0 : index
    %swap3A_32 = arith.constant 0 : index
    %swap3A_33 = vector.load %arg8[%swap3A_31, %swap3A_32] : memref<256x1xf32, #tpu.memory_space<vmem>>, vector<256x1xf32>
    tpu.vector_store %arg8[%swap3A_31, %swap3A_32], %rsqrt3A {strides = array<i32>} : memref<256x1xf32, #tpu.memory_space<vmem>>, vector<256x1xf32>,
    return
  }
  func.func @transform_0(%arg0: i32) -> (i32, i32) {
    %c0_i32 = arith.constant 0 : i32
    %c0_i32_0 = arith.constant 0 : i32
    return %arg0, %c0_i32 : i32, i32
  }
  func.func @transform_1(%arg0: i32) -> (i32, i32) {
    %c0_i32 = arith.constant 0 : i32
    %c0_i32_0 = arith.constant 0 : i32
    return %arg0, %c0_i32 : i32, i32
  }
  func.func @transform_2(%arg0: i32) -> (i32, i32) {
    %c0_i32 = arith.constant 0 : i32
    %c0_i32_0 = arith.constant 0 : i32
    return %arg0, %c0_i32 : i32, i32
  }
  func.func @transform_3(%arg0: i32) -> (i32, i32) {
    %c0_i32 = arith.constant 0 : i32
    %c0_i32_0 = arith.constant 0 : i32
    %c0_i32_1 = arith.constant 0 : i32
    return %c0_i32, %c0_i32_0 : i32, i32
  }
  func.func @transform_4(%arg0: i32) -> (i32, i32) {
    %c0_i32 = arith.constant 0 : i32
    %c0_i32_0 = arith.constant 0 : i32
    %c0_i32_1 = arith.constant 0 : i32
    return %c0_i32, %c0_i32_0 : i32, i32
  }
  func.func @transform_5(%arg0: i32) -> (i32, i32) {
    %c0_i32 = arith.constant 0 : i32
    %c0_i32_0 = arith.constant 0 : i32
    return %arg0, %c0_i32 : i32, i32
  }
  func.func @transform_6(%arg0: i32) -> (i32, i32) {
    %c0_i32 = arith.constant 0 : i32
    %c0_i32_0 = arith.constant 0 : i32
    return %arg0, %c0_i32 : i32, i32
  }
  func.func @transform_7(%arg0: i32) -> (i32, i32) {
    %c0_i32 = arith.constant 0 : i32
    %c0_i32_0 = arith.constant 0 : i32
    return %arg0, %c0_i32 : i32, i32
  }
}

module attributes {stable_mosaic.version = 14 : i64} {
  func.func @_tcb_body(%arg0: i32, %arg1: memref<256x128xf32, #tpu.memory_space<vmem>>, %arg2: memref<256x128xf32, #tpu.memory_space<vmem>>, %arg3: memref<256x1xf32, #tpu.memory_space<vmem>>, %arg4: memref<256x256xf32, #tpu.memory_space<vmem>>, %arg5: memref<256x128xf32, #tpu.memory_space<vmem>>, %arg6: memref<256x128xf32, #tpu.memory_space<vmem>>) attributes {dimension_semantics = [#tpu.dimension_semantics<arbitrary>], iteration_bounds = array<i64: 40>, scalar_prefetch = 0 : i64, scratch_operands = 0 : i64, tpu.core_type = #tpu.core_type<tc>, window_params = [{transform_indices = @transform_0, window_bounds = array<i64: 256, 128>}, {transform_indices = @transform_1, window_bounds = array<i64: 256, 128>}, {transform_indices = @transform_2, window_bounds = array<i64: 256, 1>}, {pipeline_mode = #tpu.pipeline_mode<synchronous>, transform_indices = @transform_3, window_bounds = array<i64: 256, 256>}, {transform_indices = @transform_4, window_bounds = array<i64: 256, 128>}, {transform_indices = @transform_5, window_bounds = array<i64: 256, 128>}]} {
    %get3A = arith.constant 0 : index
    %get3A_0 = arith.constant 0 : index
    %get3A_1 = vector.load %arg3[%get3A, %get3A_0] : memref<256x1xf32, #tpu.memory_space<vmem>>, vector<256x1xf32>
    %get3A_2 = arith.constant 0 : index
    %get3A_3 = arith.constant 0 : index
    %get3A_4 = vector.load %arg1[%get3A_2, %get3A_3] : memref<256x128xf32, #tpu.memory_space<vmem>>, vector<256x128xf32>
    %get3A_5 = arith.constant 0 : index
    %get3A_6 = arith.constant 0 : index
    %get3A_7 = vector.load %arg2[%get3A_5, %get3A_6] : memref<256x128xf32, #tpu.memory_space<vmem>>, vector<256x128xf32>
    %concatenate3A = tpu.concatenate %get3A_4, %get3A_7 in 1 : vector<256x128xf32>, vector<256x128xf32> -> vector<256x256xf32>
    %mul3A = vector.broadcast %get3A_1 : vector<256x1xf32> to vector<256x256xf32>
    %mul3A_8 = arith.mulf %concatenate3A, %mul3A : vector<256x256xf32>
    %get3A_9 = arith.constant 0 : index
    %get3A_10 = arith.constant 0 : index
    %get3A_11 = vector.load %arg4[%get3A_9, %get3A_10] : memref<256x256xf32, #tpu.memory_space<vmem>>, vector<256x256xf32>
    %dot_general3A = arith.constant dense<0.000000e+00> : vector<256x256xf32>
    %dot_general3A_12 = tpu.matmul %mul3A_8, %get3A_11, %dot_general3A {dimension_numbers = #tpu.dot_dimension_numbers<[1], [0], [0], [1], [0, 0, 1, 1], [], []>, transpose_lhs_hint = false} : vector<256x256xf32>, vector<256x256xf32>, vector<256x256xf32> -> vector<256x256xf32>
    %max3A = arith.constant 0.000000e+00 : f32
    %max3A_13 = vector.broadcast %max3A : f32 to vector<256x256xf32>
    %max3A_14 = arith.maximumf %dot_general3A_12, %max3A_13 : vector<256x256xf32>
    %mul3A_15 = vector.broadcast %get3A_1 : vector<256x1xf32> to vector<256x256xf32>
    %mul3A_16 = arith.mulf %max3A_14, %mul3A_15 : vector<256x256xf32>
    %slice3A = vector.extract_strided_slice %mul3A_16 {offsets = [0, 0], sizes = [256, 128], strides = [1, 1]} : vector<256x256xf32> to vector<256x128xf32>
    %swap3A = arith.constant 0 : index
    %swap3A_17 = arith.constant 0 : index
    %swap3A_18 = vector.load %arg5[%swap3A, %swap3A_17] : memref<256x128xf32, #tpu.memory_space<vmem>>, vector<256x128xf32>
    tpu.vector_store %arg5[%swap3A, %swap3A_17], %slice3A {strides = array<i32>} : memref<256x128xf32, #tpu.memory_space<vmem>>, vector<256x128xf32>,
    %slice3A_19 = vector.extract_strided_slice %mul3A_16 {offsets = [0, 128], sizes = [256, 128], strides = [1, 1]} : vector<256x256xf32> to vector<256x128xf32>
    %swap3A_20 = arith.constant 0 : index
    %swap3A_21 = arith.constant 0 : index
    %swap3A_22 = vector.load %arg6[%swap3A_20, %swap3A_21] : memref<256x128xf32, #tpu.memory_space<vmem>>, vector<256x128xf32>
    tpu.vector_store %arg6[%swap3A_20, %swap3A_21], %slice3A_19 {strides = array<i32>} : memref<256x128xf32, #tpu.memory_space<vmem>>, vector<256x128xf32>,
    return
  }
  func.func @transform_0(%arg0: i32) -> (i32, i32) {
    %c0_i32 = arith.constant 0 : i32
    %c0_i32_0 = arith.constant 0 : i32
    return %arg0, %c0_i32 : i32, i32
  }
  func.func @transform_1(%arg0: i32) -> (i32, i32) {
    %c0_i32 = arith.constant 0 : i32
    %c0_i32_0 = arith.constant 0 : i32
    return %arg0, %c0_i32 : i32, i32
  }
  func.func @transform_2(%arg0: i32) -> (i32, i32) {
    %c0_i32 = arith.constant 0 : i32
    %c0_i32_0 = arith.constant 0 : i32
    return %arg0, %c0_i32 : i32, i32
  }
  func.func @transform_3(%arg0: i32) -> (i32, i32) {
    %c0_i32 = arith.constant 0 : i32
    %c0_i32_0 = arith.constant 0 : i32
    %c0_i32_1 = arith.constant 0 : i32
    return %c0_i32, %c0_i32_0 : i32, i32
  }
  func.func @transform_4(%arg0: i32) -> (i32, i32) {
    %c0_i32 = arith.constant 0 : i32
    %c0_i32_0 = arith.constant 0 : i32
    return %arg0, %c0_i32 : i32, i32
  }
  func.func @transform_5(%arg0: i32) -> (i32, i32) {
    %c0_i32 = arith.constant 0 : i32
    %c0_i32_0 = arith.constant 0 : i32
    return %arg0, %c0_i32 : i32, i32
  }
}

module attributes {stable_mosaic.version = 14 : i64} {
  func.func @_tcc_body(%arg0: i32, %arg1: memref<256x128xf32, #tpu.memory_space<vmem>>, %arg2: memref<256x128xf32, #tpu.memory_space<vmem>>, %arg3: memref<256x1xf32, #tpu.memory_space<vmem>>, %arg4: memref<256x256xf32, #tpu.memory_space<vmem>>, %arg5: memref<256x128xf32, #tpu.memory_space<vmem>>, %arg6: memref<256x128xf32, #tpu.memory_space<vmem>>) attributes {dimension_semantics = [#tpu.dimension_semantics<arbitrary>], iteration_bounds = array<i64: 40>, scalar_prefetch = 0 : i64, scratch_operands = 0 : i64, tpu.core_type = #tpu.core_type<tc>, window_params = [{transform_indices = @transform_0, window_bounds = array<i64: 256, 128>}, {transform_indices = @transform_1, window_bounds = array<i64: 256, 128>}, {transform_indices = @transform_2, window_bounds = array<i64: 256, 1>}, {pipeline_mode = #tpu.pipeline_mode<synchronous>, transform_indices = @transform_3, window_bounds = array<i64: 256, 256>}, {transform_indices = @transform_4, window_bounds = array<i64: 256, 128>}, {transform_indices = @transform_5, window_bounds = array<i64: 256, 128>}]} {
    %get3A = arith.constant 0 : index
    %get3A_0 = arith.constant 0 : index
    %get3A_1 = vector.load %arg1[%get3A, %get3A_0] : memref<256x128xf32, #tpu.memory_space<vmem>>, vector<256x128xf32>
    %get3A_2 = arith.constant 0 : index
    %get3A_3 = arith.constant 0 : index
    %get3A_4 = vector.load %arg2[%get3A_2, %get3A_3] : memref<256x128xf32, #tpu.memory_space<vmem>>, vector<256x128xf32>
    %concatenate3A = tpu.concatenate %get3A_1, %get3A_4 in 1 : vector<256x128xf32>, vector<256x128xf32> -> vector<256x256xf32>
    %get3A_5 = arith.constant 0 : index
    %get3A_6 = arith.constant 0 : index
    %get3A_7 = vector.load %arg3[%get3A_5, %get3A_6] : memref<256x1xf32, #tpu.memory_space<vmem>>, vector<256x1xf32>
    %mul3A = vector.broadcast %get3A_7 : vector<256x1xf32> to vector<256x256xf32>
    %mul3A_8 = arith.mulf %concatenate3A, %mul3A : vector<256x256xf32>
    %get3A_9 = arith.constant 0 : index
    %get3A_10 = arith.constant 0 : index
    %get3A_11 = vector.load %arg4[%get3A_9, %get3A_10] : memref<256x256xf32, #tpu.memory_space<vmem>>, vector<256x256xf32>
    %dot_general3A = arith.constant dense<0.000000e+00> : vector<256x256xf32>
    %dot_general3A_12 = tpu.matmul %mul3A_8, %get3A_11, %dot_general3A {dimension_numbers = #tpu.dot_dimension_numbers<[1], [0], [0], [1], [0, 0, 1, 1], [], []>, transpose_lhs_hint = false} : vector<256x256xf32>, vector<256x256xf32>, vector<256x256xf32> -> vector<256x256xf32>
    %slice3A = vector.extract_strided_slice %dot_general3A_12 {offsets = [0, 0], sizes = [256, 128], strides = [1, 1]} : vector<256x256xf32> to vector<256x128xf32>
    %swap3A = arith.constant 0 : index
    %swap3A_13 = arith.constant 0 : index
    %swap3A_14 = vector.load %arg5[%swap3A, %swap3A_13] : memref<256x128xf32, #tpu.memory_space<vmem>>, vector<256x128xf32>
    tpu.vector_store %arg5[%swap3A, %swap3A_13], %slice3A {strides = array<i32>} : memref<256x128xf32, #tpu.memory_space<vmem>>, vector<256x128xf32>,
    %slice3A_15 = vector.extract_strided_slice %dot_general3A_12 {offsets = [0, 128], sizes = [256, 128], strides = [1, 1]} : vector<256x256xf32> to vector<256x128xf32>
    %swap3A_16 = arith.constant 0 : index
    %swap3A_17 = arith.constant 0 : index
    %swap3A_18 = vector.load %arg6[%swap3A_16, %swap3A_17] : memref<256x128xf32, #tpu.memory_space<vmem>>, vector<256x128xf32>
    tpu.vector_store %arg6[%swap3A_16, %swap3A_17], %slice3A_15 {strides = array<i32>} : memref<256x128xf32, #tpu.memory_space<vmem>>, vector<256x128xf32>,
    return
  }
  func.func @transform_0(%arg0: i32) -> (i32, i32) {
    %c0_i32 = arith.constant 0 : i32
    %c0_i32_0 = arith.constant 0 : i32
    return %arg0, %c0_i32 : i32, i32
  }
  func.func @transform_1(%arg0: i32) -> (i32, i32) {
    %c0_i32 = arith.constant 0 : i32
    %c0_i32_0 = arith.constant 0 : i32
    return %arg0, %c0_i32 : i32, i32
  }
  func.func @transform_2(%arg0: i32) -> (i32, i32) {
    %c0_i32 = arith.constant 0 : i32
    %c0_i32_0 = arith.constant 0 : i32
    return %arg0, %c0_i32 : i32, i32
  }
  func.func @transform_3(%arg0: i32) -> (i32, i32) {
    %c0_i32 = arith.constant 0 : i32
    %c0_i32_0 = arith.constant 0 : i32
    %c0_i32_1 = arith.constant 0 : i32
    return %c0_i32, %c0_i32_0 : i32, i32
  }
  func.func @transform_4(%arg0: i32) -> (i32, i32) {
    %c0_i32 = arith.constant 0 : i32
    %c0_i32_0 = arith.constant 0 : i32
    return %arg0, %c0_i32 : i32, i32
  }
  func.func @transform_5(%arg0: i32) -> (i32, i32) {
    %c0_i32 = arith.constant 0 : i32
    %c0_i32_0 = arith.constant 0 : i32
    return %arg0, %c0_i32 : i32, i32
  }
}

module attributes {stable_mosaic.version = 14 : i64} {
  func.func @_ntn_body(%arg0: memref<128x2x128xf32, #tpu.memory_space<vmem>>, %arg1: memref<128x2x128xf32, #tpu.memory_space<vmem>>, %arg2: memref<128x2xf32, #tpu.memory_space<vmem>>, %arg3: memref<16x256x256xf32, #tpu.memory_space<vmem>>, %arg4: memref<512x16xf32, #tpu.memory_space<vmem>>, %arg5: memref<1x16xf32, #tpu.memory_space<vmem>>, %arg6: memref<16x2xf32, #tpu.memory_space<vmem>>, %arg7: memref<1x2xf32, #tpu.memory_space<vmem>>, %arg8: memref<128x2xf32, #tpu.memory_space<vmem>>) attributes {dimension_semantics = [], scalar_prefetch = 0 : i64, scratch_operands = 0 : i64, tpu.core_type = #tpu.core_type<tc>} {
    %get3A = arith.constant 0 : index
    %get3A_0 = arith.constant 0 : index
    %get3A_1 = vector.load %arg2[%get3A, %get3A_0] : memref<128x2xf32, #tpu.memory_space<vmem>>, vector<128x1xf32>
    %jit3A = arith.constant 1.000000e+00 : f32
    %max3A = vector.broadcast %jit3A : f32 to vector<128x1xf32>
    %max3A_2 = arith.maximumf %max3A, %get3A_1 : vector<128x1xf32>
    %get3A_3 = arith.constant 0 : index
    %get3A_4 = arith.constant 1 : index
    %get3A_5 = vector.load %arg2[%get3A_3, %get3A_4] : memref<128x2xf32, #tpu.memory_space<vmem>>, vector<128x1xf32>
    %jit3A_6 = arith.constant 1.000000e+00 : f32
    %max3A_7 = vector.broadcast %jit3A_6 : f32 to vector<128x1xf32>
    %max3A_8 = arith.maximumf %max3A_7, %get3A_5 : vector<128x1xf32>
    %get3A_9 = arith.constant 0 : index
    %get3A_10 = arith.constant 0 : index
    %get3A_11 = arith.constant 0 : index
    %get3A_12 = vector.load %arg0[%get3A_9, %get3A_10, %get3A_11] : memref<128x2x128xf32, #tpu.memory_space<vmem>>, vector<128x1x128xf32>
    %get3A_13 = vector.shape_cast %get3A_12 : vector<128x1x128xf32> to vector<128x128xf32>
    %get3A_14 = arith.constant 0 : index
    %get3A_15 = arith.constant 0 : index
    %get3A_16 = arith.constant 0 : index
    %get3A_17 = vector.load %arg1[%get3A_14, %get3A_15, %get3A_16] : memref<128x2x128xf32, #tpu.memory_space<vmem>>, vector<128x1x128xf32>
    %get3A_18 = vector.shape_cast %get3A_17 : vector<128x1x128xf32> to vector<128x128xf32>
    %concatenate3A = tpu.concatenate %get3A_13, %get3A_18 in 1 : vector<128x128xf32>, vector<128x128xf32> -> vector<128x256xf32>
    %div3A = vector.broadcast %max3A_2 : vector<128x1xf32> to vector<128x256xf32>
    %div3A_19 = arith.divf %concatenate3A, %div3A : vector<128x256xf32>
    %get3A_20 = arith.constant 0 : index
    %get3A_21 = arith.constant 1 : index
    %get3A_22 = arith.constant 0 : index
    %get3A_23 = vector.load %arg0[%get3A_20, %get3A_21, %get3A_22] : memref<128x2x128xf32, #tpu.memory_space<vmem>>, vector<128x1x128xf32>
    %get3A_24 = vector.shape_cast %get3A_23 : vector<128x1x128xf32> to vector<128x128xf32>
    %get3A_25 = arith.constant 0 : index
    %get3A_26 = arith.constant 1 : index
    %get3A_27 = arith.constant 0 : index
    %get3A_28 = vector.load %arg1[%get3A_25, %get3A_26, %get3A_27] : memref<128x2x128xf32, #tpu.memory_space<vmem>>, vector<128x1x128xf32>
    %get3A_29 = vector.shape_cast %get3A_28 : vector<128x1x128xf32> to vector<128x128xf32>
    %concatenate3A_30 = tpu.concatenate %get3A_24, %get3A_29 in 1 : vector<128x128xf32>, vector<128x128xf32> -> vector<128x256xf32>
    %div3A_31 = vector.broadcast %max3A_8 : vector<128x1xf32> to vector<128x256xf32>
    %div3A_32 = arith.divf %concatenate3A_30, %div3A_31 : vector<128x256xf32>
    %get3A_33 = arith.constant 0 : index
    %get3A_34 = arith.constant 0 : index
    %get3A_35 = vector.load %arg4[%get3A_33, %get3A_34] : memref<512x16xf32, #tpu.memory_space<vmem>>, vector<256x16xf32>
    %dot_general3A = arith.constant dense<0.000000e+00> : vector<128x16xf32>
    %dot_general3A_36 = tpu.matmul %div3A_19, %get3A_35, %dot_general3A {dimension_numbers = #tpu.dot_dimension_numbers<[1], [0], [0], [1], [0, 0, 1, 1], [], []>, transpose_lhs_hint = false} : vector<128x256xf32>, vector<256x16xf32>, vector<128x16xf32> -> vector<128x16xf32>
    %get3A_37 = arith.constant 256 : index
    %get3A_38 = arith.constant 0 : index
    %get3A_39 = vector.load %arg4[%get3A_37, %get3A_38] : memref<512x16xf32, #tpu.memory_space<vmem>>, vector<256x16xf32>
    %dot_general3A_40 = arith.constant dense<0.000000e+00> : vector<128x16xf32>
    %dot_general3A_41 = tpu.matmul %div3A_32, %get3A_39, %dot_general3A_40 {dimension_numbers = #tpu.dot_dimension_numbers<[1], [0], [0], [1], [0, 0, 1, 1], [], []>, transpose_lhs_hint = false} : vector<128x256xf32>, vector<256x16xf32>, vector<128x16xf32> -> vector<128x16xf32>
    %add3A = arith.addf %dot_general3A_36, %dot_general3A_41 : vector<128x16xf32>
    %broadcast_in_dim3A = arith.constant 0.000000e+00 : f32
    %broadcast_in_dim3A_42 = vector.broadcast %broadcast_in_dim3A : f32 to vector<128x2xf32>
    %get3A_43 = arith.constant 0 : index
    %get3A_44 = arith.constant 0 : index
    %get3A_45 = vector.load %arg7[%get3A_43, %get3A_44] : memref<1x2xf32, #tpu.memory_space<vmem>>, vector<1x2xf32>
    %add3A_46 = vector.broadcast %get3A_45 : vector<1x2xf32> to vector<128x2xf32>
    %add3A_47 = arith.addf %broadcast_in_dim3A_42, %add3A_46 : vector<128x2xf32>
    %get3A_48 = arith.constant 0 : index
    %get3A_49 = arith.constant 0 : index
    %get3A_50 = arith.constant 0 : index
    %get3A_51 = vector.load %arg3[%get3A_48, %get3A_49, %get3A_50] : memref<16x256x256xf32, #tpu.memory_space<vmem>>, vector<1x256x256xf32>
    %get3A_52 = vector.shape_cast %get3A_51 : vector<1x256x256xf32> to vector<256x256xf32>
    %dot_general3A_53 = arith.constant dense<0.000000e+00> : vector<128x256xf32>
    %dot_general3A_54 = tpu.matmul %div3A_19, %get3A_52, %dot_general3A_53 {dimension_numbers = #tpu.dot_dimension_numbers<[1], [0], [0], [1], [0, 0, 1, 1], [], []>, transpose_lhs_hint = false} : vector<128x256xf32>, vector<256x256xf32>, vector<128x256xf32> -> vector<128x256xf32>
    %mul3A = arith.mulf %dot_general3A_54, %div3A_32 : vector<128x256xf32>
    %reduce_sum3A = arith.constant dense<0.000000e+00> : vector<128xf32>
    %reduce_sum3A_55 = vector.multi_reduction <add>, %mul3A, %reduce_sum3A [1] : vector<128x256xf32> to vector<128xf32>
    %broadcast_in_dim3A_56 = vector.shape_cast %reduce_sum3A_55 : vector<128xf32> to vector<128x1xf32>
    %slice3A = vector.extract_strided_slice %add3A {offsets = [0, 0], sizes = [128, 1], strides = [1, 1]} : vector<128x16xf32> to vector<128x1xf32>
    %add3A_57 = arith.addf %broadcast_in_dim3A_56, %slice3A : vector<128x1xf32>
    %get3A_58 = arith.constant 0 : index
    %get3A_59 = arith.constant 0 : index
    %get3A_60 = vector.load %arg5[%get3A_58, %get3A_59] : memref<1x16xf32, #tpu.memory_space<vmem>>, vector<1x1xf32>
    %add3A_61 = vector.broadcast %get3A_60 : vector<1x1xf32> to vector<128x1xf32>
    %add3A_62 = arith.addf %add3A_57, %add3A_61 : vector<128x1xf32>
    %tanh3A = math.tanh %add3A_62 : vector<128x1xf32>
    %get3A_63 = arith.constant 0 : index
    %get3A_64 = arith.constant 0 : index
    %get3A_65 = vector.load %arg6[%get3A_63, %get3A_64] : memref<16x2xf32, #tpu.memory_space<vmem>>, vector<1x2xf32>
    %mul3A_66 = vector.broadcast %tanh3A : vector<128x1xf32> to vector<128x2xf32>
    %mul3A_67 = vector.broadcast %get3A_65 : vector<1x2xf32> to vector<128x2xf32>
    %mul3A_68 = arith.mulf %mul3A_66, %mul3A_67 : vector<128x2xf32>
    %add3A_69 = arith.addf %add3A_47, %mul3A_68 : vector<128x2xf32>
    %get3A_70 = arith.constant 1 : index
    %get3A_71 = arith.constant 0 : index
    %get3A_72 = arith.constant 0 : index
    %get3A_73 = vector.load %arg3[%get3A_70, %get3A_71, %get3A_72] : memref<16x256x256xf32, #tpu.memory_space<vmem>>, vector<1x256x256xf32>
    %get3A_74 = vector.shape_cast %get3A_73 : vector<1x256x256xf32> to vector<256x256xf32>
    %dot_general3A_75 = arith.constant dense<0.000000e+00> : vector<128x256xf32>
    %dot_general3A_76 = tpu.matmul %div3A_19, %get3A_74, %dot_general3A_75 {dimension_numbers = #tpu.dot_dimension_numbers<[1], [0], [0], [1], [0, 0, 1, 1], [], []>, transpose_lhs_hint = false} : vector<128x256xf32>, vector<256x256xf32>, vector<128x256xf32> -> vector<128x256xf32>
    %mul3A_77 = arith.mulf %dot_general3A_76, %div3A_32 : vector<128x256xf32>
    %reduce_sum3A_78 = arith.constant dense<0.000000e+00> : vector<128xf32>
    %reduce_sum3A_79 = vector.multi_reduction <add>, %mul3A_77, %reduce_sum3A_78 [1] : vector<128x256xf32> to vector<128xf32>
    %broadcast_in_dim3A_80 = vector.shape_cast %reduce_sum3A_79 : vector<128xf32> to vector<128x1xf32>
    %slice3A_81 = vector.extract_strided_slice %add3A {offsets = [0, 1], sizes = [128, 1], strides = [1, 1]} : vector<128x16xf32> to vector<128x1xf32>
    %add3A_82 = arith.addf %broadcast_in_dim3A_80, %slice3A_81 : vector<128x1xf32>
    %get3A_83 = arith.constant 0 : index
    %get3A_84 = arith.constant 1 : index
    %get3A_85 = vector.load %arg5[%get3A_83, %get3A_84] : memref<1x16xf32, #tpu.memory_space<vmem>>, vector<1x1xf32>
    %add3A_86 = vector.broadcast %get3A_85 : vector<1x1xf32> to vector<128x1xf32>
    %add3A_87 = arith.addf %add3A_82, %add3A_86 : vector<128x1xf32>
    %tanh3A_88 = math.tanh %add3A_87 : vector<128x1xf32>
    %get3A_89 = arith.constant 1 : index
    %get3A_90 = arith.constant 0 : index
    %get3A_91 = vector.load %arg6[%get3A_89, %get3A_90] : memref<16x2xf32, #tpu.memory_space<vmem>>, vector<1x2xf32>
    %mul3A_92 = vector.broadcast %tanh3A_88 : vector<128x1xf32> to vector<128x2xf32>
    %mul3A_93 = vector.broadcast %get3A_91 : vector<1x2xf32> to vector<128x2xf32>
    %mul3A_94 = arith.mulf %mul3A_92, %mul3A_93 : vector<128x2xf32>
    %add3A_95 = arith.addf %add3A_69, %mul3A_94 : vector<128x2xf32>
    %get3A_96 = arith.constant 2 : index
    %get3A_97 = arith.constant 0 : index
    %get3A_98 = arith.constant 0 : index
    %get3A_99 = vector.load %arg3[%get3A_96, %get3A_97, %get3A_98] : memref<16x256x256xf32, #tpu.memory_space<vmem>>, vector<1x256x256xf32>
    %get3A_100 = vector.shape_cast %get3A_99 : vector<1x256x256xf32> to vector<256x256xf32>
    %dot_general3A_101 = arith.constant dense<0.000000e+00> : vector<128x256xf32>
    %dot_general3A_102 = tpu.matmul %div3A_19, %get3A_100, %dot_general3A_101 {dimension_numbers = #tpu.dot_dimension_numbers<[1], [0], [0], [1], [0, 0, 1, 1], [], []>, transpose_lhs_hint = false} : vector<128x256xf32>, vector<256x256xf32>, vector<128x256xf32> -> vector<128x256xf32>
    %mul3A_103 = arith.mulf %dot_general3A_102, %div3A_32 : vector<128x256xf32>
    %reduce_sum3A_104 = arith.constant dense<0.000000e+00> : vector<128xf32>
    %reduce_sum3A_105 = vector.multi_reduction <add>, %mul3A_103, %reduce_sum3A_104 [1] : vector<128x256xf32> to vector<128xf32>
    %broadcast_in_dim3A_106 = vector.shape_cast %reduce_sum3A_105 : vector<128xf32> to vector<128x1xf32>
    %slice3A_107 = vector.extract_strided_slice %add3A {offsets = [0, 2], sizes = [128, 1], strides = [1, 1]} : vector<128x16xf32> to vector<128x1xf32>
    %add3A_108 = arith.addf %broadcast_in_dim3A_106, %slice3A_107 : vector<128x1xf32>
    %get3A_109 = arith.constant 0 : index
    %get3A_110 = arith.constant 2 : index
    %get3A_111 = vector.load %arg5[%get3A_109, %get3A_110] : memref<1x16xf32, #tpu.memory_space<vmem>>, vector<1x1xf32>
    %add3A_112 = vector.broadcast %get3A_111 : vector<1x1xf32> to vector<128x1xf32>
    %add3A_113 = arith.addf %add3A_108, %add3A_112 : vector<128x1xf32>
    %tanh3A_114 = math.tanh %add3A_113 : vector<128x1xf32>
    %get3A_115 = arith.constant 2 : index
    %get3A_116 = arith.constant 0 : index
    %get3A_117 = vector.load %arg6[%get3A_115, %get3A_116] : memref<16x2xf32, #tpu.memory_space<vmem>>, vector<1x2xf32>
    %mul3A_118 = vector.broadcast %tanh3A_114 : vector<128x1xf32> to vector<128x2xf32>
    %mul3A_119 = vector.broadcast %get3A_117 : vector<1x2xf32> to vector<128x2xf32>
    %mul3A_120 = arith.mulf %mul3A_118, %mul3A_119 : vector<128x2xf32>
    %add3A_121 = arith.addf %add3A_95, %mul3A_120 : vector<128x2xf32>
    %get3A_122 = arith.constant 3 : index
    %get3A_123 = arith.constant 0 : index
    %get3A_124 = arith.constant 0 : index
    %get3A_125 = vector.load %arg3[%get3A_122, %get3A_123, %get3A_124] : memref<16x256x256xf32, #tpu.memory_space<vmem>>, vector<1x256x256xf32>
    %get3A_126 = vector.shape_cast %get3A_125 : vector<1x256x256xf32> to vector<256x256xf32>
    %dot_general3A_127 = arith.constant dense<0.000000e+00> : vector<128x256xf32>
    %dot_general3A_128 = tpu.matmul %div3A_19, %get3A_126, %dot_general3A_127 {dimension_numbers = #tpu.dot_dimension_numbers<[1], [0], [0], [1], [0, 0, 1, 1], [], []>, transpose_lhs_hint = false} : vector<128x256xf32>, vector<256x256xf32>, vector<128x256xf32> -> vector<128x256xf32>
    %mul3A_129 = arith.mulf %dot_general3A_128, %div3A_32 : vector<128x256xf32>
    %reduce_sum3A_130 = arith.constant dense<0.000000e+00> : vector<128xf32>
    %reduce_sum3A_131 = vector.multi_reduction <add>, %mul3A_129, %reduce_sum3A_130 [1] : vector<128x256xf32> to vector<128xf32>
    %broadcast_in_dim3A_132 = vector.shape_cast %reduce_sum3A_131 : vector<128xf32> to vector<128x1xf32>
    %slice3A_133 = vector.extract_strided_slice %add3A {offsets = [0, 3], sizes = [128, 1], strides = [1, 1]} : vector<128x16xf32> to vector<128x1xf32>
    %add3A_134 = arith.addf %broadcast_in_dim3A_132, %slice3A_133 : vector<128x1xf32>
    %get3A_135 = arith.constant 0 : index
    %get3A_136 = arith.constant 3 : index
    %get3A_137 = vector.load %arg5[%get3A_135, %get3A_136] : memref<1x16xf32, #tpu.memory_space<vmem>>, vector<1x1xf32>
    %add3A_138 = vector.broadcast %get3A_137 : vector<1x1xf32> to vector<128x1xf32>
    %add3A_139 = arith.addf %add3A_134, %add3A_138 : vector<128x1xf32>
    %tanh3A_140 = math.tanh %add3A_139 : vector<128x1xf32>
    %get3A_141 = arith.constant 3 : index
    %get3A_142 = arith.constant 0 : index
    %get3A_143 = vector.load %arg6[%get3A_141, %get3A_142] : memref<16x2xf32, #tpu.memory_space<vmem>>, vector<1x2xf32>
    %mul3A_144 = vector.broadcast %tanh3A_140 : vector<128x1xf32> to vector<128x2xf32>
    %mul3A_145 = vector.broadcast %get3A_143 : vector<1x2xf32> to vector<128x2xf32>
    %mul3A_146 = arith.mulf %mul3A_144, %mul3A_145 : vector<128x2xf32>
    %add3A_147 = arith.addf %add3A_121, %mul3A_146 : vector<128x2xf32>
    %get3A_148 = arith.constant 4 : index
    %get3A_149 = arith.constant 0 : index
    %get3A_150 = arith.constant 0 : index
    %get3A_151 = vector.load %arg3[%get3A_148, %get3A_149, %get3A_150] : memref<16x256x256xf32, #tpu.memory_space<vmem>>, vector<1x256x256xf32>
    %get3A_152 = vector.shape_cast %get3A_151 : vector<1x256x256xf32> to vector<256x256xf32>
    %dot_general3A_153 = arith.constant dense<0.000000e+00> : vector<128x256xf32>
    %dot_general3A_154 = tpu.matmul %div3A_19, %get3A_152, %dot_general3A_153 {dimension_numbers = #tpu.dot_dimension_numbers<[1], [0], [0], [1], [0, 0, 1, 1], [], []>, transpose_lhs_hint = false} : vector<128x256xf32>, vector<256x256xf32>, vector<128x256xf32> -> vector<128x256xf32>
    %mul3A_155 = arith.mulf %dot_general3A_154, %div3A_32 : vector<128x256xf32>
    %reduce_sum3A_156 = arith.constant dense<0.000000e+00> : vector<128xf32>
    %reduce_sum3A_157 = vector.multi_reduction <add>, %mul3A_155, %reduce_sum3A_156 [1] : vector<128x256xf32> to vector<128xf32>
    %broadcast_in_dim3A_158 = vector.shape_cast %reduce_sum3A_157 : vector<128xf32> to vector<128x1xf32>
    %slice3A_159 = vector.extract_strided_slice %add3A {offsets = [0, 4], sizes = [128, 1], strides = [1, 1]} : vector<128x16xf32> to vector<128x1xf32>
    %add3A_160 = arith.addf %broadcast_in_dim3A_158, %slice3A_159 : vector<128x1xf32>
    %get3A_161 = arith.constant 0 : index
    %get3A_162 = arith.constant 4 : index
    %get3A_163 = vector.load %arg5[%get3A_161, %get3A_162] : memref<1x16xf32, #tpu.memory_space<vmem>>, vector<1x1xf32>
    %add3A_164 = vector.broadcast %get3A_163 : vector<1x1xf32> to vector<128x1xf32>
    %add3A_165 = arith.addf %add3A_160, %add3A_164 : vector<128x1xf32>
    %tanh3A_166 = math.tanh %add3A_165 : vector<128x1xf32>
    %get3A_167 = arith.constant 4 : index
    %get3A_168 = arith.constant 0 : index
    %get3A_169 = vector.load %arg6[%get3A_167, %get3A_168] : memref<16x2xf32, #tpu.memory_space<vmem>>, vector<1x2xf32>
    %mul3A_170 = vector.broadcast %tanh3A_166 : vector<128x1xf32> to vector<128x2xf32>
    %mul3A_171 = vector.broadcast %get3A_169 : vector<1x2xf32> to vector<128x2xf32>
    %mul3A_172 = arith.mulf %mul3A_170, %mul3A_171 : vector<128x2xf32>
    %add3A_173 = arith.addf %add3A_147, %mul3A_172 : vector<128x2xf32>
    %get3A_174 = arith.constant 5 : index
    %get3A_175 = arith.constant 0 : index
    %get3A_176 = arith.constant 0 : index
    %get3A_177 = vector.load %arg3[%get3A_174, %get3A_175, %get3A_176] : memref<16x256x256xf32, #tpu.memory_space<vmem>>, vector<1x256x256xf32>
    %get3A_178 = vector.shape_cast %get3A_177 : vector<1x256x256xf32> to vector<256x256xf32>
    %dot_general3A_179 = arith.constant dense<0.000000e+00> : vector<128x256xf32>
    %dot_general3A_180 = tpu.matmul %div3A_19, %get3A_178, %dot_general3A_179 {dimension_numbers = #tpu.dot_dimension_numbers<[1], [0], [0], [1], [0, 0, 1, 1], [], []>, transpose_lhs_hint = false} : vector<128x256xf32>, vector<256x256xf32>, vector<128x256xf32> -> vector<128x256xf32>
    %mul3A_181 = arith.mulf %dot_general3A_180, %div3A_32 : vector<128x256xf32>
    %reduce_sum3A_182 = arith.constant dense<0.000000e+00> : vector<128xf32>
    %reduce_sum3A_183 = vector.multi_reduction <add>, %mul3A_181, %reduce_sum3A_182 [1] : vector<128x256xf32> to vector<128xf32>
    %broadcast_in_dim3A_184 = vector.shape_cast %reduce_sum3A_183 : vector<128xf32> to vector<128x1xf32>
    %slice3A_185 = vector.extract_strided_slice %add3A {offsets = [0, 5], sizes = [128, 1], strides = [1, 1]} : vector<128x16xf32> to vector<128x1xf32>
    %add3A_186 = arith.addf %broadcast_in_dim3A_184, %slice3A_185 : vector<128x1xf32>
    %get3A_187 = arith.constant 0 : index
    %get3A_188 = arith.constant 5 : index
    %get3A_189 = vector.load %arg5[%get3A_187, %get3A_188] : memref<1x16xf32, #tpu.memory_space<vmem>>, vector<1x1xf32>
    %add3A_190 = vector.broadcast %get3A_189 : vector<1x1xf32> to vector<128x1xf32>
    %add3A_191 = arith.addf %add3A_186, %add3A_190 : vector<128x1xf32>
    %tanh3A_192 = math.tanh %add3A_191 : vector<128x1xf32>
    %get3A_193 = arith.constant 5 : index
    %get3A_194 = arith.constant 0 : index
    %get3A_195 = vector.load %arg6[%get3A_193, %get3A_194] : memref<16x2xf32, #tpu.memory_space<vmem>>, vector<1x2xf32>
    %mul3A_196 = vector.broadcast %tanh3A_192 : vector<128x1xf32> to vector<128x2xf32>
    %mul3A_197 = vector.broadcast %get3A_195 : vector<1x2xf32> to vector<128x2xf32>
    %mul3A_198 = arith.mulf %mul3A_196, %mul3A_197 : vector<128x2xf32>
    %add3A_199 = arith.addf %add3A_173, %mul3A_198 : vector<128x2xf32>
    %get3A_200 = arith.constant 6 : index
    %get3A_201 = arith.constant 0 : index
    %get3A_202 = arith.constant 0 : index
    %get3A_203 = vector.load %arg3[%get3A_200, %get3A_201, %get3A_202] : memref<16x256x256xf32, #tpu.memory_space<vmem>>, vector<1x256x256xf32>
    %get3A_204 = vector.shape_cast %get3A_203 : vector<1x256x256xf32> to vector<256x256xf32>
    %dot_general3A_205 = arith.constant dense<0.000000e+00> : vector<128x256xf32>
    %dot_general3A_206 = tpu.matmul %div3A_19, %get3A_204, %dot_general3A_205 {dimension_numbers = #tpu.dot_dimension_numbers<[1], [0], [0], [1], [0, 0, 1, 1], [], []>, transpose_lhs_hint = false} : vector<128x256xf32>, vector<256x256xf32>, vector<128x256xf32> -> vector<128x256xf32>
    %mul3A_207 = arith.mulf %dot_general3A_206, %div3A_32 : vector<128x256xf32>
    %reduce_sum3A_208 = arith.constant dense<0.000000e+00> : vector<128xf32>
    %reduce_sum3A_209 = vector.multi_reduction <add>, %mul3A_207, %reduce_sum3A_208 [1] : vector<128x256xf32> to vector<128xf32>
    %broadcast_in_dim3A_210 = vector.shape_cast %reduce_sum3A_209 : vector<128xf32> to vector<128x1xf32>
    %slice3A_211 = vector.extract_strided_slice %add3A {offsets = [0, 6], sizes = [128, 1], strides = [1, 1]} : vector<128x16xf32> to vector<128x1xf32>
    %add3A_212 = arith.addf %broadcast_in_dim3A_210, %slice3A_211 : vector<128x1xf32>
    %get3A_213 = arith.constant 0 : index
    %get3A_214 = arith.constant 6 : index
    %get3A_215 = vector.load %arg5[%get3A_213, %get3A_214] : memref<1x16xf32, #tpu.memory_space<vmem>>, vector<1x1xf32>
    %add3A_216 = vector.broadcast %get3A_215 : vector<1x1xf32> to vector<128x1xf32>
    %add3A_217 = arith.addf %add3A_212, %add3A_216 : vector<128x1xf32>
    %tanh3A_218 = math.tanh %add3A_217 : vector<128x1xf32>
    %get3A_219 = arith.constant 6 : index
    %get3A_220 = arith.constant 0 : index
    %get3A_221 = vector.load %arg6[%get3A_219, %get3A_220] : memref<16x2xf32, #tpu.memory_space<vmem>>, vector<1x2xf32>
    %mul3A_222 = vector.broadcast %tanh3A_218 : vector<128x1xf32> to vector<128x2xf32>
    %mul3A_223 = vector.broadcast %get3A_221 : vector<1x2xf32> to vector<128x2xf32>
    %mul3A_224 = arith.mulf %mul3A_222, %mul3A_223 : vector<128x2xf32>
    %add3A_225 = arith.addf %add3A_199, %mul3A_224 : vector<128x2xf32>
    %get3A_226 = arith.constant 7 : index
    %get3A_227 = arith.constant 0 : index
    %get3A_228 = arith.constant 0 : index
    %get3A_229 = vector.load %arg3[%get3A_226, %get3A_227, %get3A_228] : memref<16x256x256xf32, #tpu.memory_space<vmem>>, vector<1x256x256xf32>
    %get3A_230 = vector.shape_cast %get3A_229 : vector<1x256x256xf32> to vector<256x256xf32>
    %dot_general3A_231 = arith.constant dense<0.000000e+00> : vector<128x256xf32>
    %dot_general3A_232 = tpu.matmul %div3A_19, %get3A_230, %dot_general3A_231 {dimension_numbers = #tpu.dot_dimension_numbers<[1], [0], [0], [1], [0, 0, 1, 1], [], []>, transpose_lhs_hint = false} : vector<128x256xf32>, vector<256x256xf32>, vector<128x256xf32> -> vector<128x256xf32>
    %mul3A_233 = arith.mulf %dot_general3A_232, %div3A_32 : vector<128x256xf32>
    %reduce_sum3A_234 = arith.constant dense<0.000000e+00> : vector<128xf32>
    %reduce_sum3A_235 = vector.multi_reduction <add>, %mul3A_233, %reduce_sum3A_234 [1] : vector<128x256xf32> to vector<128xf32>
    %broadcast_in_dim3A_236 = vector.shape_cast %reduce_sum3A_235 : vector<128xf32> to vector<128x1xf32>
    %slice3A_237 = vector.extract_strided_slice %add3A {offsets = [0, 7], sizes = [128, 1], strides = [1, 1]} : vector<128x16xf32> to vector<128x1xf32>
    %add3A_238 = arith.addf %broadcast_in_dim3A_236, %slice3A_237 : vector<128x1xf32>
    %get3A_239 = arith.constant 0 : index
    %get3A_240 = arith.constant 7 : index
    %get3A_241 = vector.load %arg5[%get3A_239, %get3A_240] : memref<1x16xf32, #tpu.memory_space<vmem>>, vector<1x1xf32>
    %add3A_242 = vector.broadcast %get3A_241 : vector<1x1xf32> to vector<128x1xf32>
    %add3A_243 = arith.addf %add3A_238, %add3A_242 : vector<128x1xf32>
    %tanh3A_244 = math.tanh %add3A_243 : vector<128x1xf32>
    %get3A_245 = arith.constant 7 : index
    %get3A_246 = arith.constant 0 : index
    %get3A_247 = vector.load %arg6[%get3A_245, %get3A_246] : memref<16x2xf32, #tpu.memory_space<vmem>>, vector<1x2xf32>
    %mul3A_248 = vector.broadcast %tanh3A_244 : vector<128x1xf32> to vector<128x2xf32>
    %mul3A_249 = vector.broadcast %get3A_247 : vector<1x2xf32> to vector<128x2xf32>
    %mul3A_250 = arith.mulf %mul3A_248, %mul3A_249 : vector<128x2xf32>
    %add3A_251 = arith.addf %add3A_225, %mul3A_250 : vector<128x2xf32>
    %get3A_252 = arith.constant 8 : index
    %get3A_253 = arith.constant 0 : index
    %get3A_254 = arith.constant 0 : index
    %get3A_255 = vector.load %arg3[%get3A_252, %get3A_253, %get3A_254] : memref<16x256x256xf32, #tpu.memory_space<vmem>>, vector<1x256x256xf32>
    %get3A_256 = vector.shape_cast %get3A_255 : vector<1x256x256xf32> to vector<256x256xf32>
    %dot_general3A_257 = arith.constant dense<0.000000e+00> : vector<128x256xf32>
    %dot_general3A_258 = tpu.matmul %div3A_19, %get3A_256, %dot_general3A_257 {dimension_numbers = #tpu.dot_dimension_numbers<[1], [0], [0], [1], [0, 0, 1, 1], [], []>, transpose_lhs_hint = false} : vector<128x256xf32>, vector<256x256xf32>, vector<128x256xf32> -> vector<128x256xf32>
    %mul3A_259 = arith.mulf %dot_general3A_258, %div3A_32 : vector<128x256xf32>
    %reduce_sum3A_260 = arith.constant dense<0.000000e+00> : vector<128xf32>
    %reduce_sum3A_261 = vector.multi_reduction <add>, %mul3A_259, %reduce_sum3A_260 [1] : vector<128x256xf32> to vector<128xf32>
    %broadcast_in_dim3A_262 = vector.shape_cast %reduce_sum3A_261 : vector<128xf32> to vector<128x1xf32>
    %slice3A_263 = vector.extract_strided_slice %add3A {offsets = [0, 8], sizes = [128, 1], strides = [1, 1]} : vector<128x16xf32> to vector<128x1xf32>
    %add3A_264 = arith.addf %broadcast_in_dim3A_262, %slice3A_263 : vector<128x1xf32>
    %get3A_265 = arith.constant 0 : index
    %get3A_266 = arith.constant 8 : index
    %get3A_267 = vector.load %arg5[%get3A_265, %get3A_266] : memref<1x16xf32, #tpu.memory_space<vmem>>, vector<1x1xf32>
    %add3A_268 = vector.broadcast %get3A_267 : vector<1x1xf32> to vector<128x1xf32>
    %add3A_269 = arith.addf %add3A_264, %add3A_268 : vector<128x1xf32>
    %tanh3A_270 = math.tanh %add3A_269 : vector<128x1xf32>
    %get3A_271 = arith.constant 8 : index
    %get3A_272 = arith.constant 0 : index
    %get3A_273 = vector.load %arg6[%get3A_271, %get3A_272] : memref<16x2xf32, #tpu.memory_space<vmem>>, vector<1x2xf32>
    %mul3A_274 = vector.broadcast %tanh3A_270 : vector<128x1xf32> to vector<128x2xf32>
    %mul3A_275 = vector.broadcast %get3A_273 : vector<1x2xf32> to vector<128x2xf32>
    %mul3A_276 = arith.mulf %mul3A_274, %mul3A_275 : vector<128x2xf32>
    %add3A_277 = arith.addf %add3A_251, %mul3A_276 : vector<128x2xf32>
    %get3A_278 = arith.constant 9 : index
    %get3A_279 = arith.constant 0 : index
    %get3A_280 = arith.constant 0 : index
    %get3A_281 = vector.load %arg3[%get3A_278, %get3A_279, %get3A_280] : memref<16x256x256xf32, #tpu.memory_space<vmem>>, vector<1x256x256xf32>
    %get3A_282 = vector.shape_cast %get3A_281 : vector<1x256x256xf32> to vector<256x256xf32>
    %dot_general3A_283 = arith.constant dense<0.000000e+00> : vector<128x256xf32>
    %dot_general3A_284 = tpu.matmul %div3A_19, %get3A_282, %dot_general3A_283 {dimension_numbers = #tpu.dot_dimension_numbers<[1], [0], [0], [1], [0, 0, 1, 1], [], []>, transpose_lhs_hint = false} : vector<128x256xf32>, vector<256x256xf32>, vector<128x256xf32> -> vector<128x256xf32>
    %mul3A_285 = arith.mulf %dot_general3A_284, %div3A_32 : vector<128x256xf32>
    %reduce_sum3A_286 = arith.constant dense<0.000000e+00> : vector<128xf32>
    %reduce_sum3A_287 = vector.multi_reduction <add>, %mul3A_285, %reduce_sum3A_286 [1] : vector<128x256xf32> to vector<128xf32>
    %broadcast_in_dim3A_288 = vector.shape_cast %reduce_sum3A_287 : vector<128xf32> to vector<128x1xf32>
    %slice3A_289 = vector.extract_strided_slice %add3A {offsets = [0, 9], sizes = [128, 1], strides = [1, 1]} : vector<128x16xf32> to vector<128x1xf32>
    %add3A_290 = arith.addf %broadcast_in_dim3A_288, %slice3A_289 : vector<128x1xf32>
    %get3A_291 = arith.constant 0 : index
    %get3A_292 = arith.constant 9 : index
    %get3A_293 = vector.load %arg5[%get3A_291, %get3A_292] : memref<1x16xf32, #tpu.memory_space<vmem>>, vector<1x1xf32>
    %add3A_294 = vector.broadcast %get3A_293 : vector<1x1xf32> to vector<128x1xf32>
    %add3A_295 = arith.addf %add3A_290, %add3A_294 : vector<128x1xf32>
    %tanh3A_296 = math.tanh %add3A_295 : vector<128x1xf32>
    %get3A_297 = arith.constant 9 : index
    %get3A_298 = arith.constant 0 : index
    %get3A_299 = vector.load %arg6[%get3A_297, %get3A_298] : memref<16x2xf32, #tpu.memory_space<vmem>>, vector<1x2xf32>
    %mul3A_300 = vector.broadcast %tanh3A_296 : vector<128x1xf32> to vector<128x2xf32>
    %mul3A_301 = vector.broadcast %get3A_299 : vector<1x2xf32> to vector<128x2xf32>
    %mul3A_302 = arith.mulf %mul3A_300, %mul3A_301 : vector<128x2xf32>
    %add3A_303 = arith.addf %add3A_277, %mul3A_302 : vector<128x2xf32>
    %get3A_304 = arith.constant 10 : index
    %get3A_305 = arith.constant 0 : index
    %get3A_306 = arith.constant 0 : index
    %get3A_307 = vector.load %arg3[%get3A_304, %get3A_305, %get3A_306] : memref<16x256x256xf32, #tpu.memory_space<vmem>>, vector<1x256x256xf32>
    %get3A_308 = vector.shape_cast %get3A_307 : vector<1x256x256xf32> to vector<256x256xf32>
    %dot_general3A_309 = arith.constant dense<0.000000e+00> : vector<128x256xf32>
    %dot_general3A_310 = tpu.matmul %div3A_19, %get3A_308, %dot_general3A_309 {dimension_numbers = #tpu.dot_dimension_numbers<[1], [0], [0], [1], [0, 0, 1, 1], [], []>, transpose_lhs_hint = false} : vector<128x256xf32>, vector<256x256xf32>, vector<128x256xf32> -> vector<128x256xf32>
    %mul3A_311 = arith.mulf %dot_general3A_310, %div3A_32 : vector<128x256xf32>
    %reduce_sum3A_312 = arith.constant dense<0.000000e+00> : vector<128xf32>
    %reduce_sum3A_313 = vector.multi_reduction <add>, %mul3A_311, %reduce_sum3A_312 [1] : vector<128x256xf32> to vector<128xf32>
    %broadcast_in_dim3A_314 = vector.shape_cast %reduce_sum3A_313 : vector<128xf32> to vector<128x1xf32>
    %slice3A_315 = vector.extract_strided_slice %add3A {offsets = [0, 10], sizes = [128, 1], strides = [1, 1]} : vector<128x16xf32> to vector<128x1xf32>
    %add3A_316 = arith.addf %broadcast_in_dim3A_314, %slice3A_315 : vector<128x1xf32>
    %get3A_317 = arith.constant 0 : index
    %get3A_318 = arith.constant 10 : index
    %get3A_319 = vector.load %arg5[%get3A_317, %get3A_318] : memref<1x16xf32, #tpu.memory_space<vmem>>, vector<1x1xf32>
    %add3A_320 = vector.broadcast %get3A_319 : vector<1x1xf32> to vector<128x1xf32>
    %add3A_321 = arith.addf %add3A_316, %add3A_320 : vector<128x1xf32>
    %tanh3A_322 = math.tanh %add3A_321 : vector<128x1xf32>
    %get3A_323 = arith.constant 10 : index
    %get3A_324 = arith.constant 0 : index
    %get3A_325 = vector.load %arg6[%get3A_323, %get3A_324] : memref<16x2xf32, #tpu.memory_space<vmem>>, vector<1x2xf32>
    %mul3A_326 = vector.broadcast %tanh3A_322 : vector<128x1xf32> to vector<128x2xf32>
    %mul3A_327 = vector.broadcast %get3A_325 : vector<1x2xf32> to vector<128x2xf32>
    %mul3A_328 = arith.mulf %mul3A_326, %mul3A_327 : vector<128x2xf32>
    %add3A_329 = arith.addf %add3A_303, %mul3A_328 : vector<128x2xf32>
    %get3A_330 = arith.constant 11 : index
    %get3A_331 = arith.constant 0 : index
    %get3A_332 = arith.constant 0 : index
    %get3A_333 = vector.load %arg3[%get3A_330, %get3A_331, %get3A_332] : memref<16x256x256xf32, #tpu.memory_space<vmem>>, vector<1x256x256xf32>
    %get3A_334 = vector.shape_cast %get3A_333 : vector<1x256x256xf32> to vector<256x256xf32>
    %dot_general3A_335 = arith.constant dense<0.000000e+00> : vector<128x256xf32>
    %dot_general3A_336 = tpu.matmul %div3A_19, %get3A_334, %dot_general3A_335 {dimension_numbers = #tpu.dot_dimension_numbers<[1], [0], [0], [1], [0, 0, 1, 1], [], []>, transpose_lhs_hint = false} : vector<128x256xf32>, vector<256x256xf32>, vector<128x256xf32> -> vector<128x256xf32>
    %mul3A_337 = arith.mulf %dot_general3A_336, %div3A_32 : vector<128x256xf32>
    %reduce_sum3A_338 = arith.constant dense<0.000000e+00> : vector<128xf32>
    %reduce_sum3A_339 = vector.multi_reduction <add>, %mul3A_337, %reduce_sum3A_338 [1] : vector<128x256xf32> to vector<128xf32>
    %broadcast_in_dim3A_340 = vector.shape_cast %reduce_sum3A_339 : vector<128xf32> to vector<128x1xf32>
    %slice3A_341 = vector.extract_strided_slice %add3A {offsets = [0, 11], sizes = [128, 1], strides = [1, 1]} : vector<128x16xf32> to vector<128x1xf32>
    %add3A_342 = arith.addf %broadcast_in_dim3A_340, %slice3A_341 : vector<128x1xf32>
    %get3A_343 = arith.constant 0 : index
    %get3A_344 = arith.constant 11 : index
    %get3A_345 = vector.load %arg5[%get3A_343, %get3A_344] : memref<1x16xf32, #tpu.memory_space<vmem>>, vector<1x1xf32>
    %add3A_346 = vector.broadcast %get3A_345 : vector<1x1xf32> to vector<128x1xf32>
    %add3A_347 = arith.addf %add3A_342, %add3A_346 : vector<128x1xf32>
    %tanh3A_348 = math.tanh %add3A_347 : vector<128x1xf32>
    %get3A_349 = arith.constant 11 : index
    %get3A_350 = arith.constant 0 : index
    %get3A_351 = vector.load %arg6[%get3A_349, %get3A_350] : memref<16x2xf32, #tpu.memory_space<vmem>>, vector<1x2xf32>
    %mul3A_352 = vector.broadcast %tanh3A_348 : vector<128x1xf32> to vector<128x2xf32>
    %mul3A_353 = vector.broadcast %get3A_351 : vector<1x2xf32> to vector<128x2xf32>
    %mul3A_354 = arith.mulf %mul3A_352, %mul3A_353 : vector<128x2xf32>
    %add3A_355 = arith.addf %add3A_329, %mul3A_354 : vector<128x2xf32>
    %get3A_356 = arith.constant 12 : index
    %get3A_357 = arith.constant 0 : index
    %get3A_358 = arith.constant 0 : index
    %get3A_359 = vector.load %arg3[%get3A_356, %get3A_357, %get3A_358] : memref<16x256x256xf32, #tpu.memory_space<vmem>>, vector<1x256x256xf32>
    %get3A_360 = vector.shape_cast %get3A_359 : vector<1x256x256xf32> to vector<256x256xf32>
    %dot_general3A_361 = arith.constant dense<0.000000e+00> : vector<128x256xf32>
    %dot_general3A_362 = tpu.matmul %div3A_19, %get3A_360, %dot_general3A_361 {dimension_numbers = #tpu.dot_dimension_numbers<[1], [0], [0], [1], [0, 0, 1, 1], [], []>, transpose_lhs_hint = false} : vector<128x256xf32>, vector<256x256xf32>, vector<128x256xf32> -> vector<128x256xf32>
    %mul3A_363 = arith.mulf %dot_general3A_362, %div3A_32 : vector<128x256xf32>
    %reduce_sum3A_364 = arith.constant dense<0.000000e+00> : vector<128xf32>
    %reduce_sum3A_365 = vector.multi_reduction <add>, %mul3A_363, %reduce_sum3A_364 [1] : vector<128x256xf32> to vector<128xf32>
    %broadcast_in_dim3A_366 = vector.shape_cast %reduce_sum3A_365 : vector<128xf32> to vector<128x1xf32>
    %slice3A_367 = vector.extract_strided_slice %add3A {offsets = [0, 12], sizes = [128, 1], strides = [1, 1]} : vector<128x16xf32> to vector<128x1xf32>
    %add3A_368 = arith.addf %broadcast_in_dim3A_366, %slice3A_367 : vector<128x1xf32>
    %get3A_369 = arith.constant 0 : index
    %get3A_370 = arith.constant 12 : index
    %get3A_371 = vector.load %arg5[%get3A_369, %get3A_370] : memref<1x16xf32, #tpu.memory_space<vmem>>, vector<1x1xf32>
    %add3A_372 = vector.broadcast %get3A_371 : vector<1x1xf32> to vector<128x1xf32>
    %add3A_373 = arith.addf %add3A_368, %add3A_372 : vector<128x1xf32>
    %tanh3A_374 = math.tanh %add3A_373 : vector<128x1xf32>
    %get3A_375 = arith.constant 12 : index
    %get3A_376 = arith.constant 0 : index
    %get3A_377 = vector.load %arg6[%get3A_375, %get3A_376] : memref<16x2xf32, #tpu.memory_space<vmem>>, vector<1x2xf32>
    %mul3A_378 = vector.broadcast %tanh3A_374 : vector<128x1xf32> to vector<128x2xf32>
    %mul3A_379 = vector.broadcast %get3A_377 : vector<1x2xf32> to vector<128x2xf32>
    %mul3A_380 = arith.mulf %mul3A_378, %mul3A_379 : vector<128x2xf32>
    %add3A_381 = arith.addf %add3A_355, %mul3A_380 : vector<128x2xf32>
    %get3A_382 = arith.constant 13 : index
    %get3A_383 = arith.constant 0 : index
    %get3A_384 = arith.constant 0 : index
    %get3A_385 = vector.load %arg3[%get3A_382, %get3A_383, %get3A_384] : memref<16x256x256xf32, #tpu.memory_space<vmem>>, vector<1x256x256xf32>
    %get3A_386 = vector.shape_cast %get3A_385 : vector<1x256x256xf32> to vector<256x256xf32>
    %dot_general3A_387 = arith.constant dense<0.000000e+00> : vector<128x256xf32>
    %dot_general3A_388 = tpu.matmul %div3A_19, %get3A_386, %dot_general3A_387 {dimension_numbers = #tpu.dot_dimension_numbers<[1], [0], [0], [1], [0, 0, 1, 1], [], []>, transpose_lhs_hint = false} : vector<128x256xf32>, vector<256x256xf32>, vector<128x256xf32> -> vector<128x256xf32>
    %mul3A_389 = arith.mulf %dot_general3A_388, %div3A_32 : vector<128x256xf32>
    %reduce_sum3A_390 = arith.constant dense<0.000000e+00> : vector<128xf32>
    %reduce_sum3A_391 = vector.multi_reduction <add>, %mul3A_389, %reduce_sum3A_390 [1] : vector<128x256xf32> to vector<128xf32>
    %broadcast_in_dim3A_392 = vector.shape_cast %reduce_sum3A_391 : vector<128xf32> to vector<128x1xf32>
    %slice3A_393 = vector.extract_strided_slice %add3A {offsets = [0, 13], sizes = [128, 1], strides = [1, 1]} : vector<128x16xf32> to vector<128x1xf32>
    %add3A_394 = arith.addf %broadcast_in_dim3A_392, %slice3A_393 : vector<128x1xf32>
    %get3A_395 = arith.constant 0 : index
    %get3A_396 = arith.constant 13 : index
    %get3A_397 = vector.load %arg5[%get3A_395, %get3A_396] : memref<1x16xf32, #tpu.memory_space<vmem>>, vector<1x1xf32>
    %add3A_398 = vector.broadcast %get3A_397 : vector<1x1xf32> to vector<128x1xf32>
    %add3A_399 = arith.addf %add3A_394, %add3A_398 : vector<128x1xf32>
    %tanh3A_400 = math.tanh %add3A_399 : vector<128x1xf32>
    %get3A_401 = arith.constant 13 : index
    %get3A_402 = arith.constant 0 : index
    %get3A_403 = vector.load %arg6[%get3A_401, %get3A_402] : memref<16x2xf32, #tpu.memory_space<vmem>>, vector<1x2xf32>
    %mul3A_404 = vector.broadcast %tanh3A_400 : vector<128x1xf32> to vector<128x2xf32>
    %mul3A_405 = vector.broadcast %get3A_403 : vector<1x2xf32> to vector<128x2xf32>
    %mul3A_406 = arith.mulf %mul3A_404, %mul3A_405 : vector<128x2xf32>
    %add3A_407 = arith.addf %add3A_381, %mul3A_406 : vector<128x2xf32>
    %get3A_408 = arith.constant 14 : index
    %get3A_409 = arith.constant 0 : index
    %get3A_410 = arith.constant 0 : index
    %get3A_411 = vector.load %arg3[%get3A_408, %get3A_409, %get3A_410] : memref<16x256x256xf32, #tpu.memory_space<vmem>>, vector<1x256x256xf32>
    %get3A_412 = vector.shape_cast %get3A_411 : vector<1x256x256xf32> to vector<256x256xf32>
    %dot_general3A_413 = arith.constant dense<0.000000e+00> : vector<128x256xf32>
    %dot_general3A_414 = tpu.matmul %div3A_19, %get3A_412, %dot_general3A_413 {dimension_numbers = #tpu.dot_dimension_numbers<[1], [0], [0], [1], [0, 0, 1, 1], [], []>, transpose_lhs_hint = false} : vector<128x256xf32>, vector<256x256xf32>, vector<128x256xf32> -> vector<128x256xf32>
    %mul3A_415 = arith.mulf %dot_general3A_414, %div3A_32 : vector<128x256xf32>
    %reduce_sum3A_416 = arith.constant dense<0.000000e+00> : vector<128xf32>
    %reduce_sum3A_417 = vector.multi_reduction <add>, %mul3A_415, %reduce_sum3A_416 [1] : vector<128x256xf32> to vector<128xf32>
    %broadcast_in_dim3A_418 = vector.shape_cast %reduce_sum3A_417 : vector<128xf32> to vector<128x1xf32>
    %slice3A_419 = vector.extract_strided_slice %add3A {offsets = [0, 14], sizes = [128, 1], strides = [1, 1]} : vector<128x16xf32> to vector<128x1xf32>
    %add3A_420 = arith.addf %broadcast_in_dim3A_418, %slice3A_419 : vector<128x1xf32>
    %get3A_421 = arith.constant 0 : index
    %get3A_422 = arith.constant 14 : index
    %get3A_423 = vector.load %arg5[%get3A_421, %get3A_422] : memref<1x16xf32, #tpu.memory_space<vmem>>, vector<1x1xf32>
    %add3A_424 = vector.broadcast %get3A_423 : vector<1x1xf32> to vector<128x1xf32>
    %add3A_425 = arith.addf %add3A_420, %add3A_424 : vector<128x1xf32>
    %tanh3A_426 = math.tanh %add3A_425 : vector<128x1xf32>
    %get3A_427 = arith.constant 14 : index
    %get3A_428 = arith.constant 0 : index
    %get3A_429 = vector.load %arg6[%get3A_427, %get3A_428] : memref<16x2xf32, #tpu.memory_space<vmem>>, vector<1x2xf32>
    %mul3A_430 = vector.broadcast %tanh3A_426 : vector<128x1xf32> to vector<128x2xf32>
    %mul3A_431 = vector.broadcast %get3A_429 : vector<1x2xf32> to vector<128x2xf32>
    %mul3A_432 = arith.mulf %mul3A_430, %mul3A_431 : vector<128x2xf32>
    %add3A_433 = arith.addf %add3A_407, %mul3A_432 : vector<128x2xf32>
    %get3A_434 = arith.constant 15 : index
    %get3A_435 = arith.constant 0 : index
    %get3A_436 = arith.constant 0 : index
    %get3A_437 = vector.load %arg3[%get3A_434, %get3A_435, %get3A_436] : memref<16x256x256xf32, #tpu.memory_space<vmem>>, vector<1x256x256xf32>
    %get3A_438 = vector.shape_cast %get3A_437 : vector<1x256x256xf32> to vector<256x256xf32>
    %dot_general3A_439 = arith.constant dense<0.000000e+00> : vector<128x256xf32>
    %dot_general3A_440 = tpu.matmul %div3A_19, %get3A_438, %dot_general3A_439 {dimension_numbers = #tpu.dot_dimension_numbers<[1], [0], [0], [1], [0, 0, 1, 1], [], []>, transpose_lhs_hint = false} : vector<128x256xf32>, vector<256x256xf32>, vector<128x256xf32> -> vector<128x256xf32>
    %mul3A_441 = arith.mulf %dot_general3A_440, %div3A_32 : vector<128x256xf32>
    %reduce_sum3A_442 = arith.constant dense<0.000000e+00> : vector<128xf32>
    %reduce_sum3A_443 = vector.multi_reduction <add>, %mul3A_441, %reduce_sum3A_442 [1] : vector<128x256xf32> to vector<128xf32>
    %broadcast_in_dim3A_444 = vector.shape_cast %reduce_sum3A_443 : vector<128xf32> to vector<128x1xf32>
    %slice3A_445 = vector.extract_strided_slice %add3A {offsets = [0, 15], sizes = [128, 1], strides = [1, 1]} : vector<128x16xf32> to vector<128x1xf32>
    %add3A_446 = arith.addf %broadcast_in_dim3A_444, %slice3A_445 : vector<128x1xf32>
    %get3A_447 = arith.constant 0 : index
    %get3A_448 = arith.constant 15 : index
    %get3A_449 = vector.load %arg5[%get3A_447, %get3A_448] : memref<1x16xf32, #tpu.memory_space<vmem>>, vector<1x1xf32>
    %add3A_450 = vector.broadcast %get3A_449 : vector<1x1xf32> to vector<128x1xf32>
    %add3A_451 = arith.addf %add3A_446, %add3A_450 : vector<128x1xf32>
    %tanh3A_452 = math.tanh %add3A_451 : vector<128x1xf32>
    %get3A_453 = arith.constant 15 : index
    %get3A_454 = arith.constant 0 : index
    %get3A_455 = vector.load %arg6[%get3A_453, %get3A_454] : memref<16x2xf32, #tpu.memory_space<vmem>>, vector<1x2xf32>
    %mul3A_456 = vector.broadcast %tanh3A_452 : vector<128x1xf32> to vector<128x2xf32>
    %mul3A_457 = vector.broadcast %get3A_455 : vector<1x2xf32> to vector<128x2xf32>
    %mul3A_458 = arith.mulf %mul3A_456, %mul3A_457 : vector<128x2xf32>
    %add3A_459 = arith.addf %add3A_433, %mul3A_458 : vector<128x2xf32>
    %swap3A = arith.constant 0 : index
    %swap3A_460 = arith.constant 0 : index
    %swap3A_461 = vector.load %arg8[%swap3A, %swap3A_460] : memref<128x2xf32, #tpu.memory_space<vmem>>, vector<128x2xf32>
    tpu.vector_store %arg8[%swap3A, %swap3A_460], %add3A_459 {strides = array<i32>} : memref<128x2xf32, #tpu.memory_space<vmem>>, vector<128x2xf32>,
    return
  }
}

</mosaic_0001>

<sc_bundles>
// kernel: kernel.10.cloned.1.call-start
scs
__scs_entry_jumppad:
0x0: {  	(pc) =	sbr.rel $0x88, $3  }
0x1: {  	(tag) =	ssettag $0x0;
	lr =	simm.s32 $0x1  }
0x2: {  	[smem:$0x3F93] =	sst lr;
	_ =	strace $0xD0000000  }
0x3: {  	_ = 	snop  }
0x4: {  	_ = 	snop  }
0x5: {  	_ = 	snop  }
0x6: {  	_ = 	snop  }
0x7: {  	_ = 	snop  }
__scs_overlays_trampoline_lowered:
0x8: {  	[smem:$0x3FA2] =	sst s0  }
0x9: {  	[smem:$0x3FA3] =	sst s1  }
0xa: {  	[smem:$0x3FA4] =	sst s2  }
0xb: {  	[smem:$0x3FA5] =	sst s3  }
0xc: {  	[smem:$0x3FA6] =	sst s4  }
0xd: {  	[smem:$0x3FA7] =	sst s5  }
0xe: {  	[smem:$0x3FA8] =	sst s6  }
0xf: {  	[smem:$0x3FA9] =	sst s7  }
0x10: {  	[smem:$0x3FAA] =	sst s8  }
0x11: {  	[smem:$0x3FAB] =	sst s9;
	s0 =	simm.s32 @!p0 $0x0  }
0x12: {  	s1 =	sld [smem:$0x3F91];
	s0 =	simm.s32 @p0 $0x1  }
0x13: {  	[smem:$0x3FAC] =	sst s0;
	s0 =	simm.s32 @!p1 $0x0  }
0x14: {  	s2 =	sld [smem:$0x3F90];
	s0 =	simm.s32 @p1 $0x1  }
0x15: {  	[smem:$0x3FAD] =	sst s0;
	s0 =	simm.s32 @!p2 $0x0  }
0x16: {  	s3 =	sld [smem:$0x3FDB];
	s0 =	simm.s32 @p2 $0x1  }
0x17: {  	s4 =	simm.s32 $0x1BF5;
	[smem:$0x3FAF] =	sst s0  }
0x18: {  	s0 =	sld [smem:$0x3F92];
	_ =	swait.ge [sflag:s4], $0x0  }
0x19: {  	s7 =	sld [smem:$0x3F93]  }
0x1a: {  	s8 =	sadd.s32 $0xFFFFE003, lr  }
0x1b: {  	s9 =	sadd.s32 $0xFFFFFEF7, lr;
	s5 =	simm.s32 $0xFFFFFFFF;
	p2 =	slt.u32 s8, $0xFFFFF086  }
0x1c: {  	p1 =	slt.u32 s9, $0xF7A;
	s5 =	simm.s32 @!p2 $0x0  }
0x1d: {  	s5 =	simm.s32 @p1 $0x1;
	p0 =	seq.s32 s7, s2  }
0x1e: {  	s7 =	smul.u32 @!p0 $0xF7A, s2;
	p2 =	seq.s32 @!p0 s5, $0x0  }
0x1f: {  	s9 =	smul.u32 $0xF7A, s1;
	s8 =	simm.s32 @!p0 $0x1BF5;
	p2 =	por !p2, p0  }
0x20: {  	[sflag:s8] =	ssyncset.s32 @!p0 $0xFFFFF086;
	s6 =	sadd.s32 @!p0 s3, s7;
	s7 =	simm.s32 @!p0 $0x108  }
0x21: {  	s3 =	sadd.s32 s3, s9;
	s6 =	sadd.s32 @!p0 $0x88, s6;
	s7 =	simm.s32 @p2 $0x1082  }
0x22: {  	[simem:s7], [sflag:s8] =	dma.local @!p0 [hbm:s6], $0xF7A  }
0x23: {  	s9 =	sor.u32 $0xD0000000, s2;
	s6 =	simm.s32 $0x108;
	_ =	swait.ge @!p0 [sflag:s8], $0x0  }
0x24: {  	s3 =	sadd.s32 $0x88, s3;
	s6 =	simm.s32 @!p1 $0x1082;
	[sflag:s4] =	ssyncset.s32 $0xFFFFF086  }
0x25: {  	[simem:s6], [sflag:s4] =	dma.local [hbm:s3], $0xF7A  }
0x26: {  	[smem:$0x3F93] =	sst s1;
	(tag) =	ssettag s2;
	_ =	strace s9  }
0x27: {  	s1 =	sld [smem:$0x3FA3]  }
0x28: {  	s2 =	sld [smem:$0x3FA4]  }
0x29: {  	s4 =	sld [smem:$0x3FA6]  }
0x2a: {  	p0 =	seq.s32 s5, $0x0;
	s5 =	sld [smem:$0x3FA7]  }
0x2b: {  	s6 =	sld [smem:$0x3FA8]  }
0x2c: {  	s7 =	sld [smem:$0x3FA9]  }
0x2d: {  	s3 =	simm.s32 $0x108;
	s8 =	sld [smem:$0x3FAA]  }
0x2e: {  	s3 =	simm.s32 @!p0 $0x1082;
	s9 =	sld [smem:$0x3FAB]  }
0x2f: {  	lr =	sadd.s32 s0, s3;
	s0 =	sld [smem:$0x3FA2]  }
0x30: {  	s3 =	sld [smem:$0x3FA5]  }
0x31: {  	[smem:$0x3FAE] =	sst s10  }
0x32: {  	s10 =	sld [smem:$0x3FAC];
	_ =	sdelay $0x3  }
0x33: {  	p0 =	seq.s32 s10, $0x1;
	s10 =	sld [smem:$0x3FAE];
	_ =	sdelay $0x3  }
0x34: {  	[smem:$0x3FAE] =	sst s10  }
0x35: {  	s10 =	sld [smem:$0x3FAD];
	_ =	sdelay $0x3  }
0x36: {  	p1 =	seq.s32 s10, $0x1;
	s10 =	sld [smem:$0x3FAE];
	_ =	sdelay $0x3  }
0x37: {  	[smem:$0x3FAE] =	sst s10  }
0x38: {  	s10 =	sld [smem:$0x3FAF]  }
0x39: {  	_ = 	snop;
	(pc) =	sbr.ind lr, $3  }
0x3a: {  	_ = 	snop  }
0x3b: {  	_ = 	snop  }
0x3c: {  	p2 =	seq.s32 s10, $0x1;
	s10 =	sld [smem:$0x3FAE]  }
0x3d: {  	_ =	shalt  }
0x3e: {  	_ =	shalt  }
0x3f: {  	_ =	shalt  }
0x40: {  	_ =	shalt  }
0x41: {  	_ =	shalt  }
0x42: {  	_ =	shalt  }
0x43: {  	_ =	shalt  }
0x44: {  	_ =	shalt  }
0x45: {  	_ =	shalt  }
0x46: {  	_ =	shalt  }
0x47: {  	_ =	shalt  }
0x48: {  	_ =	shalt  }
0x49: {  	_ =	shalt  }
0x4a: {  	_ =	shalt  }
0x4b: {  	_ =	shalt  }
0x4c: {  	_ =	shalt  }
0x4d: {  	_ =	shalt  }
0x4e: {  	_ =	shalt  }
0x4f: {  	_ =	shalt  }
0x50: {  	_ =	shalt  }
0x51: {  	_ =	shalt  }
0x52: {  	_ =	shalt  }
0x53: {  	_ =	shalt  }
0x54: {  	_ =	shalt  }
0x55: {  	_ =	shalt  }
0x56: {  	_ =	shalt  }
0x57: {  	_ =	shalt  }
0x58: {  	_ =	shalt  }
0x59: {  	_ =	shalt  }
0x5a: {  	_ =	shalt  }
0x5b: {  	_ =	shalt  }
0x5c: {  	_ =	shalt  }
0x5d: {  	_ =	shalt  }
0x5e: {  	_ =	shalt  }
0x5f: {  	_ =	shalt  }
0x60: {  	_ =	shalt  }
0x61: {  	_ =	shalt  }
0x62: {  	_ =	shalt  }
0x63: {  	_ =	shalt  }
0x64: {  	_ =	shalt  }
0x65: {  	_ =	shalt  }
0x66: {  	_ =	shalt  }
0x67: {  	_ =	shalt  }
0x68: {  	_ =	shalt  }
0x69: {  	_ =	shalt  }
0x6a: {  	_ =	shalt  }
0x6b: {  	_ =	shalt  }
0x6c: {  	_ =	shalt  }
0x6d: {  	_ =	shalt  }
0x6e: {  	_ =	shalt  }
0x6f: {  	_ =	shalt  }
0x70: {  	_ =	shalt  }
0x71: {  	_ =	shalt  }
0x72: {  	_ =	shalt  }
0x73: {  	_ =	shalt  }
0x74: {  	_ =	shalt  }
0x75: {  	_ =	shalt  }
0x76: {  	_ =	shalt  }
0x77: {  	_ =	shalt  }
0x78: {  	_ =	shalt  }
0x79: {  	_ =	shalt  }
0x7a: {  	_ =	shalt  }
0x7b: {  	_ =	shalt  }
0x7c: {  	_ =	shalt  }
0x7d: {  	_ =	shalt  }
0x7e: {  	_ =	shalt  }
0x7f: {  	_ =	shalt  }
0x80: {  	_ =	shalt  }
0x81: {  	_ =	shalt  }
0x82: {  	_ =	shalt  }
0x83: {  	_ =	shalt  }
0x84: {  	_ =	shalt  }
0x85: {  	_ =	shalt  }
0x86: {  	_ =	shalt  }
0x87: {  	_ =	shalt  }
.Lfunc_end0:
.L_simem_size_0:
called_computation_lowered:
.L_overlay_start_0:
0x88: {  	s2 =	sld [smem:$0x3FD9]  }
0x89: {  	s3 =	sld [smem:$0x3FFE];
	_ =	sdelay $0x1  }
0x8a: {  	s1 =	srdreg.scid  }
0x8b: {  	s0 =	sand.u32 $0x1, s1  }
0x8c: {  	s17 =	sshll.u32 s0, $0xA;
	s2 =	sadd.s32 s3, s2  }
0x8d: {  	s2 =	sadd.s32 s2, s17  }
0x8e: {  	[smem:$0x3FBA] =	sst s2  }
0x8f: {  	_ = 	snop  }
0x90: {  	s2 =	sld [smem:$0x3FC6]  }
0x91: {  	s18 =	sld [smem:$0x3FC5];
	(tm) =	ssettm $0x1  }
0x92: {  	s4 =	sld [smem:$0x3FFB];
	_ =	sdelay $0x3  }
0x93: {  	_ =	strace s4  }
0x94: {  	s4 =	sld [smem:$0x3FFC];
	_ =	sdelay $0x3  }
0x95: {  	_ =	strace s4  }
0x96: {  	s4 =	sld [smem:$0x3FFD];
	_ =	sdelay $0x3  }
0x97: {  	_ =	strace s4  }
0x98: {  	_ =	strace $0x8FFFFFFF  }
0x99: {  	s19 =	sld [smem:$0x3FDB];
	_ =	sdelay $0x1  }
0x9a: {  	s5 =	simm.s32 $_scs_section_size  }
0x9b: {  	s6 =	simm.s32 $_size__tile_overlayer_lowered;
	s7 =	simm.s32 $_tile_overlayer_lowered  }
0x9c: {  	s22 =	simm.s32 $0x1BFF;
	s21 =	sshll.u32 s7, $0x1;
	s4 =	sadd.s32 s5, s19  }
0x9d: {  	s8 =	simm.s32 $0x0;
	s20 =	sshll.u32 s6, $0x1;
	s6 =	sadd.s32 s21, s4  }
0x9e: {  	[timem:s8], [sflag:s22] =	dma.local [hbm:s6], s20  }
0x9f: {  	_ =	swait.ge [sflag:s22], s20  }
0xa0: {  	s5 =	ssub.s32 $0x0, s20;
	[sflag:s22] =	ssyncset.done $0x0  }
0xa1: {  	[sflag:s22] =	ssyncadd.s32 s5;
	_ =	sdelay $0x1  }
0xa2: {  	s23 =	simm.s32 $0x1B8B  }
0xa3: {  	_ =	swait.ge [sflag:s23], $0x1  }
0xa4: {  	[sflag:s23] =	ssyncset.done $0x0  }
0xa5: {  	s25 =	simm.s32 $0x1B8E;
	s24 =	sld [smem:$0x3FFE];
	[sflag:s23] =	ssyncadd.s32 $0xFFFFFFFF  }
0xa6: {  	s26 =	simm.s32 $execute0_lowered;
	[smem:$0x3FD2] =	sst s25  }
0xa7: {  	s6 =	sshll.u32 s26, $0x1;
	_ =	strace $0x80000046;
	[dreg:$0x1] =	wrdreg $0xFFFFFFFF  }
0xa8: {  	s28 =	simm.s32 $_size_execute0_lowered;
	s4 =	sadd.s32 s4, s6;
	[dreg:$0x0] =	wrdreg $0x0  }
0xa9: {  	s6 =	sshll.u32 s28, $0x1;
	[dreg:$0x2] =	wrdreg s4  }
0xaa: {  	[dreg:$0x3] =	wrdreg s6  }
0xab: {  	[dreg:$0x4] =	wrdreg $0xC0  }
0xac: {  	_ =	task [dreg:s8], $0x5FFFF  }
0xad: {  	[dreg:$0x1] =	wrdreg $0xFFFFFFFF  }
0xae: {  	[dreg:$0x0] =	wrdreg $0x60  }
0xaf: {  	[dreg:$0x2] =	wrdreg s24  }
0xb0: {  	[dreg:$0x3] =	wrdreg s2  }
0xb1: {  	[dreg:$0x4] =	wrdreg s18  }
0xb2: {  	[dreg:$0x5] =	wrdreg $0x11F800  }
0xb3: {  	[dreg:$0x6] =	wrdreg $0x9  }
0xb4: {  	_ =	task.clear_ibuf [dreg:s8], $0x7FFFF;
	_ =	strace $0x90000046  }
0xb5: {  	s29 =	simm.s32 $0x9;
	_ =	strace $0x80000048  }
0xb6: {  	_ =	swait.ge [sflag:s29], $0x1  }
0xb7: {  	[sflag:s29] =	ssyncadd.s32 $0xFFFFFFFF  }
0xb8: {  	_ =	strace $0x90000048  }
0xb9: {  	_ =	sfence  }
0xba: {  	s30 =	sld [smem:$0x0];
	_ =	sdelay $0x2  }
0xbb: {  	s31 =	sshll.u32 s1, $0xD;
	s1 =	sshrl.u32 s1, $0x2  }
0xbc: {  	s3 =	sand.u32 $0x4000, s31;
	s1 =	sadd.s32 s1, s30  }
0xbd: {  	s0 =	sor.u32 s3, s0;
	s1 =	sshll.u32 s1, $0x11  }
0xbe: {  	s0 =	sor.u32 s1, s0  }
0xbf: {  	s0 =	sadd.s32 $0x8F2B, s0  }
0xc0: {  	[sflag:s0] =	ssyncadd.remote.s32 $0x1  }
0xc1: {  	_ =	sfence.sel $0xFFFF  }
0xc2: {  	[dreg:$0x0] =	wrdreg $0xFFFFFFFF;
	(pc) =	sbr.abs _section_cstart, $3  }
0xc3: {  	[dreg:$0x1] =	wrdreg $0xFFFFFFFF  }
0xc4: {  	_ =	task.clear_ibuf [dreg:s8], $0x2FFFF;
	_ =	strace $0x9FFFFFFF  }
0xc5: {  	(tm) =	ssettm $0x7FFFFFFF  }
tec
execute0_lowered:
.L_overlay_start_1:
0x0: {  	(tag) =	ssettag $0x1  }
0x1: {  	s0 =	rddreg [dreg:$0x0]  }
0x2: {  	s1 =	rddreg [dreg:$0x1]  }
0x3: {  	s17 =	srdreg.scid;
	s2 =	rddreg [dreg:$0x2]  }
0x4: {  	s13 =	stileid.u32;
	s3 =	rddreg [dreg:$0x3]  }
0x5: {  	s4 =	simm.s32 $0x0;
	s23 =	simm.s32 $0x50;
	s25 =	simm.s32 $0x3480  }
0x6: {  	s14 =	simm.s32 $0x5480;
	s15 =	simm.s32 $0x5C80;
	s16 =	simm.s32 $0x6480  }
0x7: {  	s28 =	simm.s32 $0xF480;
	[dreg:$0x5] =	wrdreg s1;
	s5 =	smul.u32 $0x280, s13  }
0x8: {  	s29 =	simm.s32 $0xFC80;
	[smem:$0x7FF] =	sst s4;
	s18 =	smul.u32 $0x2800, s13  }
0x9: {  	s9 =	smul.u32 $0x500, s13;
	_ =	strace $0x80000047;
	[dreg:$0x7] =	wrdreg s23  }
0xa: {  	s22 =	smul.u32 $0xA00, s13;
	s13 =	simm.s32 $0x4C80;
	[dreg:$0x8] =	wrdreg s25  }
0xb: {  	s30 =	simm.s32 $0x10480;
	s1 =	sand.u32 $0x1, s17;
	[dreg:$0xb] =	wrdreg s13  }
0xc: {  	s31 =	simm.s32 $0x10C80;
	s6 =	smul.u32 $0x140, s1;
	[dreg:$0xc] =	wrdreg s14  }
0xd: {  	s7 =	smul.u32 $0x28000, s1;
	s10 =	sshll.u32 s1, $0x7;
	[dreg:$0xd] =	wrdreg s15  }
0xe: {  	s20 =	ssub.s32 $0x2, s1;
	s1 =	smul.u32 $0x1400, s1;
	[dreg:$0xe] =	wrdreg s16  }
0xf: {  	s23 =	simm.s32 $0x8480;
	s25 =	simm.s32 $0x9480;
	s14 =	simm.s32 $0x3  }
0x10: {  	s15 =	simm.s32 $0x480;
	s16 =	simm.s32 $0x2C80;
	s13 =	simm.s32 $0x180  }
0x11: {  	s12 =	sadd.s32 s18, s0;
	s19 =	sor.u32 s10, s9;
	s21 =	sshrl.u32 s20, $0x1  }
0x12: {  	s26 =	sshrl.u32 s22, $0x2;
	s9 =	simm.s32 $0x4480;
	[dreg:$0x12] =	wrdreg s23  }
0x13: {  	s23 =	simm.s32 $0x11D00;
	[dreg:$0x14] =	wrdreg s25;
	s10 =	simm.s32 $0x11C80  }
0x14: {  	s5 =	sadd.s32 s6, s5;
	s7 =	sadd.s32 s18, s7;
	s6 =	sshrl.u32 s19, $0x3  }
0x15: {  	s24 =	ssub.s32 s20, s21;
	s21 =	sadd.s32 s26, s3;
	[dreg:$0xa] =	wrdreg s9  }
0x16: {  	s18 =	simm.s32 $0x6C80;
	s1 =	sadd.s32 s1, s12;
	s19 =	simm.s32 $0x7480  }
0x17: {  	s20 =	simm.s32 $0x7C80;
	s26 =	simm.s32 $0x9C80;
	[dreg:$0xf] =	wrdreg s18  }
0x18: {  	s9 =	simm.s32 $0x80;
	s5 =	sshrl.u32 s5, $0x3;
	[dreg:$0x10] =	wrdreg s19  }
0x19: {  	s7 =	sshrl.u32 s7, $0x3;
	s17 =	smax.u32 s24, $0x1;
	[dreg:$0x11] =	wrdreg s20  }
0x1a: {  	s1 =	sadd.s32 $0x19800, s1;
	s24 =	simm.s32 $0x8C80;
	[dreg:$0x15] =	wrdreg s26  }
0x1b: {  	s18 =	simm.s32 $0x300;
	s19 =	simm.s32 $0x380;
	[dreg:$0x16] =	wrdreg s21  }
0x1c: {  	s20 =	simm.s32 $0x400;
	s8 =	sadd.s32 s5, s0;
	[dreg:$0x18] =	wrdreg s17  }
0x1d: {  	s5 =	smul.u32 $0x300, s5;
	s11 =	sadd.s32 s7, s0;
	[dreg:$0x19] =	wrdreg s1  }
0x1e: {  	s7 =	sadd.s32 $0x200, s2;
	[dreg:$0x13] =	wrdreg s24;
	s1 =	simm.s32 $0x11480  }
0x1f: {  	s17 =	simm.s32 $0x280;
	s24 =	simm.s32 $0x0;
	s8 =	sadd.s32 $0x4800, s8  }
0x20: {  	s12 =	sadd.s32 $0xEE00, s11;
	s11 =	simm.s32 $0x100;
	s5 =	sadd.s32 s5, s0  }
0x21: {  	s0 =	sadd.s32 s6, s0;
	[dreg:$0x6] =	wrdreg s8;
	s8 =	simm.s32 $0x3C80  }
0x22: {  	v0 =	vimm.f32 $1.000000000e+00;
	v4 =	vlaneseq.u32;
	s6 =	sadd.s32 $0x100, s2;
	[dreg:$0x9] =	wrdreg s8;
	s0 =	sadd.s32 $0x18E00, s0  }
0x23: {  	v1 =	vimm.f32 $0.0e+00;
	vm0 =	vmmov $0xffff;
	v3 =	vshrl.u32 v4, $0x3;
	s22 =	sadd.s32 $0x41800, s5;
	s8 =	simm.s32 $0x2;
	[dreg:$0x17] =	wrdreg s0  }
0x24: {  	v2 =	vand.u32 $0x7, v4;
	v4 =	vor.u32 $0x8, v4;
	v3 =	vmul.u32 $0x8, v3;
	s5 =	simm.s32 $0x200;
	[dreg:$0x1a] =	wrdreg s22;
	s0 =	simm.s32 $0x1  }
.LBB2_1:
0x25: {  	[tilespmem:$0x11C80] =	vst v0  }
0x26: {  	[tilespmem:$0x11C90] =	vst v0  }
0x27: {  	[tilespmem:$0x11CA0] =	vst v0  }
0x28: {  	[tilespmem:$0x11CB0] =	vst v0  }
0x29: {  	[tilespmem:$0x11CC0] =	vst v0  }
0x2a: {  	[tilespmem:$0x11CD0] =	vst v0  }
0x2b: {  	[tilespmem:$0x11CE0] =	vst v0  }
0x2c: {  	[tilespmem:$0x11CF0] =	vst v0  }
0x2d: {  	[tilespmem:$0x11D00] =	vst v1  }
0x2e: {  	[tilespmem:$0x11D10] =	vst v1  }
0x2f: {  	[tilespmem:$0x11D20] =	vst v1  }
0x30: {  	[tilespmem:$0x11D30] =	vst v1  }
0x31: {  	[tilespmem:$0x11D40] =	vst v1  }
0x32: {  	[tilespmem:$0x11D50] =	vst v1  }
0x33: {  	[tilespmem:$0x11D60] =	vst v1  }
0x34: {  	[tilespmem:$0x11D70] =	vst v1  }
0x35: {  	[tilespmem:$0x11D80] =	vst v1  }
0x36: {  	[tilespmem:$0x11D90] =	vst v1  }
0x37: {  	[tilespmem:$0x11DA0] =	vst v1  }
0x38: {  	[tilespmem:$0x11DB0] =	vst v1  }
0x39: {  	[tilespmem:$0x11DC0] =	vst v1  }
0x3a: {  	[tilespmem:$0x11DD0] =	vst v1  }
0x3b: {  	[tilespmem:$0x11DE0] =	vst v1  }
0x3c: {  	[tilespmem:$0x11DF0] =	vst v1  }
0x3d: {  	[tilespmem:$0x11E00] =	vst v1  }
0x3e: {  	[tilespmem:$0x11E10] =	vst v1  }
0x3f: {  	[tilespmem:$0x11E20] =	vst v1  }
0x40: {  	[tilespmem:$0x11E30] =	vst v1  }
0x41: {  	[tilespmem:$0x11E40] =	vst v1  }
0x42: {  	[tilespmem:$0x11E50] =	vst v1  }
0x43: {  	[tilespmem:$0x11E60] =	vst v1  }
0x44: {  	[tilespmem:$0x11E70] =	vst v1  }
0x45: {  	[tilespmem:$0x11E80] =	vst v1  }
0x46: {  	[tilespmem:$0x11E90] =	vst v1  }
0x47: {  	[tilespmem:$0x11EA0] =	vst v1  }
0x48: {  	[tilespmem:$0x11EB0] =	vst v1  }
0x49: {  	[tilespmem:$0x11EC0] =	vst v1  }
0x4a: {  	[tilespmem:$0x11ED0] =	vst v1  }
0x4b: {  	[tilespmem:$0x11EE0] =	vst v1  }
0x4c: {  	[tilespmem:$0x11EF0] =	vst v1  }
0x4d: {  	[tilespmem:$0x11F00] =	vst v1  }
0x4e: {  	[tilespmem:$0x11F10] =	vst v1  }
0x4f: {  	[tilespmem:$0x11F20] =	vst v1  }
0x50: {  	[tilespmem:$0x11F30] =	vst v1  }
0x51: {  	[tilespmem:$0x11F40] =	vst v1  }
0x52: {  	[tilespmem:$0x11F50] =	vst v1  }
0x53: {  	[tilespmem:$0x11F60] =	vst v1  }
0x54: {  	[dreg:$0x1b] =	wrdreg s24;
	[tilespmem:$0x11F70] =	vst v1  }
0x55: {  	[spmem:s21] =	stream.linear.scatter [tilespmem:s23], [sflag:$0x3], $0x280, $0x38;
	[tilespmem:$0x12200] =	vst v63  }
0x56: {  	_ =	swait.ge [sflag:s14], $0x280  }
0x57: {  	[sflag:s14] =	ssyncset.done $0x0  }
0x58: {  	[sflag:s14] =	ssyncadd.s32 $0xFFFFFD80  }
0x59: {  	[bflag:$0x0] =	sbarrier.arrive $0xFFFF  }
0x5a: {  	s21 =	rddreg [dreg:$0x1a]  }
0x5b: {  	s23 =	simm.s32 $0x0;
	s22 =	rddreg [dreg:$0x19]  }
.LBB2_2:
0x5c: {  	s24 =	rddreg [dreg:$0x6]  }
0x5d: {  	s25 =	sadd.s32 s23, s24;
	s24 =	simm.s32 $0x0  }
0x5e: {  	[tilespmem:s24], [sflag:$0x3] =	stream.linear.gather [hbm4b:s25+s24], $0x50, $0x38;
	[tilespmem:$0x12200] =	vst v63  }
0x5f: {  	_ =	swait.ge [sflag:s14], $0x50  }
0x60: {  	s25 =	rddreg [dreg:$0x5];
	[sflag:s14] =	ssyncset.done $0x0  }
0x61: {  	s26 =	rddreg [dreg:$0x7];
	[sflag:s14] =	ssyncadd.s32 $0xFFFFFFB0  }
0x62: {  	[tilespmem:s15], [sflag:$0x1] =	stream.indirect.gather [hbm4b:s25+s26], $0x80, s24, s26, $0xb8;
	[tilespmem:$0x12200] =	vst v63  }
0x63: {  	v5 =	vld [tilespmem:$0x0];
	_ =	sdelay $0x4  }
0x64: {  	v6 =	vshrl.u32 v5, $0x3  }
0x65: {  	v6 =	vmul.u32 $0x30, v6  }
0x66: {  	v5 =	vand.u32 $0x7, v5  }
0x67: {  	v5 =	vor.u32 v5, v6  }
0x68: {  	v6 =	vperm.xlane v5, v2;
	_ =	sdelay $0x1  }
0x69: {  	v6 =	vadd.s32 v3, v6;
	_ =	sdelay $0x3  }
0x6a: {  	v5 =	vperm.xlane v5, v4  }
0x6b: {  	[tilespmem:s16], [sflag:$0x2] =	stream.indirect_vreg.gather [hbm4b:s2+s24], $0x80, v6, vm0, $0xb8;
	[tilespmem:$0x12200] =	vst v63  }
0x6c: {  	s25 =	rddreg [dreg:$0x8];
	v5 =	vadd.s32 v3, v5  }
0x6d: {  	[tilespmem:s25], [sflag:$0x2] =	stream.indirect_vreg.gather [hbm4b:s6+s24], $0x80, v6, vm0, $0xb8;
	[tilespmem:$0x12200] =	vst v63  }
0x6e: {  	s26 =	rddreg [dreg:$0x9]  }
0x6f: {  	[tilespmem:s26], [sflag:$0x2] =	stream.indirect_vreg.gather [hbm4b:s7+s24], $0x80, v6, vm0, $0xb8;
	[tilespmem:$0x12200] =	vst v63  }
0x70: {  	s25 =	rddreg [dreg:$0xa]  }
0x71: {  	[tilespmem:s25], [sflag:$0x2] =	stream.indirect_vreg.gather [hbm4b:s2+s24], $0x80, v5, vm0, $0xb8;
	[tilespmem:$0x12200] =	vst v63  }
0x72: {  	s26 =	rddreg [dreg:$0xb]  }
0x73: {  	[tilespmem:s26], [sflag:$0x2] =	stream.indirect_vreg.gather [hbm4b:s6+s24], $0x80, v5, vm0, $0xb8;
	[tilespmem:$0x12200] =	vst v63  }
0x74: {  	s25 =	rddreg [dreg:$0xc]  }
0x75: {  	[tilespmem:s25], [sflag:$0x2] =	stream.indirect_vreg.gather [hbm4b:s7+s24], $0x80, v5, vm0, $0xb8;
	[tilespmem:$0x12200] =	vst v63  }
0x76: {  	v5 =	vld [tilespmem:$0x10];
	_ =	sdelay $0x4  }
0x77: {  	v6 =	vshrl.u32 v5, $0x3  }
0x78: {  	v6 =	vmul.u32 $0x30, v6  }
0x79: {  	v5 =	vand.u32 $0x7, v5  }
0x7a: {  	v5 =	vor.u32 v5, v6  }
0x7b: {  	v6 =	vperm.xlane v5, v2;
	_ =	sdelay $0x1  }
0x7c: {  	v6 =	vadd.s32 v3, v6;
	_ =	sdelay $0x3  }
0x7d: {  	s25 =	rddreg [dreg:$0xd];
	v5 =	vperm.xlane v5, v4  }
0x7e: {  	[tilespmem:s25], [sflag:$0x2] =	stream.indirect_vreg.gather [hbm4b:s2+s24], $0x80, v6, vm0, $0xb8;
	[tilespmem:$0x12200] =	vst v63  }
0x7f: {  	s26 =	rddreg [dreg:$0xe];
	v5 =	vadd.s32 v3, v5  }
0x80: {  	[tilespmem:s26], [sflag:$0x2] =	stream.indirect_vreg.gather [hbm4b:s6+s24], $0x80, v6, vm0, $0xb8;
	[tilespmem:$0x12200] =	vst v63  }
0x81: {  	s25 =	rddreg [dreg:$0xf]  }
0x82: {  	[tilespmem:s25], [sflag:$0x2] =	stream.indirect_vreg.gather [hbm4b:s7+s24], $0x80, v6, vm0, $0xb8;
	[tilespmem:$0x12200] =	vst v63  }
0x83: {  	s26 =	rddreg [dreg:$0x10]  }
0x84: {  	[tilespmem:s26], [sflag:$0x2] =	stream.indirect_vreg.gather [hbm4b:s2+s24], $0x80, v5, vm0, $0xb8;
	[tilespmem:$0x12200] =	vst v63  }
0x85: {  	s25 =	rddreg [dreg:$0x11]  }
0x86: {  	[tilespmem:s25], [sflag:$0x2] =	stream.indirect_vreg.gather [hbm4b:s6+s24], $0x80, v5, vm0, $0xb8;
	[tilespmem:$0x12200] =	vst v63  }
0x87: {  	s26 =	rddreg [dreg:$0x12]  }
0x88: {  	[tilespmem:s26], [sflag:$0x2] =	stream.indirect_vreg.gather [hbm4b:s7+s24], $0x80, v5, vm0, $0xb8;
	[tilespmem:$0x12200] =	vst v63  }
0x89: {  	v5 =	vld [tilespmem:$0x20];
	_ =	sdelay $0x4  }
0x8a: {  	v6 =	vshrl.u32 v5, $0x3  }
0x8b: {  	v6 =	vmul.u32 $0x30, v6  }
0x8c: {  	v5 =	vand.u32 $0x7, v5  }
0x8d: {  	v5 =	vor.u32 v5, v6  }
0x8e: {  	v6 =	vperm.xlane v5, v2;
	_ =	sdelay $0x1  }
0x8f: {  	v6 =	vadd.s32 v3, v6;
	_ =	sdelay $0x3  }
0x90: {  	s25 =	rddreg [dreg:$0x13];
	v5 =	vperm.xlane v5, v4  }
0x91: {  	[tilespmem:s25], [sflag:$0x2] =	stream.indirect_vreg.gather [hbm4b:s2+s24], $0x80, v6, vm0, $0xb8;
	[tilespmem:$0x12200] =	vst v63  }
0x92: {  	s26 =	rddreg [dreg:$0x14];
	v5 =	vadd.s32 v3, v5  }
0x93: {  	[tilespmem:s26], [sflag:$0x2] =	stream.indirect_vreg.gather [hbm4b:s6+s24], $0x80, v6, vm0, $0xb8;
	[tilespmem:$0x12200] =	vst v63  }
0x94: {  	s25 =	rddreg [dreg:$0x15]  }
0x95: {  	[tilespmem:s25], [sflag:$0x2] =	stream.indirect_vreg.gather [hbm4b:s7+s24], $0x80, v6, vm0, $0xb8;
	[tilespmem:$0x12200] =	vst v63  }
0x96: {  	s26 =	simm.s32 $0xA480  }
0x97: {  	[tilespmem:s26], [sflag:$0x2] =	stream.indirect_vreg.gather [hbm4b:s2+s24], $0x80, v5, vm0, $0xb8;
	[tilespmem:$0x12200] =	vst v63  }
0x98: {  	s26 =	simm.s32 $0xAC80  }
0x99: {  	[tilespmem:s26], [sflag:$0x2] =	stream.indirect_vreg.gather [hbm4b:s6+s24], $0x80, v5, vm0, $0xb8;
	[tilespmem:$0x12200] =	vst v63  }
0x9a: {  	s26 =	simm.s32 $0xB480  }
0x9b: {  	[tilespmem:s26], [sflag:$0x2] =	stream.indirect_vreg.gather [hbm4b:s7+s24], $0x80, v5, vm0, $0xb8;
	[tilespmem:$0x12200] =	vst v63  }
0x9c: {  	v5 =	vld [tilespmem:$0x30];
	_ =	sdelay $0x4  }
0x9d: {  	v6 =	vshrl.u32 v5, $0x3  }
0x9e: {  	v6 =	vmul.u32 $0x30, v6  }
0x9f: {  	v5 =	vand.u32 $0x7, v5  }
0xa0: {  	v5 =	vor.u32 v5, v6  }
0xa1: {  	v6 =	vperm.xlane v5, v2;
	_ =	sdelay $0x1  }
0xa2: {  	v6 =	vadd.s32 v3, v6;
	_ =	sdelay $0x3  }
0xa3: {  	s26 =	simm.s32 $0xBC80;
	v5 =	vperm.xlane v5, v4  }
0xa4: {  	[tilespmem:s26], [sflag:$0x2] =	stream.indirect_vreg.gather [hbm4b:s2+s24], $0x80, v6, vm0, $0xb8;
	[tilespmem:$0x12200] =	vst v63  }
0xa5: {  	v5 =	vadd.s32 v3, v5;
	s26 =	simm.s32 $0xC480  }
0xa6: {  	[tilespmem:s26], [sflag:$0x2] =	stream.indirect_vreg.gather [hbm4b:s6+s24], $0x80, v6, vm0, $0xb8;
	[tilespmem:$0x12200] =	vst v63  }
0xa7: {  	s26 =	simm.s32 $0xCC80  }
0xa8: {  	[tilespmem:s26], [sflag:$0x2] =	stream.indirect_vreg.gather [hbm4b:s7+s24], $0x80, v6, vm0, $0xb8;
	[tilespmem:$0x12200] =	vst v63  }
0xa9: {  	s26 =	simm.s32 $0xD480  }
0xaa: {  	[tilespmem:s26], [sflag:$0x2] =	stream.indirect_vreg.gather [hbm4b:s2+s24], $0x80, v5, vm0, $0xb8;
	[tilespmem:$0x12200] =	vst v63  }
0xab: {  	s26 =	simm.s32 $0xDC80  }
0xac: {  	[tilespmem:s26], [sflag:$0x2] =	stream.indirect_vreg.gather [hbm4b:s6+s24], $0x80, v5, vm0, $0xb8;
	[tilespmem:$0x12200] =	vst v63  }
0xad: {  	s26 =	simm.s32 $0xE480  }
0xae: {  	[tilespmem:s26], [sflag:$0x2] =	stream.indirect_vreg.gather [hbm4b:s7+s24], $0x80, v5, vm0, $0xb8;
	[tilespmem:$0x12200] =	vst v63  }
0xaf: {  	v5 =	vld [tilespmem:$0x40];
	_ =	sdelay $0x4  }
0xb0: {  	v6 =	vshrl.u32 v5, $0x3  }
0xb1: {  	v6 =	vmul.u32 $0x30, v6  }
0xb2: {  	v5 =	vand.u32 $0x7, v5  }
0xb3: {  	v5 =	vor.u32 v5, v6  }
0xb4: {  	v6 =	vperm.xlane v5, v2;
	_ =	sdelay $0x1  }
0xb5: {  	v6 =	vadd.s32 v3, v6;
	_ =	sdelay $0x3  }
0xb6: {  	s26 =	simm.s32 $0xEC80;
	v5 =	vperm.xlane v5, v4  }
0xb7: {  	[tilespmem:s26], [sflag:$0x2] =	stream.indirect_vreg.gather [hbm4b:s2+s24], $0x80, v6, vm0, $0xb8;
	[tilespmem:$0x12200] =	vst v63  }
0xb8: {  	v5 =	vadd.s32 v3, v5  }
0xb9: {  	[tilespmem:s28], [sflag:$0x2] =	stream.indirect_vreg.gather [hbm4b:s6+s24], $0x80, v6, vm0, $0xb8;
	[tilespmem:$0x12200] =	vst v63  }
0xba: {  	_ = 	snop  }
0xbb: {  	[tilespmem:s29], [sflag:$0x2] =	stream.indirect_vreg.gather [hbm4b:s7+s24], $0x80, v6, vm0, $0xb8;
	[tilespmem:$0x12200] =	vst v63  }
0xbc: {  	_ = 	snop  }
0xbd: {  	[tilespmem:s30], [sflag:$0x2] =	stream.indirect_vreg.gather [hbm4b:s2+s24], $0x80, v5, vm0, $0xb8;
	[tilespmem:$0x12200] =	vst v63  }
0xbe: {  	_ = 	snop  }
0xbf: {  	[tilespmem:s31], [sflag:$0x2] =	stream.indirect_vreg.gather [hbm4b:s6+s24], $0x80, v5, vm0, $0xb8;
	[tilespmem:$0x12200] =	vst v63  }
0xc0: {  	_ = 	snop  }
0xc1: {  	[tilespmem:s1], [sflag:$0x2] =	stream.indirect_vreg.gather [hbm4b:s7+s24], $0x80, v5, vm0, $0xb8;
	[tilespmem:$0x12200] =	vst v63  }
0xc2: {  	_ =	swait.ge [sflag:s0], $0x2800  }
0xc3: {  	[sflag:s0] =	ssyncset.done $0x0  }
0xc4: {  	[sflag:s0] =	ssyncadd.s32 $0xFFFFD800  }
0xc5: {  	[hbm4b:s22+s24] =	stream.linear.scatter [tilespmem:s15], [sflag:$0x1], $0x2800, $0x38;
	[tilespmem:$0x12200] =	vst v63  }
0xc6: {  	_ =	swait.ge [sflag:s8], $0xF000  }
0xc7: {  	[sflag:s8] =	ssyncset.done $0x0  }
0xc8: {  	[sflag:s8] =	ssyncadd.s32 $0xFFFF1000  }
0xc9: {  	[hbm4b:s21+s24] =	stream.linear.scatter [tilespmem:s16], [sflag:$0x2], $0xF000, $0x38;
	[tilespmem:$0x12200] =	vst v63  }
0xca: {  	p0 =	sne.s32 s23, $0x1E;
	_ =	swait.ge [sflag:s0], $0x2800  }
.Ltmp0:
0xcb: {  	[sflag:s0] =	ssyncset.done $0x0;
	(pc) =	sbr.rel @p0 .LBB2_2-.Ltmp0, $4  }
0xcc: {  	[sflag:s0] =	ssyncadd.s32 $0xFFFFD800  }
0xcd: {  	_ =	swait.ge [sflag:s8], $0xF000  }
0xce: {  	s23 =	sadd.s32 $0xA, s23;
	[sflag:s8] =	ssyncset.done $0x0  }
0xcf: {  	s22 =	sadd.s32 $0x500, s22;
	s21 =	sadd.s32 $0x1E00, s21;
	[sflag:s8] =	ssyncadd.s32 $0xFFFF1000  }
0xd0: {  	s21 =	sadd.s32 $0x0, s12  }
0xd1: {  	[tilespmem:s9], [sflag:$0x3] =	stream.linear.gather [hbm4b:s21+s4], $0x400, $0x38;
	[tilespmem:$0x12200] =	vst v63  }
0xd2: {  	_ =	swait.ge [sflag:s14], $0x400  }
0xd3: {  	[sflag:s14] =	ssyncset.done $0x0  }
0xd4: {  	[sflag:s14] =	ssyncadd.s32 $0xFFFFFC00  }
0xd5: {  	[spmem:s3] =	stream.indirect.scatter.add.f32 [tilespmem:s10], [sflag:$0x1], $0x1, s9, s9, $0xb8;
	[tilespmem:$0x12200] =	vst v63  }
0xd6: {  	_ = 	snop  }
0xd7: {  	[spmem:s3] =	stream.indirect.scatter.add.f32 [tilespmem:s10], [sflag:$0x1], $0x1, s11, s9, $0xb8;
	[tilespmem:$0x12200] =	vst v63  }
0xd8: {  	_ = 	snop  }
0xd9: {  	[spmem:s3] =	stream.indirect.scatter.add.f32 [tilespmem:s10], [sflag:$0x1], $0x1, s13, s9, $0xb8;
	[tilespmem:$0x12200] =	vst v63  }
0xda: {  	_ = 	snop  }
0xdb: {  	[spmem:s3] =	stream.indirect.scatter.add.f32 [tilespmem:s10], [sflag:$0x1], $0x1, s5, s9, $0xb8;
	[tilespmem:$0x12200] =	vst v63  }
0xdc: {  	_ = 	snop  }
0xdd: {  	[spmem:s3] =	stream.indirect.scatter.add.f32 [tilespmem:s10], [sflag:$0x1], $0x1, s17, s9, $0xb8;
	[tilespmem:$0x12200] =	vst v63  }
0xde: {  	_ = 	snop  }
0xdf: {  	[spmem:s3] =	stream.indirect.scatter.add.f32 [tilespmem:s10], [sflag:$0x1], $0x1, s18, s9, $0xb8;
	[tilespmem:$0x12200] =	vst v63  }
0xe0: {  	_ = 	snop  }
0xe1: {  	[spmem:s3] =	stream.indirect.scatter.add.f32 [tilespmem:s10], [sflag:$0x1], $0x1, s19, s9, $0xb8;
	[tilespmem:$0x12200] =	vst v63  }
0xe2: {  	_ = 	snop  }
0xe3: {  	[spmem:s3] =	stream.indirect.scatter.add.f32 [tilespmem:s10], [sflag:$0x1], $0x1, s20, s9, $0xb8;
	[tilespmem:$0x12200] =	vst v63  }
0xe4: {  	_ =	swait.ge [sflag:s0], $0x80  }
0xe5: {  	[sflag:s0] =	ssyncset.done $0x0  }
0xe6: {  	[sflag:s0] =	ssyncadd.s32 $0xFFFFFF80  }
0xe7: {  	_ =	swait.ge [sflag:s0], $0x80  }
0xe8: {  	[sflag:s0] =	ssyncset.done $0x0  }
0xe9: {  	[sflag:s0] =	ssyncadd.s32 $0xFFFFFF80  }
0xea: {  	_ =	swait.ge [sflag:s0], $0x80  }
0xeb: {  	[sflag:s0] =	ssyncset.done $0x0  }
0xec: {  	[sflag:s0] =	ssyncadd.s32 $0xFFFFFF80  }
0xed: {  	_ =	swait.ge [sflag:s0], $0x80  }
0xee: {  	[sflag:s0] =	ssyncset.done $0x0  }
0xef: {  	[sflag:s0] =	ssyncadd.s32 $0xFFFFFF80  }
0xf0: {  	_ =	swait.ge [sflag:s0], $0x80  }
0xf1: {  	[sflag:s0] =	ssyncset.done $0x0  }
0xf2: {  	[sflag:s0] =	ssyncadd.s32 $0xFFFFFF80  }
0xf3: {  	_ =	swait.ge [sflag:s0], $0x80  }
0xf4: {  	[sflag:s0] =	ssyncset.done $0x0  }
0xf5: {  	[sflag:s0] =	ssyncadd.s32 $0xFFFFFF80  }
0xf6: {  	_ =	swait.ge [sflag:s0], $0x80  }
0xf7: {  	[sflag:s0] =	ssyncset.done $0x0  }
0xf8: {  	[sflag:s0] =	ssyncadd.s32 $0xFFFFFF80  }
0xf9: {  	_ =	swait.ge [sflag:s0], $0x80  }
0xfa: {  	s23 =	simm.s32 $0x100;
	s21 =	simm.s32 $0x80;
	[sflag:s0] =	ssyncset.done $0x0  }
.LBB2_4:
0xfb: {  	s24 =	sadd.s32 s21, s12  }
0xfc: {  	[sflag:s0] =	ssyncadd.s32 $0xFFFFFF80;
	s21 =	smov.u32 s23;
	s22 =	sadd.s32 $0x80, s23  }
0xfd: {  	[tilespmem:s9], [sflag:$0x3] =	stream.linear.gather [hbm4b:s24+s4], $0x400, $0x38;
	[tilespmem:$0x12200] =	vst v63  }
0xfe: {  	p0 =	sne.s32 s23, $0x480;
	_ =	swait.ge [sflag:s14], $0x400  }
0xff: {  	[sflag:s14] =	ssyncset.done $0x0  }
0x100: {  	[sflag:s14] =	ssyncadd.s32 $0xFFFFFC00  }
0x101: {  	[spmem:s3] =	stream.indirect.scatter.add.f32 [tilespmem:s10], [sflag:$0x1], $0x1, s9, s9, $0xb8;
	[tilespmem:$0x12200] =	vst v63  }
0x102: {  	_ = 	snop  }
0x103: {  	[spmem:s3] =	stream.indirect.scatter.add.f32 [tilespmem:s10], [sflag:$0x1], $0x1, s11, s9, $0xb8;
	[tilespmem:$0x12200] =	vst v63  }
0x104: {  	_ = 	snop  }
0x105: {  	[spmem:s3] =	stream.indirect.scatter.add.f32 [tilespmem:s10], [sflag:$0x1], $0x1, s13, s9, $0xb8;
	[tilespmem:$0x12200] =	vst v63  }
0x106: {  	_ = 	snop  }
0x107: {  	[spmem:s3] =	stream.indirect.scatter.add.f32 [tilespmem:s10], [sflag:$0x1], $0x1, s5, s9, $0xb8;
	[tilespmem:$0x12200] =	vst v63  }
0x108: {  	_ = 	snop  }
0x109: {  	[spmem:s3] =	stream.indirect.scatter.add.f32 [tilespmem:s10], [sflag:$0x1], $0x1, s17, s9, $0xb8;
	[tilespmem:$0x12200] =	vst v63  }
0x10a: {  	_ = 	snop  }
0x10b: {  	[spmem:s3] =	stream.indirect.scatter.add.f32 [tilespmem:s10], [sflag:$0x1], $0x1, s18, s9, $0xb8;
	[tilespmem:$0x12200] =	vst v63  }
0x10c: {  	_ = 	snop  }
0x10d: {  	[spmem:s3] =	stream.indirect.scatter.add.f32 [tilespmem:s10], [sflag:$0x1], $0x1, s19, s9, $0xb8;
	[tilespmem:$0x12200] =	vst v63  }
0x10e: {  	_ = 	snop  }
0x10f: {  	[spmem:s3] =	stream.indirect.scatter.add.f32 [tilespmem:s10], [sflag:$0x1], $0x1, s20, s9, $0xb8;
	[tilespmem:$0x12200] =	vst v63  }
0x110: {  	_ =	swait.ge [sflag:s0], $0x80  }
0x111: {  	[sflag:s0] =	ssyncset.done $0x0  }
0x112: {  	[sflag:s0] =	ssyncadd.s32 $0xFFFFFF80  }
0x113: {  	_ =	swait.ge [sflag:s0], $0x80  }
0x114: {  	[sflag:s0] =	ssyncset.done $0x0  }
0x115: {  	[sflag:s0] =	ssyncadd.s32 $0xFFFFFF80  }
0x116: {  	_ =	swait.ge [sflag:s0], $0x80  }
0x117: {  	[sflag:s0] =	ssyncset.done $0x0  }
0x118: {  	[sflag:s0] =	ssyncadd.s32 $0xFFFFFF80  }
0x119: {  	_ =	swait.ge [sflag:s0], $0x80  }
0x11a: {  	[sflag:s0] =	ssyncset.done $0x0  }
0x11b: {  	[sflag:s0] =	ssyncadd.s32 $0xFFFFFF80  }
0x11c: {  	_ =	swait.ge [sflag:s0], $0x80  }
0x11d: {  	[sflag:s0] =	ssyncset.done $0x0  }
0x11e: {  	[sflag:s0] =	ssyncadd.s32 $0xFFFFFF80  }
0x11f: {  	_ =	swait.ge [sflag:s0], $0x80  }
0x120: {  	[sflag:s0] =	ssyncset.done $0x0  }
0x121: {  	[sflag:s0] =	ssyncadd.s32 $0xFFFFFF80  }
.Ltmp1:
0x122: {  	_ =	swait.ge [sflag:s0], $0x80;
	(pc) =	sbr.rel @p0 .LBB2_4-.Ltmp1, $4  }
0x123: {  	[sflag:s0] =	ssyncset.done $0x0  }
0x124: {  	[sflag:s0] =	ssyncadd.s32 $0xFFFFFF80  }
0x125: {  	_ =	swait.ge [sflag:s0], $0x80  }
0x126: {  	s23 =	smov.u32 s22;
	[sflag:s0] =	ssyncset.done $0x0  }
0x127: {  	s21 =	sadd.s32 s21, s12;
	[sflag:s0] =	ssyncadd.s32 $0xFFFFFF80  }
0x128: {  	[tilespmem:s9], [sflag:$0x3] =	stream.linear.gather [hbm4b:s21+s4], $0x400, $0x38;
	[tilespmem:$0x12200] =	vst v63  }
0x129: {  	_ =	swait.ge [sflag:s14], $0x400  }
0x12a: {  	[sflag:s14] =	ssyncset.done $0x0  }
0x12b: {  	[sflag:s14] =	ssyncadd.s32 $0xFFFFFC00  }
0x12c: {  	[spmem:s3] =	stream.indirect.scatter.add.f32 [tilespmem:s10], [sflag:$0x1], $0x1, s9, s9, $0xb8;
	[tilespmem:$0x12200] =	vst v63  }
0x12d: {  	_ = 	snop  }
0x12e: {  	[spmem:s3] =	stream.indirect.scatter.add.f32 [tilespmem:s10], [sflag:$0x1], $0x1, s11, s9, $0xb8;
	[tilespmem:$0x12200] =	vst v63  }
0x12f: {  	_ = 	snop  }
0x130: {  	[spmem:s3] =	stream.indirect.scatter.add.f32 [tilespmem:s10], [sflag:$0x1], $0x1, s13, s9, $0xb8;
	[tilespmem:$0x12200] =	vst v63  }
0x131: {  	_ = 	snop  }
0x132: {  	[spmem:s3] =	stream.indirect.scatter.add.f32 [tilespmem:s10], [sflag:$0x1], $0x1, s5, s9, $0xb8;
	[tilespmem:$0x12200] =	vst v63  }
0x133: {  	_ = 	snop  }
0x134: {  	[spmem:s3] =	stream.indirect.scatter.add.f32 [tilespmem:s10], [sflag:$0x1], $0x1, s17, s9, $0xb8;
	[tilespmem:$0x12200] =	vst v63  }
0x135: {  	_ = 	snop  }
0x136: {  	[spmem:s3] =	stream.indirect.scatter.add.f32 [tilespmem:s10], [sflag:$0x1], $0x1, s18, s9, $0xb8;
	[tilespmem:$0x12200] =	vst v63  }
0x137: {  	_ = 	snop  }
0x138: {  	[spmem:s3] =	stream.indirect.scatter.add.f32 [tilespmem:s10], [sflag:$0x1], $0x1, s19, s9, $0xb8;
	[tilespmem:$0x12200] =	vst v63  }
0x139: {  	_ = 	snop  }
0x13a: {  	[spmem:s3] =	stream.indirect.scatter.add.f32 [tilespmem:s10], [sflag:$0x1], $0x1, s20, s9, $0xb8;
	[tilespmem:$0x12200] =	vst v63  }
0x13b: {  	_ =	swait.ge [sflag:s0], $0x80  }
0x13c: {  	[sflag:s0] =	ssyncset.done $0x0  }
0x13d: {  	[sflag:s0] =	ssyncadd.s32 $0xFFFFFF80  }
0x13e: {  	_ =	swait.ge [sflag:s0], $0x80  }
0x13f: {  	[sflag:s0] =	ssyncset.done $0x0  }
0x140: {  	[sflag:s0] =	ssyncadd.s32 $0xFFFFFF80  }
0x141: {  	_ =	swait.ge [sflag:s0], $0x80  }
0x142: {  	[sflag:s0] =	ssyncset.done $0x0  }
0x143: {  	[sflag:s0] =	ssyncadd.s32 $0xFFFFFF80  }
0x144: {  	_ =	swait.ge [sflag:s0], $0x80  }
0x145: {  	[sflag:s0] =	ssyncset.done $0x0  }
0x146: {  	[sflag:s0] =	ssyncadd.s32 $0xFFFFFF80  }
0x147: {  	_ =	swait.ge [sflag:s0], $0x80  }
0x148: {  	[sflag:s0] =	ssyncset.done $0x0  }
0x149: {  	[sflag:s0] =	ssyncadd.s32 $0xFFFFFF80  }
0x14a: {  	_ =	swait.ge [sflag:s0], $0x80  }
0x14b: {  	[sflag:s0] =	ssyncset.done $0x0  }
0x14c: {  	[sflag:s0] =	ssyncadd.s32 $0xFFFFFF80  }
0x14d: {  	_ =	swait.ge [sflag:s0], $0x80  }
0x14e: {  	[sflag:s0] =	ssyncset.done $0x0  }
0x14f: {  	[sflag:s0] =	ssyncadd.s32 $0xFFFFFF80  }
0x150: {  	_ =	swait.ge [sflag:s0], $0x80  }
0x151: {  	[sflag:s0] =	ssyncset.done $0x0  }
0x152: {  	[sflag:s0] =	ssyncadd.s32 $0xFFFFFF80  }
0x153: {  	[bflag:$0x0] =	sbarrier.arrive $0xFFFF  }
0x154: {  	s23 =	simm.s32 $0x11D00;
	s21 =	rddreg [dreg:$0x16]  }
0x155: {  	[tilespmem:s23], [sflag:$0x3] =	stream.linear.gather [spmem:s21], $0x280, $0x38;
	[tilespmem:$0x12200] =	vst v63  }
0x156: {  	_ =	swait.ge [sflag:s14], $0x280  }
0x157: {  	[sflag:s14] =	ssyncset.done $0x0  }
0x158: {  	s22 =	rddreg [dreg:$0x17];
	[sflag:s14] =	ssyncadd.s32 $0xFFFFFD80  }
0x159: {  	[hbm4b:s22+s9] =	stream.strided.scatter [tilespmem:s23], [sflag:$0x3], $0x280, s11, s9, $0x38;
	[tilespmem:$0x12200] =	vst v63  }
0x15a: {  	_ =	swait.ge [sflag:s14], $0x280  }
0x15b: {  	s24 =	rddreg [dreg:$0x1b]  }
0x15c: {  	s26 =	rddreg [dreg:$0x18];
	s24 =	sadd.s32 $0x1, s24  }
0x15d: {  	p0 =	sne.s32 s24, s26  }
.Ltmp2:
0x15e: {  	_ = 	snop;
	(pc) =	sbr.rel @p0 .LBB2_1-.Ltmp2, $3  }
0x15f: {  	_ =	sdelay $0x1  }
0x160: {  	[sflag:s14] =	ssyncset.done $0x0  }
0x161: {  	[sflag:s14] =	ssyncadd.s32 $0xFFFFFD80  }
0x162: {  	_ =	sfence.sel $0x180000  }
0x163: {  	[bflag:$0x0] =	sbarrier.arrive $0xFFFF  }
0x164: {  	_ =	strace $0x90000047  }
0x165: {  	s0 =	stileid.u32;
	[bflag:$0x2] =	sbarrier.arrive $0xFFFF  }
0x166: {  	p0 =	sne.s32 s0, $0x0;
	s0 =	rddreg [dreg:$0x4]  }
0x167: {  	s0 =	sadd.s32 @!p0 $0x100000, s0  }
0x168: {  	[sflag:s0] =	ssyncadd.tile.s32 @!p0 $0x1;
	_ =	shalt  }
.Lfunc_end2:
_tile_overlayer_lowered:
.L_overlay_start_2:
0x169: {  	(tag) =	ssettag $0x2  }
0x16a: {  	s0 =	rddreg [dreg:$0x0];
	s2 =	stileid.u32  }
0x16b: {  	s1 =	rddreg [dreg:$0x1];
	p0 =	sne.s32 s2, $0x0  }
0x16c: {  	s3 =	rddreg [dreg:$0x2];
	[bflag:$0x3] =	sbarrier.arrive $0xFFFF;
	s2 =	simm.s32 @!p0 $0x1C03  }
0x16d: {  	[timem:s3], [sflag:s2] =	dma.local @!p0 [hbm:s0], s1  }
0x16e: {  	s0 =	simm.s32 @!p0 $0x3  }
0x16f: {  	_ =	swait.ge @!p0 [sflag:s0], s1  }
0x170: {  	s1 =	ssub.s32 @!p0 $0x0, s1;
	[sflag:s0] =	ssyncset.done @!p0 $0x0  }
0x171: {  	[sflag:s0] =	ssyncadd.s32 @!p0 s1  }
0x172: {  	[bflag:$0x3] =	sbarrier.arrive $0xFFFF  }
0x173: {  	_ =	shalt  }

// kernel: kernel.13.cloned.1.call-start
scs
__scs_entry_jumppad:
0x0: {  	(pc) =	sbr.rel $0x88, $3  }
0x1: {  	(tag) =	ssettag $0x0;
	lr =	simm.s32 $0x1  }
0x2: {  	[smem:$0x3F93] =	sst lr;
	_ =	strace $0xD0000000  }
0x3: {  	_ = 	snop  }
0x4: {  	_ = 	snop  }
0x5: {  	_ = 	snop  }
0x6: {  	_ = 	snop  }
0x7: {  	_ = 	snop  }
__scs_overlays_trampoline_lowered:
0x8: {  	[smem:$0x3FA2] =	sst s0  }
0x9: {  	[smem:$0x3FA3] =	sst s1  }
0xa: {  	[smem:$0x3FA4] =	sst s2  }
0xb: {  	[smem:$0x3FA5] =	sst s3  }
0xc: {  	[smem:$0x3FA6] =	sst s4  }
0xd: {  	[smem:$0x3FA7] =	sst s5  }
0xe: {  	[smem:$0x3FA8] =	sst s6  }
0xf: {  	[smem:$0x3FA9] =	sst s7  }
0x10: {  	[smem:$0x3FAA] =	sst s8  }
0x11: {  	[smem:$0x3FAB] =	sst s9;
	s0 =	simm.s32 @!p0 $0x0  }
0x12: {  	s1 =	sld [smem:$0x3F91];
	s0 =	simm.s32 @p0 $0x1  }
0x13: {  	[smem:$0x3FAC] =	sst s0;
	s0 =	simm.s32 @!p1 $0x0  }
0x14: {  	s2 =	sld [smem:$0x3F90];
	s0 =	simm.s32 @p1 $0x1  }
0x15: {  	[smem:$0x3FAD] =	sst s0;
	s0 =	simm.s32 @!p2 $0x0  }
0x16: {  	s3 =	sld [smem:$0x3FDB];
	s0 =	simm.s32 @p2 $0x1  }
0x17: {  	s4 =	simm.s32 $0x1BF5;
	[smem:$0x3FAF] =	sst s0  }
0x18: {  	s0 =	sld [smem:$0x3F92];
	_ =	swait.ge [sflag:s4], $0x0  }
0x19: {  	s7 =	sld [smem:$0x3F93]  }
0x1a: {  	s8 =	sadd.s32 $0xFFFFE003, lr  }
0x1b: {  	s9 =	sadd.s32 $0xFFFFFEF7, lr;
	s5 =	simm.s32 $0xFFFFFFFF;
	p2 =	slt.u32 s8, $0xFFFFF086  }
0x1c: {  	p1 =	slt.u32 s9, $0xF7A;
	s5 =	simm.s32 @!p2 $0x0  }
0x1d: {  	s5 =	simm.s32 @p1 $0x1;
	p0 =	seq.s32 s7, s2  }
0x1e: {  	s7 =	smul.u32 @!p0 $0xF7A, s2;
	p2 =	seq.s32 @!p0 s5, $0x0  }
0x1f: {  	s9 =	smul.u32 $0xF7A, s1;
	s8 =	simm.s32 @!p0 $0x1BF5;
	p2 =	por !p2, p0  }
0x20: {  	[sflag:s8] =	ssyncset.s32 @!p0 $0xFFFFF086;
	s6 =	sadd.s32 @!p0 s3, s7;
	s7 =	simm.s32 @!p0 $0x108  }
0x21: {  	s3 =	sadd.s32 s3, s9;
	s6 =	sadd.s32 @!p0 $0x88, s6;
	s7 =	simm.s32 @p2 $0x1082  }
0x22: {  	[simem:s7], [sflag:s8] =	dma.local @!p0 [hbm:s6], $0xF7A  }
0x23: {  	s9 =	sor.u32 $0xD0000000, s2;
	s6 =	simm.s32 $0x108;
	_ =	swait.ge @!p0 [sflag:s8], $0x0  }
0x24: {  	s3 =	sadd.s32 $0x88, s3;
	s6 =	simm.s32 @!p1 $0x1082;
	[sflag:s4] =	ssyncset.s32 $0xFFFFF086  }
0x25: {  	[simem:s6], [sflag:s4] =	dma.local [hbm:s3], $0xF7A  }
0x26: {  	[smem:$0x3F93] =	sst s1;
	(tag) =	ssettag s2;
	_ =	strace s9  }
0x27: {  	s1 =	sld [smem:$0x3FA3]  }
0x28: {  	s2 =	sld [smem:$0x3FA4]  }
0x29: {  	s4 =	sld [smem:$0x3FA6]  }
0x2a: {  	p0 =	seq.s32 s5, $0x0;
	s5 =	sld [smem:$0x3FA7]  }
0x2b: {  	s6 =	sld [smem:$0x3FA8]  }
0x2c: {  	s7 =	sld [smem:$0x3FA9]  }
0x2d: {  	s3 =	simm.s32 $0x108;
	s8 =	sld [smem:$0x3FAA]  }
0x2e: {  	s3 =	simm.s32 @!p0 $0x1082;
	s9 =	sld [smem:$0x3FAB]  }
0x2f: {  	lr =	sadd.s32 s0, s3;
	s0 =	sld [smem:$0x3FA2]  }
0x30: {  	s3 =	sld [smem:$0x3FA5]  }
0x31: {  	[smem:$0x3FAE] =	sst s10  }
0x32: {  	s10 =	sld [smem:$0x3FAC];
	_ =	sdelay $0x3  }
0x33: {  	p0 =	seq.s32 s10, $0x1;
	s10 =	sld [smem:$0x3FAE];
	_ =	sdelay $0x3  }
0x34: {  	[smem:$0x3FAE] =	sst s10  }
0x35: {  	s10 =	sld [smem:$0x3FAD];
	_ =	sdelay $0x3  }
0x36: {  	p1 =	seq.s32 s10, $0x1;
	s10 =	sld [smem:$0x3FAE];
	_ =	sdelay $0x3  }
0x37: {  	[smem:$0x3FAE] =	sst s10  }
0x38: {  	s10 =	sld [smem:$0x3FAF]  }
0x39: {  	_ = 	snop;
	(pc) =	sbr.ind lr, $3  }
0x3a: {  	_ = 	snop  }
0x3b: {  	_ = 	snop  }
0x3c: {  	p2 =	seq.s32 s10, $0x1;
	s10 =	sld [smem:$0x3FAE]  }
0x3d: {  	_ =	shalt  }
0x3e: {  	_ =	shalt  }
0x3f: {  	_ =	shalt  }
0x40: {  	_ =	shalt  }
0x41: {  	_ =	shalt  }
0x42: {  	_ =	shalt  }
0x43: {  	_ =	shalt  }
0x44: {  	_ =	shalt  }
0x45: {  	_ =	shalt  }
0x46: {  	_ =	shalt  }
0x47: {  	_ =	shalt  }
0x48: {  	_ =	shalt  }
0x49: {  	_ =	shalt  }
0x4a: {  	_ =	shalt  }
0x4b: {  	_ =	shalt  }
0x4c: {  	_ =	shalt  }
0x4d: {  	_ =	shalt  }
0x4e: {  	_ =	shalt  }
0x4f: {  	_ =	shalt  }
0x50: {  	_ =	shalt  }
0x51: {  	_ =	shalt  }
0x52: {  	_ =	shalt  }
0x53: {  	_ =	shalt  }
0x54: {  	_ =	shalt  }
0x55: {  	_ =	shalt  }
0x56: {  	_ =	shalt  }
0x57: {  	_ =	shalt  }
0x58: {  	_ =	shalt  }
0x59: {  	_ =	shalt  }
0x5a: {  	_ =	shalt  }
0x5b: {  	_ =	shalt  }
0x5c: {  	_ =	shalt  }
0x5d: {  	_ =	shalt  }
0x5e: {  	_ =	shalt  }
0x5f: {  	_ =	shalt  }
0x60: {  	_ =	shalt  }
0x61: {  	_ =	shalt  }
0x62: {  	_ =	shalt  }
0x63: {  	_ =	shalt  }
0x64: {  	_ =	shalt  }
0x65: {  	_ =	shalt  }
0x66: {  	_ =	shalt  }
0x67: {  	_ =	shalt  }
0x68: {  	_ =	shalt  }
0x69: {  	_ =	shalt  }
0x6a: {  	_ =	shalt  }
0x6b: {  	_ =	shalt  }
0x6c: {  	_ =	shalt  }
0x6d: {  	_ =	shalt  }
0x6e: {  	_ =	shalt  }
0x6f: {  	_ =	shalt  }
0x70: {  	_ =	shalt  }
0x71: {  	_ =	shalt  }
0x72: {  	_ =	shalt  }
0x73: {  	_ =	shalt  }
0x74: {  	_ =	shalt  }
0x75: {  	_ =	shalt  }
0x76: {  	_ =	shalt  }
0x77: {  	_ =	shalt  }
0x78: {  	_ =	shalt  }
0x79: {  	_ =	shalt  }
0x7a: {  	_ =	shalt  }
0x7b: {  	_ =	shalt  }
0x7c: {  	_ =	shalt  }
0x7d: {  	_ =	shalt  }
0x7e: {  	_ =	shalt  }
0x7f: {  	_ =	shalt  }
0x80: {  	_ =	shalt  }
0x81: {  	_ =	shalt  }
0x82: {  	_ =	shalt  }
0x83: {  	_ =	shalt  }
0x84: {  	_ =	shalt  }
0x85: {  	_ =	shalt  }
0x86: {  	_ =	shalt  }
0x87: {  	_ =	shalt  }
.Lfunc_end0:
.L_simem_size_0:
called_computation.1_lowered:
.L_overlay_start_0:
0x88: {  	s2 =	sld [smem:$0x3FD9]  }
0x89: {  	s3 =	sld [smem:$0x3FFE];
	_ =	sdelay $0x1  }
0x8a: {  	s1 =	srdreg.scid  }
0x8b: {  	s0 =	sand.u32 $0x1, s1  }
0x8c: {  	s16 =	sshll.u32 s0, $0xA;
	s2 =	sadd.s32 s3, s2  }
0x8d: {  	s2 =	sadd.s32 s2, s16  }
0x8e: {  	[smem:$0x3FBA] =	sst s2  }
0x8f: {  	_ = 	snop  }
0x90: {  	(tm) =	ssettm $0x1  }
0x91: {  	s17 =	sld [smem:$0x3FFB];
	_ =	sdelay $0x3  }
0x92: {  	_ =	strace s17  }
0x93: {  	s2 =	sld [smem:$0x3FFC];
	_ =	sdelay $0x3  }
0x94: {  	_ =	strace s2  }
0x95: {  	s2 =	sld [smem:$0x3FFD];
	_ =	sdelay $0x3  }
0x96: {  	_ =	strace s2  }
0x97: {  	_ =	strace $0x8FFFFFFF  }
0x98: {  	s18 =	sld [smem:$0x3FDB];
	_ =	sdelay $0x1  }
0x99: {  	s19 =	simm.s32 $_scs_section_size  }
0x9a: {  	s4 =	simm.s32 $_size__tile_overlayer_lowered;
	s5 =	simm.s32 $_tile_overlayer_lowered  }
0x9b: {  	s22 =	simm.s32 $0x1BFF;
	s21 =	sshll.u32 s5, $0x1;
	s2 =	sadd.s32 s19, s18  }
0x9c: {  	s6 =	simm.s32 $0x0;
	s20 =	sshll.u32 s4, $0x1;
	s4 =	sadd.s32 s21, s2  }
0x9d: {  	[timem:s6], [sflag:s22] =	dma.local [hbm:s4], s20  }
0x9e: {  	_ =	swait.ge [sflag:s22], s20  }
0x9f: {  	s3 =	ssub.s32 $0x0, s20;
	[sflag:s22] =	ssyncset.done $0x0  }
0xa0: {  	[sflag:s22] =	ssyncadd.s32 s3;
	_ =	sdelay $0x1  }
0xa1: {  	s23 =	simm.s32 $0x1B8B  }
0xa2: {  	_ =	swait.ge [sflag:s23], $0x1  }
0xa3: {  	[sflag:s23] =	ssyncset.done $0x0  }
0xa4: {  	s25 =	simm.s32 $0x1B8E;
	s24 =	sld [smem:$0x3FFE];
	[sflag:s23] =	ssyncadd.s32 $0xFFFFFFFF  }
0xa5: {  	s26 =	simm.s32 $execute0_lowered;
	[smem:$0x3FD2] =	sst s25  }
0xa6: {  	s4 =	sshll.u32 s26, $0x1;
	_ =	strace $0x80000049;
	[dreg:$0x1] =	wrdreg $0xFFFFFFFF  }
0xa7: {  	s28 =	simm.s32 $_size_execute0_lowered;
	s2 =	sadd.s32 s2, s4;
	[dreg:$0x0] =	wrdreg $0x0  }
0xa8: {  	s4 =	sshll.u32 s28, $0x1;
	[dreg:$0x2] =	wrdreg s2  }
0xa9: {  	[dreg:$0x3] =	wrdreg s4  }
0xaa: {  	[dreg:$0x4] =	wrdreg $0xC0  }
0xab: {  	_ =	task [dreg:s6], $0x5FFFF  }
0xac: {  	[dreg:$0x1] =	wrdreg $0xFFFFFFFF  }
0xad: {  	[dreg:$0x0] =	wrdreg $0x60  }
0xae: {  	[dreg:$0x2] =	wrdreg s24  }
0xaf: {  	[dreg:$0x3] =	wrdreg $0x52000  }
0xb0: {  	[dreg:$0x4] =	wrdreg $0x9  }
0xb1: {  	_ =	task.clear_ibuf [dreg:s6], $0x5FFFF;
	_ =	strace $0x90000049  }
0xb2: {  	s29 =	simm.s32 $0x9;
	_ =	strace $0x8000004B  }
0xb3: {  	_ =	swait.ge [sflag:s29], $0x1  }
0xb4: {  	[sflag:s29] =	ssyncadd.s32 $0xFFFFFFFF  }
0xb5: {  	_ =	strace $0x9000004B  }
0xb6: {  	_ =	sfence  }
0xb7: {  	s30 =	sld [smem:$0x0];
	_ =	sdelay $0x2  }
0xb8: {  	s31 =	sshll.u32 s1, $0xD;
	s1 =	sshrl.u32 s1, $0x2  }
0xb9: {  	s3 =	sand.u32 $0x4000, s31;
	s1 =	sadd.s32 s1, s30  }
0xba: {  	s0 =	sor.u32 s3, s0;
	s1 =	sshll.u32 s1, $0x11  }
0xbb: {  	s0 =	sor.u32 s1, s0  }
0xbc: {  	s0 =	sadd.s32 $0x8F2B, s0  }
0xbd: {  	[sflag:s0] =	ssyncadd.remote.s32 $0x1  }
0xbe: {  	_ =	sfence.sel $0xFFFF  }
0xbf: {  	[dreg:$0x0] =	wrdreg $0xFFFFFFFF;
	(pc) =	sbr.abs _section_cstart, $3  }
0xc0: {  	[dreg:$0x1] =	wrdreg $0xFFFFFFFF  }
0xc1: {  	_ =	task.clear_ibuf [dreg:s6], $0x2FFFF;
	_ =	strace $0x9FFFFFFF  }
0xc2: {  	(tm) =	ssettm $0x7FFFFFFF  }
0xc3: {  	_ =	shalt  }
tec
execute0_lowered:
.L_overlay_start_1:
0x0: {  	(tag) =	ssettag $0x1  }
0x1: {  	s0 =	rddreg [dreg:$0x0]  }
0x2: {  	s2 =	rddreg [dreg:$0x1];
	s3 =	simm.s32 $0x0;
	s11 =	stileid.u32  }
0x3: {  	s6 =	srdreg.scid;
	s28 =	simm.s32 $0x200;
	[smem:$0x7FF] =	sst s3  }
0x4: {  	s1 =	smul.u32 $0xA00, s11;
	s4 =	sadd.s32 $0x18E00, s0;
	s5 =	sadd.s32 $0x40E00, s0  }
0x5: {  	s6 =	sand.u32 $0x1, s6;
	s8 =	smul.u32 $0x280, s11;
	s9 =	sadd.s32 $0x90E00, s0  }
0x6: {  	s10 =	smul.u32 $0x50000, s11;
	_ =	strace $0x8000004A;
	s7 =	ssub.s32 $0x2, s6  }
0x7: {  	[dreg:$0x3] =	wrdreg s9;
	p0 =	seq.s32 s6, $0x1;
	s9 =	smul.u32 $0x2800, s11  }
0x8: {  	s1 =	sadd.s32 s1, s0;
	s13 =	sshrl.u32 s7, $0x1;
	s0 =	sadd.s32 $0xB8E00, s0  }
0x9: {  	s15 =	sshrl.u32 s10, $0x2;
	s16 =	sor.u32 $0x50, s8;
	s18 =	sadd.s32 $0xA0, s8  }
0xa: {  	s19 =	sadd.s32 $0xF0, s8;
	s21 =	sadd.s32 $0x140, s8;
	s23 =	sadd.s32 $0x190, s8  }
0xb: {  	s24 =	sadd.s32 $0x1E0, s8;
	s26 =	sadd.s32 $0x230, s8;
	[dreg:$0x4] =	wrdreg s0  }
0xc: {  	s14 =	ssub.s32 s7, s13;
	s10 =	sadd.s32 s15, s2;
	s17 =	sshll.u32 s16, $0x7  }
0xd: {  	s11 =	sshll.u32 s16, $0x4;
	s13 =	sshll.u32 s18, $0x4;
	s20 =	sshll.u32 s19, $0x7  }
0xe: {  	s15 =	sshll.u32 s19, $0x4;
	s7 =	sadd.s32 s4, s9;
	[dreg:$0x6] =	wrdreg s9  }
0xf: {  	s22 =	sshll.u32 s21, $0x7;
	s19 =	sshll.u32 s23, $0x4;
	[dreg:$0xc] =	wrdreg s7  }
0x10: {  	s25 =	sshll.u32 s24, $0x7;
	s6 =	sshll.u32 s26, $0x7;
	[dreg:$0x7] =	wrdreg s11  }
0x11: {  	s0 =	smax.u32 s14, $0x1;
	s12 =	sadd.s32 s17, s2;
	[dreg:$0x8] =	wrdreg s13  }
0x12: {  	s17 =	sshll.u32 s21, $0x4;
	s21 =	sshll.u32 s24, $0x4;
	[dreg:$0x9] =	wrdreg s15  }
0x13: {  	s24 =	sadd.s32 s6, s2;
	s8 =	sadd.s32 s4, s11;
	[dreg:$0xb] =	wrdreg s19  }
0x14: {  	s6 =	sadd.s32 s4, s15;
	[dreg:$0x5] =	wrdreg s0;
	s0 =	sshll.u32 s18, $0x7  }
0x15: {  	s18 =	sadd.s32 s22, s2;
	s22 =	sadd.s32 s25, s2;
	[dreg:$0xd] =	wrdreg s8  }
0x16: {  	s25 =	sadd.s32 $0xEE00, s1;
	[dreg:$0xf] =	wrdreg s6;
	s7 =	sadd.s32 s4, s17  }
0x17: {  	s8 =	sadd.s32 s4, s19;
	[dreg:$0xa] =	wrdreg s17;
	s14 =	sadd.s32 s0, s2  }
0x18: {  	s0 =	sshll.u32 s23, $0x7;
	s23 =	sshll.u32 s26, $0x4;
	[dreg:$0x10] =	wrdreg s7  }
0x19: {  	s26 =	sadd.s32 $0x4E00, s1;
	s1 =	sadd.s32 s4, s13;
	[dreg:$0x11] =	wrdreg s8  }
0x1a: {  	s29 =	simm.s32 $0x3;
	s7 =	sadd.s32 s5, s9;
	[dreg:$0xe] =	wrdreg s1  }
0x1b: {  	s30 =	simm.s32 $0x50;
	s8 =	sadd.s32 s5, s11;
	[dreg:$0x14] =	wrdreg s7  }
0x1c: {  	s31 =	simm.s32 $0x80;
	s9 =	sadd.s32 s5, s13;
	[dreg:$0x15] =	wrdreg s8  }
0x1d: {  	s16 =	sadd.s32 s20, s2;
	s11 =	sadd.s32 s5, s15;
	[dreg:$0x16] =	wrdreg s9  }
0x1e: {  	s13 =	sadd.s32 s5, s17;
	s15 =	sadd.s32 s5, s19;
	[dreg:$0x17] =	wrdreg s11  }
0x1f: {  	s17 =	sadd.s32 s5, s21;
	s20 =	sadd.s32 s0, s2;
	[dreg:$0x18] =	wrdreg s13  }
.Ltmp0:
0x20: {  	s1 =	sadd.s32 s4, s21;
	[dreg:$0x19] =	wrdreg s15;
	(pc) =	sbr.rel .LBB2_1-.Ltmp0, $4  }
0x21: {  	s6 =	sadd.s32 s4, s23;
	[dreg:$0x1a] =	wrdreg s17;
	s19 =	sadd.s32 s5, s23  }
0x22: {  	s0 =	simm.s32 $0x100;
	s7 =	simm.s32 $0x180;
	[dreg:$0x12] =	wrdreg s1  }
0x23: {  	s8 =	simm.s32 $0x2;
	s9 =	simm.s32 $0x0;
	[dreg:$0x13] =	wrdreg s6  }
0x24: {  	[dreg:$0x1b] =	wrdreg s19;
	s1 =	simm.s32 $0x1;
	s6 =	simm.s32 $0x2A00  }
.LBB2_7:
0x25: {  	s13 =	sadd.s32 s11, s26;
	[sflag:s29] =	ssyncadd.s32 $0xFFFFD800  }
0x26: {  	[tilespmem:s3], [sflag:$0x3] =	stream.linear.gather [hbm4b:s13+s3], $0x50, $0x38;
	[tilespmem:$0x19200] =	vst v63  }
0x27: {  	_ =	swait.ge [sflag:s29], $0x50  }
0x28: {  	[sflag:s29] =	ssyncset.done $0x0  }
0x29: {  	[sflag:s29] =	ssyncadd.s32 $0xFFFFFFB0  }
0x2a: {  	[tilespmem:s28], [sflag:$0x1] =	stream.indirect.gather [hbm4b:s5+s30], $0x80, s3, s30, $0xb8;
	[tilespmem:$0x19200] =	vst v63  }
0x2b: {  	s19 =	sadd.s32 s11, s25  }
0x2c: {  	[tilespmem:s31], [sflag:$0x3] =	stream.linear.gather [hbm4b:s19+s3], $0x50, $0x38;
	[tilespmem:$0x19200] =	vst v63  }
0x2d: {  	_ =	swait.ge [sflag:s29], $0x50  }
0x2e: {  	[sflag:s29] =	ssyncset.done $0x0  }
0x2f: {  	s13 =	sadd.s32 $0xA, s13;
	[sflag:s29] =	ssyncadd.s32 $0xFFFFFFB0  }
0x30: {  	[tilespmem:s0], [sflag:$0x3] =	stream.linear.gather [hbm4b:s13+s3], $0x50, $0x38;
	[tilespmem:$0x19200] =	vst v63  }
0x31: {  	_ =	swait.ge [sflag:s29], $0x50  }
0x32: {  	[sflag:s29] =	ssyncset.done $0x0  }
0x33: {  	[sflag:s29] =	ssyncadd.s32 $0xFFFFFFB0  }
0x34: {  	_ =	swait.ge [sflag:s1], $0x2800  }
0x35: {  	[sflag:s1] =	ssyncset.done $0x0  }
0x36: {  	[sflag:s1] =	ssyncadd.s32 $0xFFFFD800  }
0x37: {  	[tilespmem:s6], [sflag:$0x1] =	stream.indirect.gather [hbm4b:s5+s30], $0x80, s0, s30, $0xb8;
	[tilespmem:$0x19200] =	vst v63  }
0x38: {  	_ = 	snop  }
0x39: {  	[spmem:s2] =	stream.indirect.scatter.add.f32 [tilespmem:s28], [sflag:$0x2], $0x80, s31, s30, $0xb8;
	[tilespmem:$0x19200] =	vst v63  }
0x3a: {  	s11 =	sadd.s32 $0xA, s19  }
0x3b: {  	[tilespmem:s7], [sflag:$0x3] =	stream.linear.gather [hbm4b:s11+s3], $0x50, $0x38;
	[tilespmem:$0x19200] =	vst v63  }
0x3c: {  	_ =	swait.ge [sflag:s29], $0x50  }
0x3d: {  	[sflag:s29] =	ssyncset.done $0x0  }
0x3e: {  	[sflag:s29] =	ssyncadd.s32 $0xFFFFFFB0  }
0x3f: {  	_ =	swait.ge [sflag:s1], $0x2800  }
0x40: {  	[sflag:s1] =	ssyncset.done $0x0  }
0x41: {  	[sflag:s1] =	ssyncadd.s32 $0xFFFFD800  }
0x42: {  	_ =	swait.ge [sflag:s8], $0x2800  }
0x43: {  	[sflag:s8] =	ssyncset.done $0x0  }
0x44: {  	[sflag:s8] =	ssyncadd.s32 $0xFFFFD800  }
0x45: {  	[spmem:s2] =	stream.indirect.scatter.add.f32 [tilespmem:s6], [sflag:$0x3], $0x80, s7, s30, $0xb8;
	[tilespmem:$0x19200] =	vst v63  }
0x46: {  	_ =	swait.ge [sflag:s29], $0x2800  }
0x47: {  	[sflag:s29] =	ssyncset.done $0x0  }
0x48: {  	s11 =	rddreg [dreg:$0x4];
	[sflag:s29] =	ssyncadd.s32 $0xFFFFD800  }
.LBB2_8:
0x49: {  	[bflag:$0x0] =	sbarrier.arrive $0xFFFF  }
0x4a: {  	[tilespmem:s28], [sflag:$0x3] =	stream.linear.gather [spmem:s10], $0x2800, $0x38;
	[tilespmem:$0x19200] =	vst v63  }
0x4b: {  	_ =	swait.ge [sflag:s29], $0x2800  }
0x4c: {  	[sflag:s29] =	ssyncset.done $0x0;
	s13 =	rddreg [dreg:$0x6]  }
0x4d: {  	s13 =	sadd.s32 s11, s13;
	[sflag:s29] =	ssyncadd.s32 $0xFFFFD800  }
0x4e: {  	[hbm4b:s13+s3] =	stream.linear.scatter [tilespmem:s28], [sflag:$0x3], $0x2800, $0x38;
	[tilespmem:$0x19200] =	vst v63  }
0x4f: {  	_ =	swait.ge [sflag:s29], $0x2800  }
0x50: {  	[sflag:s29] =	ssyncset.done $0x0  }
0x51: {  	[sflag:s29] =	ssyncadd.s32 $0xFFFFD800  }
0x52: {  	[tilespmem:s28], [sflag:$0x3] =	stream.linear.gather [spmem:s12], $0x2800, $0x38;
	[tilespmem:$0x19200] =	vst v63  }
0x53: {  	_ =	swait.ge [sflag:s29], $0x2800  }
0x54: {  	[sflag:s29] =	ssyncset.done $0x0;
	s17 =	rddreg [dreg:$0x7]  }
0x55: {  	s13 =	sadd.s32 s11, s17;
	[sflag:s29] =	ssyncadd.s32 $0xFFFFD800  }
0x56: {  	[hbm4b:s13+s3] =	stream.linear.scatter [tilespmem:s28], [sflag:$0x3], $0x2800, $0x38;
	[tilespmem:$0x19200] =	vst v63  }
0x57: {  	_ =	swait.ge [sflag:s29], $0x2800  }
0x58: {  	[sflag:s29] =	ssyncset.done $0x0  }
0x59: {  	[sflag:s29] =	ssyncadd.s32 $0xFFFFD800  }
0x5a: {  	[tilespmem:s28], [sflag:$0x3] =	stream.linear.gather [spmem:s14], $0x2800, $0x38;
	[tilespmem:$0x19200] =	vst v63  }
0x5b: {  	_ =	swait.ge [sflag:s29], $0x2800  }
0x5c: {  	[sflag:s29] =	ssyncset.done $0x0;
	s19 =	rddreg [dreg:$0x8]  }
0x5d: {  	s13 =	sadd.s32 s11, s19;
	[sflag:s29] =	ssyncadd.s32 $0xFFFFD800  }
0x5e: {  	[hbm4b:s13+s3] =	stream.linear.scatter [tilespmem:s28], [sflag:$0x3], $0x2800, $0x38;
	[tilespmem:$0x19200] =	vst v63  }
0x5f: {  	_ =	swait.ge [sflag:s29], $0x2800  }
0x60: {  	[sflag:s29] =	ssyncset.done $0x0  }
0x61: {  	[sflag:s29] =	ssyncadd.s32 $0xFFFFD800  }
0x62: {  	[tilespmem:s28], [sflag:$0x3] =	stream.linear.gather [spmem:s16], $0x2800, $0x38;
	[tilespmem:$0x19200] =	vst v63  }
0x63: {  	_ =	swait.ge [sflag:s29], $0x2800  }
0x64: {  	[sflag:s29] =	ssyncset.done $0x0;
	s15 =	rddreg [dreg:$0x9]  }
0x65: {  	s13 =	sadd.s32 s11, s15;
	[sflag:s29] =	ssyncadd.s32 $0xFFFFD800  }
0x66: {  	[hbm4b:s13+s3] =	stream.linear.scatter [tilespmem:s28], [sflag:$0x3], $0x2800, $0x38;
	[tilespmem:$0x19200] =	vst v63  }
0x67: {  	_ =	swait.ge [sflag:s29], $0x2800  }
0x68: {  	[sflag:s29] =	ssyncset.done $0x0  }
0x69: {  	[sflag:s29] =	ssyncadd.s32 $0xFFFFD800  }
0x6a: {  	[tilespmem:s28], [sflag:$0x3] =	stream.linear.gather [spmem:s18], $0x2800, $0x38;
	[tilespmem:$0x19200] =	vst v63  }
0x6b: {  	_ =	swait.ge [sflag:s29], $0x2800  }
0x6c: {  	[sflag:s29] =	ssyncset.done $0x0;
	s17 =	rddreg [dreg:$0xa]  }
0x6d: {  	s13 =	sadd.s32 s11, s17;
	[sflag:s29] =	ssyncadd.s32 $0xFFFFD800  }
0x6e: {  	[hbm4b:s13+s3] =	stream.linear.scatter [tilespmem:s28], [sflag:$0x3], $0x2800, $0x38;
	[tilespmem:$0x19200] =	vst v63  }
0x6f: {  	_ =	swait.ge [sflag:s29], $0x2800  }
0x70: {  	[sflag:s29] =	ssyncset.done $0x0  }
0x71: {  	[sflag:s29] =	ssyncadd.s32 $0xFFFFD800  }
0x72: {  	[tilespmem:s28], [sflag:$0x3] =	stream.linear.gather [spmem:s20], $0x2800, $0x38;
	[tilespmem:$0x19200] =	vst v63  }
0x73: {  	_ =	swait.ge [sflag:s29], $0x2800  }
0x74: {  	[sflag:s29] =	ssyncset.done $0x0;
	s19 =	rddreg [dreg:$0xb]  }
0x75: {  	s13 =	sadd.s32 s11, s19;
	[sflag:s29] =	ssyncadd.s32 $0xFFFFD800  }
0x76: {  	[hbm4b:s13+s3] =	stream.linear.scatter [tilespmem:s28], [sflag:$0x3], $0x2800, $0x38;
	[tilespmem:$0x19200] =	vst v63  }
0x77: {  	_ =	swait.ge [sflag:s29], $0x2800  }
0x78: {  	[sflag:s29] =	ssyncset.done $0x0  }
0x79: {  	[sflag:s29] =	ssyncadd.s32 $0xFFFFD800  }
0x7a: {  	[tilespmem:s28], [sflag:$0x3] =	stream.linear.gather [spmem:s22], $0x2800, $0x38;
	[tilespmem:$0x19200] =	vst v63  }
0x7b: {  	_ =	swait.ge [sflag:s29], $0x2800  }
0x7c: {  	[sflag:s29] =	ssyncset.done $0x0  }
0x7d: {  	s15 =	sadd.s32 s11, s21;
	[sflag:s29] =	ssyncadd.s32 $0xFFFFD800  }
0x7e: {  	[hbm4b:s15+s3] =	stream.linear.scatter [tilespmem:s28], [sflag:$0x3], $0x2800, $0x38;
	[tilespmem:$0x19200] =	vst v63  }
0x7f: {  	_ =	swait.ge [sflag:s29], $0x2800  }
0x80: {  	[sflag:s29] =	ssyncset.done $0x0  }
0x81: {  	[sflag:s29] =	ssyncadd.s32 $0xFFFFD800  }
0x82: {  	[tilespmem:s28], [sflag:$0x3] =	stream.linear.gather [spmem:s24], $0x2800, $0x38;
	[tilespmem:$0x19200] =	vst v63  }
0x83: {  	_ =	swait.ge [sflag:s29], $0x2800  }
0x84: {  	[sflag:s29] =	ssyncset.done $0x0  }
0x85: {  	s17 =	sadd.s32 s11, s23;
	[sflag:s29] =	ssyncadd.s32 $0xFFFFD800  }
0x86: {  	[hbm4b:s17+s3] =	stream.linear.scatter [tilespmem:s28], [sflag:$0x3], $0x2800, $0x38;
	[tilespmem:$0x19200] =	vst v63  }
0x87: {  	_ =	swait.ge [sflag:s29], $0x2800  }
0x88: {  	s9 =	sadd.s32 $0x1, s9;
	s19 =	rddreg [dreg:$0x5]  }
0x89: {  	p1 =	sne.s32 s9, s19  }
.Ltmp1:
0x8a: {  	_ = 	snop;
	(pc) =	sbr.rel @!p1 .LBB2_9-.Ltmp1, $3  }
0x8b: {  	_ =	sdelay $0x1  }
0x8c: {  	[sflag:s29] =	ssyncset.done $0x0  }
0x8d: {  	[sflag:s29] =	ssyncadd.s32 $0xFFFFD800  }
.LBB2_1:
.Ltmp2:
0x8e: {  	(pc) =	sbr.rel @!p0 .LBB2_2-.Ltmp2, $2  }
0x8f: {  	_ =	sdelay $0x2  }
0x90: {  	s11 =	simm.s32 $0x0  }
0x91: {  	s13 =	rddreg [dreg:$0x14]  }
0x92: {  	[tilespmem:s28], [sflag:$0x3] =	stream.linear.gather [hbm4b:s13+s11], $0x2800, $0x38;
	[tilespmem:$0x19200] =	vst v63  }
0x93: {  	_ =	swait.ge [sflag:s29], $0x2800  }
0x94: {  	[sflag:s29] =	ssyncset.done $0x0  }
0x95: {  	[sflag:s29] =	ssyncadd.s32 $0xFFFFD800  }
0x96: {  	[spmem:s10] =	stream.linear.scatter [tilespmem:s28], [sflag:$0x3], $0x2800, $0x38;
	[tilespmem:$0x19200] =	vst v63  }
0x97: {  	_ =	swait.ge [sflag:s29], $0x2800  }
0x98: {  	[sflag:s29] =	ssyncset.done $0x0  }
0x99: {  	s19 =	rddreg [dreg:$0x15];
	[sflag:s29] =	ssyncadd.s32 $0xFFFFD800  }
0x9a: {  	[tilespmem:s28], [sflag:$0x3] =	stream.linear.gather [hbm4b:s19+s11], $0x2800, $0x38;
	[tilespmem:$0x19200] =	vst v63  }
0x9b: {  	_ =	swait.ge [sflag:s29], $0x2800  }
0x9c: {  	[sflag:s29] =	ssyncset.done $0x0  }
0x9d: {  	[sflag:s29] =	ssyncadd.s32 $0xFFFFD800  }
0x9e: {  	[spmem:s12] =	stream.linear.scatter [tilespmem:s28], [sflag:$0x3], $0x2800, $0x38;
	[tilespmem:$0x19200] =	vst v63  }
0x9f: {  	_ =	swait.ge [sflag:s29], $0x2800  }
0xa0: {  	[sflag:s29] =	ssyncset.done $0x0  }
0xa1: {  	s15 =	rddreg [dreg:$0x16];
	[sflag:s29] =	ssyncadd.s32 $0xFFFFD800  }
0xa2: {  	[tilespmem:s28], [sflag:$0x3] =	stream.linear.gather [hbm4b:s15+s11], $0x2800, $0x38;
	[tilespmem:$0x19200] =	vst v63  }
0xa3: {  	_ =	swait.ge [sflag:s29], $0x2800  }
0xa4: {  	[sflag:s29] =	ssyncset.done $0x0  }
0xa5: {  	[sflag:s29] =	ssyncadd.s32 $0xFFFFD800  }
0xa6: {  	[spmem:s14] =	stream.linear.scatter [tilespmem:s28], [sflag:$0x3], $0x2800, $0x38;
	[tilespmem:$0x19200] =	vst v63  }
0xa7: {  	_ =	swait.ge [sflag:s29], $0x2800  }
0xa8: {  	[sflag:s29] =	ssyncset.done $0x0  }
0xa9: {  	s17 =	rddreg [dreg:$0x17];
	[sflag:s29] =	ssyncadd.s32 $0xFFFFD800  }
0xaa: {  	[tilespmem:s28], [sflag:$0x3] =	stream.linear.gather [hbm4b:s17+s11], $0x2800, $0x38;
	[tilespmem:$0x19200] =	vst v63  }
0xab: {  	_ =	swait.ge [sflag:s29], $0x2800  }
0xac: {  	[sflag:s29] =	ssyncset.done $0x0  }
0xad: {  	[sflag:s29] =	ssyncadd.s32 $0xFFFFD800  }
0xae: {  	[spmem:s16] =	stream.linear.scatter [tilespmem:s28], [sflag:$0x3], $0x2800, $0x38;
	[tilespmem:$0x19200] =	vst v63  }
0xaf: {  	_ =	swait.ge [sflag:s29], $0x2800  }
0xb0: {  	[sflag:s29] =	ssyncset.done $0x0  }
0xb1: {  	s19 =	rddreg [dreg:$0x18];
	[sflag:s29] =	ssyncadd.s32 $0xFFFFD800  }
0xb2: {  	[tilespmem:s28], [sflag:$0x3] =	stream.linear.gather [hbm4b:s19+s11], $0x2800, $0x38;
	[tilespmem:$0x19200] =	vst v63  }
0xb3: {  	_ =	swait.ge [sflag:s29], $0x2800  }
0xb4: {  	[sflag:s29] =	ssyncset.done $0x0  }
0xb5: {  	[sflag:s29] =	ssyncadd.s32 $0xFFFFD800  }
0xb6: {  	[spmem:s18] =	stream.linear.scatter [tilespmem:s28], [sflag:$0x3], $0x2800, $0x38;
	[tilespmem:$0x19200] =	vst v63  }
0xb7: {  	_ =	swait.ge [sflag:s29], $0x2800  }
0xb8: {  	[sflag:s29] =	ssyncset.done $0x0  }
0xb9: {  	s15 =	rddreg [dreg:$0x19];
	[sflag:s29] =	ssyncadd.s32 $0xFFFFD800  }
0xba: {  	[tilespmem:s28], [sflag:$0x3] =	stream.linear.gather [hbm4b:s15+s11], $0x2800, $0x38;
	[tilespmem:$0x19200] =	vst v63  }
0xbb: {  	_ =	swait.ge [sflag:s29], $0x2800  }
0xbc: {  	[sflag:s29] =	ssyncset.done $0x0  }
0xbd: {  	[sflag:s29] =	ssyncadd.s32 $0xFFFFD800  }
0xbe: {  	[spmem:s20] =	stream.linear.scatter [tilespmem:s28], [sflag:$0x3], $0x2800, $0x38;
	[tilespmem:$0x19200] =	vst v63  }
0xbf: {  	_ =	swait.ge [sflag:s29], $0x2800  }
0xc0: {  	[sflag:s29] =	ssyncset.done $0x0  }
0xc1: {  	s17 =	rddreg [dreg:$0x1a];
	[sflag:s29] =	ssyncadd.s32 $0xFFFFD800  }
0xc2: {  	[tilespmem:s28], [sflag:$0x3] =	stream.linear.gather [hbm4b:s17+s11], $0x2800, $0x38;
	[tilespmem:$0x19200] =	vst v63  }
0xc3: {  	_ =	swait.ge [sflag:s29], $0x2800  }
0xc4: {  	[sflag:s29] =	ssyncset.done $0x0  }
0xc5: {  	[sflag:s29] =	ssyncadd.s32 $0xFFFFD800  }
0xc6: {  	[spmem:s22] =	stream.linear.scatter [tilespmem:s28], [sflag:$0x3], $0x2800, $0x38;
	[tilespmem:$0x19200] =	vst v63  }
0xc7: {  	_ =	swait.ge [sflag:s29], $0x2800  }
0xc8: {  	[sflag:s29] =	ssyncset.done $0x0  }
0xc9: {  	s19 =	rddreg [dreg:$0x1b];
	[sflag:s29] =	ssyncadd.s32 $0xFFFFD800  }
0xca: {  	[tilespmem:s28], [sflag:$0x3] =	stream.linear.gather [hbm4b:s19+s11], $0x2800, $0x38;
	[tilespmem:$0x19200] =	vst v63  }
0xcb: {  	_ =	swait.ge [sflag:s29], $0x2800  }
0xcc: {  	[sflag:s29] =	ssyncset.done $0x0  }
0xcd: {  	[sflag:s29] =	ssyncadd.s32 $0xFFFFD800  }
0xce: {  	[spmem:s24] =	stream.linear.scatter [tilespmem:s28], [sflag:$0x3], $0x2800, $0x38;
	[tilespmem:$0x19200] =	vst v63  }
0xcf: {  	_ =	swait.ge [sflag:s29], $0x2800  }
0xd0: {  	[sflag:s29] =	ssyncset.done $0x0  }
0xd1: {  	[sflag:s29] =	ssyncadd.s32 $0xFFFFD800  }
0xd2: {  	s15 =	sadd.s32 $0x0, s26;
	[bflag:$0x0] =	sbarrier.arrive $0xFFFF  }
0xd3: {  	[tilespmem:s3], [sflag:$0x3] =	stream.linear.gather [hbm4b:s15+s3], $0x50, $0x38;
	[tilespmem:$0x19200] =	vst v63  }
0xd4: {  	_ =	swait.ge [sflag:s29], $0x50  }
0xd5: {  	[sflag:s29] =	ssyncset.done $0x0  }
0xd6: {  	[sflag:s29] =	ssyncadd.s32 $0xFFFFFFB0  }
0xd7: {  	[tilespmem:s28], [sflag:$0x1] =	stream.indirect.gather [hbm4b:s5+s30], $0x80, s3, s30, $0xb8;
	[tilespmem:$0x19200] =	vst v63  }
0xd8: {  	s17 =	sadd.s32 $0x0, s25  }
0xd9: {  	[tilespmem:s31], [sflag:$0x3] =	stream.linear.gather [hbm4b:s17+s3], $0x50, $0x38;
	[tilespmem:$0x19200] =	vst v63  }
0xda: {  	_ =	swait.ge [sflag:s29], $0x50  }
0xdb: {  	[sflag:s29] =	ssyncset.done $0x0  }
0xdc: {  	s11 =	sadd.s32 $0xA, s15;
	[sflag:s29] =	ssyncadd.s32 $0xFFFFFFB0  }
0xdd: {  	[tilespmem:s0], [sflag:$0x3] =	stream.linear.gather [hbm4b:s11+s3], $0x50, $0x38;
	[tilespmem:$0x19200] =	vst v63  }
0xde: {  	_ =	swait.ge [sflag:s29], $0x50  }
0xdf: {  	[sflag:s29] =	ssyncset.done $0x0  }
0xe0: {  	[sflag:s29] =	ssyncadd.s32 $0xFFFFFFB0  }
0xe1: {  	_ =	swait.ge [sflag:s1], $0x2800  }
0xe2: {  	[sflag:s1] =	ssyncset.done $0x0  }
0xe3: {  	[sflag:s1] =	ssyncadd.s32 $0xFFFFD800  }
0xe4: {  	[tilespmem:s6], [sflag:$0x1] =	stream.indirect.gather [hbm4b:s5+s30], $0x80, s0, s30, $0xb8;
	[tilespmem:$0x19200] =	vst v63  }
0xe5: {  	_ = 	snop  }
0xe6: {  	[spmem:s2] =	stream.indirect.scatter.add.f32 [tilespmem:s28], [sflag:$0x2], $0x80, s31, s30, $0xb8;
	[tilespmem:$0x19200] =	vst v63  }
0xe7: {  	s19 =	sadd.s32 $0xA, s17  }
0xe8: {  	[tilespmem:s7], [sflag:$0x3] =	stream.linear.gather [hbm4b:s19+s3], $0x50, $0x38;
	[tilespmem:$0x19200] =	vst v63  }
0xe9: {  	_ =	swait.ge [sflag:s29], $0x50  }
0xea: {  	[sflag:s29] =	ssyncset.done $0x0  }
0xeb: {  	[sflag:s29] =	ssyncadd.s32 $0xFFFFFFB0  }
0xec: {  	_ =	swait.ge [sflag:s1], $0x2800  }
0xed: {  	[sflag:s1] =	ssyncset.done $0x0  }
0xee: {  	[sflag:s1] =	ssyncadd.s32 $0xFFFFD800  }
0xef: {  	_ =	swait.ge [sflag:s8], $0x2800  }
0xf0: {  	[sflag:s8] =	ssyncset.done $0x0  }
0xf1: {  	[sflag:s8] =	ssyncadd.s32 $0xFFFFD800  }
0xf2: {  	[spmem:s2] =	stream.indirect.scatter.add.f32 [tilespmem:s6], [sflag:$0x3], $0x80, s7, s30, $0xb8;
	[tilespmem:$0x19200] =	vst v63  }
0xf3: {  	_ =	swait.ge [sflag:s29], $0x2800  }
0xf4: {  	s15 =	simm.s32 $0x28;
	s11 =	simm.s32 $0x14;
	[sflag:s29] =	ssyncset.done $0x0  }
.LBB2_6:
0xf5: {  	s17 =	sadd.s32 s11, s26  }
0xf6: {  	[sflag:s29] =	ssyncadd.s32 $0xFFFFD800;
	s19 =	smov.u32 s15;
	s13 =	sadd.s32 $0x14, s15  }
0xf7: {  	[tilespmem:s3], [sflag:$0x3] =	stream.linear.gather [hbm4b:s17+s3], $0x50, $0x38;
	[tilespmem:$0x19200] =	vst v63  }
0xf8: {  	p1 =	sne.s32 s15, $0x9EC;
	_ =	swait.ge [sflag:s29], $0x50  }
0xf9: {  	[sflag:s29] =	ssyncset.done $0x0  }
0xfa: {  	[sflag:s29] =	ssyncadd.s32 $0xFFFFFFB0  }
0xfb: {  	[tilespmem:s28], [sflag:$0x1] =	stream.indirect.gather [hbm4b:s5+s30], $0x80, s3, s30, $0xb8;
	[tilespmem:$0x19200] =	vst v63  }
0xfc: {  	s15 =	sadd.s32 s11, s25;
	s11 =	smov.u32 s19  }
0xfd: {  	[tilespmem:s31], [sflag:$0x3] =	stream.linear.gather [hbm4b:s15+s3], $0x50, $0x38;
	[tilespmem:$0x19200] =	vst v63  }
0xfe: {  	_ =	swait.ge [sflag:s29], $0x50  }
0xff: {  	[sflag:s29] =	ssyncset.done $0x0  }
0x100: {  	s17 =	sadd.s32 $0xA, s17;
	[sflag:s29] =	ssyncadd.s32 $0xFFFFFFB0  }
0x101: {  	[tilespmem:s0], [sflag:$0x3] =	stream.linear.gather [hbm4b:s17+s3], $0x50, $0x38;
	[tilespmem:$0x19200] =	vst v63  }
0x102: {  	_ =	swait.ge [sflag:s29], $0x50  }
0x103: {  	[sflag:s29] =	ssyncset.done $0x0  }
0x104: {  	[sflag:s29] =	ssyncadd.s32 $0xFFFFFFB0  }
0x105: {  	_ =	swait.ge [sflag:s1], $0x2800  }
0x106: {  	[sflag:s1] =	ssyncset.done $0x0  }
0x107: {  	[sflag:s1] =	ssyncadd.s32 $0xFFFFD800  }
0x108: {  	[tilespmem:s6], [sflag:$0x1] =	stream.indirect.gather [hbm4b:s5+s30], $0x80, s0, s30, $0xb8;
	[tilespmem:$0x19200] =	vst v63  }
0x109: {  	_ = 	snop  }
0x10a: {  	[spmem:s2] =	stream.indirect.scatter.add.f32 [tilespmem:s28], [sflag:$0x2], $0x80, s31, s30, $0xb8;
	[tilespmem:$0x19200] =	vst v63  }
0x10b: {  	s15 =	sadd.s32 $0xA, s15  }
0x10c: {  	[tilespmem:s7], [sflag:$0x3] =	stream.linear.gather [hbm4b:s15+s3], $0x50, $0x38;
	[tilespmem:$0x19200] =	vst v63  }
0x10d: {  	_ =	swait.ge [sflag:s29], $0x50  }
0x10e: {  	[sflag:s29] =	ssyncset.done $0x0  }
0x10f: {  	[sflag:s29] =	ssyncadd.s32 $0xFFFFFFB0  }
0x110: {  	_ =	swait.ge [sflag:s1], $0x2800  }
0x111: {  	[sflag:s1] =	ssyncset.done $0x0  }
0x112: {  	[sflag:s1] =	ssyncadd.s32 $0xFFFFD800  }
0x113: {  	_ =	swait.ge [sflag:s8], $0x2800  }
.Ltmp3:
0x114: {  	[sflag:s8] =	ssyncset.done $0x0;
	(pc) =	sbr.rel @p1 .LBB2_6-.Ltmp3, $4  }
0x115: {  	[sflag:s8] =	ssyncadd.s32 $0xFFFFD800  }
0x116: {  	[spmem:s2] =	stream.indirect.scatter.add.f32 [tilespmem:s6], [sflag:$0x3], $0x80, s7, s30, $0xb8;
	[tilespmem:$0x19200] =	vst v63  }
0x117: {  	_ =	swait.ge [sflag:s29], $0x2800  }
0x118: {  	s15 =	smov.u32 s13;
	[sflag:s29] =	ssyncset.done $0x0  }
.Ltmp4:
0x119: {  	_ = 	snop;
	(pc) =	sbr.rel .LBB2_7-.Ltmp4, $1  }
0x11a: {  	_ =	sdelay $0x3  }
.LBB2_2:
0x11b: {  	s13 =	rddreg [dreg:$0xc]  }
0x11c: {  	[tilespmem:s28], [sflag:$0x3] =	stream.linear.gather [hbm4b:s13+s11], $0x2800, $0x38;
	[tilespmem:$0x19200] =	vst v63  }
0x11d: {  	_ =	swait.ge [sflag:s29], $0x2800  }
0x11e: {  	[sflag:s29] =	ssyncset.done $0x0  }
0x11f: {  	[sflag:s29] =	ssyncadd.s32 $0xFFFFD800  }
0x120: {  	[spmem:s10] =	stream.linear.scatter [tilespmem:s28], [sflag:$0x3], $0x2800, $0x38;
	[tilespmem:$0x19200] =	vst v63  }
0x121: {  	_ =	swait.ge [sflag:s29], $0x2800  }
0x122: {  	[sflag:s29] =	ssyncset.done $0x0  }
0x123: {  	s19 =	rddreg [dreg:$0xd];
	[sflag:s29] =	ssyncadd.s32 $0xFFFFD800  }
0x124: {  	[tilespmem:s28], [sflag:$0x3] =	stream.linear.gather [hbm4b:s19+s11], $0x2800, $0x38;
	[tilespmem:$0x19200] =	vst v63  }
0x125: {  	_ =	swait.ge [sflag:s29], $0x2800  }
0x126: {  	[sflag:s29] =	ssyncset.done $0x0  }
0x127: {  	[sflag:s29] =	ssyncadd.s32 $0xFFFFD800  }
0x128: {  	[spmem:s12] =	stream.linear.scatter [tilespmem:s28], [sflag:$0x3], $0x2800, $0x38;
	[tilespmem:$0x19200] =	vst v63  }
0x129: {  	_ =	swait.ge [sflag:s29], $0x2800  }
0x12a: {  	[sflag:s29] =	ssyncset.done $0x0  }
0x12b: {  	s15 =	rddreg [dreg:$0xe];
	[sflag:s29] =	ssyncadd.s32 $0xFFFFD800  }
0x12c: {  	[tilespmem:s28], [sflag:$0x3] =	stream.linear.gather [hbm4b:s15+s11], $0x2800, $0x38;
	[tilespmem:$0x19200] =	vst v63  }
0x12d: {  	_ =	swait.ge [sflag:s29], $0x2800  }
0x12e: {  	[sflag:s29] =	ssyncset.done $0x0  }
0x12f: {  	[sflag:s29] =	ssyncadd.s32 $0xFFFFD800  }
0x130: {  	[spmem:s14] =	stream.linear.scatter [tilespmem:s28], [sflag:$0x3], $0x2800, $0x38;
	[tilespmem:$0x19200] =	vst v63  }
0x131: {  	_ =	swait.ge [sflag:s29], $0x2800  }
0x132: {  	[sflag:s29] =	ssyncset.done $0x0  }
0x133: {  	s17 =	rddreg [dreg:$0xf];
	[sflag:s29] =	ssyncadd.s32 $0xFFFFD800  }
0x134: {  	[tilespmem:s28], [sflag:$0x3] =	stream.linear.gather [hbm4b:s17+s11], $0x2800, $0x38;
	[tilespmem:$0x19200] =	vst v63  }
0x135: {  	_ =	swait.ge [sflag:s29], $0x2800  }
0x136: {  	[sflag:s29] =	ssyncset.done $0x0  }
0x137: {  	[sflag:s29] =	ssyncadd.s32 $0xFFFFD800  }
0x138: {  	[spmem:s16] =	stream.linear.scatter [tilespmem:s28], [sflag:$0x3], $0x2800, $0x38;
	[tilespmem:$0x19200] =	vst v63  }
0x139: {  	_ =	swait.ge [sflag:s29], $0x2800  }
0x13a: {  	[sflag:s29] =	ssyncset.done $0x0  }
0x13b: {  	s19 =	rddreg [dreg:$0x10];
	[sflag:s29] =	ssyncadd.s32 $0xFFFFD800  }
0x13c: {  	[tilespmem:s28], [sflag:$0x3] =	stream.linear.gather [hbm4b:s19+s11], $0x2800, $0x38;
	[tilespmem:$0x19200] =	vst v63  }
0x13d: {  	_ =	swait.ge [sflag:s29], $0x2800  }
0x13e: {  	[sflag:s29] =	ssyncset.done $0x0  }
0x13f: {  	[sflag:s29] =	ssyncadd.s32 $0xFFFFD800  }
0x140: {  	[spmem:s18] =	stream.linear.scatter [tilespmem:s28], [sflag:$0x3], $0x2800, $0x38;
	[tilespmem:$0x19200] =	vst v63  }
0x141: {  	_ =	swait.ge [sflag:s29], $0x2800  }
0x142: {  	[sflag:s29] =	ssyncset.done $0x0  }
0x143: {  	s15 =	rddreg [dreg:$0x11];
	[sflag:s29] =	ssyncadd.s32 $0xFFFFD800  }
0x144: {  	[tilespmem:s28], [sflag:$0x3] =	stream.linear.gather [hbm4b:s15+s11], $0x2800, $0x38;
	[tilespmem:$0x19200] =	vst v63  }
0x145: {  	_ =	swait.ge [sflag:s29], $0x2800  }
0x146: {  	[sflag:s29] =	ssyncset.done $0x0  }
0x147: {  	[sflag:s29] =	ssyncadd.s32 $0xFFFFD800  }
0x148: {  	[spmem:s20] =	stream.linear.scatter [tilespmem:s28], [sflag:$0x3], $0x2800, $0x38;
	[tilespmem:$0x19200] =	vst v63  }
0x149: {  	_ =	swait.ge [sflag:s29], $0x2800  }
0x14a: {  	[sflag:s29] =	ssyncset.done $0x0  }
0x14b: {  	s17 =	rddreg [dreg:$0x12];
	[sflag:s29] =	ssyncadd.s32 $0xFFFFD800  }
0x14c: {  	[tilespmem:s28], [sflag:$0x3] =	stream.linear.gather [hbm4b:s17+s11], $0x2800, $0x38;
	[tilespmem:$0x19200] =	vst v63  }
0x14d: {  	_ =	swait.ge [sflag:s29], $0x2800  }
0x14e: {  	[sflag:s29] =	ssyncset.done $0x0  }
0x14f: {  	[sflag:s29] =	ssyncadd.s32 $0xFFFFD800  }
0x150: {  	[spmem:s22] =	stream.linear.scatter [tilespmem:s28], [sflag:$0x3], $0x2800, $0x38;
	[tilespmem:$0x19200] =	vst v63  }
0x151: {  	_ =	swait.ge [sflag:s29], $0x2800  }
0x152: {  	[sflag:s29] =	ssyncset.done $0x0  }
0x153: {  	s19 =	rddreg [dreg:$0x13];
	[sflag:s29] =	ssyncadd.s32 $0xFFFFD800  }
0x154: {  	[tilespmem:s28], [sflag:$0x3] =	stream.linear.gather [hbm4b:s19+s11], $0x2800, $0x38;
	[tilespmem:$0x19200] =	vst v63  }
0x155: {  	_ =	swait.ge [sflag:s29], $0x2800  }
0x156: {  	[sflag:s29] =	ssyncset.done $0x0  }
0x157: {  	[sflag:s29] =	ssyncadd.s32 $0xFFFFD800  }
0x158: {  	[spmem:s24] =	stream.linear.scatter [tilespmem:s28], [sflag:$0x3], $0x2800, $0x38;
	[tilespmem:$0x19200] =	vst v63  }
0x159: {  	_ =	swait.ge [sflag:s29], $0x2800  }
0x15a: {  	[sflag:s29] =	ssyncset.done $0x0  }
0x15b: {  	[sflag:s29] =	ssyncadd.s32 $0xFFFFD800  }
0x15c: {  	s15 =	sadd.s32 $0x0, s26;
	[bflag:$0x0] =	sbarrier.arrive $0xFFFF  }
0x15d: {  	[tilespmem:s3], [sflag:$0x3] =	stream.linear.gather [hbm4b:s15+s3], $0x50, $0x38;
	[tilespmem:$0x19200] =	vst v63  }
0x15e: {  	_ =	swait.ge [sflag:s29], $0x50  }
0x15f: {  	[sflag:s29] =	ssyncset.done $0x0  }
0x160: {  	[sflag:s29] =	ssyncadd.s32 $0xFFFFFFB0  }
0x161: {  	[tilespmem:s28], [sflag:$0x1] =	stream.indirect.gather [hbm4b:s4+s30], $0x80, s3, s30, $0xb8;
	[tilespmem:$0x19200] =	vst v63  }
0x162: {  	s17 =	sadd.s32 $0x0, s25  }
0x163: {  	[tilespmem:s31], [sflag:$0x3] =	stream.linear.gather [hbm4b:s17+s3], $0x50, $0x38;
	[tilespmem:$0x19200] =	vst v63  }
0x164: {  	_ =	swait.ge [sflag:s29], $0x50  }
0x165: {  	[sflag:s29] =	ssyncset.done $0x0  }
0x166: {  	s11 =	sadd.s32 $0xA, s15;
	[sflag:s29] =	ssyncadd.s32 $0xFFFFFFB0  }
0x167: {  	[tilespmem:s0], [sflag:$0x3] =	stream.linear.gather [hbm4b:s11+s3], $0x50, $0x38;
	[tilespmem:$0x19200] =	vst v63  }
0x168: {  	_ =	swait.ge [sflag:s29], $0x50  }
0x169: {  	[sflag:s29] =	ssyncset.done $0x0  }
0x16a: {  	[sflag:s29] =	ssyncadd.s32 $0xFFFFFFB0  }
0x16b: {  	_ =	swait.ge [sflag:s1], $0x2800  }
0x16c: {  	[sflag:s1] =	ssyncset.done $0x0  }
0x16d: {  	[sflag:s1] =	ssyncadd.s32 $0xFFFFD800  }
0x16e: {  	[tilespmem:s6], [sflag:$0x1] =	stream.indirect.gather [hbm4b:s4+s30], $0x80, s0, s30, $0xb8;
	[tilespmem:$0x19200] =	vst v63  }
0x16f: {  	_ = 	snop  }
0x170: {  	[spmem:s2] =	stream.indirect.scatter.add.f32 [tilespmem:s28], [sflag:$0x2], $0x80, s31, s30, $0xb8;
	[tilespmem:$0x19200] =	vst v63  }
0x171: {  	s19 =	sadd.s32 $0xA, s17  }
0x172: {  	[tilespmem:s7], [sflag:$0x3] =	stream.linear.gather [hbm4b:s19+s3], $0x50, $0x38;
	[tilespmem:$0x19200] =	vst v63  }
0x173: {  	_ =	swait.ge [sflag:s29], $0x50  }
0x174: {  	[sflag:s29] =	ssyncset.done $0x0  }
0x175: {  	[sflag:s29] =	ssyncadd.s32 $0xFFFFFFB0  }
0x176: {  	_ =	swait.ge [sflag:s1], $0x2800  }
0x177: {  	[sflag:s1] =	ssyncset.done $0x0  }
0x178: {  	[sflag:s1] =	ssyncadd.s32 $0xFFFFD800  }
0x179: {  	_ =	swait.ge [sflag:s8], $0x2800  }
0x17a: {  	[sflag:s8] =	ssyncset.done $0x0  }
0x17b: {  	[sflag:s8] =	ssyncadd.s32 $0xFFFFD800  }
0x17c: {  	[spmem:s2] =	stream.indirect.scatter.add.f32 [tilespmem:s6], [sflag:$0x3], $0x80, s7, s30, $0xb8;
	[tilespmem:$0x19200] =	vst v63  }
0x17d: {  	_ =	swait.ge [sflag:s29], $0x2800  }
0x17e: {  	s13 =	simm.s32 $0x28;
	s11 =	simm.s32 $0x14;
	[sflag:s29] =	ssyncset.done $0x0  }
.LBB2_3:
0x17f: {  	s17 =	sadd.s32 s11, s26  }
0x180: {  	[sflag:s29] =	ssyncadd.s32 $0xFFFFD800;
	s19 =	smov.u32 s13;
	s15 =	sadd.s32 $0x14, s13  }
0x181: {  	[tilespmem:s3], [sflag:$0x3] =	stream.linear.gather [hbm4b:s17+s3], $0x50, $0x38;
	[tilespmem:$0x19200] =	vst v63  }
0x182: {  	p1 =	seq.s32 s13, $0x9EC;
	_ =	swait.ge [sflag:s29], $0x50  }
0x183: {  	[sflag:s29] =	ssyncset.done $0x0  }
0x184: {  	[sflag:s29] =	ssyncadd.s32 $0xFFFFFFB0  }
0x185: {  	[tilespmem:s28], [sflag:$0x1] =	stream.indirect.gather [hbm4b:s4+s30], $0x80, s3, s30, $0xb8;
	[tilespmem:$0x19200] =	vst v63  }
0x186: {  	s13 =	sadd.s32 s11, s25;
	s11 =	smov.u32 s19  }
0x187: {  	[tilespmem:s31], [sflag:$0x3] =	stream.linear.gather [hbm4b:s13+s3], $0x50, $0x38;
	[tilespmem:$0x19200] =	vst v63  }
0x188: {  	_ =	swait.ge [sflag:s29], $0x50  }
0x189: {  	[sflag:s29] =	ssyncset.done $0x0  }
0x18a: {  	s17 =	sadd.s32 $0xA, s17;
	[sflag:s29] =	ssyncadd.s32 $0xFFFFFFB0  }
0x18b: {  	[tilespmem:s0], [sflag:$0x3] =	stream.linear.gather [hbm4b:s17+s3], $0x50, $0x38;
	[tilespmem:$0x19200] =	vst v63  }
0x18c: {  	_ =	swait.ge [sflag:s29], $0x50  }
0x18d: {  	[sflag:s29] =	ssyncset.done $0x0  }
0x18e: {  	[sflag:s29] =	ssyncadd.s32 $0xFFFFFFB0  }
0x18f: {  	_ =	swait.ge [sflag:s1], $0x2800  }
0x190: {  	[sflag:s1] =	ssyncset.done $0x0  }
0x191: {  	[sflag:s1] =	ssyncadd.s32 $0xFFFFD800  }
0x192: {  	[tilespmem:s6], [sflag:$0x1] =	stream.indirect.gather [hbm4b:s4+s30], $0x80, s0, s30, $0xb8;
	[tilespmem:$0x19200] =	vst v63  }
0x193: {  	_ = 	snop  }
0x194: {  	[spmem:s2] =	stream.indirect.scatter.add.f32 [tilespmem:s28], [sflag:$0x2], $0x80, s31, s30, $0xb8;
	[tilespmem:$0x19200] =	vst v63  }
0x195: {  	s13 =	sadd.s32 $0xA, s13  }
0x196: {  	[tilespmem:s7], [sflag:$0x3] =	stream.linear.gather [hbm4b:s13+s3], $0x50, $0x38;
	[tilespmem:$0x19200] =	vst v63  }
0x197: {  	_ =	swait.ge [sflag:s29], $0x50  }
0x198: {  	[sflag:s29] =	ssyncset.done $0x0  }
0x199: {  	[sflag:s29] =	ssyncadd.s32 $0xFFFFFFB0  }
0x19a: {  	_ =	swait.ge [sflag:s1], $0x2800  }
0x19b: {  	[sflag:s1] =	ssyncset.done $0x0  }
0x19c: {  	[sflag:s1] =	ssyncadd.s32 $0xFFFFD800  }
0x19d: {  	_ =	swait.ge [sflag:s8], $0x2800  }
.Ltmp5:
0x19e: {  	[sflag:s8] =	ssyncset.done $0x0;
	(pc) =	sbr.rel @!p1 .LBB2_3-.Ltmp5, $4  }
0x19f: {  	[sflag:s8] =	ssyncadd.s32 $0xFFFFD800  }
0x1a0: {  	[spmem:s2] =	stream.indirect.scatter.add.f32 [tilespmem:s6], [sflag:$0x3], $0x80, s7, s30, $0xb8;
	[tilespmem:$0x19200] =	vst v63  }
0x1a1: {  	_ =	swait.ge [sflag:s29], $0x2800  }
0x1a2: {  	s13 =	smov.u32 s15;
	[sflag:s29] =	ssyncset.done $0x0  }
0x1a3: {  	s13 =	sadd.s32 s11, s26;
	[sflag:s29] =	ssyncadd.s32 $0xFFFFD800  }
0x1a4: {  	[tilespmem:s3], [sflag:$0x3] =	stream.linear.gather [hbm4b:s13+s3], $0x50, $0x38;
	[tilespmem:$0x19200] =	vst v63  }
0x1a5: {  	_ =	swait.ge [sflag:s29], $0x50  }
0x1a6: {  	[sflag:s29] =	ssyncset.done $0x0  }
0x1a7: {  	[sflag:s29] =	ssyncadd.s32 $0xFFFFFFB0  }
0x1a8: {  	[tilespmem:s28], [sflag:$0x1] =	stream.indirect.gather [hbm4b:s4+s30], $0x80, s3, s30, $0xb8;
	[tilespmem:$0x19200] =	vst v63  }
0x1a9: {  	s19 =	sadd.s32 s11, s25  }
0x1aa: {  	[tilespmem:s31], [sflag:$0x3] =	stream.linear.gather [hbm4b:s19+s3], $0x50, $0x38;
	[tilespmem:$0x19200] =	vst v63  }
0x1ab: {  	_ =	swait.ge [sflag:s29], $0x50  }
0x1ac: {  	[sflag:s29] =	ssyncset.done $0x0  }
0x1ad: {  	s13 =	sadd.s32 $0xA, s13;
	[sflag:s29] =	ssyncadd.s32 $0xFFFFFFB0  }
0x1ae: {  	[tilespmem:s0], [sflag:$0x3] =	stream.linear.gather [hbm4b:s13+s3], $0x50, $0x38;
	[tilespmem:$0x19200] =	vst v63  }
0x1af: {  	_ =	swait.ge [sflag:s29], $0x50  }
0x1b0: {  	[sflag:s29] =	ssyncset.done $0x0  }
0x1b1: {  	[sflag:s29] =	ssyncadd.s32 $0xFFFFFFB0  }
0x1b2: {  	_ =	swait.ge [sflag:s1], $0x2800  }
0x1b3: {  	[sflag:s1] =	ssyncset.done $0x0  }
0x1b4: {  	[sflag:s1] =	ssyncadd.s32 $0xFFFFD800  }
0x1b5: {  	[tilespmem:s6], [sflag:$0x1] =	stream.indirect.gather [hbm4b:s4+s30], $0x80, s0, s30, $0xb8;
	[tilespmem:$0x19200] =	vst v63  }
0x1b6: {  	_ = 	snop  }
0x1b7: {  	[spmem:s2] =	stream.indirect.scatter.add.f32 [tilespmem:s28], [sflag:$0x2], $0x80, s31, s30, $0xb8;
	[tilespmem:$0x19200] =	vst v63  }
0x1b8: {  	s11 =	sadd.s32 $0xA, s19  }
0x1b9: {  	[tilespmem:s7], [sflag:$0x3] =	stream.linear.gather [hbm4b:s11+s3], $0x50, $0x38;
	[tilespmem:$0x19200] =	vst v63  }
0x1ba: {  	_ =	swait.ge [sflag:s29], $0x50  }
0x1bb: {  	[sflag:s29] =	ssyncset.done $0x0  }
0x1bc: {  	[sflag:s29] =	ssyncadd.s32 $0xFFFFFFB0  }
0x1bd: {  	_ =	swait.ge [sflag:s1], $0x2800  }
0x1be: {  	[sflag:s1] =	ssyncset.done $0x0  }
0x1bf: {  	[sflag:s1] =	ssyncadd.s32 $0xFFFFD800  }
0x1c0: {  	_ =	swait.ge [sflag:s8], $0x2800  }
0x1c1: {  	[sflag:s8] =	ssyncset.done $0x0  }
.Ltmp6:
0x1c2: {  	[sflag:s8] =	ssyncadd.s32 $0xFFFFD800;
	(pc) =	sbr.rel .LBB2_8-.Ltmp6, $4  }
0x1c3: {  	[spmem:s2] =	stream.indirect.scatter.add.f32 [tilespmem:s6], [sflag:$0x3], $0x80, s7, s30, $0xb8;
	[tilespmem:$0x19200] =	vst v63  }
0x1c4: {  	_ =	swait.ge [sflag:s29], $0x2800  }
0x1c5: {  	[sflag:s29] =	ssyncset.done $0x0  }
0x1c6: {  	s11 =	rddreg [dreg:$0x3];
	[sflag:s29] =	ssyncadd.s32 $0xFFFFD800  }
.LBB2_9:
0x1c7: {  	_ =	sfence.sel $0x180000  }
0x1c8: {  	[bflag:$0x0] =	sbarrier.arrive $0xFFFF  }
0x1c9: {  	_ =	strace $0x9000004A  }
0x1ca: {  	s0 =	stileid.u32;
	[bflag:$0x2] =	sbarrier.arrive $0xFFFF  }
0x1cb: {  	p0 =	sne.s32 s0, $0x0;
	s0 =	rddreg [dreg:$0x2]  }
0x1cc: {  	s0 =	sadd.s32 @!p0 $0x100000, s0  }
0x1cd: {  	[sflag:s0] =	ssyncadd.tile.s32 @!p0 $0x1;
	_ =	shalt  }
.Lfunc_end2:
_tile_overlayer_lowered:
.L_overlay_start_2:
0x1ce: {  	(tag) =	ssettag $0x2  }
0x1cf: {  	s0 =	rddreg [dreg:$0x0];
	s2 =	stileid.u32  }
0x1d0: {  	s1 =	rddreg [dreg:$0x1];
	p0 =	sne.s32 s2, $0x0  }
0x1d1: {  	s3 =	rddreg [dreg:$0x2];
	[bflag:$0x3] =	sbarrier.arrive $0xFFFF;
	s2 =	simm.s32 @!p0 $0x1C03  }
0x1d2: {  	[timem:s3], [sflag:s2] =	dma.local @!p0 [hbm:s0], s1  }
0x1d3: {  	s0 =	simm.s32 @!p0 $0x3  }
0x1d4: {  	_ =	swait.ge @!p0 [sflag:s0], s1  }
0x1d5: {  	s1 =	ssub.s32 @!p0 $0x0, s1;
	[sflag:s0] =	ssyncset.done @!p0 $0x0  }
0x1d6: {  	[sflag:s0] =	ssyncadd.s32 @!p0 s1  }
0x1d7: {  	[bflag:$0x3] =	sbarrier.arrive $0xFFFF  }
0x1d8: {  	_ =	shalt  }

// kernel: kernel.16.cloned.1.call-start
scs
__scs_entry_jumppad:
0x0: {  	(pc) =	sbr.rel $0x88, $3  }
0x1: {  	(tag) =	ssettag $0x0;
	lr =	simm.s32 $0x1  }
0x2: {  	[smem:$0x3F93] =	sst lr;
	_ =	strace $0xD0000000  }
0x3: {  	_ = 	snop  }
0x4: {  	_ = 	snop  }
0x5: {  	_ = 	snop  }
0x6: {  	_ = 	snop  }
0x7: {  	_ = 	snop  }
__scs_overlays_trampoline_lowered:
0x8: {  	[smem:$0x3FA2] =	sst s0  }
0x9: {  	[smem:$0x3FA3] =	sst s1  }
0xa: {  	[smem:$0x3FA4] =	sst s2  }
0xb: {  	[smem:$0x3FA5] =	sst s3  }
0xc: {  	[smem:$0x3FA6] =	sst s4  }
0xd: {  	[smem:$0x3FA7] =	sst s5  }
0xe: {  	[smem:$0x3FA8] =	sst s6  }
0xf: {  	[smem:$0x3FA9] =	sst s7  }
0x10: {  	[smem:$0x3FAA] =	sst s8  }
0x11: {  	[smem:$0x3FAB] =	sst s9;
	s0 =	simm.s32 @!p0 $0x0  }
0x12: {  	s1 =	sld [smem:$0x3F91];
	s0 =	simm.s32 @p0 $0x1  }
0x13: {  	[smem:$0x3FAC] =	sst s0;
	s0 =	simm.s32 @!p1 $0x0  }
0x14: {  	s2 =	sld [smem:$0x3F90];
	s0 =	simm.s32 @p1 $0x1  }
0x15: {  	[smem:$0x3FAD] =	sst s0;
	s0 =	simm.s32 @!p2 $0x0  }
0x16: {  	s3 =	sld [smem:$0x3FDB];
	s0 =	simm.s32 @p2 $0x1  }
0x17: {  	s4 =	simm.s32 $0x1BF5;
	[smem:$0x3FAF] =	sst s0  }
0x18: {  	s0 =	sld [smem:$0x3F92];
	_ =	swait.ge [sflag:s4], $0x0  }
0x19: {  	s7 =	sld [smem:$0x3F93]  }
0x1a: {  	s8 =	sadd.s32 $0xFFFFE003, lr  }
0x1b: {  	s9 =	sadd.s32 $0xFFFFFEF7, lr;
	s5 =	simm.s32 $0xFFFFFFFF;
	p2 =	slt.u32 s8, $0xFFFFF086  }
0x1c: {  	p1 =	slt.u32 s9, $0xF7A;
	s5 =	simm.s32 @!p2 $0x0  }
0x1d: {  	s5 =	simm.s32 @p1 $0x1;
	p0 =	seq.s32 s7, s2  }
0x1e: {  	s7 =	smul.u32 @!p0 $0xF7A, s2;
	p2 =	seq.s32 @!p0 s5, $0x0  }
0x1f: {  	s9 =	smul.u32 $0xF7A, s1;
	s8 =	simm.s32 @!p0 $0x1BF5;
	p2 =	por !p2, p0  }
0x20: {  	[sflag:s8] =	ssyncset.s32 @!p0 $0xFFFFF086;
	s6 =	sadd.s32 @!p0 s3, s7;
	s7 =	simm.s32 @!p0 $0x108  }
0x21: {  	s3 =	sadd.s32 s3, s9;
	s6 =	sadd.s32 @!p0 $0x88, s6;
	s7 =	simm.s32 @p2 $0x1082  }
0x22: {  	[simem:s7], [sflag:s8] =	dma.local @!p0 [hbm:s6], $0xF7A  }
0x23: {  	s9 =	sor.u32 $0xD0000000, s2;
	s6 =	simm.s32 $0x108;
	_ =	swait.ge @!p0 [sflag:s8], $0x0  }
0x24: {  	s3 =	sadd.s32 $0x88, s3;
	s6 =	simm.s32 @!p1 $0x1082;
	[sflag:s4] =	ssyncset.s32 $0xFFFFF086  }
0x25: {  	[simem:s6], [sflag:s4] =	dma.local [hbm:s3], $0xF7A  }
0x26: {  	[smem:$0x3F93] =	sst s1;
	(tag) =	ssettag s2;
	_ =	strace s9  }
0x27: {  	s1 =	sld [smem:$0x3FA3]  }
0x28: {  	s2 =	sld [smem:$0x3FA4]  }
0x29: {  	s4 =	sld [smem:$0x3FA6]  }
0x2a: {  	p0 =	seq.s32 s5, $0x0;
	s5 =	sld [smem:$0x3FA7]  }
0x2b: {  	s6 =	sld [smem:$0x3FA8]  }
0x2c: {  	s7 =	sld [smem:$0x3FA9]  }
0x2d: {  	s3 =	simm.s32 $0x108;
	s8 =	sld [smem:$0x3FAA]  }
0x2e: {  	s3 =	simm.s32 @!p0 $0x1082;
	s9 =	sld [smem:$0x3FAB]  }
0x2f: {  	lr =	sadd.s32 s0, s3;
	s0 =	sld [smem:$0x3FA2]  }
0x30: {  	s3 =	sld [smem:$0x3FA5]  }
0x31: {  	[smem:$0x3FAE] =	sst s10  }
0x32: {  	s10 =	sld [smem:$0x3FAC];
	_ =	sdelay $0x3  }
0x33: {  	p0 =	seq.s32 s10, $0x1;
	s10 =	sld [smem:$0x3FAE];
	_ =	sdelay $0x3  }
0x34: {  	[smem:$0x3FAE] =	sst s10  }
0x35: {  	s10 =	sld [smem:$0x3FAD];
	_ =	sdelay $0x3  }
0x36: {  	p1 =	seq.s32 s10, $0x1;
	s10 =	sld [smem:$0x3FAE];
	_ =	sdelay $0x3  }
0x37: {  	[smem:$0x3FAE] =	sst s10  }
0x38: {  	s10 =	sld [smem:$0x3FAF]  }
0x39: {  	_ = 	snop;
	(pc) =	sbr.ind lr, $3  }
0x3a: {  	_ = 	snop  }
0x3b: {  	_ = 	snop  }
0x3c: {  	p2 =	seq.s32 s10, $0x1;
	s10 =	sld [smem:$0x3FAE]  }
0x3d: {  	_ =	shalt  }
0x3e: {  	_ =	shalt  }
0x3f: {  	_ =	shalt  }
0x40: {  	_ =	shalt  }
0x41: {  	_ =	shalt  }
0x42: {  	_ =	shalt  }
0x43: {  	_ =	shalt  }
0x44: {  	_ =	shalt  }
0x45: {  	_ =	shalt  }
0x46: {  	_ =	shalt  }
0x47: {  	_ =	shalt  }
0x48: {  	_ =	shalt  }
0x49: {  	_ =	shalt  }
0x4a: {  	_ =	shalt  }
0x4b: {  	_ =	shalt  }
0x4c: {  	_ =	shalt  }
0x4d: {  	_ =	shalt  }
0x4e: {  	_ =	shalt  }
0x4f: {  	_ =	shalt  }
0x50: {  	_ =	shalt  }
0x51: {  	_ =	shalt  }
0x52: {  	_ =	shalt  }
0x53: {  	_ =	shalt  }
0x54: {  	_ =	shalt  }
0x55: {  	_ =	shalt  }
0x56: {  	_ =	shalt  }
0x57: {  	_ =	shalt  }
0x58: {  	_ =	shalt  }
0x59: {  	_ =	shalt  }
0x5a: {  	_ =	shalt  }
0x5b: {  	_ =	shalt  }
0x5c: {  	_ =	shalt  }
0x5d: {  	_ =	shalt  }
0x5e: {  	_ =	shalt  }
0x5f: {  	_ =	shalt  }
0x60: {  	_ =	shalt  }
0x61: {  	_ =	shalt  }
0x62: {  	_ =	shalt  }
0x63: {  	_ =	shalt  }
0x64: {  	_ =	shalt  }
0x65: {  	_ =	shalt  }
0x66: {  	_ =	shalt  }
0x67: {  	_ =	shalt  }
0x68: {  	_ =	shalt  }
0x69: {  	_ =	shalt  }
0x6a: {  	_ =	shalt  }
0x6b: {  	_ =	shalt  }
0x6c: {  	_ =	shalt  }
0x6d: {  	_ =	shalt  }
0x6e: {  	_ =	shalt  }
0x6f: {  	_ =	shalt  }
0x70: {  	_ =	shalt  }
0x71: {  	_ =	shalt  }
0x72: {  	_ =	shalt  }
0x73: {  	_ =	shalt  }
0x74: {  	_ =	shalt  }
0x75: {  	_ =	shalt  }
0x76: {  	_ =	shalt  }
0x77: {  	_ =	shalt  }
0x78: {  	_ =	shalt  }
0x79: {  	_ =	shalt  }
0x7a: {  	_ =	shalt  }
0x7b: {  	_ =	shalt  }
0x7c: {  	_ =	shalt  }
0x7d: {  	_ =	shalt  }
0x7e: {  	_ =	shalt  }
0x7f: {  	_ =	shalt  }
0x80: {  	_ =	shalt  }
0x81: {  	_ =	shalt  }
0x82: {  	_ =	shalt  }
0x83: {  	_ =	shalt  }
0x84: {  	_ =	shalt  }
0x85: {  	_ =	shalt  }
0x86: {  	_ =	shalt  }
0x87: {  	_ =	shalt  }
.Lfunc_end0:
.L_simem_size_0:
called_computation.2_lowered:
.L_overlay_start_0:
0x88: {  	s2 =	sld [smem:$0x3FD9]  }
0x89: {  	s3 =	sld [smem:$0x3FFE];
	_ =	sdelay $0x1  }
0x8a: {  	s1 =	srdreg.scid  }
0x8b: {  	s0 =	sand.u32 $0x1, s1  }
0x8c: {  	s16 =	sshll.u32 s0, $0xA;
	s2 =	sadd.s32 s3, s2  }
0x8d: {  	s2 =	sadd.s32 s2, s16  }
0x8e: {  	[smem:$0x3FBA] =	sst s2  }
0x8f: {  	_ = 	snop  }
0x90: {  	(tm) =	ssettm $0x1  }
0x91: {  	s17 =	sld [smem:$0x3FFB];
	_ =	sdelay $0x3  }
0x92: {  	_ =	strace s17  }
0x93: {  	s2 =	sld [smem:$0x3FFC];
	_ =	sdelay $0x3  }
0x94: {  	_ =	strace s2  }
0x95: {  	s2 =	sld [smem:$0x3FFD];
	_ =	sdelay $0x3  }
0x96: {  	_ =	strace s2  }
0x97: {  	_ =	strace $0x8FFFFFFF  }
0x98: {  	s18 =	sld [smem:$0x3FDB];
	_ =	sdelay $0x1  }
0x99: {  	s19 =	simm.s32 $_scs_section_size  }
0x9a: {  	s4 =	simm.s32 $_size__tile_overlayer_lowered;
	s5 =	simm.s32 $_tile_overlayer_lowered  }
0x9b: {  	s22 =	simm.s32 $0x1BFF;
	s21 =	sshll.u32 s5, $0x1;
	s2 =	sadd.s32 s19, s18  }
0x9c: {  	s6 =	simm.s32 $0x0;
	s20 =	sshll.u32 s4, $0x1;
	s4 =	sadd.s32 s21, s2  }
0x9d: {  	[timem:s6], [sflag:s22] =	dma.local [hbm:s4], s20  }
0x9e: {  	_ =	swait.ge [sflag:s22], s20  }
0x9f: {  	s3 =	ssub.s32 $0x0, s20;
	[sflag:s22] =	ssyncset.done $0x0  }
0xa0: {  	[sflag:s22] =	ssyncadd.s32 s3;
	_ =	sdelay $0x1  }
0xa1: {  	s23 =	simm.s32 $0x1B8B  }
0xa2: {  	_ =	swait.ge [sflag:s23], $0x1  }
0xa3: {  	[sflag:s23] =	ssyncset.done $0x0  }
0xa4: {  	s25 =	simm.s32 $0x1B8E;
	s24 =	sld [smem:$0x3FFE];
	[sflag:s23] =	ssyncadd.s32 $0xFFFFFFFF  }
0xa5: {  	s26 =	simm.s32 $execute0_lowered;
	[smem:$0x3FD2] =	sst s25  }
0xa6: {  	s4 =	sshll.u32 s26, $0x1;
	_ =	strace $0x8000004C;
	[dreg:$0x1] =	wrdreg $0xFFFFFFFF  }
0xa7: {  	s28 =	simm.s32 $_size_execute0_lowered;
	s2 =	sadd.s32 s2, s4;
	[dreg:$0x0] =	wrdreg $0x0  }
0xa8: {  	s4 =	sshll.u32 s28, $0x1;
	[dreg:$0x2] =	wrdreg s2  }
0xa9: {  	[dreg:$0x3] =	wrdreg s4  }
0xaa: {  	[dreg:$0x4] =	wrdreg $0xC0  }
0xab: {  	_ =	task [dreg:s6], $0x5FFFF  }
0xac: {  	[dreg:$0x1] =	wrdreg $0xFFFFFFFF  }
0xad: {  	[dreg:$0x0] =	wrdreg $0x60  }
0xae: {  	[dreg:$0x2] =	wrdreg s24  }
0xaf: {  	[dreg:$0x3] =	wrdreg $0x52000  }
0xb0: {  	[dreg:$0x4] =	wrdreg $0x9  }
0xb1: {  	_ =	task.clear_ibuf [dreg:s6], $0x5FFFF;
	_ =	strace $0x9000004C  }
0xb2: {  	s29 =	simm.s32 $0x9;
	_ =	strace $0x8000004E  }
0xb3: {  	_ =	swait.ge [sflag:s29], $0x1  }
0xb4: {  	[sflag:s29] =	ssyncadd.s32 $0xFFFFFFFF  }
0xb5: {  	_ =	strace $0x9000004E  }
0xb6: {  	_ =	sfence  }
0xb7: {  	s30 =	sld [smem:$0x0];
	_ =	sdelay $0x2  }
0xb8: {  	s31 =	sshll.u32 s1, $0xD;
	s1 =	sshrl.u32 s1, $0x2  }
0xb9: {  	s3 =	sand.u32 $0x4000, s31;
	s1 =	sadd.s32 s1, s30  }
0xba: {  	s0 =	sor.u32 s3, s0;
	s1 =	sshll.u32 s1, $0x11  }
0xbb: {  	s0 =	sor.u32 s1, s0  }
0xbc: {  	s0 =	sadd.s32 $0x8F2B, s0  }
0xbd: {  	[sflag:s0] =	ssyncadd.remote.s32 $0x1  }
0xbe: {  	_ =	sfence.sel $0xFFFF  }
0xbf: {  	[dreg:$0x0] =	wrdreg $0xFFFFFFFF;
	(pc) =	sbr.abs _section_cstart, $3  }
0xc0: {  	[dreg:$0x1] =	wrdreg $0xFFFFFFFF  }
0xc1: {  	_ =	task.clear_ibuf [dreg:s6], $0x2FFFF;
	_ =	strace $0x9FFFFFFF  }
0xc2: {  	(tm) =	ssettm $0x7FFFFFFF  }
0xc3: {  	_ =	shalt  }
tec
execute0_lowered:
.L_overlay_start_1:
0x0: {  	(tag) =	ssettag $0x1  }
0x1: {  	s0 =	rddreg [dreg:$0x0]  }
0x2: {  	s2 =	rddreg [dreg:$0x1];
	s3 =	simm.s32 $0x0;
	s11 =	stileid.u32  }
0x3: {  	s6 =	srdreg.scid;
	s28 =	simm.s32 $0x200;
	[smem:$0x7FF] =	sst s3  }
0x4: {  	s1 =	smul.u32 $0xA00, s11;
	s4 =	sadd.s32 $0x18E00, s0;
	s5 =	sadd.s32 $0x40E00, s0  }
0x5: {  	s6 =	sand.u32 $0x1, s6;
	s8 =	smul.u32 $0x280, s11;
	s9 =	sadd.s32 $0x90E00, s0  }
0x6: {  	s10 =	smul.u32 $0x50000, s11;
	_ =	strace $0x8000004D;
	s7 =	ssub.s32 $0x2, s6  }
0x7: {  	[dreg:$0x3] =	wrdreg s9;
	p0 =	seq.s32 s6, $0x1;
	s9 =	smul.u32 $0x2800, s11  }
0x8: {  	s1 =	sadd.s32 s1, s0;
	s13 =	sshrl.u32 s7, $0x1;
	s0 =	sadd.s32 $0xB8E00, s0  }
0x9: {  	s15 =	sshrl.u32 s10, $0x2;
	s16 =	sor.u32 $0x50, s8;
	s18 =	sadd.s32 $0xA0, s8  }
0xa: {  	s19 =	sadd.s32 $0xF0, s8;
	s21 =	sadd.s32 $0x140, s8;
	s23 =	sadd.s32 $0x190, s8  }
0xb: {  	s24 =	sadd.s32 $0x1E0, s8;
	s26 =	sadd.s32 $0x230, s8;
	[dreg:$0x4] =	wrdreg s0  }
0xc: {  	s14 =	ssub.s32 s7, s13;
	s10 =	sadd.s32 s15, s2;
	s17 =	sshll.u32 s16, $0x7  }
0xd: {  	s11 =	sshll.u32 s16, $0x4;
	s13 =	sshll.u32 s18, $0x4;
	s20 =	sshll.u32 s19, $0x7  }
0xe: {  	s15 =	sshll.u32 s19, $0x4;
	s7 =	sadd.s32 s4, s9;
	[dreg:$0x6] =	wrdreg s9  }
0xf: {  	s22 =	sshll.u32 s21, $0x7;
	s19 =	sshll.u32 s23, $0x4;
	[dreg:$0xc] =	wrdreg s7  }
0x10: {  	s25 =	sshll.u32 s24, $0x7;
	s6 =	sshll.u32 s26, $0x7;
	[dreg:$0x7] =	wrdreg s11  }
0x11: {  	s0 =	smax.u32 s14, $0x1;
	s12 =	sadd.s32 s17, s2;
	[dreg:$0x8] =	wrdreg s13  }
0x12: {  	s17 =	sshll.u32 s21, $0x4;
	s21 =	sshll.u32 s24, $0x4;
	[dreg:$0x9] =	wrdreg s15  }
0x13: {  	s24 =	sadd.s32 s6, s2;
	s8 =	sadd.s32 s4, s11;
	[dreg:$0xb] =	wrdreg s19  }
0x14: {  	s6 =	sadd.s32 s4, s15;
	[dreg:$0x5] =	wrdreg s0;
	s0 =	sshll.u32 s18, $0x7  }
0x15: {  	s18 =	sadd.s32 s22, s2;
	s22 =	sadd.s32 s25, s2;
	[dreg:$0xd] =	wrdreg s8  }
0x16: {  	s25 =	sadd.s32 $0xEE00, s1;
	[dreg:$0xf] =	wrdreg s6;
	s7 =	sadd.s32 s4, s17  }
0x17: {  	s8 =	sadd.s32 s4, s19;
	[dreg:$0xa] =	wrdreg s17;
	s14 =	sadd.s32 s0, s2  }
0x18: {  	s0 =	sshll.u32 s23, $0x7;
	s23 =	sshll.u32 s26, $0x4;
	[dreg:$0x10] =	wrdreg s7  }
0x19: {  	s26 =	sadd.s32 $0x4E00, s1;
	s1 =	sadd.s32 s4, s13;
	[dreg:$0x11] =	wrdreg s8  }
0x1a: {  	s29 =	simm.s32 $0x3;
	s7 =	sadd.s32 s5, s9;
	[dreg:$0xe] =	wrdreg s1  }
0x1b: {  	s30 =	simm.s32 $0x50;
	s8 =	sadd.s32 s5, s11;
	[dreg:$0x14] =	wrdreg s7  }
0x1c: {  	s31 =	simm.s32 $0x80;
	s9 =	sadd.s32 s5, s13;
	[dreg:$0x15] =	wrdreg s8  }
0x1d: {  	s16 =	sadd.s32 s20, s2;
	s11 =	sadd.s32 s5, s15;
	[dreg:$0x16] =	wrdreg s9  }
0x1e: {  	s13 =	sadd.s32 s5, s17;
	s15 =	sadd.s32 s5, s19;
	[dreg:$0x17] =	wrdreg s11  }
0x1f: {  	s17 =	sadd.s32 s5, s21;
	s20 =	sadd.s32 s0, s2;
	[dreg:$0x18] =	wrdreg s13  }
.Ltmp0:
0x20: {  	s1 =	sadd.s32 s4, s21;
	[dreg:$0x19] =	wrdreg s15;
	(pc) =	sbr.rel .LBB2_1-.Ltmp0, $4  }
0x21: {  	s6 =	sadd.s32 s4, s23;
	[dreg:$0x1a] =	wrdreg s17;
	s19 =	sadd.s32 s5, s23  }
0x22: {  	s0 =	simm.s32 $0x100;
	s7 =	simm.s32 $0x180;
	[dreg:$0x12] =	wrdreg s1  }
0x23: {  	s8 =	simm.s32 $0x2;
	s9 =	simm.s32 $0x0;
	[dreg:$0x13] =	wrdreg s6  }
0x24: {  	[dreg:$0x1b] =	wrdreg s19;
	s1 =	simm.s32 $0x1;
	s6 =	simm.s32 $0x2A00  }
.LBB2_7:
0x25: {  	s13 =	sadd.s32 s11, s26;
	[sflag:s29] =	ssyncadd.s32 $0xFFFFD800  }
0x26: {  	[tilespmem:s3], [sflag:$0x3] =	stream.linear.gather [hbm4b:s13+s3], $0x50, $0x38;
	[tilespmem:$0x19200] =	vst v63  }
0x27: {  	_ =	swait.ge [sflag:s29], $0x50  }
0x28: {  	[sflag:s29] =	ssyncset.done $0x0  }
0x29: {  	[sflag:s29] =	ssyncadd.s32 $0xFFFFFFB0  }
0x2a: {  	[tilespmem:s28], [sflag:$0x1] =	stream.indirect.gather [hbm4b:s5+s30], $0x80, s3, s30, $0xb8;
	[tilespmem:$0x19200] =	vst v63  }
0x2b: {  	s19 =	sadd.s32 s11, s25  }
0x2c: {  	[tilespmem:s31], [sflag:$0x3] =	stream.linear.gather [hbm4b:s19+s3], $0x50, $0x38;
	[tilespmem:$0x19200] =	vst v63  }
0x2d: {  	_ =	swait.ge [sflag:s29], $0x50  }
0x2e: {  	[sflag:s29] =	ssyncset.done $0x0  }
0x2f: {  	s13 =	sadd.s32 $0xA, s13;
	[sflag:s29] =	ssyncadd.s32 $0xFFFFFFB0  }
0x30: {  	[tilespmem:s0], [sflag:$0x3] =	stream.linear.gather [hbm4b:s13+s3], $0x50, $0x38;
	[tilespmem:$0x19200] =	vst v63  }
0x31: {  	_ =	swait.ge [sflag:s29], $0x50  }
0x32: {  	[sflag:s29] =	ssyncset.done $0x0  }
0x33: {  	[sflag:s29] =	ssyncadd.s32 $0xFFFFFFB0  }
0x34: {  	_ =	swait.ge [sflag:s1], $0x2800  }
0x35: {  	[sflag:s1] =	ssyncset.done $0x0  }
0x36: {  	[sflag:s1] =	ssyncadd.s32 $0xFFFFD800  }
0x37: {  	[tilespmem:s6], [sflag:$0x1] =	stream.indirect.gather [hbm4b:s5+s30], $0x80, s0, s30, $0xb8;
	[tilespmem:$0x19200] =	vst v63  }
0x38: {  	_ = 	snop  }
0x39: {  	[spmem:s2] =	stream.indirect.scatter.add.f32 [tilespmem:s28], [sflag:$0x2], $0x80, s31, s30, $0xb8;
	[tilespmem:$0x19200] =	vst v63  }
0x3a: {  	s11 =	sadd.s32 $0xA, s19  }
0x3b: {  	[tilespmem:s7], [sflag:$0x3] =	stream.linear.gather [hbm4b:s11+s3], $0x50, $0x38;
	[tilespmem:$0x19200] =	vst v63  }
0x3c: {  	_ =	swait.ge [sflag:s29], $0x50  }
0x3d: {  	[sflag:s29] =	ssyncset.done $0x0  }
0x3e: {  	[sflag:s29] =	ssyncadd.s32 $0xFFFFFFB0  }
0x3f: {  	_ =	swait.ge [sflag:s1], $0x2800  }
0x40: {  	[sflag:s1] =	ssyncset.done $0x0  }
0x41: {  	[sflag:s1] =	ssyncadd.s32 $0xFFFFD800  }
0x42: {  	_ =	swait.ge [sflag:s8], $0x2800  }
0x43: {  	[sflag:s8] =	ssyncset.done $0x0  }
0x44: {  	[sflag:s8] =	ssyncadd.s32 $0xFFFFD800  }
0x45: {  	[spmem:s2] =	stream.indirect.scatter.add.f32 [tilespmem:s6], [sflag:$0x3], $0x80, s7, s30, $0xb8;
	[tilespmem:$0x19200] =	vst v63  }
0x46: {  	_ =	swait.ge [sflag:s29], $0x2800  }
0x47: {  	[sflag:s29] =	ssyncset.done $0x0  }
0x48: {  	s11 =	rddreg [dreg:$0x4];
	[sflag:s29] =	ssyncadd.s32 $0xFFFFD800  }
.LBB2_8:
0x49: {  	[bflag:$0x0] =	sbarrier.arrive $0xFFFF  }
0x4a: {  	[tilespmem:s28], [sflag:$0x3] =	stream.linear.gather [spmem:s10], $0x2800, $0x38;
	[tilespmem:$0x19200] =	vst v63  }
0x4b: {  	_ =	swait.ge [sflag:s29], $0x2800  }
0x4c: {  	[sflag:s29] =	ssyncset.done $0x0;
	s13 =	rddreg [dreg:$0x6]  }
0x4d: {  	s13 =	sadd.s32 s11, s13;
	[sflag:s29] =	ssyncadd.s32 $0xFFFFD800  }
0x4e: {  	[hbm4b:s13+s3] =	stream.linear.scatter [tilespmem:s28], [sflag:$0x3], $0x2800, $0x38;
	[tilespmem:$0x19200] =	vst v63  }
0x4f: {  	_ =	swait.ge [sflag:s29], $0x2800  }
0x50: {  	[sflag:s29] =	ssyncset.done $0x0  }
0x51: {  	[sflag:s29] =	ssyncadd.s32 $0xFFFFD800  }
0x52: {  	[tilespmem:s28], [sflag:$0x3] =	stream.linear.gather [spmem:s12], $0x2800, $0x38;
	[tilespmem:$0x19200] =	vst v63  }
0x53: {  	_ =	swait.ge [sflag:s29], $0x2800  }
0x54: {  	[sflag:s29] =	ssyncset.done $0x0;
	s17 =	rddreg [dreg:$0x7]  }
0x55: {  	s13 =	sadd.s32 s11, s17;
	[sflag:s29] =	ssyncadd.s32 $0xFFFFD800  }
0x56: {  	[hbm4b:s13+s3] =	stream.linear.scatter [tilespmem:s28], [sflag:$0x3], $0x2800, $0x38;
	[tilespmem:$0x19200] =	vst v63  }
0x57: {  	_ =	swait.ge [sflag:s29], $0x2800  }
0x58: {  	[sflag:s29] =	ssyncset.done $0x0  }
0x59: {  	[sflag:s29] =	ssyncadd.s32 $0xFFFFD800  }
0x5a: {  	[tilespmem:s28], [sflag:$0x3] =	stream.linear.gather [spmem:s14], $0x2800, $0x38;
	[tilespmem:$0x19200] =	vst v63  }
0x5b: {  	_ =	swait.ge [sflag:s29], $0x2800  }
0x5c: {  	[sflag:s29] =	ssyncset.done $0x0;
	s19 =	rddreg [dreg:$0x8]  }
0x5d: {  	s13 =	sadd.s32 s11, s19;
	[sflag:s29] =	ssyncadd.s32 $0xFFFFD800  }
0x5e: {  	[hbm4b:s13+s3] =	stream.linear.scatter [tilespmem:s28], [sflag:$0x3], $0x2800, $0x38;
	[tilespmem:$0x19200] =	vst v63  }
0x5f: {  	_ =	swait.ge [sflag:s29], $0x2800  }
0x60: {  	[sflag:s29] =	ssyncset.done $0x0  }
0x61: {  	[sflag:s29] =	ssyncadd.s32 $0xFFFFD800  }
0x62: {  	[tilespmem:s28], [sflag:$0x3] =	stream.linear.gather [spmem:s16], $0x2800, $0x38;
	[tilespmem:$0x19200] =	vst v63  }
0x63: {  	_ =	swait.ge [sflag:s29], $0x2800  }
0x64: {  	[sflag:s29] =	ssyncset.done $0x0;
	s15 =	rddreg [dreg:$0x9]  }
0x65: {  	s13 =	sadd.s32 s11, s15;
	[sflag:s29] =	ssyncadd.s32 $0xFFFFD800  }
0x66: {  	[hbm4b:s13+s3] =	stream.linear.scatter [tilespmem:s28], [sflag:$0x3], $0x2800, $0x38;
	[tilespmem:$0x19200] =	vst v63  }
0x67: {  	_ =	swait.ge [sflag:s29], $0x2800  }
0x68: {  	[sflag:s29] =	ssyncset.done $0x0  }
0x69: {  	[sflag:s29] =	ssyncadd.s32 $0xFFFFD800  }
0x6a: {  	[tilespmem:s28], [sflag:$0x3] =	stream.linear.gather [spmem:s18], $0x2800, $0x38;
	[tilespmem:$0x19200] =	vst v63  }
0x6b: {  	_ =	swait.ge [sflag:s29], $0x2800  }
0x6c: {  	[sflag:s29] =	ssyncset.done $0x0;
	s17 =	rddreg [dreg:$0xa]  }
0x6d: {  	s13 =	sadd.s32 s11, s17;
	[sflag:s29] =	ssyncadd.s32 $0xFFFFD800  }
0x6e: {  	[hbm4b:s13+s3] =	stream.linear.scatter [tilespmem:s28], [sflag:$0x3], $0x2800, $0x38;
	[tilespmem:$0x19200] =	vst v63  }
0x6f: {  	_ =	swait.ge [sflag:s29], $0x2800  }
0x70: {  	[sflag:s29] =	ssyncset.done $0x0  }
0x71: {  	[sflag:s29] =	ssyncadd.s32 $0xFFFFD800  }
0x72: {  	[tilespmem:s28], [sflag:$0x3] =	stream.linear.gather [spmem:s20], $0x2800, $0x38;
	[tilespmem:$0x19200] =	vst v63  }
0x73: {  	_ =	swait.ge [sflag:s29], $0x2800  }
0x74: {  	[sflag:s29] =	ssyncset.done $0x0;
	s19 =	rddreg [dreg:$0xb]  }
0x75: {  	s13 =	sadd.s32 s11, s19;
	[sflag:s29] =	ssyncadd.s32 $0xFFFFD800  }
0x76: {  	[hbm4b:s13+s3] =	stream.linear.scatter [tilespmem:s28], [sflag:$0x3], $0x2800, $0x38;
	[tilespmem:$0x19200] =	vst v63  }
0x77: {  	_ =	swait.ge [sflag:s29], $0x2800  }
0x78: {  	[sflag:s29] =	ssyncset.done $0x0  }
0x79: {  	[sflag:s29] =	ssyncadd.s32 $0xFFFFD800  }
0x7a: {  	[tilespmem:s28], [sflag:$0x3] =	stream.linear.gather [spmem:s22], $0x2800, $0x38;
	[tilespmem:$0x19200] =	vst v63  }
0x7b: {  	_ =	swait.ge [sflag:s29], $0x2800  }
0x7c: {  	[sflag:s29] =	ssyncset.done $0x0  }
0x7d: {  	s15 =	sadd.s32 s11, s21;
	[sflag:s29] =	ssyncadd.s32 $0xFFFFD800  }
0x7e: {  	[hbm4b:s15+s3] =	stream.linear.scatter [tilespmem:s28], [sflag:$0x3], $0x2800, $0x38;
	[tilespmem:$0x19200] =	vst v63  }
0x7f: {  	_ =	swait.ge [sflag:s29], $0x2800  }
0x80: {  	[sflag:s29] =	ssyncset.done $0x0  }
0x81: {  	[sflag:s29] =	ssyncadd.s32 $0xFFFFD800  }
0x82: {  	[tilespmem:s28], [sflag:$0x3] =	stream.linear.gather [spmem:s24], $0x2800, $0x38;
	[tilespmem:$0x19200] =	vst v63  }
0x83: {  	_ =	swait.ge [sflag:s29], $0x2800  }
0x84: {  	[sflag:s29] =	ssyncset.done $0x0  }
0x85: {  	s17 =	sadd.s32 s11, s23;
	[sflag:s29] =	ssyncadd.s32 $0xFFFFD800  }
0x86: {  	[hbm4b:s17+s3] =	stream.linear.scatter [tilespmem:s28], [sflag:$0x3], $0x2800, $0x38;
	[tilespmem:$0x19200] =	vst v63  }
0x87: {  	_ =	swait.ge [sflag:s29], $0x2800  }
0x88: {  	s9 =	sadd.s32 $0x1, s9;
	s19 =	rddreg [dreg:$0x5]  }
0x89: {  	p1 =	sne.s32 s9, s19  }
.Ltmp1:
0x8a: {  	_ = 	snop;
	(pc) =	sbr.rel @!p1 .LBB2_9-.Ltmp1, $3  }
0x8b: {  	_ =	sdelay $0x1  }
0x8c: {  	[sflag:s29] =	ssyncset.done $0x0  }
0x8d: {  	[sflag:s29] =	ssyncadd.s32 $0xFFFFD800  }
.LBB2_1:
.Ltmp2:
0x8e: {  	(pc) =	sbr.rel @!p0 .LBB2_2-.Ltmp2, $2  }
0x8f: {  	_ =	sdelay $0x2  }
0x90: {  	s11 =	simm.s32 $0x0  }
0x91: {  	s13 =	rddreg [dreg:$0x14]  }
0x92: {  	[tilespmem:s28], [sflag:$0x3] =	stream.linear.gather [hbm4b:s13+s11], $0x2800, $0x38;
	[tilespmem:$0x19200] =	vst v63  }
0x93: {  	_ =	swait.ge [sflag:s29], $0x2800  }
0x94: {  	[sflag:s29] =	ssyncset.done $0x0  }
0x95: {  	[sflag:s29] =	ssyncadd.s32 $0xFFFFD800  }
0x96: {  	[spmem:s10] =	stream.linear.scatter [tilespmem:s28], [sflag:$0x3], $0x2800, $0x38;
	[tilespmem:$0x19200] =	vst v63  }
0x97: {  	_ =	swait.ge [sflag:s29], $0x2800  }
0x98: {  	[sflag:s29] =	ssyncset.done $0x0  }
0x99: {  	s19 =	rddreg [dreg:$0x15];
	[sflag:s29] =	ssyncadd.s32 $0xFFFFD800  }
0x9a: {  	[tilespmem:s28], [sflag:$0x3] =	stream.linear.gather [hbm4b:s19+s11], $0x2800, $0x38;
	[tilespmem:$0x19200] =	vst v63  }
0x9b: {  	_ =	swait.ge [sflag:s29], $0x2800  }
0x9c: {  	[sflag:s29] =	ssyncset.done $0x0  }
0x9d: {  	[sflag:s29] =	ssyncadd.s32 $0xFFFFD800  }
0x9e: {  	[spmem:s12] =	stream.linear.scatter [tilespmem:s28], [sflag:$0x3], $0x2800, $0x38;
	[tilespmem:$0x19200] =	vst v63  }
0x9f: {  	_ =	swait.ge [sflag:s29], $0x2800  }
0xa0: {  	[sflag:s29] =	ssyncset.done $0x0  }
0xa1: {  	s15 =	rddreg [dreg:$0x16];
	[sflag:s29] =	ssyncadd.s32 $0xFFFFD800  }
0xa2: {  	[tilespmem:s28], [sflag:$0x3] =	stream.linear.gather [hbm4b:s15+s11], $0x2800, $0x38;
	[tilespmem:$0x19200] =	vst v63  }
0xa3: {  	_ =	swait.ge [sflag:s29], $0x2800  }
0xa4: {  	[sflag:s29] =	ssyncset.done $0x0  }
0xa5: {  	[sflag:s29] =	ssyncadd.s32 $0xFFFFD800  }
0xa6: {  	[spmem:s14] =	stream.linear.scatter [tilespmem:s28], [sflag:$0x3], $0x2800, $0x38;
	[tilespmem:$0x19200] =	vst v63  }
0xa7: {  	_ =	swait.ge [sflag:s29], $0x2800  }
0xa8: {  	[sflag:s29] =	ssyncset.done $0x0  }
0xa9: {  	s17 =	rddreg [dreg:$0x17];
	[sflag:s29] =	ssyncadd.s32 $0xFFFFD800  }
0xaa: {  	[tilespmem:s28], [sflag:$0x3] =	stream.linear.gather [hbm4b:s17+s11], $0x2800, $0x38;
	[tilespmem:$0x19200] =	vst v63  }
0xab: {  	_ =	swait.ge [sflag:s29], $0x2800  }
0xac: {  	[sflag:s29] =	ssyncset.done $0x0  }
0xad: {  	[sflag:s29] =	ssyncadd.s32 $0xFFFFD800  }
0xae: {  	[spmem:s16] =	stream.linear.scatter [tilespmem:s28], [sflag:$0x3], $0x2800, $0x38;
	[tilespmem:$0x19200] =	vst v63  }
0xaf: {  	_ =	swait.ge [sflag:s29], $0x2800  }
0xb0: {  	[sflag:s29] =	ssyncset.done $0x0  }
0xb1: {  	s19 =	rddreg [dreg:$0x18];
	[sflag:s29] =	ssyncadd.s32 $0xFFFFD800  }
0xb2: {  	[tilespmem:s28], [sflag:$0x3] =	stream.linear.gather [hbm4b:s19+s11], $0x2800, $0x38;
	[tilespmem:$0x19200] =	vst v63  }
0xb3: {  	_ =	swait.ge [sflag:s29], $0x2800  }
0xb4: {  	[sflag:s29] =	ssyncset.done $0x0  }
0xb5: {  	[sflag:s29] =	ssyncadd.s32 $0xFFFFD800  }
0xb6: {  	[spmem:s18] =	stream.linear.scatter [tilespmem:s28], [sflag:$0x3], $0x2800, $0x38;
	[tilespmem:$0x19200] =	vst v63  }
0xb7: {  	_ =	swait.ge [sflag:s29], $0x2800  }
0xb8: {  	[sflag:s29] =	ssyncset.done $0x0  }
0xb9: {  	s15 =	rddreg [dreg:$0x19];
	[sflag:s29] =	ssyncadd.s32 $0xFFFFD800  }
0xba: {  	[tilespmem:s28], [sflag:$0x3] =	stream.linear.gather [hbm4b:s15+s11], $0x2800, $0x38;
	[tilespmem:$0x19200] =	vst v63  }
0xbb: {  	_ =	swait.ge [sflag:s29], $0x2800  }
0xbc: {  	[sflag:s29] =	ssyncset.done $0x0  }
0xbd: {  	[sflag:s29] =	ssyncadd.s32 $0xFFFFD800  }
0xbe: {  	[spmem:s20] =	stream.linear.scatter [tilespmem:s28], [sflag:$0x3], $0x2800, $0x38;
	[tilespmem:$0x19200] =	vst v63  }
0xbf: {  	_ =	swait.ge [sflag:s29], $0x2800  }
0xc0: {  	[sflag:s29] =	ssyncset.done $0x0  }
0xc1: {  	s17 =	rddreg [dreg:$0x1a];
	[sflag:s29] =	ssyncadd.s32 $0xFFFFD800  }
0xc2: {  	[tilespmem:s28], [sflag:$0x3] =	stream.linear.gather [hbm4b:s17+s11], $0x2800, $0x38;
	[tilespmem:$0x19200] =	vst v63  }
0xc3: {  	_ =	swait.ge [sflag:s29], $0x2800  }
0xc4: {  	[sflag:s29] =	ssyncset.done $0x0  }
0xc5: {  	[sflag:s29] =	ssyncadd.s32 $0xFFFFD800  }
0xc6: {  	[spmem:s22] =	stream.linear.scatter [tilespmem:s28], [sflag:$0x3], $0x2800, $0x38;
	[tilespmem:$0x19200] =	vst v63  }
0xc7: {  	_ =	swait.ge [sflag:s29], $0x2800  }
0xc8: {  	[sflag:s29] =	ssyncset.done $0x0  }
0xc9: {  	s19 =	rddreg [dreg:$0x1b];
	[sflag:s29] =	ssyncadd.s32 $0xFFFFD800  }
0xca: {  	[tilespmem:s28], [sflag:$0x3] =	stream.linear.gather [hbm4b:s19+s11], $0x2800, $0x38;
	[tilespmem:$0x19200] =	vst v63  }
0xcb: {  	_ =	swait.ge [sflag:s29], $0x2800  }
0xcc: {  	[sflag:s29] =	ssyncset.done $0x0  }
0xcd: {  	[sflag:s29] =	ssyncadd.s32 $0xFFFFD800  }
0xce: {  	[spmem:s24] =	stream.linear.scatter [tilespmem:s28], [sflag:$0x3], $0x2800, $0x38;
	[tilespmem:$0x19200] =	vst v63  }
0xcf: {  	_ =	swait.ge [sflag:s29], $0x2800  }
0xd0: {  	[sflag:s29] =	ssyncset.done $0x0  }
0xd1: {  	[sflag:s29] =	ssyncadd.s32 $0xFFFFD800  }
0xd2: {  	s15 =	sadd.s32 $0x0, s26;
	[bflag:$0x0] =	sbarrier.arrive $0xFFFF  }
0xd3: {  	[tilespmem:s3], [sflag:$0x3] =	stream.linear.gather [hbm4b:s15+s3], $0x50, $0x38;
	[tilespmem:$0x19200] =	vst v63  }
0xd4: {  	_ =	swait.ge [sflag:s29], $0x50  }
0xd5: {  	[sflag:s29] =	ssyncset.done $0x0  }
0xd6: {  	[sflag:s29] =	ssyncadd.s32 $0xFFFFFFB0  }
0xd7: {  	[tilespmem:s28], [sflag:$0x1] =	stream.indirect.gather [hbm4b:s5+s30], $0x80, s3, s30, $0xb8;
	[tilespmem:$0x19200] =	vst v63  }
0xd8: {  	s17 =	sadd.s32 $0x0, s25  }
0xd9: {  	[tilespmem:s31], [sflag:$0x3] =	stream.linear.gather [hbm4b:s17+s3], $0x50, $0x38;
	[tilespmem:$0x19200] =	vst v63  }
0xda: {  	_ =	swait.ge [sflag:s29], $0x50  }
0xdb: {  	[sflag:s29] =	ssyncset.done $0x0  }
0xdc: {  	s11 =	sadd.s32 $0xA, s15;
	[sflag:s29] =	ssyncadd.s32 $0xFFFFFFB0  }
0xdd: {  	[tilespmem:s0], [sflag:$0x3] =	stream.linear.gather [hbm4b:s11+s3], $0x50, $0x38;
	[tilespmem:$0x19200] =	vst v63  }
0xde: {  	_ =	swait.ge [sflag:s29], $0x50  }
0xdf: {  	[sflag:s29] =	ssyncset.done $0x0  }
0xe0: {  	[sflag:s29] =	ssyncadd.s32 $0xFFFFFFB0  }
0xe1: {  	_ =	swait.ge [sflag:s1], $0x2800  }
0xe2: {  	[sflag:s1] =	ssyncset.done $0x0  }
0xe3: {  	[sflag:s1] =	ssyncadd.s32 $0xFFFFD800  }
0xe4: {  	[tilespmem:s6], [sflag:$0x1] =	stream.indirect.gather [hbm4b:s5+s30], $0x80, s0, s30, $0xb8;
	[tilespmem:$0x19200] =	vst v63  }
0xe5: {  	_ = 	snop  }
0xe6: {  	[spmem:s2] =	stream.indirect.scatter.add.f32 [tilespmem:s28], [sflag:$0x2], $0x80, s31, s30, $0xb8;
	[tilespmem:$0x19200] =	vst v63  }
0xe7: {  	s19 =	sadd.s32 $0xA, s17  }
0xe8: {  	[tilespmem:s7], [sflag:$0x3] =	stream.linear.gather [hbm4b:s19+s3], $0x50, $0x38;
	[tilespmem:$0x19200] =	vst v63  }
0xe9: {  	_ =	swait.ge [sflag:s29], $0x50  }
0xea: {  	[sflag:s29] =	ssyncset.done $0x0  }
0xeb: {  	[sflag:s29] =	ssyncadd.s32 $0xFFFFFFB0  }
0xec: {  	_ =	swait.ge [sflag:s1], $0x2800  }
0xed: {  	[sflag:s1] =	ssyncset.done $0x0  }
0xee: {  	[sflag:s1] =	ssyncadd.s32 $0xFFFFD800  }
0xef: {  	_ =	swait.ge [sflag:s8], $0x2800  }
0xf0: {  	[sflag:s8] =	ssyncset.done $0x0  }
0xf1: {  	[sflag:s8] =	ssyncadd.s32 $0xFFFFD800  }
0xf2: {  	[spmem:s2] =	stream.indirect.scatter.add.f32 [tilespmem:s6], [sflag:$0x3], $0x80, s7, s30, $0xb8;
	[tilespmem:$0x19200] =	vst v63  }
0xf3: {  	_ =	swait.ge [sflag:s29], $0x2800  }
0xf4: {  	s15 =	simm.s32 $0x28;
	s11 =	simm.s32 $0x14;
	[sflag:s29] =	ssyncset.done $0x0  }
.LBB2_6:
0xf5: {  	s17 =	sadd.s32 s11, s26  }
0xf6: {  	[sflag:s29] =	ssyncadd.s32 $0xFFFFD800;
	s19 =	smov.u32 s15;
	s13 =	sadd.s32 $0x14, s15  }
0xf7: {  	[tilespmem:s3], [sflag:$0x3] =	stream.linear.gather [hbm4b:s17+s3], $0x50, $0x38;
	[tilespmem:$0x19200] =	vst v63  }
0xf8: {  	p1 =	sne.s32 s15, $0x9EC;
	_ =	swait.ge [sflag:s29], $0x50  }
0xf9: {  	[sflag:s29] =	ssyncset.done $0x0  }
0xfa: {  	[sflag:s29] =	ssyncadd.s32 $0xFFFFFFB0  }
0xfb: {  	[tilespmem:s28], [sflag:$0x1] =	stream.indirect.gather [hbm4b:s5+s30], $0x80, s3, s30, $0xb8;
	[tilespmem:$0x19200] =	vst v63  }
0xfc: {  	s15 =	sadd.s32 s11, s25;
	s11 =	smov.u32 s19  }
0xfd: {  	[tilespmem:s31], [sflag:$0x3] =	stream.linear.gather [hbm4b:s15+s3], $0x50, $0x38;
	[tilespmem:$0x19200] =	vst v63  }
0xfe: {  	_ =	swait.ge [sflag:s29], $0x50  }
0xff: {  	[sflag:s29] =	ssyncset.done $0x0  }
0x100: {  	s17 =	sadd.s32 $0xA, s17;
	[sflag:s29] =	ssyncadd.s32 $0xFFFFFFB0  }
0x101: {  	[tilespmem:s0], [sflag:$0x3] =	stream.linear.gather [hbm4b:s17+s3], $0x50, $0x38;
	[tilespmem:$0x19200] =	vst v63  }
0x102: {  	_ =	swait.ge [sflag:s29], $0x50  }
0x103: {  	[sflag:s29] =	ssyncset.done $0x0  }
0x104: {  	[sflag:s29] =	ssyncadd.s32 $0xFFFFFFB0  }
0x105: {  	_ =	swait.ge [sflag:s1], $0x2800  }
0x106: {  	[sflag:s1] =	ssyncset.done $0x0  }
0x107: {  	[sflag:s1] =	ssyncadd.s32 $0xFFFFD800  }
0x108: {  	[tilespmem:s6], [sflag:$0x1] =	stream.indirect.gather [hbm4b:s5+s30], $0x80, s0, s30, $0xb8;
	[tilespmem:$0x19200] =	vst v63  }
0x109: {  	_ = 	snop  }
0x10a: {  	[spmem:s2] =	stream.indirect.scatter.add.f32 [tilespmem:s28], [sflag:$0x2], $0x80, s31, s30, $0xb8;
	[tilespmem:$0x19200] =	vst v63  }
0x10b: {  	s15 =	sadd.s32 $0xA, s15  }
0x10c: {  	[tilespmem:s7], [sflag:$0x3] =	stream.linear.gather [hbm4b:s15+s3], $0x50, $0x38;
	[tilespmem:$0x19200] =	vst v63  }
0x10d: {  	_ =	swait.ge [sflag:s29], $0x50  }
0x10e: {  	[sflag:s29] =	ssyncset.done $0x0  }
0x10f: {  	[sflag:s29] =	ssyncadd.s32 $0xFFFFFFB0  }
0x110: {  	_ =	swait.ge [sflag:s1], $0x2800  }
0x111: {  	[sflag:s1] =	ssyncset.done $0x0  }
0x112: {  	[sflag:s1] =	ssyncadd.s32 $0xFFFFD800  }
0x113: {  	_ =	swait.ge [sflag:s8], $0x2800  }
.Ltmp3:
0x114: {  	[sflag:s8] =	ssyncset.done $0x0;
	(pc) =	sbr.rel @p1 .LBB2_6-.Ltmp3, $4  }
0x115: {  	[sflag:s8] =	ssyncadd.s32 $0xFFFFD800  }
0x116: {  	[spmem:s2] =	stream.indirect.scatter.add.f32 [tilespmem:s6], [sflag:$0x3], $0x80, s7, s30, $0xb8;
	[tilespmem:$0x19200] =	vst v63  }
0x117: {  	_ =	swait.ge [sflag:s29], $0x2800  }
0x118: {  	s15 =	smov.u32 s13;
	[sflag:s29] =	ssyncset.done $0x0  }
.Ltmp4:
0x119: {  	_ = 	snop;
	(pc) =	sbr.rel .LBB2_7-.Ltmp4, $1  }
0x11a: {  	_ =	sdelay $0x3  }
.LBB2_2:
0x11b: {  	s13 =	rddreg [dreg:$0xc]  }
0x11c: {  	[tilespmem:s28], [sflag:$0x3] =	stream.linear.gather [hbm4b:s13+s11], $0x2800, $0x38;
	[tilespmem:$0x19200] =	vst v63  }
0x11d: {  	_ =	swait.ge [sflag:s29], $0x2800  }
0x11e: {  	[sflag:s29] =	ssyncset.done $0x0  }
0x11f: {  	[sflag:s29] =	ssyncadd.s32 $0xFFFFD800  }
0x120: {  	[spmem:s10] =	stream.linear.scatter [tilespmem:s28], [sflag:$0x3], $0x2800, $0x38;
	[tilespmem:$0x19200] =	vst v63  }
0x121: {  	_ =	swait.ge [sflag:s29], $0x2800  }
0x122: {  	[sflag:s29] =	ssyncset.done $0x0  }
0x123: {  	s19 =	rddreg [dreg:$0xd];
	[sflag:s29] =	ssyncadd.s32 $0xFFFFD800  }
0x124: {  	[tilespmem:s28], [sflag:$0x3] =	stream.linear.gather [hbm4b:s19+s11], $0x2800, $0x38;
	[tilespmem:$0x19200] =	vst v63  }
0x125: {  	_ =	swait.ge [sflag:s29], $0x2800  }
0x126: {  	[sflag:s29] =	ssyncset.done $0x0  }
0x127: {  	[sflag:s29] =	ssyncadd.s32 $0xFFFFD800  }
0x128: {  	[spmem:s12] =	stream.linear.scatter [tilespmem:s28], [sflag:$0x3], $0x2800, $0x38;
	[tilespmem:$0x19200] =	vst v63  }
0x129: {  	_ =	swait.ge [sflag:s29], $0x2800  }
0x12a: {  	[sflag:s29] =	ssyncset.done $0x0  }
0x12b: {  	s15 =	rddreg [dreg:$0xe];
	[sflag:s29] =	ssyncadd.s32 $0xFFFFD800  }
0x12c: {  	[tilespmem:s28], [sflag:$0x3] =	stream.linear.gather [hbm4b:s15+s11], $0x2800, $0x38;
	[tilespmem:$0x19200] =	vst v63  }
0x12d: {  	_ =	swait.ge [sflag:s29], $0x2800  }
0x12e: {  	[sflag:s29] =	ssyncset.done $0x0  }
0x12f: {  	[sflag:s29] =	ssyncadd.s32 $0xFFFFD800  }
0x130: {  	[spmem:s14] =	stream.linear.scatter [tilespmem:s28], [sflag:$0x3], $0x2800, $0x38;
	[tilespmem:$0x19200] =	vst v63  }
0x131: {  	_ =	swait.ge [sflag:s29], $0x2800  }
0x132: {  	[sflag:s29] =	ssyncset.done $0x0  }
0x133: {  	s17 =	rddreg [dreg:$0xf];
	[sflag:s29] =	ssyncadd.s32 $0xFFFFD800  }
0x134: {  	[tilespmem:s28], [sflag:$0x3] =	stream.linear.gather [hbm4b:s17+s11], $0x2800, $0x38;
	[tilespmem:$0x19200] =	vst v63  }
0x135: {  	_ =	swait.ge [sflag:s29], $0x2800  }
0x136: {  	[sflag:s29] =	ssyncset.done $0x0  }
0x137: {  	[sflag:s29] =	ssyncadd.s32 $0xFFFFD800  }
0x138: {  	[spmem:s16] =	stream.linear.scatter [tilespmem:s28], [sflag:$0x3], $0x2800, $0x38;
	[tilespmem:$0x19200] =	vst v63  }
0x139: {  	_ =	swait.ge [sflag:s29], $0x2800  }
0x13a: {  	[sflag:s29] =	ssyncset.done $0x0  }
0x13b: {  	s19 =	rddreg [dreg:$0x10];
	[sflag:s29] =	ssyncadd.s32 $0xFFFFD800  }
0x13c: {  	[tilespmem:s28], [sflag:$0x3] =	stream.linear.gather [hbm4b:s19+s11], $0x2800, $0x38;
	[tilespmem:$0x19200] =	vst v63  }
0x13d: {  	_ =	swait.ge [sflag:s29], $0x2800  }
0x13e: {  	[sflag:s29] =	ssyncset.done $0x0  }
0x13f: {  	[sflag:s29] =	ssyncadd.s32 $0xFFFFD800  }
0x140: {  	[spmem:s18] =	stream.linear.scatter [tilespmem:s28], [sflag:$0x3], $0x2800, $0x38;
	[tilespmem:$0x19200] =	vst v63  }
0x141: {  	_ =	swait.ge [sflag:s29], $0x2800  }
0x142: {  	[sflag:s29] =	ssyncset.done $0x0  }
0x143: {  	s15 =	rddreg [dreg:$0x11];
	[sflag:s29] =	ssyncadd.s32 $0xFFFFD800  }
0x144: {  	[tilespmem:s28], [sflag:$0x3] =	stream.linear.gather [hbm4b:s15+s11], $0x2800, $0x38;
	[tilespmem:$0x19200] =	vst v63  }
0x145: {  	_ =	swait.ge [sflag:s29], $0x2800  }
0x146: {  	[sflag:s29] =	ssyncset.done $0x0  }
0x147: {  	[sflag:s29] =	ssyncadd.s32 $0xFFFFD800  }
0x148: {  	[spmem:s20] =	stream.linear.scatter [tilespmem:s28], [sflag:$0x3], $0x2800, $0x38;
	[tilespmem:$0x19200] =	vst v63  }
0x149: {  	_ =	swait.ge [sflag:s29], $0x2800  }
0x14a: {  	[sflag:s29] =	ssyncset.done $0x0  }
0x14b: {  	s17 =	rddreg [dreg:$0x12];
	[sflag:s29] =	ssyncadd.s32 $0xFFFFD800  }
0x14c: {  	[tilespmem:s28], [sflag:$0x3] =	stream.linear.gather [hbm4b:s17+s11], $0x2800, $0x38;
	[tilespmem:$0x19200] =	vst v63  }
0x14d: {  	_ =	swait.ge [sflag:s29], $0x2800  }
0x14e: {  	[sflag:s29] =	ssyncset.done $0x0  }
0x14f: {  	[sflag:s29] =	ssyncadd.s32 $0xFFFFD800  }
0x150: {  	[spmem:s22] =	stream.linear.scatter [tilespmem:s28], [sflag:$0x3], $0x2800, $0x38;
	[tilespmem:$0x19200] =	vst v63  }
0x151: {  	_ =	swait.ge [sflag:s29], $0x2800  }
0x152: {  	[sflag:s29] =	ssyncset.done $0x0  }
0x153: {  	s19 =	rddreg [dreg:$0x13];
	[sflag:s29] =	ssyncadd.s32 $0xFFFFD800  }
0x154: {  	[tilespmem:s28], [sflag:$0x3] =	stream.linear.gather [hbm4b:s19+s11], $0x2800, $0x38;
	[tilespmem:$0x19200] =	vst v63  }
0x155: {  	_ =	swait.ge [sflag:s29], $0x2800  }
0x156: {  	[sflag:s29] =	ssyncset.done $0x0  }
0x157: {  	[sflag:s29] =	ssyncadd.s32 $0xFFFFD800  }
0x158: {  	[spmem:s24] =	stream.linear.scatter [tilespmem:s28], [sflag:$0x3], $0x2800, $0x38;
	[tilespmem:$0x19200] =	vst v63  }
0x159: {  	_ =	swait.ge [sflag:s29], $0x2800  }
0x15a: {  	[sflag:s29] =	ssyncset.done $0x0  }
0x15b: {  	[sflag:s29] =	ssyncadd.s32 $0xFFFFD800  }
0x15c: {  	s15 =	sadd.s32 $0x0, s26;
	[bflag:$0x0] =	sbarrier.arrive $0xFFFF  }
0x15d: {  	[tilespmem:s3], [sflag:$0x3] =	stream.linear.gather [hbm4b:s15+s3], $0x50, $0x38;
	[tilespmem:$0x19200] =	vst v63  }
0x15e: {  	_ =	swait.ge [sflag:s29], $0x50  }
0x15f: {  	[sflag:s29] =	ssyncset.done $0x0  }
0x160: {  	[sflag:s29] =	ssyncadd.s32 $0xFFFFFFB0  }
0x161: {  	[tilespmem:s28], [sflag:$0x1] =	stream.indirect.gather [hbm4b:s4+s30], $0x80, s3, s30, $0xb8;
	[tilespmem:$0x19200] =	vst v63  }
0x162: {  	s17 =	sadd.s32 $0x0, s25  }
0x163: {  	[tilespmem:s31], [sflag:$0x3] =	stream.linear.gather [hbm4b:s17+s3], $0x50, $0x38;
	[tilespmem:$0x19200] =	vst v63  }
0x164: {  	_ =	swait.ge [sflag:s29], $0x50  }
0x165: {  	[sflag:s29] =	ssyncset.done $0x0  }
0x166: {  	s11 =	sadd.s32 $0xA, s15;
	[sflag:s29] =	ssyncadd.s32 $0xFFFFFFB0  }
0x167: {  	[tilespmem:s0], [sflag:$0x3] =	stream.linear.gather [hbm4b:s11+s3], $0x50, $0x38;
	[tilespmem:$0x19200] =	vst v63  }
0x168: {  	_ =	swait.ge [sflag:s29], $0x50  }
0x169: {  	[sflag:s29] =	ssyncset.done $0x0  }
0x16a: {  	[sflag:s29] =	ssyncadd.s32 $0xFFFFFFB0  }
0x16b: {  	_ =	swait.ge [sflag:s1], $0x2800  }
0x16c: {  	[sflag:s1] =	ssyncset.done $0x0  }
0x16d: {  	[sflag:s1] =	ssyncadd.s32 $0xFFFFD800  }
0x16e: {  	[tilespmem:s6], [sflag:$0x1] =	stream.indirect.gather [hbm4b:s4+s30], $0x80, s0, s30, $0xb8;
	[tilespmem:$0x19200] =	vst v63  }
0x16f: {  	_ = 	snop  }
0x170: {  	[spmem:s2] =	stream.indirect.scatter.add.f32 [tilespmem:s28], [sflag:$0x2], $0x80, s31, s30, $0xb8;
	[tilespmem:$0x19200] =	vst v63  }
0x171: {  	s19 =	sadd.s32 $0xA, s17  }
0x172: {  	[tilespmem:s7], [sflag:$0x3] =	stream.linear.gather [hbm4b:s19+s3], $0x50, $0x38;
	[tilespmem:$0x19200] =	vst v63  }
0x173: {  	_ =	swait.ge [sflag:s29], $0x50  }
0x174: {  	[sflag:s29] =	ssyncset.done $0x0  }
0x175: {  	[sflag:s29] =	ssyncadd.s32 $0xFFFFFFB0  }
0x176: {  	_ =	swait.ge [sflag:s1], $0x2800  }
0x177: {  	[sflag:s1] =	ssyncset.done $0x0  }
0x178: {  	[sflag:s1] =	ssyncadd.s32 $0xFFFFD800  }
0x179: {  	_ =	swait.ge [sflag:s8], $0x2800  }
0x17a: {  	[sflag:s8] =	ssyncset.done $0x0  }
0x17b: {  	[sflag:s8] =	ssyncadd.s32 $0xFFFFD800  }
0x17c: {  	[spmem:s2] =	stream.indirect.scatter.add.f32 [tilespmem:s6], [sflag:$0x3], $0x80, s7, s30, $0xb8;
	[tilespmem:$0x19200] =	vst v63  }
0x17d: {  	_ =	swait.ge [sflag:s29], $0x2800  }
0x17e: {  	s13 =	simm.s32 $0x28;
	s11 =	simm.s32 $0x14;
	[sflag:s29] =	ssyncset.done $0x0  }
.LBB2_3:
0x17f: {  	s17 =	sadd.s32 s11, s26  }
0x180: {  	[sflag:s29] =	ssyncadd.s32 $0xFFFFD800;
	s19 =	smov.u32 s13;
	s15 =	sadd.s32 $0x14, s13  }
0x181: {  	[tilespmem:s3], [sflag:$0x3] =	stream.linear.gather [hbm4b:s17+s3], $0x50, $0x38;
	[tilespmem:$0x19200] =	vst v63  }
0x182: {  	p1 =	seq.s32 s13, $0x9EC;
	_ =	swait.ge [sflag:s29], $0x50  }
0x183: {  	[sflag:s29] =	ssyncset.done $0x0  }
0x184: {  	[sflag:s29] =	ssyncadd.s32 $0xFFFFFFB0  }
0x185: {  	[tilespmem:s28], [sflag:$0x1] =	stream.indirect.gather [hbm4b:s4+s30], $0x80, s3, s30, $0xb8;
	[tilespmem:$0x19200] =	vst v63  }
0x186: {  	s13 =	sadd.s32 s11, s25;
	s11 =	smov.u32 s19  }
0x187: {  	[tilespmem:s31], [sflag:$0x3] =	stream.linear.gather [hbm4b:s13+s3], $0x50, $0x38;
	[tilespmem:$0x19200] =	vst v63  }
0x188: {  	_ =	swait.ge [sflag:s29], $0x50  }
0x189: {  	[sflag:s29] =	ssyncset.done $0x0  }
0x18a: {  	s17 =	sadd.s32 $0xA, s17;
	[sflag:s29] =	ssyncadd.s32 $0xFFFFFFB0  }
0x18b: {  	[tilespmem:s0], [sflag:$0x3] =	stream.linear.gather [hbm4b:s17+s3], $0x50, $0x38;
	[tilespmem:$0x19200] =	vst v63  }
0x18c: {  	_ =	swait.ge [sflag:s29], $0x50  }
0x18d: {  	[sflag:s29] =	ssyncset.done $0x0  }
0x18e: {  	[sflag:s29] =	ssyncadd.s32 $0xFFFFFFB0  }
0x18f: {  	_ =	swait.ge [sflag:s1], $0x2800  }
0x190: {  	[sflag:s1] =	ssyncset.done $0x0  }
0x191: {  	[sflag:s1] =	ssyncadd.s32 $0xFFFFD800  }
0x192: {  	[tilespmem:s6], [sflag:$0x1] =	stream.indirect.gather [hbm4b:s4+s30], $0x80, s0, s30, $0xb8;
	[tilespmem:$0x19200] =	vst v63  }
0x193: {  	_ = 	snop  }
0x194: {  	[spmem:s2] =	stream.indirect.scatter.add.f32 [tilespmem:s28], [sflag:$0x2], $0x80, s31, s30, $0xb8;
	[tilespmem:$0x19200] =	vst v63  }
0x195: {  	s13 =	sadd.s32 $0xA, s13  }
0x196: {  	[tilespmem:s7], [sflag:$0x3] =	stream.linear.gather [hbm4b:s13+s3], $0x50, $0x38;
	[tilespmem:$0x19200] =	vst v63  }
0x197: {  	_ =	swait.ge [sflag:s29], $0x50  }
0x198: {  	[sflag:s29] =	ssyncset.done $0x0  }
0x199: {  	[sflag:s29] =	ssyncadd.s32 $0xFFFFFFB0  }
0x19a: {  	_ =	swait.ge [sflag:s1], $0x2800  }
0x19b: {  	[sflag:s1] =	ssyncset.done $0x0  }
0x19c: {  	[sflag:s1] =	ssyncadd.s32 $0xFFFFD800  }
0x19d: {  	_ =	swait.ge [sflag:s8], $0x2800  }
.Ltmp5:
0x19e: {  	[sflag:s8] =	ssyncset.done $0x0;
	(pc) =	sbr.rel @!p1 .LBB2_3-.Ltmp5, $4  }
0x19f: {  	[sflag:s8] =	ssyncadd.s32 $0xFFFFD800  }
0x1a0: {  	[spmem:s2] =	stream.indirect.scatter.add.f32 [tilespmem:s6], [sflag:$0x3], $0x80, s7, s30, $0xb8;
	[tilespmem:$0x19200] =	vst v63  }
0x1a1: {  	_ =	swait.ge [sflag:s29], $0x2800  }
0x1a2: {  	s13 =	smov.u32 s15;
	[sflag:s29] =	ssyncset.done $0x0  }
0x1a3: {  	s13 =	sadd.s32 s11, s26;
	[sflag:s29] =	ssyncadd.s32 $0xFFFFD800  }
0x1a4: {  	[tilespmem:s3], [sflag:$0x3] =	stream.linear.gather [hbm4b:s13+s3], $0x50, $0x38;
	[tilespmem:$0x19200] =	vst v63  }
0x1a5: {  	_ =	swait.ge [sflag:s29], $0x50  }
0x1a6: {  	[sflag:s29] =	ssyncset.done $0x0  }
0x1a7: {  	[sflag:s29] =	ssyncadd.s32 $0xFFFFFFB0  }
0x1a8: {  	[tilespmem:s28], [sflag:$0x1] =	stream.indirect.gather [hbm4b:s4+s30], $0x80, s3, s30, $0xb8;
	[tilespmem:$0x19200] =	vst v63  }
0x1a9: {  	s19 =	sadd.s32 s11, s25  }
0x1aa: {  	[tilespmem:s31], [sflag:$0x3] =	stream.linear.gather [hbm4b:s19+s3], $0x50, $0x38;
	[tilespmem:$0x19200] =	vst v63  }
0x1ab: {  	_ =	swait.ge [sflag:s29], $0x50  }
0x1ac: {  	[sflag:s29] =	ssyncset.done $0x0  }
0x1ad: {  	s13 =	sadd.s32 $0xA, s13;
	[sflag:s29] =	ssyncadd.s32 $0xFFFFFFB0  }
0x1ae: {  	[tilespmem:s0], [sflag:$0x3] =	stream.linear.gather [hbm4b:s13+s3], $0x50, $0x38;
	[tilespmem:$0x19200] =	vst v63  }
0x1af: {  	_ =	swait.ge [sflag:s29], $0x50  }
0x1b0: {  	[sflag:s29] =	ssyncset.done $0x0  }
0x1b1: {  	[sflag:s29] =	ssyncadd.s32 $0xFFFFFFB0  }
0x1b2: {  	_ =	swait.ge [sflag:s1], $0x2800  }
0x1b3: {  	[sflag:s1] =	ssyncset.done $0x0  }
0x1b4: {  	[sflag:s1] =	ssyncadd.s32 $0xFFFFD800  }
0x1b5: {  	[tilespmem:s6], [sflag:$0x1] =	stream.indirect.gather [hbm4b:s4+s30], $0x80, s0, s30, $0xb8;
	[tilespmem:$0x19200] =	vst v63  }
0x1b6: {  	_ = 	snop  }
0x1b7: {  	[spmem:s2] =	stream.indirect.scatter.add.f32 [tilespmem:s28], [sflag:$0x2], $0x80, s31, s30, $0xb8;
	[tilespmem:$0x19200] =	vst v63  }
0x1b8: {  	s11 =	sadd.s32 $0xA, s19  }
0x1b9: {  	[tilespmem:s7], [sflag:$0x3] =	stream.linear.gather [hbm4b:s11+s3], $0x50, $0x38;
	[tilespmem:$0x19200] =	vst v63  }
0x1ba: {  	_ =	swait.ge [sflag:s29], $0x50  }
0x1bb: {  	[sflag:s29] =	ssyncset.done $0x0  }
0x1bc: {  	[sflag:s29] =	ssyncadd.s32 $0xFFFFFFB0  }
0x1bd: {  	_ =	swait.ge [sflag:s1], $0x2800  }
0x1be: {  	[sflag:s1] =	ssyncset.done $0x0  }
0x1bf: {  	[sflag:s1] =	ssyncadd.s32 $0xFFFFD800  }
0x1c0: {  	_ =	swait.ge [sflag:s8], $0x2800  }
0x1c1: {  	[sflag:s8] =	ssyncset.done $0x0  }
.Ltmp6:
0x1c2: {  	[sflag:s8] =	ssyncadd.s32 $0xFFFFD800;
	(pc) =	sbr.rel .LBB2_8-.Ltmp6, $4  }
0x1c3: {  	[spmem:s2] =	stream.indirect.scatter.add.f32 [tilespmem:s6], [sflag:$0x3], $0x80, s7, s30, $0xb8;
	[tilespmem:$0x19200] =	vst v63  }
0x1c4: {  	_ =	swait.ge [sflag:s29], $0x2800  }
0x1c5: {  	[sflag:s29] =	ssyncset.done $0x0  }
0x1c6: {  	s11 =	rddreg [dreg:$0x3];
	[sflag:s29] =	ssyncadd.s32 $0xFFFFD800  }
.LBB2_9:
0x1c7: {  	_ =	sfence.sel $0x180000  }
0x1c8: {  	[bflag:$0x0] =	sbarrier.arrive $0xFFFF  }
0x1c9: {  	_ =	strace $0x9000004D  }
0x1ca: {  	s0 =	stileid.u32;
	[bflag:$0x2] =	sbarrier.arrive $0xFFFF  }
0x1cb: {  	p0 =	sne.s32 s0, $0x0;
	s0 =	rddreg [dreg:$0x2]  }
0x1cc: {  	s0 =	sadd.s32 @!p0 $0x100000, s0  }
0x1cd: {  	[sflag:s0] =	ssyncadd.tile.s32 @!p0 $0x1;
	_ =	shalt  }
.Lfunc_end2:
_tile_overlayer_lowered:
.L_overlay_start_2:
0x1ce: {  	(tag) =	ssettag $0x2  }
0x1cf: {  	s0 =	rddreg [dreg:$0x0];
	s2 =	stileid.u32  }
0x1d0: {  	s1 =	rddreg [dreg:$0x1];
	p0 =	sne.s32 s2, $0x0  }
0x1d1: {  	s3 =	rddreg [dreg:$0x2];
	[bflag:$0x3] =	sbarrier.arrive $0xFFFF;
	s2 =	simm.s32 @!p0 $0x1C03  }
0x1d2: {  	[timem:s3], [sflag:s2] =	dma.local @!p0 [hbm:s0], s1  }
0x1d3: {  	s0 =	simm.s32 @!p0 $0x3  }
0x1d4: {  	_ =	swait.ge @!p0 [sflag:s0], s1  }
0x1d5: {  	s1 =	ssub.s32 @!p0 $0x0, s1;
	[sflag:s0] =	ssyncset.done @!p0 $0x0  }
0x1d6: {  	[sflag:s0] =	ssyncadd.s32 @!p0 s1  }
0x1d7: {  	[bflag:$0x3] =	sbarrier.arrive $0xFFFF  }
0x1d8: {  	_ =	shalt  }

// kernel: kernel.19.cloned.1.call-start
scs
__scs_entry_jumppad:
0x0: {  	(pc) =	sbr.rel $0x88, $3  }
0x1: {  	(tag) =	ssettag $0x0;
	lr =	simm.s32 $0x1  }
0x2: {  	[smem:$0x3F93] =	sst lr;
	_ =	strace $0xD0000000  }
0x3: {  	_ = 	snop  }
0x4: {  	_ = 	snop  }
0x5: {  	_ = 	snop  }
0x6: {  	_ = 	snop  }
0x7: {  	_ = 	snop  }
__scs_overlays_trampoline_lowered:
0x8: {  	[smem:$0x3FA2] =	sst s0  }
0x9: {  	[smem:$0x3FA3] =	sst s1  }
0xa: {  	[smem:$0x3FA4] =	sst s2  }
0xb: {  	[smem:$0x3FA5] =	sst s3  }
0xc: {  	[smem:$0x3FA6] =	sst s4  }
0xd: {  	[smem:$0x3FA7] =	sst s5  }
0xe: {  	[smem:$0x3FA8] =	sst s6  }
0xf: {  	[smem:$0x3FA9] =	sst s7  }
0x10: {  	[smem:$0x3FAA] =	sst s8  }
0x11: {  	[smem:$0x3FAB] =	sst s9;
	s0 =	simm.s32 @!p0 $0x0  }
0x12: {  	s1 =	sld [smem:$0x3F91];
	s0 =	simm.s32 @p0 $0x1  }
0x13: {  	[smem:$0x3FAC] =	sst s0;
	s0 =	simm.s32 @!p1 $0x0  }
0x14: {  	s2 =	sld [smem:$0x3F90];
	s0 =	simm.s32 @p1 $0x1  }
0x15: {  	[smem:$0x3FAD] =	sst s0;
	s0 =	simm.s32 @!p2 $0x0  }
0x16: {  	s3 =	sld [smem:$0x3FDB];
	s0 =	simm.s32 @p2 $0x1  }
0x17: {  	s4 =	simm.s32 $0x1BF5;
	[smem:$0x3FAF] =	sst s0  }
0x18: {  	s0 =	sld [smem:$0x3F92];
	_ =	swait.ge [sflag:s4], $0x0  }
0x19: {  	s7 =	sld [smem:$0x3F93]  }
0x1a: {  	s8 =	sadd.s32 $0xFFFFE003, lr  }
0x1b: {  	s9 =	sadd.s32 $0xFFFFFEF7, lr;
	s5 =	simm.s32 $0xFFFFFFFF;
	p2 =	slt.u32 s8, $0xFFFFF086  }
0x1c: {  	p1 =	slt.u32 s9, $0xF7A;
	s5 =	simm.s32 @!p2 $0x0  }
0x1d: {  	s5 =	simm.s32 @p1 $0x1;
	p0 =	seq.s32 s7, s2  }
0x1e: {  	s7 =	smul.u32 @!p0 $0xF7A, s2;
	p2 =	seq.s32 @!p0 s5, $0x0  }
0x1f: {  	s9 =	smul.u32 $0xF7A, s1;
	s8 =	simm.s32 @!p0 $0x1BF5;
	p2 =	por !p2, p0  }
0x20: {  	[sflag:s8] =	ssyncset.s32 @!p0 $0xFFFFF086;
	s6 =	sadd.s32 @!p0 s3, s7;
	s7 =	simm.s32 @!p0 $0x108  }
0x21: {  	s3 =	sadd.s32 s3, s9;
	s6 =	sadd.s32 @!p0 $0x88, s6;
	s7 =	simm.s32 @p2 $0x1082  }
0x22: {  	[simem:s7], [sflag:s8] =	dma.local @!p0 [hbm:s6], $0xF7A  }
0x23: {  	s9 =	sor.u32 $0xD0000000, s2;
	s6 =	simm.s32 $0x108;
	_ =	swait.ge @!p0 [sflag:s8], $0x0  }
0x24: {  	s3 =	sadd.s32 $0x88, s3;
	s6 =	simm.s32 @!p1 $0x1082;
	[sflag:s4] =	ssyncset.s32 $0xFFFFF086  }
0x25: {  	[simem:s6], [sflag:s4] =	dma.local [hbm:s3], $0xF7A  }
0x26: {  	[smem:$0x3F93] =	sst s1;
	(tag) =	ssettag s2;
	_ =	strace s9  }
0x27: {  	s1 =	sld [smem:$0x3FA3]  }
0x28: {  	s2 =	sld [smem:$0x3FA4]  }
0x29: {  	s4 =	sld [smem:$0x3FA6]  }
0x2a: {  	p0 =	seq.s32 s5, $0x0;
	s5 =	sld [smem:$0x3FA7]  }
0x2b: {  	s6 =	sld [smem:$0x3FA8]  }
0x2c: {  	s7 =	sld [smem:$0x3FA9]  }
0x2d: {  	s3 =	simm.s32 $0x108;
	s8 =	sld [smem:$0x3FAA]  }
0x2e: {  	s3 =	simm.s32 @!p0 $0x1082;
	s9 =	sld [smem:$0x3FAB]  }
0x2f: {  	lr =	sadd.s32 s0, s3;
	s0 =	sld [smem:$0x3FA2]  }
0x30: {  	s3 =	sld [smem:$0x3FA5]  }
0x31: {  	[smem:$0x3FAE] =	sst s10  }
0x32: {  	s10 =	sld [smem:$0x3FAC];
	_ =	sdelay $0x3  }
0x33: {  	p0 =	seq.s32 s10, $0x1;
	s10 =	sld [smem:$0x3FAE];
	_ =	sdelay $0x3  }
0x34: {  	[smem:$0x3FAE] =	sst s10  }
0x35: {  	s10 =	sld [smem:$0x3FAD];
	_ =	sdelay $0x3  }
0x36: {  	p1 =	seq.s32 s10, $0x1;
	s10 =	sld [smem:$0x3FAE];
	_ =	sdelay $0x3  }
0x37: {  	[smem:$0x3FAE] =	sst s10  }
0x38: {  	s10 =	sld [smem:$0x3FAF]  }
0x39: {  	_ = 	snop;
	(pc) =	sbr.ind lr, $3  }
0x3a: {  	_ = 	snop  }
0x3b: {  	_ = 	snop  }
0x3c: {  	p2 =	seq.s32 s10, $0x1;
	s10 =	sld [smem:$0x3FAE]  }
0x3d: {  	_ =	shalt  }
0x3e: {  	_ =	shalt  }
0x3f: {  	_ =	shalt  }
0x40: {  	_ =	shalt  }
0x41: {  	_ =	shalt  }
0x42: {  	_ =	shalt  }
0x43: {  	_ =	shalt  }
0x44: {  	_ =	shalt  }
0x45: {  	_ =	shalt  }
0x46: {  	_ =	shalt  }
0x47: {  	_ =	shalt  }
0x48: {  	_ =	shalt  }
0x49: {  	_ =	shalt  }
0x4a: {  	_ =	shalt  }
0x4b: {  	_ =	shalt  }
0x4c: {  	_ =	shalt  }
0x4d: {  	_ =	shalt  }
0x4e: {  	_ =	shalt  }
0x4f: {  	_ =	shalt  }
0x50: {  	_ =	shalt  }
0x51: {  	_ =	shalt  }
0x52: {  	_ =	shalt  }
0x53: {  	_ =	shalt  }
0x54: {  	_ =	shalt  }
0x55: {  	_ =	shalt  }
0x56: {  	_ =	shalt  }
0x57: {  	_ =	shalt  }
0x58: {  	_ =	shalt  }
0x59: {  	_ =	shalt  }
0x5a: {  	_ =	shalt  }
0x5b: {  	_ =	shalt  }
0x5c: {  	_ =	shalt  }
0x5d: {  	_ =	shalt  }
0x5e: {  	_ =	shalt  }
0x5f: {  	_ =	shalt  }
0x60: {  	_ =	shalt  }
0x61: {  	_ =	shalt  }
0x62: {  	_ =	shalt  }
0x63: {  	_ =	shalt  }
0x64: {  	_ =	shalt  }
0x65: {  	_ =	shalt  }
0x66: {  	_ =	shalt  }
0x67: {  	_ =	shalt  }
0x68: {  	_ =	shalt  }
0x69: {  	_ =	shalt  }
0x6a: {  	_ =	shalt  }
0x6b: {  	_ =	shalt  }
0x6c: {  	_ =	shalt  }
0x6d: {  	_ =	shalt  }
0x6e: {  	_ =	shalt  }
0x6f: {  	_ =	shalt  }
0x70: {  	_ =	shalt  }
0x71: {  	_ =	shalt  }
0x72: {  	_ =	shalt  }
0x73: {  	_ =	shalt  }
0x74: {  	_ =	shalt  }
0x75: {  	_ =	shalt  }
0x76: {  	_ =	shalt  }
0x77: {  	_ =	shalt  }
0x78: {  	_ =	shalt  }
0x79: {  	_ =	shalt  }
0x7a: {  	_ =	shalt  }
0x7b: {  	_ =	shalt  }
0x7c: {  	_ =	shalt  }
0x7d: {  	_ =	shalt  }
0x7e: {  	_ =	shalt  }
0x7f: {  	_ =	shalt  }
0x80: {  	_ =	shalt  }
0x81: {  	_ =	shalt  }
0x82: {  	_ =	shalt  }
0x83: {  	_ =	shalt  }
0x84: {  	_ =	shalt  }
0x85: {  	_ =	shalt  }
0x86: {  	_ =	shalt  }
0x87: {  	_ =	shalt  }
.Lfunc_end0:
.L_simem_size_0:
called_computation.3_lowered:
.L_overlay_start_0:
0x88: {  	s2 =	sld [smem:$0x3FD9]  }
0x89: {  	s3 =	sld [smem:$0x3FFE];
	_ =	sdelay $0x1  }
0x8a: {  	s1 =	srdreg.scid  }
0x8b: {  	s0 =	sand.u32 $0x1, s1  }
0x8c: {  	s16 =	sshll.u32 s0, $0xA;
	s2 =	sadd.s32 s3, s2  }
0x8d: {  	s2 =	sadd.s32 s2, s16  }
0x8e: {  	[smem:$0x3FBA] =	sst s2  }
0x8f: {  	_ = 	snop  }
0x90: {  	(tm) =	ssettm $0x1  }
0x91: {  	s17 =	sld [smem:$0x3FFB];
	_ =	sdelay $0x3  }
0x92: {  	_ =	strace s17  }
0x93: {  	s2 =	sld [smem:$0x3FFC];
	_ =	sdelay $0x3  }
0x94: {  	_ =	strace s2  }
0x95: {  	s2 =	sld [smem:$0x3FFD];
	_ =	sdelay $0x3  }
0x96: {  	_ =	strace s2  }
0x97: {  	_ =	strace $0x8FFFFFFF  }
0x98: {  	s18 =	sld [smem:$0x3FDB];
	_ =	sdelay $0x1  }
0x99: {  	s19 =	simm.s32 $_scs_section_size  }
0x9a: {  	s4 =	simm.s32 $_size__tile_overlayer_lowered;
	s5 =	simm.s32 $_tile_overlayer_lowered  }
0x9b: {  	s22 =	simm.s32 $0x1BFF;
	s21 =	sshll.u32 s5, $0x1;
	s2 =	sadd.s32 s19, s18  }
0x9c: {  	s6 =	simm.s32 $0x0;
	s20 =	sshll.u32 s4, $0x1;
	s4 =	sadd.s32 s21, s2  }
0x9d: {  	[timem:s6], [sflag:s22] =	dma.local [hbm:s4], s20  }
0x9e: {  	_ =	swait.ge [sflag:s22], s20  }
0x9f: {  	s3 =	ssub.s32 $0x0, s20;
	[sflag:s22] =	ssyncset.done $0x0  }
0xa0: {  	[sflag:s22] =	ssyncadd.s32 s3;
	_ =	sdelay $0x1  }
0xa1: {  	s23 =	simm.s32 $0x1B8B  }
0xa2: {  	_ =	swait.ge [sflag:s23], $0x1  }
0xa3: {  	[sflag:s23] =	ssyncset.done $0x0  }
0xa4: {  	s25 =	simm.s32 $0x1B8E;
	s24 =	sld [smem:$0x3FFE];
	[sflag:s23] =	ssyncadd.s32 $0xFFFFFFFF  }
0xa5: {  	s26 =	simm.s32 $execute0_lowered;
	[smem:$0x3FD2] =	sst s25  }
0xa6: {  	s4 =	sshll.u32 s26, $0x1;
	_ =	strace $0x8000004F;
	[dreg:$0x1] =	wrdreg $0xFFFFFFFF  }
0xa7: {  	s28 =	simm.s32 $_size_execute0_lowered;
	s2 =	sadd.s32 s2, s4;
	[dreg:$0x0] =	wrdreg $0x0  }
0xa8: {  	s4 =	sshll.u32 s28, $0x1;
	[dreg:$0x2] =	wrdreg s2  }
0xa9: {  	[dreg:$0x3] =	wrdreg s4  }
0xaa: {  	[dreg:$0x4] =	wrdreg $0xC0  }
0xab: {  	_ =	task [dreg:s6], $0x5FFFF  }
0xac: {  	[dreg:$0x1] =	wrdreg $0xFFFFFFFF  }
0xad: {  	[dreg:$0x0] =	wrdreg $0x60  }
0xae: {  	[dreg:$0x2] =	wrdreg s24  }
0xaf: {  	[dreg:$0x3] =	wrdreg $0x50800  }
0xb0: {  	[dreg:$0x4] =	wrdreg $0x5C800  }
0xb1: {  	[dreg:$0x5] =	wrdreg $0x9  }
0xb2: {  	_ =	task.clear_ibuf [dreg:s6], $0x6FFFF;
	_ =	strace $0x9000004F  }
0xb3: {  	s29 =	simm.s32 $0x9;
	_ =	strace $0x80000051  }
0xb4: {  	_ =	swait.ge [sflag:s29], $0x1  }
0xb5: {  	[sflag:s29] =	ssyncadd.s32 $0xFFFFFFFF  }
0xb6: {  	_ =	strace $0x90000051  }
0xb7: {  	_ =	sfence  }
0xb8: {  	s30 =	sld [smem:$0x0];
	_ =	sdelay $0x2  }
0xb9: {  	s31 =	sshll.u32 s1, $0xD;
	s1 =	sshrl.u32 s1, $0x2  }
0xba: {  	s3 =	sand.u32 $0x4000, s31;
	s1 =	sadd.s32 s1, s30  }
0xbb: {  	s0 =	sor.u32 s3, s0;
	s1 =	sshll.u32 s1, $0x11  }
0xbc: {  	s0 =	sor.u32 s1, s0  }
0xbd: {  	s0 =	sadd.s32 $0x8F2B, s0  }
0xbe: {  	[sflag:s0] =	ssyncadd.remote.s32 $0x1  }
0xbf: {  	_ =	sfence.sel $0xFFFF  }
0xc0: {  	[dreg:$0x0] =	wrdreg $0xFFFFFFFF;
	(pc) =	sbr.abs _section_cstart, $3  }
0xc1: {  	[dreg:$0x1] =	wrdreg $0xFFFFFFFF  }
0xc2: {  	_ =	task.clear_ibuf [dreg:s6], $0x2FFFF;
	_ =	strace $0x9FFFFFFF  }
0xc3: {  	(tm) =	ssettm $0x7FFFFFFF  }
tec
execute0_lowered:
.L_overlay_start_1:
0x0: {  	(tag) =	ssettag $0x1  }
0x1: {  	s7 =	rddreg [dreg:$0x0]  }
0x2: {  	s2 =	rddreg [dreg:$0x1]  }
0x3: {  	s3 =	rddreg [dreg:$0x2];
	s1 =	stileid.u32  }
0x4: {  	s0 =	rddreg [dreg:$0x3];
	s4 =	simm.s32 $0x0;
	s9 =	srdreg.scid  }
0x5: {  	s16 =	simm.s32 $0x1;
	s17 =	simm.s32 $0x50;
	s6 =	smul.u32 $0x2800, s1  }
0x6: {  	s18 =	simm.s32 $0x2880;
	s19 =	simm.s32 $0x2;
	s8 =	smul.u32 $0x50, s1  }
0x7: {  	s20 =	simm.s32 $0x0;
	[smem:$0x7FF] =	sst s4;
	s5 =	smul.u32 $0x180, s1  }
0x8: {  	s15 =	sand.u32 $0x1, s9;
	s31 =	smul.u32 $0xC00, s1;
	_ =	strace $0x80000050  }
0x9: {  	s30 =	ssub.s32 $0x2, s15;
	p0 =	seq.s32 s15, $0x0;
	s15 =	simm.s32 $0x80  }
.Ltmp0:
0xa: {  	s14 =	sadd.s32 s6, s7;
	s13 =	sadd.s32 s8, s7;
	(pc) =	sbr.rel .LBB2_1-.Ltmp0, $4  }
0xb: {  	s10 =	sadd.s32 s5, s7;
	s6 =	sadd.s32 $0x56600, s7;
	s7 =	sadd.s32 $0x57E00, s7  }
0xc: {  	s11 =	sshrl.u32 s30, $0x1;
	s8 =	sadd.s32 s31, s2;
	s9 =	sadd.s32 s31, s3  }
0xd: {  	s11 =	ssub.s32 s30, s11;
	s10 =	sadd.s32 $0x54E00, s10;
	s12 =	sadd.s32 $0x2CE00, s14  }
0xe: {  	v0 =	vimm.f32 $0.0e+00;
	v1 =	vimm.f32 $1.000000000e+00;
	s13 =	sadd.s32 $0x4800, s13;
	s14 =	sadd.s32 $0x4E00, s14;
	s11 =	smax.u32 s11, $0x1  }
.LBB2_9:
0xf: {  	s22 =	sadd.s32 s22, s13;
	[sflag:s19] =	ssyncadd.s32 $0xFFFFD800  }
0x10: {  	[tilespmem:s4], [sflag:$0x2] =	stream.linear.gather [hbm4b:s22+s4], $0x50, $0x38;
	[tilespmem:$0x6880] =	vst v63  }
0x11: {  	_ =	swait.ge [sflag:s19], $0x50  }
0x12: {  	[sflag:s19] =	ssyncset.done $0x0  }
0x13: {  	[sflag:s19] =	ssyncadd.s32 $0xFFFFFFB0  }
0x14: {  	[tilespmem:s15], [sflag:$0x2] =	stream.linear.gather [hbm4b:s21+s4], $0x2800, $0x38;
	[tilespmem:$0x6880] =	vst v63  }
0x15: {  	_ =	swait.ge [sflag:s19], $0x2800  }
0x16: {  	[sflag:s19] =	ssyncset.done $0x0  }
0x17: {  	[sflag:s19] =	ssyncadd.s32 $0xFFFFD800  }
0x18: {  	[spmem:s2] =	stream.indirect.scatter.add.f32 [tilespmem:s15], [sflag:$0x2], $0x80, s4, s17, $0xb8;
	[tilespmem:$0x6880] =	vst v63  }
0x19: {  	_ =	swait.ge [sflag:s19], $0x2800  }
0x1a: {  	[sflag:s19] =	ssyncset.done $0x0  }
0x1b: {  	[sflag:s19] =	ssyncadd.s32 $0xFFFFD800  }
0x1c: {  	s22 =	smov.u32 s6;
	s21 =	simm.s32 $0x80;
	[bflag:$0x0] =	sbarrier.arrive $0xFFFF  }
0x1d: {  	[tilespmem:s21], [sflag:$0x1] =	stream.linear.gather [spmem:s8], $0xC00, $0x38;
	[tilespmem:$0x6880] =	vst v63  }
.LBB2_10:
0x1e: {  	_ =	swait.ge [sflag:s16], $0xC00;
	s20 =	sadd.s32 $0x1, s20  }
0x1f: {  	[sflag:s16] =	ssyncset.done $0x0;
	p1 =	sne.s32 s20, s11  }
.Ltmp1:
0x20: {  	s22 =	sadd.s32 s22, s5;
	[sflag:s16] =	ssyncadd.s32 $0xFFFFF400;
	(pc) =	sbr.rel @!p1 .LBB2_11-.Ltmp1, $4  }
0x21: {  	[hbm4b:s22+s4] =	stream.linear.scatter [tilespmem:s21], [sflag:$0x1], $0xC00, $0x38;
	[tilespmem:$0x6880] =	vst v63  }
0x22: {  	_ =	swait.ge [sflag:s16], $0xC00  }
0x23: {  	[sflag:s16] =	ssyncset.done $0x0  }
0x24: {  	[sflag:s16] =	ssyncadd.s32 $0xFFFFF400  }
.LBB2_1:
0x25: {  	s21 =	simm.s32 $0x0;
	s22 =	simm.s32 $0x200  }
.LBB2_2:
0x26: {  	p1 =	sne.s32 s22, $0x9E00;
	[tilespmem:s21+$0x28F0] =	vst v1  }
0x27: {  	[tilespmem:s21+$0x80] =	vst v0  }
0x28: {  	[tilespmem:s21+$0x2880] =	vst v1  }
0x29: {  	[tilespmem:s21+$0x90] =	vst v0  }
0x2a: {  	[tilespmem:s21+$0x2890] =	vst v1  }
0x2b: {  	[tilespmem:s21+$0xA0] =	vst v0  }
0x2c: {  	[tilespmem:s21+$0x28A0] =	vst v1  }
0x2d: {  	[tilespmem:s21+$0xB0] =	vst v0  }
0x2e: {  	[tilespmem:s21+$0x28B0] =	vst v1  }
0x2f: {  	[tilespmem:s21+$0xC0] =	vst v0  }
0x30: {  	[tilespmem:s21+$0x28C0] =	vst v1  }
.Ltmp2:
0x31: {  	[tilespmem:s21+$0xD0] =	vst v0;
	(pc) =	sbr.rel @p1 .LBB2_2-.Ltmp2, $4  }
0x32: {  	[tilespmem:s21+$0x28D0] =	vst v1  }
0x33: {  	[tilespmem:s21+$0xE0] =	vst v0  }
0x34: {  	[tilespmem:s21+$0x28E0] =	vst v1  }
0x35: {  	[tilespmem:s21+$0xF0] =	vst v0;
	s21 =	sshra.s32 s22, $0x2;
	s22 =	sadd.s32 $0x200, s22  }
0x36: {  	[tilespmem:s21+$0x28F0] =	vst v1  }
0x37: {  	[tilespmem:s21+$0x80] =	vst v0  }
0x38: {  	[tilespmem:s21+$0x2880] =	vst v1  }
0x39: {  	[tilespmem:s21+$0x90] =	vst v0  }
0x3a: {  	[tilespmem:s21+$0x2890] =	vst v1  }
0x3b: {  	[tilespmem:s21+$0xA0] =	vst v0  }
0x3c: {  	[tilespmem:s21+$0x28A0] =	vst v1  }
0x3d: {  	[tilespmem:s21+$0xB0] =	vst v0  }
0x3e: {  	[tilespmem:s21+$0x28B0] =	vst v1  }
0x3f: {  	[tilespmem:s21+$0xC0] =	vst v0  }
0x40: {  	[tilespmem:s21+$0x28C0] =	vst v1  }
0x41: {  	[tilespmem:s21+$0xD0] =	vst v0  }
0x42: {  	[tilespmem:s21+$0x28D0] =	vst v1  }
0x43: {  	[tilespmem:s21+$0xE0] =	vst v0  }
0x44: {  	[tilespmem:s21+$0x28E0] =	vst v1  }
0x45: {  	[tilespmem:s21+$0xF0] =	vst v0  }
0x46: {  	[spmem:s8] =	stream.linear.scatter [tilespmem:s15], [sflag:$0x1], $0xC00, $0x38;
	[tilespmem:$0x6880] =	vst v63  }
0x47: {  	_ =	swait.ge [sflag:s16], $0xC00  }
0x48: {  	[sflag:s16] =	ssyncset.done $0x0  }
0x49: {  	[sflag:s16] =	ssyncadd.s32 $0xFFFFF400  }
0x4a: {  	[spmem:s9] =	stream.linear.scatter [tilespmem:s15], [sflag:$0x1], $0xC00, $0x38;
	[tilespmem:$0x6880] =	vst v63  }
.Ltmp3:
0x4b: {  	_ =	swait.ge [sflag:s16], $0xC00;
	(pc) =	sbr.rel @!p0 .LBB2_7-.Ltmp3, $4  }
0x4c: {  	[sflag:s16] =	ssyncset.done $0x0  }
0x4d: {  	[sflag:s16] =	ssyncadd.s32 $0xFFFFF400  }
0x4e: {  	[bflag:$0x0] =	sbarrier.arrive $0xFFFF  }
0x4f: {  	s21 =	sadd.s32 $0x0, s13  }
0x50: {  	[tilespmem:s4], [sflag:$0x1] =	stream.linear.gather [hbm4b:s21+s4], $0x50, $0x38;
	[tilespmem:$0x6880] =	vst v63  }
0x51: {  	_ =	swait.ge [sflag:s16], $0x50  }
0x52: {  	[sflag:s16] =	ssyncset.done $0x0  }
0x53: {  	[sflag:s16] =	ssyncadd.s32 $0xFFFFFFB0  }
0x54: {  	[tilespmem:s15], [sflag:$0x1] =	stream.linear.gather [hbm4b:s14+s4], $0x2800, $0x38;
	[tilespmem:$0x6880] =	vst v63  }
0x55: {  	_ =	swait.ge [sflag:s16], $0x2800  }
0x56: {  	[sflag:s16] =	ssyncset.done $0x0  }
0x57: {  	[sflag:s16] =	ssyncadd.s32 $0xFFFFD800  }
0x58: {  	[spmem:s2] =	stream.indirect.scatter.add.f32 [tilespmem:s15], [sflag:$0x1], $0x80, s4, s17, $0xb8;
	[tilespmem:$0x6880] =	vst v63  }
0x59: {  	_ =	swait.ge [sflag:s16], $0x2800  }
0x5a: {  	[sflag:s16] =	ssyncset.done $0x0  }
0x5b: {  	[sflag:s16] =	ssyncadd.s32 $0xFFFFD800  }
0x5c: {  	[spmem:s3] =	stream.indirect.scatter.add.f32 [tilespmem:s18], [sflag:$0x1], $0x80, s4, s17, $0xb8;
	[tilespmem:$0x6880] =	vst v63  }
0x5d: {  	s22 =	simm.s32 $0xA;
	_ =	swait.ge [sflag:s16], $0x2800  }
0x5e: {  	s23 =	simm.s32 $0x14;
	s21 =	sadd.s32 $0x500, s14;
	[sflag:s16] =	ssyncset.done $0x0  }
.LBB2_5:
0x5f: {  	s24 =	sadd.s32 s22, s13  }
0x60: {  	[sflag:s16] =	ssyncadd.s32 $0xFFFFD800;
	s22 =	smov.u32 s23;
	s25 =	sadd.s32 $0xA, s23  }
0x61: {  	[tilespmem:s4], [sflag:$0x1] =	stream.linear.gather [hbm4b:s24+s4], $0x50, $0x38;
	[tilespmem:$0x6880] =	vst v63  }
0x62: {  	p1 =	seq.s32 s23, $0x46;
	_ =	swait.ge [sflag:s16], $0x50  }
0x63: {  	[sflag:s16] =	ssyncset.done $0x0  }
0x64: {  	[sflag:s16] =	ssyncadd.s32 $0xFFFFFFB0  }
0x65: {  	[tilespmem:s15], [sflag:$0x1] =	stream.linear.gather [hbm4b:s21+s4], $0x2800, $0x38;
	[tilespmem:$0x6880] =	vst v63  }
0x66: {  	_ =	swait.ge [sflag:s16], $0x2800  }
0x67: {  	[sflag:s16] =	ssyncset.done $0x0  }
0x68: {  	[sflag:s16] =	ssyncadd.s32 $0xFFFFD800  }
0x69: {  	[spmem:s2] =	stream.indirect.scatter.add.f32 [tilespmem:s15], [sflag:$0x1], $0x80, s4, s17, $0xb8;
	[tilespmem:$0x6880] =	vst v63  }
0x6a: {  	_ =	swait.ge [sflag:s16], $0x2800  }
.Ltmp4:
0x6b: {  	[sflag:s16] =	ssyncset.done $0x0;
	(pc) =	sbr.rel @!p1 .LBB2_5-.Ltmp4, $4  }
0x6c: {  	[sflag:s16] =	ssyncadd.s32 $0xFFFFD800  }
0x6d: {  	[spmem:s3] =	stream.indirect.scatter.add.f32 [tilespmem:s18], [sflag:$0x1], $0x80, s4, s17, $0xb8;
	[tilespmem:$0x6880] =	vst v63  }
0x6e: {  	_ =	swait.ge [sflag:s16], $0x2800  }
0x6f: {  	s23 =	smov.u32 s25;
	s21 =	sadd.s32 $0x500, s21;
	[sflag:s16] =	ssyncset.done $0x0  }
0x70: {  	s22 =	sadd.s32 s22, s13;
	[sflag:s16] =	ssyncadd.s32 $0xFFFFD800  }
0x71: {  	[tilespmem:s4], [sflag:$0x1] =	stream.linear.gather [hbm4b:s22+s4], $0x50, $0x38;
	[tilespmem:$0x6880] =	vst v63  }
0x72: {  	_ =	swait.ge [sflag:s16], $0x50  }
0x73: {  	[sflag:s16] =	ssyncset.done $0x0  }
0x74: {  	[sflag:s16] =	ssyncadd.s32 $0xFFFFFFB0  }
0x75: {  	[tilespmem:s15], [sflag:$0x1] =	stream.linear.gather [hbm4b:s21+s4], $0x2800, $0x38;
	[tilespmem:$0x6880] =	vst v63  }
0x76: {  	_ =	swait.ge [sflag:s16], $0x2800  }
0x77: {  	[sflag:s16] =	ssyncset.done $0x0  }
0x78: {  	[sflag:s16] =	ssyncadd.s32 $0xFFFFD800  }
0x79: {  	[spmem:s2] =	stream.indirect.scatter.add.f32 [tilespmem:s15], [sflag:$0x1], $0x80, s4, s17, $0xb8;
	[tilespmem:$0x6880] =	vst v63  }
0x7a: {  	_ =	swait.ge [sflag:s16], $0x2800  }
0x7b: {  	[sflag:s16] =	ssyncset.done $0x0  }
0x7c: {  	[sflag:s16] =	ssyncadd.s32 $0xFFFFD800  }
0x7d: {  	[spmem:s3] =	stream.indirect.scatter.add.f32 [tilespmem:s18], [sflag:$0x1], $0x80, s4, s17, $0xb8;
	[tilespmem:$0x6880] =	vst v63  }
0x7e: {  	_ =	swait.ge [sflag:s16], $0x2800  }
0x7f: {  	[sflag:s16] =	ssyncset.done $0x0  }
0x80: {  	[sflag:s16] =	ssyncadd.s32 $0xFFFFD800  }
0x81: {  	[bflag:$0x0] =	sbarrier.arrive $0xFFFF  }
0x82: {  	[tilespmem:s15], [sflag:$0x1] =	stream.linear.gather [spmem:s8], $0xC00, $0x38;
	[tilespmem:$0x6880] =	vst v63  }
0x83: {  	_ =	swait.ge [sflag:s16], $0xC00  }
0x84: {  	[sflag:s16] =	ssyncset.done $0x0  }
0x85: {  	[sflag:s16] =	ssyncadd.s32 $0xFFFFF400  }
0x86: {  	[hbm4b:s10+s4] =	stream.linear.scatter [tilespmem:s15], [sflag:$0x1], $0xC00, $0x38;
	[tilespmem:$0x6880] =	vst v63  }
.Ltmp5:
0x87: {  	_ = 	snop;
	(pc) =	sbr.rel .LBB2_10-.Ltmp5, $4  }
0x88: {  	_ =	swait.ge [sflag:s16], $0xC00  }
0x89: {  	[sflag:s16] =	ssyncset.done $0x0  }
0x8a: {  	s22 =	smov.u32 s7;
	s21 =	simm.s32 $0x2880;
	[sflag:s16] =	ssyncadd.s32 $0xFFFFF400  }
0x8b: {  	[tilespmem:s21], [sflag:$0x1] =	stream.linear.gather [spmem:s9], $0xC00, $0x38;
	[tilespmem:$0x6880] =	vst v63  }
.LBB2_7:
0x8c: {  	[tilespmem:s4], [sflag:$0x2] =	stream.linear.gather [hbm4b:s21+s4], $0x50, $0x38;
	[tilespmem:$0x6880] =	vst v63  }
0x8d: {  	_ =	swait.ge [sflag:s19], $0x50  }
0x8e: {  	[sflag:s19] =	ssyncset.done $0x0  }
0x8f: {  	[sflag:s19] =	ssyncadd.s32 $0xFFFFFFB0  }
0x90: {  	[tilespmem:s15], [sflag:$0x2] =	stream.linear.gather [hbm4b:s12+s4], $0x2800, $0x38;
	[tilespmem:$0x6880] =	vst v63  }
0x91: {  	_ =	swait.ge [sflag:s19], $0x2800  }
0x92: {  	[sflag:s19] =	ssyncset.done $0x0  }
0x93: {  	[sflag:s19] =	ssyncadd.s32 $0xFFFFD800  }
0x94: {  	[spmem:s2] =	stream.indirect.scatter.add.f32 [tilespmem:s15], [sflag:$0x2], $0x80, s4, s17, $0xb8;
	[tilespmem:$0x6880] =	vst v63  }
0x95: {  	s22 =	simm.s32 $0xA;
	_ =	swait.ge [sflag:s19], $0x2800  }
0x96: {  	s23 =	simm.s32 $0x14;
	s21 =	sadd.s32 $0x500, s12;
	[sflag:s19] =	ssyncset.done $0x0  }
.LBB2_8:
0x97: {  	s24 =	sadd.s32 s22, s13  }
0x98: {  	[sflag:s19] =	ssyncadd.s32 $0xFFFFD800;
	s22 =	smov.u32 s23;
	s25 =	sadd.s32 $0xA, s23  }
0x99: {  	[tilespmem:s4], [sflag:$0x2] =	stream.linear.gather [hbm4b:s24+s4], $0x50, $0x38;
	[tilespmem:$0x6880] =	vst v63  }
0x9a: {  	p1 =	sne.s32 s23, $0x46;
	_ =	swait.ge [sflag:s19], $0x50  }
0x9b: {  	[sflag:s19] =	ssyncset.done $0x0  }
0x9c: {  	[sflag:s19] =	ssyncadd.s32 $0xFFFFFFB0  }
0x9d: {  	[tilespmem:s15], [sflag:$0x2] =	stream.linear.gather [hbm4b:s21+s4], $0x2800, $0x38;
	[tilespmem:$0x6880] =	vst v63  }
0x9e: {  	_ =	swait.ge [sflag:s19], $0x2800  }
.Ltmp6:
0x9f: {  	[sflag:s19] =	ssyncset.done $0x0;
	(pc) =	sbr.rel @p1 .LBB2_8-.Ltmp6, $4  }
0xa0: {  	[sflag:s19] =	ssyncadd.s32 $0xFFFFD800  }
0xa1: {  	[spmem:s2] =	stream.indirect.scatter.add.f32 [tilespmem:s15], [sflag:$0x2], $0x80, s4, s17, $0xb8;
	[tilespmem:$0x6880] =	vst v63  }
0xa2: {  	_ =	swait.ge [sflag:s19], $0x2800  }
0xa3: {  	s23 =	smov.u32 s25;
	s21 =	sadd.s32 $0x500, s21;
	[sflag:s19] =	ssyncset.done $0x0  }
.Ltmp7:
0xa4: {  	_ = 	snop;
	(pc) =	sbr.rel .LBB2_9-.Ltmp7, $1  }
0xa5: {  	_ =	sdelay $0x3  }
.LBB2_11:
0xa6: {  	_ =	sfence.sel $0x180000  }
0xa7: {  	[bflag:$0x0] =	sbarrier.arrive $0xFFFF  }
0xa8: {  	p0 =	sne.s32 s1, $0x0;
	_ =	strace $0x90000050  }
0xa9: {  	s0 =	sadd.s32 @!p0 $0x100000, s0;
	[bflag:$0x2] =	sbarrier.arrive $0xFFFF  }
0xaa: {  	[sflag:s0] =	ssyncadd.tile.s32 @!p0 $0x1;
	_ =	shalt  }
.Lfunc_end2:
_tile_overlayer_lowered:
.L_overlay_start_2:
0xab: {  	(tag) =	ssettag $0x2  }
0xac: {  	s0 =	rddreg [dreg:$0x0];
	s2 =	stileid.u32  }
0xad: {  	s1 =	rddreg [dreg:$0x1];
	p0 =	sne.s32 s2, $0x0  }
0xae: {  	s3 =	rddreg [dreg:$0x2];
	[bflag:$0x3] =	sbarrier.arrive $0xFFFF;
	s2 =	simm.s32 @!p0 $0x1C01  }
0xaf: {  	[timem:s3], [sflag:s2] =	dma.local @!p0 [hbm:s0], s1  }
0xb0: {  	s0 =	simm.s32 @!p0 $0x1  }
0xb1: {  	_ =	swait.ge @!p0 [sflag:s0], s1  }
0xb2: {  	s1 =	ssub.s32 @!p0 $0x0, s1;
	[sflag:s0] =	ssyncset.done @!p0 $0x0  }
0xb3: {  	[sflag:s0] =	ssyncadd.s32 @!p0 s1  }
0xb4: {  	[bflag:$0x3] =	sbarrier.arrive $0xFFFF  }
0xb5: {  	_ =	shalt  }

</sc_bundles>
